<compile_context>
chip_gen: v7x
topology: tpu7x:2x2x1
jax: 0.10.2.dev20260603
libtpu: 0.0.44.dev20260713+nightly
codegen_flags: <defaults>
</compile_context>

<pallas_src>
import functools

import jax
import jax.numpy as jnp
from jax import lax
from jax.experimental import pallas as pl
from jax.experimental.pallas import tpu as pltpu
from jax.experimental.pallas import tpu_sc as plsc

_N = 20000
_ROWS = 160
_LANES = 128
_PAD = _ROWS * _LANES
_K = 1000
_DETS = 100
_SCORE_THRESH = 0.05
_NMS_THRESH = 0.5
_NEG_INF = -1e9
_LO_BITS = 0x3D4CCCCD
_HI_BITS = 0x41000000
_IMAX = 0x7FFFFFFF

_TILES = 32
_PER = _PAD // _TILES
_CHUNKS = _PER // 16
_CAP = 128
_BUF = _PER + 16
_CROWS = _TILES * _CAP // _LANES


def _cutoff_body(s_ref, out_ref):
    raw = s_ref[...]
    valid = raw > _SCORE_THRESH
    sbits = jnp.where(valid, lax.bitcast_convert_type(raw, jnp.int32), 0)

    def bs_body(_, carry):
        lo, hi = carry
        mid = (lo + hi) // 2
        c = jnp.sum(jnp.where(sbits >= mid, 1, 0).astype(jnp.int32))
        big = c >= _K
        return jnp.where(big, mid, lo), jnp.where(big, hi, mid)

    lo, _ = lax.fori_loop(
        0, 28, bs_body, (jnp.int32(_LO_BITS), jnp.int32(_HI_BITS))
    )
    out_ref[...] = jnp.where(sbits >= lo, raw, _NEG_INF)


def _compact_body(
    s_hbm, cx_hbm, cy_hbm, w_hbm, h_hbm,
    ox1, oy1, ox2, oy2, oar, osc, ooi,
    s_in, cx_in, cy_in, w_in, h_in,
    x1o, y1o, x2o, y2o, aro, sco, oio, mio,
    x12, y12, x22, y22, ar2, sc2, oi2,
):
    wid = lax.axis_index("s") * 2 + lax.axis_index("c")
    src = pl.ds(wid * _PER, _PER)
    pltpu.sync_copy(s_hbm.at[src], s_in)
    pltpu.sync_copy(cx_hbm.at[src], cx_in)
    pltpu.sync_copy(cy_hbm.at[src], cy_in)
    pltpu.sync_copy(w_hbm.at[src], w_in)
    pltpu.sync_copy(h_hbm.at[src], h_in)

    lane16 = lax.iota(jnp.int32, 16)
    for i in range(_CHUNKS):
        sl = pl.ds(i * 16, 16)
        sv = s_in[sl]
        mask = sv > jnp.float32(_NEG_INF / 2)
        cx = cx_in[sl] * 1024.0
        cy = cy_in[sl] * 1024.0
        bw = w_in[sl] * 256.0 + 1.0
        bh = h_in[sl] * 256.0 + 1.0
        x1 = cx - bw * 0.5
        y1 = cy - bh * 0.5
        x2 = cx + bw * 0.5
        y2 = cy + bh * 0.5
        x1o[sl] = x1
        y1o[sl] = y1
        x2o[sl] = x2
        y2o[sl] = y2
        aro[sl] = jnp.maximum(x2 - x1, 0.0) * jnp.maximum(y2 - y1, 0.0)
        sco[sl] = sv
        oio[sl] = lane16 + (i * 16)
        mio[sl] = jnp.where(mask, jnp.int32(1), jnp.int32(0))

    negv = jnp.full((16,), _NEG_INF, jnp.float32)
    imaxv = jnp.full((16,), _IMAX, jnp.int32)
    zv = jnp.zeros((16,), jnp.float32)
    for j in range(_CAP // 16 + 1):
        sl = pl.ds(j * 16, 16)
        sc2[sl] = negv
        oi2[sl] = imaxv
        x12[sl] = zv
        y12[sl] = zv
        x22[sl] = zv
        y22[sl] = zv
        ar2[sl] = zv

    def compact_step(i, off):
        mv = mio[pl.ds(i, 16)]

        @pl.when(mv[0] == 1)
        def _copy():
            w = pl.ds(off, 16)
            r = pl.ds(i, 16)
            x12[w] = x1o[r]
            y12[w] = y1o[r]
            x22[w] = x2o[r]
            y22[w] = y2o[r]
            ar2[w] = aro[r]
            sc2[w] = sco[r]
            oi2[w] = oio[r]

        return off + jnp.where(mv[0] == 1, jnp.int32(1), jnp.int32(0))

    off = lax.fori_loop(0, _PER, compact_step, jnp.int32(0))

    wf = pl.ds(off, 16)
    sc2[wf] = negv
    oi2[wf] = imaxv
    x12[wf] = zv
    y12[wf] = zv
    x22[wf] = zv
    y22[wf] = zv
    ar2[wf] = zv

    cap = pl.ds(0, _CAP)
    dst = pl.ds(wid * _CAP, _CAP)
    pltpu.sync_copy(x12.at[cap], ox1.at[dst])
    pltpu.sync_copy(y12.at[cap], oy1.at[dst])
    pltpu.sync_copy(x22.at[cap], ox2.at[dst])
    pltpu.sync_copy(y22.at[cap], oy2.at[dst])
    pltpu.sync_copy(ar2.at[cap], oar.at[dst])
    pltpu.sync_copy(sc2.at[cap], osc.at[dst])
    pltpu.sync_copy(oi2.at[cap], ooi.at[dst])


def _pick_body(x1_ref, y1_ref, x2_ref, y2_ref, ar_ref, sc_ref, oi_ref, out_ref):
    x1 = x1_ref[...]
    y1 = y1_ref[...]
    x2 = x2_ref[...]
    y2 = y2_ref[...]
    area = ar_ref[...]
    oil = oi_ref[...]
    tile = lax.broadcasted_iota(jnp.int32, (_CROWS, _LANES), 0)
    oi = jnp.where(oil == _IMAX, _IMAX, oil + tile * _PER)
    lane = lax.broadcasted_iota(jnp.int32, (1, _LANES), 1)

    def round_body(r, sa):
        m = jnp.max(sa)
        pick = jnp.min(jnp.where(sa == m, oi, jnp.int32(_IMAX)))
        hmask = oi == pick
        px1 = jnp.sum(jnp.where(hmask, x1, 0.0))
        py1 = jnp.sum(jnp.where(hmask, y1, 0.0))
        px2 = jnp.sum(jnp.where(hmask, x2, 0.0))
        py2 = jnp.sum(jnp.where(hmask, y2, 0.0))
        pa = jnp.sum(jnp.where(hmask, area, 0.0))
        iw = jnp.maximum(jnp.minimum(px2, x2) - jnp.maximum(px1, x1), 0.0)
        ih = jnp.maximum(jnp.minimum(py2, y2) - jnp.maximum(py1, y1), 0.0)
        inter = iw * ih
        union = pa + area - inter
        iou = inter / jnp.maximum(union, 1e-9)
        sup = (iou > _NMS_THRESH) | hmask
        row = jnp.where(
            lane == 0,
            px1,
            jnp.where(
                lane == 1,
                py1,
                jnp.where(
                    lane == 2,
                    px2,
                    jnp.where(lane == 3, py2, jnp.where(lane == 4, m, 0.0)),
                ),
            ),
        )
        out_ref[pl.ds(r, 1), :] = row
        return jnp.where(sup, _NEG_INF, sa)

    lax.fori_loop(0, _DETS, round_body, sc_ref[...])


def kernel(boxes, scores):
    pad = _PAD - _N
    s = jnp.pad(scores, (0, pad), constant_values=-1.0).reshape(_ROWS, _LANES)
    cols = [
        jnp.pad(boxes[:, c], (0, pad)).reshape(_ROWS, _LANES) for c in range(4)
    ]

    sact = pl.pallas_call(
        _cutoff_body,
        out_shape=jax.ShapeDtypeStruct((_ROWS, _LANES), jnp.float32),
    )(s)

    tiled = [a.reshape(_PAD) for a in (sact, *cols)]
    f32 = jnp.float32
    compact = pl.kernel(
        _compact_body,
        out_type=[jax.ShapeDtypeStruct((_TILES * _CAP,), f32)] * 6
        + [jax.ShapeDtypeStruct((_TILES * _CAP,), jnp.int32)],
        mesh=plsc.VectorSubcoreMesh(
            core_axis_name="c", subcore_axis_name="s",
            num_cores=2, num_subcores=16,
        ),
        scratch_types=[pltpu.VMEM((_PER,), f32)] * 5
        + [pltpu.VMEM((_BUF,), f32)] * 6
        + [pltpu.VMEM((_BUF,), jnp.int32)] * 2
        + [pltpu.VMEM((_BUF,), f32)] * 6
        + [pltpu.VMEM((_BUF,), jnp.int32)],
    )
    x1c, y1c, x2c, y2c, arc, scc, oic = compact(*tiled)

    flat = [
        a.reshape(_CROWS, _LANES)
        for a in (x1c, y1c, x2c, y2c, arc, scc, oic)
    ]
    out = pl.pallas_call(
        _pick_body,
        out_shape=jax.ShapeDtypeStruct((_LANES, _LANES), jnp.float32),
    )(*flat)
    return out[:_DETS, :5]

# --- scband reference (transcript-rebuilt; emitter-appended) ---
"""Pipeline reference for scband-standard-roiheads-2267742732669 (READ-ONLY COPY).

The authoritative reference and input builder live on the scoring server;
editing this copy changes nothing except your own understanding.
"""

import jax, jax.numpy as jnp
import numpy as np

N = 20000
PRE_NMS_TOPK = 1000
SCORE_THRESH = 0.05
NMS_THRESH = 0.5
DET_PER_IMG = 100
NEG_INF = -1e9


def setup_inputs(seed: int = 0) -> dict:
    key = jax.random.key(seed)
    k1, k2 = jax.random.split(key)
    boxes = jax.random.uniform(k1, (N, 4), dtype=jnp.float32)
    scores = jax.random.uniform(k2, (N,), dtype=jnp.float32)
    return {"boxes": boxes, "scores": scores}


def _decode_boxes(raw):
    # raw columns in [0,1): (cx, cy, w, h) -> corners on a 1024x1024 image
    cx = raw[:, 0] * 1024.0
    cy = raw[:, 1] * 1024.0
    w = raw[:, 2] * 256.0 + 1.0
    h = raw[:, 3] * 256.0 + 1.0
    x1 = cx - w * 0.5
    y1 = cy - h * 0.5
    x2 = cx + w * 0.5
    y2 = cy + h * 0.5
    return jnp.stack([x1, y1, x2, y2], axis=1)


def _pairwise_iou(b):
    # b: [n, 4] corner format
    area = jnp.maximum(b[:, 2] - b[:, 0], 0.0) * jnp.maximum(b[:, 3] - b[:, 1], 0.0)
    lt = jnp.maximum(b[:, None, :2], b[None, :, :2])
    rb = jnp.minimum(b[:, None, 2:], b[None, :, 2:])
    wh = jnp.maximum(rb - lt, 0.0)
    inter = wh[..., 0] * wh[..., 1]
    union = area[:, None] + area[None, :] - inter
    return inter / jnp.maximum(union, 1e-9)


def _nms_keep(iou, thresh):
    # greedy class-agnostic NMS over score-sorted boxes
    n = iou.shape[0]
    idx = jnp.arange(n)

    def body(i, keep):
        suppress = (iou[i] > thresh) & (idx > i) & keep[i]
        return keep & (~suppress)

    return jax.lax.fori_loop(0, n, body, jnp.ones((n,), dtype=bool))


def reference(boxes, scores):
    b = _decode_boxes(boxes)
    # score threshold (fixed-shape masking, as in fast_rcnn_inference)
    s = jnp.where(scores > SCORE_THRESH, scores, NEG_INF)
    # pre-NMS top-k
    top_s, top_i = jax.lax.top_k(s, PRE_NMS_TOPK)
    top_b = jnp.take(b, top_i, axis=0)
    # greedy NMS among candidates (selection is non-differentiable)
    iou = _pairwise_iou(top_b)
    keep = _nms_keep(jax.lax.stop_gradient(iou), NMS_THRESH)
    final_s = jnp.where(keep, top_s, NEG_INF)
    det_s, det_i = jax.lax.top_k(final_s, DET_PER_IMG)
    det_b = jnp.take(top_b, det_i, axis=0)
    # [100, 5]: (x1, y1, x2, y2, score)
    return jnp.concatenate([det_b, det_s[:, None]], axis=1)

if __name__ == "__main__":
    import jax
    _d = setup_inputs()
    print(jax.jit(kernel)(*tuple(_d.values())))

</pallas_src>

<mosaic_0001>
#map = affine_map<(d0, d1) -> (0)>
module attributes {stable_mosaic.version = 14 : i64} {
  func.func @_compact_body(%arg0: i32, %arg1: i32, %arg2: memref<20480xf32, #tpu.memory_space<hbm>>, %arg3: memref<20480xf32, #tpu.memory_space<hbm>>, %arg4: memref<20480xf32, #tpu.memory_space<hbm>>, %arg5: memref<20480xf32, #tpu.memory_space<hbm>>, %arg6: memref<20480xf32, #tpu.memory_space<hbm>>, %arg7: memref<4096xf32, #tpu.memory_space<hbm>>, %arg8: memref<4096xf32, #tpu.memory_space<hbm>>, %arg9: memref<4096xf32, #tpu.memory_space<hbm>>, %arg10: memref<4096xf32, #tpu.memory_space<hbm>>, %arg11: memref<4096xf32, #tpu.memory_space<hbm>>, %arg12: memref<4096xf32, #tpu.memory_space<hbm>>, %arg13: memref<4096xi32, #tpu.memory_space<hbm>>, %arg14: memref<640xf32, #tpu.memory_space<vmem>>, %arg15: memref<640xf32, #tpu.memory_space<vmem>>, %arg16: memref<640xf32, #tpu.memory_space<vmem>>, %arg17: memref<640xf32, #tpu.memory_space<vmem>>, %arg18: memref<640xf32, #tpu.memory_space<vmem>>, %arg19: memref<656xf32, #tpu.memory_space<vmem>>, %arg20: memref<656xf32, #tpu.memory_space<vmem>>, %arg21: memref<656xf32, #tpu.memory_space<vmem>>, %arg22: memref<656xf32, #tpu.memory_space<vmem>>, %arg23: memref<656xf32, #tpu.memory_space<vmem>>, %arg24: memref<656xf32, #tpu.memory_space<vmem>>, %arg25: memref<656xi32, #tpu.memory_space<vmem>>, %arg26: memref<656xi32, #tpu.memory_space<vmem>>, %arg27: memref<656xf32, #tpu.memory_space<vmem>>, %arg28: memref<656xf32, #tpu.memory_space<vmem>>, %arg29: memref<656xf32, #tpu.memory_space<vmem>>, %arg30: memref<656xf32, #tpu.memory_space<vmem>>, %arg31: memref<656xf32, #tpu.memory_space<vmem>>, %arg32: memref<656xf32, #tpu.memory_space<vmem>>, %arg33: memref<656xi32, #tpu.memory_space<vmem>>) attributes {dimension_semantics = [#tpu.dimension_semantics<core_parallel>, #tpu.dimension_semantics<subcore_parallel>], iteration_bounds = array<i64: 2, 16>, scalar_prefetch = 0 : i64, scratch_operands = 20 : i64, tpu.core_type = #tpu.core_type<sc_vector_subcore>, window_params = [{transform_indices = #map}, {transform_indices = #map}, {transform_indices = #map}, {transform_indices = #map}, {transform_indices = #map}, {transform_indices = #map}, {transform_indices = #map}, {transform_indices = #map}, {transform_indices = #map}, {transform_indices = #map}, {transform_indices = #map}, {transform_indices = #map}]} {
    %mul3A = arith.constant 2 : i32
    %mul3A_0 = arith.muli %arg1, %mul3A : i32
    %add3A = arith.addi %mul3A_0, %arg0 : i32
    %mul3A_1 = arith.constant 640 : i32
    %mul3A_2 = arith.muli %add3A, %mul3A_1 : i32
    "tpu.region"() ({
      %run_scoped3A = tpu.sem_alloc : memref<!tpu.dma_semaphore, #tpu.memory_space<semaphore_mem>>
      %dma_start3A = tpu.memref_slice %arg2[%mul3A_2] : memref<20480xf32, #tpu.memory_space<hbm>> -> memref<640xf32, #tpu.memory_space<hbm>>
      %dma_start3A_4329 = tpu.memref_slice %arg2[%mul3A_2] : memref<20480xf32, #tpu.memory_space<hbm>> -> memref<640xf32, #tpu.memory_space<hbm>>
      tpu.enqueue_dma source(%dma_start3A_4329 : memref<640xf32, #tpu.memory_space<hbm>>) target(%arg14 : memref<640xf32, #tpu.memory_space<vmem>>) target_semaphore(%run_scoped3A : memref<!tpu.dma_semaphore, #tpu.memory_space<semaphore_mem>>)
      %dma_wait3A = tpu.memref_slice %arg2[%mul3A_2] : memref<20480xf32, #tpu.memory_space<hbm>> -> memref<640xf32, #tpu.memory_space<hbm>>
      %dma_wait3A_4330 = tpu.memref_slice %arg2[%mul3A_2] : memref<20480xf32, #tpu.memory_space<hbm>> -> memref<640xf32, #tpu.memory_space<hbm>>
      tpu.wait_dma2 semaphore(%run_scoped3A : memref<!tpu.dma_semaphore, #tpu.memory_space<semaphore_mem>>) src(%dma_wait3A_4330 : memref<640xf32, #tpu.memory_space<hbm>>) dst(%arg14 : memref<640xf32, #tpu.memory_space<vmem>>)
      tpu.yield
    }) : () -> ()
    "tpu.region"() ({
      %run_scoped3A = tpu.sem_alloc : memref<!tpu.dma_semaphore, #tpu.memory_space<semaphore_mem>>
      %dma_start3A = tpu.memref_slice %arg3[%mul3A_2] : memref<20480xf32, #tpu.memory_space<hbm>> -> memref<640xf32, #tpu.memory_space<hbm>>
      %dma_start3A_4329 = tpu.memref_slice %arg3[%mul3A_2] : memref<20480xf32, #tpu.memory_space<hbm>> -> memref<640xf32, #tpu.memory_space<hbm>>
      tpu.enqueue_dma source(%dma_start3A_4329 : memref<640xf32, #tpu.memory_space<hbm>>) target(%arg15 : memref<640xf32, #tpu.memory_space<vmem>>) target_semaphore(%run_scoped3A : memref<!tpu.dma_semaphore, #tpu.memory_space<semaphore_mem>>)
      %dma_wait3A = tpu.memref_slice %arg3[%mul3A_2] : memref<20480xf32, #tpu.memory_space<hbm>> -> memref<640xf32, #tpu.memory_space<hbm>>
      %dma_wait3A_4330 = tpu.memref_slice %arg3[%mul3A_2] : memref<20480xf32, #tpu.memory_space<hbm>> -> memref<640xf32, #tpu.memory_space<hbm>>
      tpu.wait_dma2 semaphore(%run_scoped3A : memref<!tpu.dma_semaphore, #tpu.memory_space<semaphore_mem>>) src(%dma_wait3A_4330 : memref<640xf32, #tpu.memory_space<hbm>>) dst(%arg15 : memref<640xf32, #tpu.memory_space<vmem>>)
      tpu.yield
    }) : () -> ()
    "tpu.region"() ({
      %run_scoped3A = tpu.sem_alloc : memref<!tpu.dma_semaphore, #tpu.memory_space<semaphore_mem>>
      %dma_start3A = tpu.memref_slice %arg4[%mul3A_2] : memref<20480xf32, #tpu.memory_space<hbm>> -> memref<640xf32, #tpu.memory_space<hbm>>
      %dma_start3A_4329 = tpu.memref_slice %arg4[%mul3A_2] : memref<20480xf32, #tpu.memory_space<hbm>> -> memref<640xf32, #tpu.memory_space<hbm>>
      tpu.enqueue_dma source(%dma_start3A_4329 : memref<640xf32, #tpu.memory_space<hbm>>) target(%arg16 : memref<640xf32, #tpu.memory_space<vmem>>) target_semaphore(%run_scoped3A : memref<!tpu.dma_semaphore, #tpu.memory_space<semaphore_mem>>)
      %dma_wait3A = tpu.memref_slice %arg4[%mul3A_2] : memref<20480xf32, #tpu.memory_space<hbm>> -> memref<640xf32, #tpu.memory_space<hbm>>
      %dma_wait3A_4330 = tpu.memref_slice %arg4[%mul3A_2] : memref<20480xf32, #tpu.memory_space<hbm>> -> memref<640xf32, #tpu.memory_space<hbm>>
      tpu.wait_dma2 semaphore(%run_scoped3A : memref<!tpu.dma_semaphore, #tpu.memory_space<semaphore_mem>>) src(%dma_wait3A_4330 : memref<640xf32, #tpu.memory_space<hbm>>) dst(%arg16 : memref<640xf32, #tpu.memory_space<vmem>>)
      tpu.yield
    }) : () -> ()
    "tpu.region"() ({
      %run_scoped3A = tpu.sem_alloc : memref<!tpu.dma_semaphore, #tpu.memory_space<semaphore_mem>>
      %dma_start3A = tpu.memref_slice %arg5[%mul3A_2] : memref<20480xf32, #tpu.memory_space<hbm>> -> memref<640xf32, #tpu.memory_space<hbm>>
      %dma_start3A_4329 = tpu.memref_slice %arg5[%mul3A_2] : memref<20480xf32, #tpu.memory_space<hbm>> -> memref<640xf32, #tpu.memory_space<hbm>>
      tpu.enqueue_dma source(%dma_start3A_4329 : memref<640xf32, #tpu.memory_space<hbm>>) target(%arg17 : memref<640xf32, #tpu.memory_space<vmem>>) target_semaphore(%run_scoped3A : memref<!tpu.dma_semaphore, #tpu.memory_space<semaphore_mem>>)
      %dma_wait3A = tpu.memref_slice %arg5[%mul3A_2] : memref<20480xf32, #tpu.memory_space<hbm>> -> memref<640xf32, #tpu.memory_space<hbm>>
      %dma_wait3A_4330 = tpu.memref_slice %arg5[%mul3A_2] : memref<20480xf32, #tpu.memory_space<hbm>> -> memref<640xf32, #tpu.memory_space<hbm>>
      tpu.wait_dma2 semaphore(%run_scoped3A : memref<!tpu.dma_semaphore, #tpu.memory_space<semaphore_mem>>) src(%dma_wait3A_4330 : memref<640xf32, #tpu.memory_space<hbm>>) dst(%arg17 : memref<640xf32, #tpu.memory_space<vmem>>)
      tpu.yield
    }) : () -> ()
    "tpu.region"() ({
      %run_scoped3A = tpu.sem_alloc : memref<!tpu.dma_semaphore, #tpu.memory_space<semaphore_mem>>
      %dma_start3A = tpu.memref_slice %arg6[%mul3A_2] : memref<20480xf32, #tpu.memory_space<hbm>> -> memref<640xf32, #tpu.memory_space<hbm>>
      %dma_start3A_4329 = tpu.memref_slice %arg6[%mul3A_2] : memref<20480xf32, #tpu.memory_space<hbm>> -> memref<640xf32, #tpu.memory_space<hbm>>
      tpu.enqueue_dma source(%dma_start3A_4329 : memref<640xf32, #tpu.memory_space<hbm>>) target(%arg18 : memref<640xf32, #tpu.memory_space<vmem>>) target_semaphore(%run_scoped3A : memref<!tpu.dma_semaphore, #tpu.memory_space<semaphore_mem>>)
      %dma_wait3A = tpu.memref_slice %arg6[%mul3A_2] : memref<20480xf32, #tpu.memory_space<hbm>> -> memref<640xf32, #tpu.memory_space<hbm>>
      %dma_wait3A_4330 = tpu.memref_slice %arg6[%mul3A_2] : memref<20480xf32, #tpu.memory_space<hbm>> -> memref<640xf32, #tpu.memory_space<hbm>>
      tpu.wait_dma2 semaphore(%run_scoped3A : memref<!tpu.dma_semaphore, #tpu.memory_space<semaphore_mem>>) src(%dma_wait3A_4330 : memref<640xf32, #tpu.memory_space<hbm>>) dst(%arg18 : memref<640xf32, #tpu.memory_space<vmem>>)
      tpu.yield
    }) : () -> ()
    %iota3A = tpu.iota {dimensions = array<i32: 0>} : vector<16xi32>
    %get3A = arith.constant 0 : index
    %get3A_3 = tpu.vector_load %arg14[%get3A] {strides = array<i32>} : memref<640xf32, #tpu.memory_space<vmem>>, vector<16xf32>,
    %get3A_4 = vector.shape_cast %get3A_3 : vector<16xf32> to vector<16xf32>
    %gt3A = arith.constant -5.000000e+08 : f32
    %gt3A_5 = vector.broadcast %gt3A : f32 to vector<16xf32>
    %gt3A_6 = arith.cmpf ogt, %get3A_4, %gt3A_5 : vector<16xf32>
    %get3A_7 = arith.constant 0 : index
    %get3A_8 = tpu.vector_load %arg15[%get3A_7] {strides = array<i32>} : memref<640xf32, #tpu.memory_space<vmem>>, vector<16xf32>,
    %get3A_9 = vector.shape_cast %get3A_8 : vector<16xf32> to vector<16xf32>
    %mul3A_10 = arith.constant 1.024000e+03 : f32
    %mul3A_11 = vector.broadcast %mul3A_10 : f32 to vector<16xf32>
    %mul3A_12 = arith.mulf %get3A_9, %mul3A_11 : vector<16xf32>
    %get3A_13 = arith.constant 0 : index
    %get3A_14 = tpu.vector_load %arg16[%get3A_13] {strides = array<i32>} : memref<640xf32, #tpu.memory_space<vmem>>, vector<16xf32>,
    %get3A_15 = vector.shape_cast %get3A_14 : vector<16xf32> to vector<16xf32>
    %mul3A_16 = arith.constant 1.024000e+03 : f32
    %mul3A_17 = vector.broadcast %mul3A_16 : f32 to vector<16xf32>
    %mul3A_18 = arith.mulf %get3A_15, %mul3A_17 : vector<16xf32>
    %get3A_19 = arith.constant 0 : index
    %get3A_20 = tpu.vector_load %arg17[%get3A_19] {strides = array<i32>} : memref<640xf32, #tpu.memory_space<vmem>>, vector<16xf32>,
    %get3A_21 = vector.shape_cast %get3A_20 : vector<16xf32> to vector<16xf32>
    %mul3A_22 = arith.constant 2.560000e+02 : f32
    %mul3A_23 = vector.broadcast %mul3A_22 : f32 to vector<16xf32>
    %mul3A_24 = arith.mulf %get3A_21, %mul3A_23 : vector<16xf32>
    %add3A_25 = arith.constant 1.000000e+00 : f32
    %add3A_26 = vector.broadcast %add3A_25 : f32 to vector<16xf32>
    %add3A_27 = arith.addf %mul3A_24, %add3A_26 : vector<16xf32>
    %get3A_28 = arith.constant 0 : index
    %get3A_29 = tpu.vector_load %arg18[%get3A_28] {strides = array<i32>} : memref<640xf32, #tpu.memory_space<vmem>>, vector<16xf32>,
    %get3A_30 = vector.shape_cast %get3A_29 : vector<16xf32> to vector<16xf32>
    %mul3A_31 = arith.constant 2.560000e+02 : f32
    %mul3A_32 = vector.broadcast %mul3A_31 : f32 to vector<16xf32>
    %mul3A_33 = arith.mulf %get3A_30, %mul3A_32 : vector<16xf32>
    %add3A_34 = arith.constant 1.000000e+00 : f32
    %add3A_35 = vector.broadcast %add3A_34 : f32 to vector<16xf32>
    %add3A_36 = arith.addf %mul3A_33, %add3A_35 : vector<16xf32>
    %mul3A_37 = arith.constant 5.000000e-01 : f32
    %mul3A_38 = vector.broadcast %mul3A_37 : f32 to vector<16xf32>
    %mul3A_39 = arith.mulf %add3A_27, %mul3A_38 : vector<16xf32>
    %sub3A = arith.subf %mul3A_12, %mul3A_39 : vector<16xf32>
    %mul3A_40 = arith.constant 5.000000e-01 : f32
    %mul3A_41 = vector.broadcast %mul3A_40 : f32 to vector<16xf32>
    %mul3A_42 = arith.mulf %add3A_36, %mul3A_41 : vector<16xf32>
    %sub3A_43 = arith.subf %mul3A_18, %mul3A_42 : vector<16xf32>
    %mul3A_44 = arith.constant 5.000000e-01 : f32
    %mul3A_45 = vector.broadcast %mul3A_44 : f32 to vector<16xf32>
    %mul3A_46 = arith.mulf %add3A_27, %mul3A_45 : vector<16xf32>
    %add3A_47 = arith.addf %mul3A_12, %mul3A_46 : vector<16xf32>
    %mul3A_48 = arith.constant 5.000000e-01 : f32
    %mul3A_49 = vector.broadcast %mul3A_48 : f32 to vector<16xf32>
    %mul3A_50 = arith.mulf %add3A_36, %mul3A_49 : vector<16xf32>
    %add3A_51 = arith.addf %mul3A_18, %mul3A_50 : vector<16xf32>
    %swap3A = arith.constant 0 : index
    %swap3A_52 = tpu.vector_load %arg19[%swap3A] {strides = array<i32>} : memref<656xf32, #tpu.memory_space<vmem>>, vector<16xf32>,
    %swap3A_53 = vector.shape_cast %swap3A_52 : vector<16xf32> to vector<16xf32>
    %swap3A_54 = vector.shape_cast %sub3A : vector<16xf32> to vector<16xf32>
    tpu.vector_store %arg19[%swap3A], %swap3A_54 {strides = array<i32>} : memref<656xf32, #tpu.memory_space<vmem>>, vector<16xf32>,
    %swap3A_55 = arith.constant 0 : index
    %swap3A_56 = tpu.vector_load %arg20[%swap3A_55] {strides = array<i32>} : memref<656xf32, #tpu.memory_space<vmem>>, vector<16xf32>,
    %swap3A_57 = vector.shape_cast %swap3A_56 : vector<16xf32> to vector<16xf32>
    %swap3A_58 = vector.shape_cast %sub3A_43 : vector<16xf32> to vector<16xf32>
    tpu.vector_store %arg20[%swap3A_55], %swap3A_58 {strides = array<i32>} : memref<656xf32, #tpu.memory_space<vmem>>, vector<16xf32>,
    %swap3A_59 = arith.constant 0 : index
    %swap3A_60 = tpu.vector_load %arg21[%swap3A_59] {strides = array<i32>} : memref<656xf32, #tpu.memory_space<vmem>>, vector<16xf32>,
    %swap3A_61 = vector.shape_cast %swap3A_60 : vector<16xf32> to vector<16xf32>
    %swap3A_62 = vector.shape_cast %add3A_47 : vector<16xf32> to vector<16xf32>
    tpu.vector_store %arg21[%swap3A_59], %swap3A_62 {strides = array<i32>} : memref<656xf32, #tpu.memory_space<vmem>>, vector<16xf32>,
    %swap3A_63 = arith.constant 0 : index
    %swap3A_64 = tpu.vector_load %arg22[%swap3A_63] {strides = array<i32>} : memref<656xf32, #tpu.memory_space<vmem>>, vector<16xf32>,
    %swap3A_65 = vector.shape_cast %swap3A_64 : vector<16xf32> to vector<16xf32>
    %swap3A_66 = vector.shape_cast %add3A_51 : vector<16xf32> to vector<16xf32>
    tpu.vector_store %arg22[%swap3A_63], %swap3A_66 {strides = array<i32>} : memref<656xf32, #tpu.memory_space<vmem>>, vector<16xf32>,
    %sub3A_67 = arith.subf %add3A_47, %sub3A : vector<16xf32>
    %max3A = arith.constant 0.000000e+00 : f32
    %max3A_68 = vector.broadcast %max3A : f32 to vector<16xf32>
    %max3A_69 = arith.maximumf %sub3A_67, %max3A_68 : vector<16xf32>
    %sub3A_70 = arith.subf %add3A_51, %sub3A_43 : vector<16xf32>
    %max3A_71 = arith.constant 0.000000e+00 : f32
    %max3A_72 = vector.broadcast %max3A_71 : f32 to vector<16xf32>
    %max3A_73 = arith.maximumf %sub3A_70, %max3A_72 : vector<16xf32>
    %mul3A_74 = arith.mulf %max3A_69, %max3A_73 : vector<16xf32>
    %swap3A_75 = arith.constant 0 : index
    %swap3A_76 = tpu.vector_load %arg23[%swap3A_75] {strides = array<i32>} : memref<656xf32, #tpu.memory_space<vmem>>, vector<16xf32>,
    %swap3A_77 = vector.shape_cast %swap3A_76 : vector<16xf32> to vector<16xf32>
    %swap3A_78 = vector.shape_cast %mul3A_74 : vector<16xf32> to vector<16xf32>
    tpu.vector_store %arg23[%swap3A_75], %swap3A_78 {strides = array<i32>} : memref<656xf32, #tpu.memory_space<vmem>>, vector<16xf32>,
    %swap3A_79 = arith.constant 0 : index
    %swap3A_80 = tpu.vector_load %arg24[%swap3A_79] {strides = array<i32>} : memref<656xf32, #tpu.memory_space<vmem>>, vector<16xf32>,
    %swap3A_81 = vector.shape_cast %swap3A_80 : vector<16xf32> to vector<16xf32>
    %swap3A_82 = vector.shape_cast %get3A_4 : vector<16xf32> to vector<16xf32>
    tpu.vector_store %arg24[%swap3A_79], %swap3A_82 {strides = array<i32>} : memref<656xf32, #tpu.memory_space<vmem>>, vector<16xf32>,
    %add3A_83 = arith.constant 0 : i32
    %add3A_84 = vector.broadcast %add3A_83 : i32 to vector<16xi32>
    %add3A_85 = arith.addi %iota3A, %add3A_84 : vector<16xi32>
    %swap3A_86 = arith.constant 0 : index
    %swap3A_87 = tpu.vector_load %arg25[%swap3A_86] {strides = array<i32>} : memref<656xi32, #tpu.memory_space<vmem>>, vector<16xi32>,
    %swap3A_88 = vector.shape_cast %swap3A_87 : vector<16xi32> to vector<16xi32>
    %swap3A_89 = vector.shape_cast %add3A_85 : vector<16xi32> to vector<16xi32>
    tpu.vector_store %arg25[%swap3A_86], %swap3A_89 {strides = array<i32>} : memref<656xi32, #tpu.memory_space<vmem>>, vector<16xi32>,
    %jit3A = arith.constant 1 : i32
    %jit3A_90 = arith.constant 0 : i32
    %broadcast_in_dim3A = vector.broadcast %jit3A : i32 to vector<16xi32>
    %broadcast_in_dim3A_91 = vector.broadcast %jit3A_90 : i32 to vector<16xi32>
    %select_n3A = arith.select %gt3A_6, %broadcast_in_dim3A, %broadcast_in_dim3A_91 : vector<16xi1>, vector<16xi32>
    %swap3A_92 = arith.constant 0 : index
    %swap3A_93 = tpu.vector_load %arg26[%swap3A_92] {strides = array<i32>} : memref<656xi32, #tpu.memory_space<vmem>>, vector<16xi32>,
    %swap3A_94 = vector.shape_cast %swap3A_93 : vector<16xi32> to vector<16xi32>
    %swap3A_95 = vector.shape_cast %select_n3A : vector<16xi32> to vector<16xi32>
    tpu.vector_store %arg26[%swap3A_92], %swap3A_95 {strides = array<i32>} : memref<656xi32, #tpu.memory_space<vmem>>, vector<16xi32>,
    %get3A_96 = arith.constant 16 : index
    %get3A_97 = tpu.vector_load %arg14[%get3A_96] {strides = array<i32>} : memref<640xf32, #tpu.memory_space<vmem>>, vector<16xf32>,
    %get3A_98 = vector.shape_cast %get3A_97 : vector<16xf32> to vector<16xf32>
    %gt3A_99 = arith.constant -5.000000e+08 : f32
    %gt3A_100 = vector.broadcast %gt3A_99 : f32 to vector<16xf32>
    %gt3A_101 = arith.cmpf ogt, %get3A_98, %gt3A_100 : vector<16xf32>
    %get3A_102 = arith.constant 16 : index
    %get3A_103 = tpu.vector_load %arg15[%get3A_102] {strides = array<i32>} : memref<640xf32, #tpu.memory_space<vmem>>, vector<16xf32>,
    %get3A_104 = vector.shape_cast %get3A_103 : vector<16xf32> to vector<16xf32>
    %mul3A_105 = arith.constant 1.024000e+03 : f32
    %mul3A_106 = vector.broadcast %mul3A_105 : f32 to vector<16xf32>
    %mul3A_107 = arith.mulf %get3A_104, %mul3A_106 : vector<16xf32>
    %get3A_108 = arith.constant 16 : index
    %get3A_109 = tpu.vector_load %arg16[%get3A_108] {strides = array<i32>} : memref<640xf32, #tpu.memory_space<vmem>>, vector<16xf32>,
    %get3A_110 = vector.shape_cast %get3A_109 : vector<16xf32> to vector<16xf32>
    %mul3A_111 = arith.constant 1.024000e+03 : f32
    %mul3A_112 = vector.broadcast %mul3A_111 : f32 to vector<16xf32>
    %mul3A_113 = arith.mulf %get3A_110, %mul3A_112 : vector<16xf32>
    %get3A_114 = arith.constant 16 : index
    %get3A_115 = tpu.vector_load %arg17[%get3A_114] {strides = array<i32>} : memref<640xf32, #tpu.memory_space<vmem>>, vector<16xf32>,
    %get3A_116 = vector.shape_cast %get3A_115 : vector<16xf32> to vector<16xf32>
    %mul3A_117 = arith.constant 2.560000e+02 : f32
    %mul3A_118 = vector.broadcast %mul3A_117 : f32 to vector<16xf32>
    %mul3A_119 = arith.mulf %get3A_116, %mul3A_118 : vector<16xf32>
    %add3A_120 = arith.constant 1.000000e+00 : f32
    %add3A_121 = vector.broadcast %add3A_120 : f32 to vector<16xf32>
    %add3A_122 = arith.addf %mul3A_119, %add3A_121 : vector<16xf32>
    %get3A_123 = arith.constant 16 : index
    %get3A_124 = tpu.vector_load %arg18[%get3A_123] {strides = array<i32>} : memref<640xf32, #tpu.memory_space<vmem>>, vector<16xf32>,
    %get3A_125 = vector.shape_cast %get3A_124 : vector<16xf32> to vector<16xf32>
    %mul3A_126 = arith.constant 2.560000e+02 : f32
    %mul3A_127 = vector.broadcast %mul3A_126 : f32 to vector<16xf32>
    %mul3A_128 = arith.mulf %get3A_125, %mul3A_127 : vector<16xf32>
    %add3A_129 = arith.constant 1.000000e+00 : f32
    %add3A_130 = vector.broadcast %add3A_129 : f32 to vector<16xf32>
    %add3A_131 = arith.addf %mul3A_128, %add3A_130 : vector<16xf32>
    %mul3A_132 = arith.constant 5.000000e-01 : f32
    %mul3A_133 = vector.broadcast %mul3A_132 : f32 to vector<16xf32>
    %mul3A_134 = arith.mulf %add3A_122, %mul3A_133 : vector<16xf32>
    %sub3A_135 = arith.subf %mul3A_107, %mul3A_134 : vector<16xf32>
    %mul3A_136 = arith.constant 5.000000e-01 : f32
    %mul3A_137 = vector.broadcast %mul3A_136 : f32 to vector<16xf32>
    %mul3A_138 = arith.mulf %add3A_131, %mul3A_137 : vector<16xf32>
    %sub3A_139 = arith.subf %mul3A_113, %mul3A_138 : vector<16xf32>
    %mul3A_140 = arith.constant 5.000000e-01 : f32
    %mul3A_141 = vector.broadcast %mul3A_140 : f32 to vector<16xf32>
    %mul3A_142 = arith.mulf %add3A_122, %mul3A_141 : vector<16xf32>
    %add3A_143 = arith.addf %mul3A_107, %mul3A_142 : vector<16xf32>
    %mul3A_144 = arith.constant 5.000000e-01 : f32
    %mul3A_145 = vector.broadcast %mul3A_144 : f32 to vector<16xf32>
    %mul3A_146 = arith.mulf %add3A_131, %mul3A_145 : vector<16xf32>
    %add3A_147 = arith.addf %mul3A_113, %mul3A_146 : vector<16xf32>
    %swap3A_148 = arith.constant 16 : index
    %swap3A_149 = tpu.vector_load %arg19[%swap3A_148] {strides = array<i32>} : memref<656xf32, #tpu.memory_space<vmem>>, vector<16xf32>,
    %swap3A_150 = vector.shape_cast %swap3A_149 : vector<16xf32> to vector<16xf32>
    %swap3A_151 = vector.shape_cast %sub3A_135 : vector<16xf32> to vector<16xf32>
    tpu.vector_store %arg19[%swap3A_148], %swap3A_151 {strides = array<i32>} : memref<656xf32, #tpu.memory_space<vmem>>, vector<16xf32>,
    %swap3A_152 = arith.constant 16 : index
    %swap3A_153 = tpu.vector_load %arg20[%swap3A_152] {strides = array<i32>} : memref<656xf32, #tpu.memory_space<vmem>>, vector<16xf32>,
    %swap3A_154 = vector.shape_cast %swap3A_153 : vector<16xf32> to vector<16xf32>
    %swap3A_155 = vector.shape_cast %sub3A_139 : vector<16xf32> to vector<16xf32>
    tpu.vector_store %arg20[%swap3A_152], %swap3A_155 {strides = array<i32>} : memref<656xf32, #tpu.memory_space<vmem>>, vector<16xf32>,
    %swap3A_156 = arith.constant 16 : index
    %swap3A_157 = tpu.vector_load %arg21[%swap3A_156] {strides = array<i32>} : memref<656xf32, #tpu.memory_space<vmem>>, vector<16xf32>,
    %swap3A_158 = vector.shape_cast %swap3A_157 : vector<16xf32> to vector<16xf32>
    %swap3A_159 = vector.shape_cast %add3A_143 : vector<16xf32> to vector<16xf32>
    tpu.vector_store %arg21[%swap3A_156], %swap3A_159 {strides = array<i32>} : memref<656xf32, #tpu.memory_space<vmem>>, vector<16xf32>,
    %swap3A_160 = arith.constant 16 : index
    %swap3A_161 = tpu.vector_load %arg22[%swap3A_160] {strides = array<i32>} : memref<656xf32, #tpu.memory_space<vmem>>, vector<16xf32>,
    %swap3A_162 = vector.shape_cast %swap3A_161 : vector<16xf32> to vector<16xf32>
    %swap3A_163 = vector.shape_cast %add3A_147 : vector<16xf32> to vector<16xf32>
    tpu.vector_store %arg22[%swap3A_160], %swap3A_163 {strides = array<i32>} : memref<656xf32, #tpu.memory_space<vmem>>, vector<16xf32>,
    %sub3A_164 = arith.subf %add3A_143, %sub3A_135 : vector<16xf32>
    %max3A_165 = arith.constant 0.000000e+00 : f32
    %max3A_166 = vector.broadcast %max3A_165 : f32 to vector<16xf32>
    %max3A_167 = arith.maximumf %sub3A_164, %max3A_166 : vector<16xf32>
    %sub3A_168 = arith.subf %add3A_147, %sub3A_139 : vector<16xf32>
    %max3A_169 = arith.constant 0.000000e+00 : f32
    %max3A_170 = vector.broadcast %max3A_169 : f32 to vector<16xf32>
    %max3A_171 = arith.maximumf %sub3A_168, %max3A_170 : vector<16xf32>
    %mul3A_172 = arith.mulf %max3A_167, %max3A_171 : vector<16xf32>
    %swap3A_173 = arith.constant 16 : index
    %swap3A_174 = tpu.vector_load %arg23[%swap3A_173] {strides = array<i32>} : memref<656xf32, #tpu.memory_space<vmem>>, vector<16xf32>,
    %swap3A_175 = vector.shape_cast %swap3A_174 : vector<16xf32> to vector<16xf32>
    %swap3A_176 = vector.shape_cast %mul3A_172 : vector<16xf32> to vector<16xf32>
    tpu.vector_store %arg23[%swap3A_173], %swap3A_176 {strides = array<i32>} : memref<656xf32, #tpu.memory_space<vmem>>, vector<16xf32>,
    %swap3A_177 = arith.constant 16 : index
    %swap3A_178 = tpu.vector_load %arg24[%swap3A_177] {strides = array<i32>} : memref<656xf32, #tpu.memory_space<vmem>>, vector<16xf32>,
    %swap3A_179 = vector.shape_cast %swap3A_178 : vector<16xf32> to vector<16xf32>
    %swap3A_180 = vector.shape_cast %get3A_98 : vector<16xf32> to vector<16xf32>
    tpu.vector_store %arg24[%swap3A_177], %swap3A_180 {strides = array<i32>} : memref<656xf32, #tpu.memory_space<vmem>>, vector<16xf32>,
    %add3A_181 = arith.constant 16 : i32
    %add3A_182 = vector.broadcast %add3A_181 : i32 to vector<16xi32>
    %add3A_183 = arith.addi %iota3A, %add3A_182 : vector<16xi32>
    %swap3A_184 = arith.constant 16 : index
    %swap3A_185 = tpu.vector_load %arg25[%swap3A_184] {strides = array<i32>} : memref<656xi32, #tpu.memory_space<vmem>>, vector<16xi32>,
    %swap3A_186 = vector.shape_cast %swap3A_185 : vector<16xi32> to vector<16xi32>
    %swap3A_187 = vector.shape_cast %add3A_183 : vector<16xi32> to vector<16xi32>
    tpu.vector_store %arg25[%swap3A_184], %swap3A_187 {strides = array<i32>} : memref<656xi32, #tpu.memory_space<vmem>>, vector<16xi32>,
    %jit3A_188 = arith.constant 1 : i32
    %jit3A_189 = arith.constant 0 : i32
    %broadcast_in_dim3A_190 = vector.broadcast %jit3A_188 : i32 to vector<16xi32>
    %broadcast_in_dim3A_191 = vector.broadcast %jit3A_189 : i32 to vector<16xi32>
    %select_n3A_192 = arith.select %gt3A_101, %broadcast_in_dim3A_190, %broadcast_in_dim3A_191 : vector<16xi1>, vector<16xi32>
    %swap3A_193 = arith.constant 16 : index
    %swap3A_194 = tpu.vector_load %arg26[%swap3A_193] {strides = array<i32>} : memref<656xi32, #tpu.memory_space<vmem>>, vector<16xi32>,
    %swap3A_195 = vector.shape_cast %swap3A_194 : vector<16xi32> to vector<16xi32>
    %swap3A_196 = vector.shape_cast %select_n3A_192 : vector<16xi32> to vector<16xi32>
    tpu.vector_store %arg26[%swap3A_193], %swap3A_196 {strides = array<i32>} : memref<656xi32, #tpu.memory_space<vmem>>, vector<16xi32>,
    %get3A_197 = arith.constant 32 : index
    %get3A_198 = tpu.vector_load %arg14[%get3A_197] {strides = array<i32>} : memref<640xf32, #tpu.memory_space<vmem>>, vector<16xf32>,
    %get3A_199 = vector.shape_cast %get3A_198 : vector<16xf32> to vector<16xf32>
    %gt3A_200 = arith.constant -5.000000e+08 : f32
    %gt3A_201 = vector.broadcast %gt3A_200 : f32 to vector<16xf32>
    %gt3A_202 = arith.cmpf ogt, %get3A_199, %gt3A_201 : vector<16xf32>
    %get3A_203 = arith.constant 32 : index
    %get3A_204 = tpu.vector_load %arg15[%get3A_203] {strides = array<i32>} : memref<640xf32, #tpu.memory_space<vmem>>, vector<16xf32>,
    %get3A_205 = vector.shape_cast %get3A_204 : vector<16xf32> to vector<16xf32>
    %mul3A_206 = arith.constant 1.024000e+03 : f32
    %mul3A_207 = vector.broadcast %mul3A_206 : f32 to vector<16xf32>
    %mul3A_208 = arith.mulf %get3A_205, %mul3A_207 : vector<16xf32>
    %get3A_209 = arith.constant 32 : index
    %get3A_210 = tpu.vector_load %arg16[%get3A_209] {strides = array<i32>} : memref<640xf32, #tpu.memory_space<vmem>>, vector<16xf32>,
    %get3A_211 = vector.shape_cast %get3A_210 : vector<16xf32> to vector<16xf32>
    %mul3A_212 = arith.constant 1.024000e+03 : f32
    %mul3A_213 = vector.broadcast %mul3A_212 : f32 to vector<16xf32>
    %mul3A_214 = arith.mulf %get3A_211, %mul3A_213 : vector<16xf32>
    %get3A_215 = arith.constant 32 : index
    %get3A_216 = tpu.vector_load %arg17[%get3A_215] {strides = array<i32>} : memref<640xf32, #tpu.memory_space<vmem>>, vector<16xf32>,
    %get3A_217 = vector.shape_cast %get3A_216 : vector<16xf32> to vector<16xf32>
    %mul3A_218 = arith.constant 2.560000e+02 : f32
    %mul3A_219 = vector.broadcast %mul3A_218 : f32 to vector<16xf32>
    %mul3A_220 = arith.mulf %get3A_217, %mul3A_219 : vector<16xf32>
    %add3A_221 = arith.constant 1.000000e+00 : f32
    %add3A_222 = vector.broadcast %add3A_221 : f32 to vector<16xf32>
    %add3A_223 = arith.addf %mul3A_220, %add3A_222 : vector<16xf32>
    %get3A_224 = arith.constant 32 : index
    %get3A_225 = tpu.vector_load %arg18[%get3A_224] {strides = array<i32>} : memref<640xf32, #tpu.memory_space<vmem>>, vector<16xf32>,
    %get3A_226 = vector.shape_cast %get3A_225 : vector<16xf32> to vector<16xf32>
    %mul3A_227 = arith.constant 2.560000e+02 : f32
    %mul3A_228 = vector.broadcast %mul3A_227 : f32 to vector<16xf32>
    %mul3A_229 = arith.mulf %get3A_226, %mul3A_228 : vector<16xf32>
    %add3A_230 = arith.constant 1.000000e+00 : f32
    %add3A_231 = vector.broadcast %add3A_230 : f32 to vector<16xf32>
    %add3A_232 = arith.addf %mul3A_229, %add3A_231 : vector<16xf32>
    %mul3A_233 = arith.constant 5.000000e-01 : f32
    %mul3A_234 = vector.broadcast %mul3A_233 : f32 to vector<16xf32>
    %mul3A_235 = arith.mulf %add3A_223, %mul3A_234 : vector<16xf32>
    %sub3A_236 = arith.subf %mul3A_208, %mul3A_235 : vector<16xf32>
    %mul3A_237 = arith.constant 5.000000e-01 : f32
    %mul3A_238 = vector.broadcast %mul3A_237 : f32 to vector<16xf32>
    %mul3A_239 = arith.mulf %add3A_232, %mul3A_238 : vector<16xf32>
    %sub3A_240 = arith.subf %mul3A_214, %mul3A_239 : vector<16xf32>
    %mul3A_241 = arith.constant 5.000000e-01 : f32
    %mul3A_242 = vector.broadcast %mul3A_241 : f32 to vector<16xf32>
    %mul3A_243 = arith.mulf %add3A_223, %mul3A_242 : vector<16xf32>
    %add3A_244 = arith.addf %mul3A_208, %mul3A_243 : vector<16xf32>
    %mul3A_245 = arith.constant 5.000000e-01 : f32
    %mul3A_246 = vector.broadcast %mul3A_245 : f32 to vector<16xf32>
    %mul3A_247 = arith.mulf %add3A_232, %mul3A_246 : vector<16xf32>
    %add3A_248 = arith.addf %mul3A_214, %mul3A_247 : vector<16xf32>
    %swap3A_249 = arith.constant 32 : index
    %swap3A_250 = tpu.vector_load %arg19[%swap3A_249] {strides = array<i32>} : memref<656xf32, #tpu.memory_space<vmem>>, vector<16xf32>,
    %swap3A_251 = vector.shape_cast %swap3A_250 : vector<16xf32> to vector<16xf32>
    %swap3A_252 = vector.shape_cast %sub3A_236 : vector<16xf32> to vector<16xf32>
    tpu.vector_store %arg19[%swap3A_249], %swap3A_252 {strides = array<i32>} : memref<656xf32, #tpu.memory_space<vmem>>, vector<16xf32>,
    %swap3A_253 = arith.constant 32 : index
    %swap3A_254 = tpu.vector_load %arg20[%swap3A_253] {strides = array<i32>} : memref<656xf32, #tpu.memory_space<vmem>>, vector<16xf32>,
    %swap3A_255 = vector.shape_cast %swap3A_254 : vector<16xf32> to vector<16xf32>
    %swap3A_256 = vector.shape_cast %sub3A_240 : vector<16xf32> to vector<16xf32>
    tpu.vector_store %arg20[%swap3A_253], %swap3A_256 {strides = array<i32>} : memref<656xf32, #tpu.memory_space<vmem>>, vector<16xf32>,
    %swap3A_257 = arith.constant 32 : index
    %swap3A_258 = tpu.vector_load %arg21[%swap3A_257] {strides = array<i32>} : memref<656xf32, #tpu.memory_space<vmem>>, vector<16xf32>,
    %swap3A_259 = vector.shape_cast %swap3A_258 : vector<16xf32> to vector<16xf32>
    %swap3A_260 = vector.shape_cast %add3A_244 : vector<16xf32> to vector<16xf32>
    tpu.vector_store %arg21[%swap3A_257], %swap3A_260 {strides = array<i32>} : memref<656xf32, #tpu.memory_space<vmem>>, vector<16xf32>,
    %swap3A_261 = arith.constant 32 : index
    %swap3A_262 = tpu.vector_load %arg22[%swap3A_261] {strides = array<i32>} : memref<656xf32, #tpu.memory_space<vmem>>, vector<16xf32>,
    %swap3A_263 = vector.shape_cast %swap3A_262 : vector<16xf32> to vector<16xf32>
    %swap3A_264 = vector.shape_cast %add3A_248 : vector<16xf32> to vector<16xf32>
    tpu.vector_store %arg22[%swap3A_261], %swap3A_264 {strides = array<i32>} : memref<656xf32, #tpu.memory_space<vmem>>, vector<16xf32>,
    %sub3A_265 = arith.subf %add3A_244, %sub3A_236 : vector<16xf32>
    %max3A_266 = arith.constant 0.000000e+00 : f32
    %max3A_267 = vector.broadcast %max3A_266 : f32 to vector<16xf32>
    %max3A_268 = arith.maximumf %sub3A_265, %max3A_267 : vector<16xf32>
    %sub3A_269 = arith.subf %add3A_248, %sub3A_240 : vector<16xf32>
    %max3A_270 = arith.constant 0.000000e+00 : f32
    %max3A_271 = vector.broadcast %max3A_270 : f32 to vector<16xf32>
    %max3A_272 = arith.maximumf %sub3A_269, %max3A_271 : vector<16xf32>
    %mul3A_273 = arith.mulf %max3A_268, %max3A_272 : vector<16xf32>
    %swap3A_274 = arith.constant 32 : index
    %swap3A_275 = tpu.vector_load %arg23[%swap3A_274] {strides = array<i32>} : memref<656xf32, #tpu.memory_space<vmem>>, vector<16xf32>,
    %swap3A_276 = vector.shape_cast %swap3A_275 : vector<16xf32> to vector<16xf32>
    %swap3A_277 = vector.shape_cast %mul3A_273 : vector<16xf32> to vector<16xf32>
    tpu.vector_store %arg23[%swap3A_274], %swap3A_277 {strides = array<i32>} : memref<656xf32, #tpu.memory_space<vmem>>, vector<16xf32>,
    %swap3A_278 = arith.constant 32 : index
    %swap3A_279 = tpu.vector_load %arg24[%swap3A_278] {strides = array<i32>} : memref<656xf32, #tpu.memory_space<vmem>>, vector<16xf32>,
    %swap3A_280 = vector.shape_cast %swap3A_279 : vector<16xf32> to vector<16xf32>
    %swap3A_281 = vector.shape_cast %get3A_199 : vector<16xf32> to vector<16xf32>
    tpu.vector_store %arg24[%swap3A_278], %swap3A_281 {strides = array<i32>} : memref<656xf32, #tpu.memory_space<vmem>>, vector<16xf32>,
    %add3A_282 = arith.constant 32 : i32
    %add3A_283 = vector.broadcast %add3A_282 : i32 to vector<16xi32>
    %add3A_284 = arith.addi %iota3A, %add3A_283 : vector<16xi32>
    %swap3A_285 = arith.constant 32 : index
    %swap3A_286 = tpu.vector_load %arg25[%swap3A_285] {strides = array<i32>} : memref<656xi32, #tpu.memory_space<vmem>>, vector<16xi32>,
    %swap3A_287 = vector.shape_cast %swap3A_286 : vector<16xi32> to vector<16xi32>
    %swap3A_288 = vector.shape_cast %add3A_284 : vector<16xi32> to vector<16xi32>
    tpu.vector_store %arg25[%swap3A_285], %swap3A_288 {strides = array<i32>} : memref<656xi32, #tpu.memory_space<vmem>>, vector<16xi32>,
    %jit3A_289 = arith.constant 1 : i32
    %jit3A_290 = arith.constant 0 : i32
    %broadcast_in_dim3A_291 = vector.broadcast %jit3A_289 : i32 to vector<16xi32>
    %broadcast_in_dim3A_292 = vector.broadcast %jit3A_290 : i32 to vector<16xi32>
    %select_n3A_293 = arith.select %gt3A_202, %broadcast_in_dim3A_291, %broadcast_in_dim3A_292 : vector<16xi1>, vector<16xi32>
    %swap3A_294 = arith.constant 32 : index
    %swap3A_295 = tpu.vector_load %arg26[%swap3A_294] {strides = array<i32>} : memref<656xi32, #tpu.memory_space<vmem>>, vector<16xi32>,
    %swap3A_296 = vector.shape_cast %swap3A_295 : vector<16xi32> to vector<16xi32>
    %swap3A_297 = vector.shape_cast %select_n3A_293 : vector<16xi32> to vector<16xi32>
    tpu.vector_store %arg26[%swap3A_294], %swap3A_297 {strides = array<i32>} : memref<656xi32, #tpu.memory_space<vmem>>, vector<16xi32>,
    %get3A_298 = arith.constant 48 : index
    %get3A_299 = tpu.vector_load %arg14[%get3A_298] {strides = array<i32>} : memref<640xf32, #tpu.memory_space<vmem>>, vector<16xf32>,
    %get3A_300 = vector.shape_cast %get3A_299 : vector<16xf32> to vector<16xf32>
    %gt3A_301 = arith.constant -5.000000e+08 : f32
    %gt3A_302 = vector.broadcast %gt3A_301 : f32 to vector<16xf32>
    %gt3A_303 = arith.cmpf ogt, %get3A_300, %gt3A_302 : vector<16xf32>
    %get3A_304 = arith.constant 48 : index
    %get3A_305 = tpu.vector_load %arg15[%get3A_304] {strides = array<i32>} : memref<640xf32, #tpu.memory_space<vmem>>, vector<16xf32>,
    %get3A_306 = vector.shape_cast %get3A_305 : vector<16xf32> to vector<16xf32>
    %mul3A_307 = arith.constant 1.024000e+03 : f32
    %mul3A_308 = vector.broadcast %mul3A_307 : f32 to vector<16xf32>
    %mul3A_309 = arith.mulf %get3A_306, %mul3A_308 : vector<16xf32>
    %get3A_310 = arith.constant 48 : index
    %get3A_311 = tpu.vector_load %arg16[%get3A_310] {strides = array<i32>} : memref<640xf32, #tpu.memory_space<vmem>>, vector<16xf32>,
    %get3A_312 = vector.shape_cast %get3A_311 : vector<16xf32> to vector<16xf32>
    %mul3A_313 = arith.constant 1.024000e+03 : f32
    %mul3A_314 = vector.broadcast %mul3A_313 : f32 to vector<16xf32>
    %mul3A_315 = arith.mulf %get3A_312, %mul3A_314 : vector<16xf32>
    %get3A_316 = arith.constant 48 : index
    %get3A_317 = tpu.vector_load %arg17[%get3A_316] {strides = array<i32>} : memref<640xf32, #tpu.memory_space<vmem>>, vector<16xf32>,
    %get3A_318 = vector.shape_cast %get3A_317 : vector<16xf32> to vector<16xf32>
    %mul3A_319 = arith.constant 2.560000e+02 : f32
    %mul3A_320 = vector.broadcast %mul3A_319 : f32 to vector<16xf32>
    %mul3A_321 = arith.mulf %get3A_318, %mul3A_320 : vector<16xf32>
    %add3A_322 = arith.constant 1.000000e+00 : f32
    %add3A_323 = vector.broadcast %add3A_322 : f32 to vector<16xf32>
    %add3A_324 = arith.addf %mul3A_321, %add3A_323 : vector<16xf32>
    %get3A_325 = arith.constant 48 : index
    %get3A_326 = tpu.vector_load %arg18[%get3A_325] {strides = array<i32>} : memref<640xf32, #tpu.memory_space<vmem>>, vector<16xf32>,
    %get3A_327 = vector.shape_cast %get3A_326 : vector<16xf32> to vector<16xf32>
    %mul3A_328 = arith.constant 2.560000e+02 : f32
    %mul3A_329 = vector.broadcast %mul3A_328 : f32 to vector<16xf32>
    %mul3A_330 = arith.mulf %get3A_327, %mul3A_329 : vector<16xf32>
    %add3A_331 = arith.constant 1.000000e+00 : f32
    %add3A_332 = vector.broadcast %add3A_331 : f32 to vector<16xf32>
    %add3A_333 = arith.addf %mul3A_330, %add3A_332 : vector<16xf32>
    %mul3A_334 = arith.constant 5.000000e-01 : f32
    %mul3A_335 = vector.broadcast %mul3A_334 : f32 to vector<16xf32>
    %mul3A_336 = arith.mulf %add3A_324, %mul3A_335 : vector<16xf32>
    %sub3A_337 = arith.subf %mul3A_309, %mul3A_336 : vector<16xf32>
    %mul3A_338 = arith.constant 5.000000e-01 : f32
    %mul3A_339 = vector.broadcast %mul3A_338 : f32 to vector<16xf32>
    %mul3A_340 = arith.mulf %add3A_333, %mul3A_339 : vector<16xf32>
    %sub3A_341 = arith.subf %mul3A_315, %mul3A_340 : vector<16xf32>
    %mul3A_342 = arith.constant 5.000000e-01 : f32
    %mul3A_343 = vector.broadcast %mul3A_342 : f32 to vector<16xf32>
    %mul3A_344 = arith.mulf %add3A_324, %mul3A_343 : vector<16xf32>
    %add3A_345 = arith.addf %mul3A_309, %mul3A_344 : vector<16xf32>
    %mul3A_346 = arith.constant 5.000000e-01 : f32
    %mul3A_347 = vector.broadcast %mul3A_346 : f32 to vector<16xf32>
    %mul3A_348 = arith.mulf %add3A_333, %mul3A_347 : vector<16xf32>
    %add3A_349 = arith.addf %mul3A_315, %mul3A_348 : vector<16xf32>
    %swap3A_350 = arith.constant 48 : index
    %swap3A_351 = tpu.vector_load %arg19[%swap3A_350] {strides = array<i32>} : memref<656xf32, #tpu.memory_space<vmem>>, vector<16xf32>,
    %swap3A_352 = vector.shape_cast %swap3A_351 : vector<16xf32> to vector<16xf32>
    %swap3A_353 = vector.shape_cast %sub3A_337 : vector<16xf32> to vector<16xf32>
    tpu.vector_store %arg19[%swap3A_350], %swap3A_353 {strides = array<i32>} : memref<656xf32, #tpu.memory_space<vmem>>, vector<16xf32>,
    %swap3A_354 = arith.constant 48 : index
    %swap3A_355 = tpu.vector_load %arg20[%swap3A_354] {strides = array<i32>} : memref<656xf32, #tpu.memory_space<vmem>>, vector<16xf32>,
    %swap3A_356 = vector.shape_cast %swap3A_355 : vector<16xf32> to vector<16xf32>
    %swap3A_357 = vector.shape_cast %sub3A_341 : vector<16xf32> to vector<16xf32>
    tpu.vector_store %arg20[%swap3A_354], %swap3A_357 {strides = array<i32>} : memref<656xf32, #tpu.memory_space<vmem>>, vector<16xf32>,
    %swap3A_358 = arith.constant 48 : index
    %swap3A_359 = tpu.vector_load %arg21[%swap3A_358] {strides = array<i32>} : memref<656xf32, #tpu.memory_space<vmem>>, vector<16xf32>,
    %swap3A_360 = vector.shape_cast %swap3A_359 : vector<16xf32> to vector<16xf32>
    %swap3A_361 = vector.shape_cast %add3A_345 : vector<16xf32> to vector<16xf32>
    tpu.vector_store %arg21[%swap3A_358], %swap3A_361 {strides = array<i32>} : memref<656xf32, #tpu.memory_space<vmem>>, vector<16xf32>,
    %swap3A_362 = arith.constant 48 : index
    %swap3A_363 = tpu.vector_load %arg22[%swap3A_362] {strides = array<i32>} : memref<656xf32, #tpu.memory_space<vmem>>, vector<16xf32>,
    %swap3A_364 = vector.shape_cast %swap3A_363 : vector<16xf32> to vector<16xf32>
    %swap3A_365 = vector.shape_cast %add3A_349 : vector<16xf32> to vector<16xf32>
    tpu.vector_store %arg22[%swap3A_362], %swap3A_365 {strides = array<i32>} : memref<656xf32, #tpu.memory_space<vmem>>, vector<16xf32>,
    %sub3A_366 = arith.subf %add3A_345, %sub3A_337 : vector<16xf32>
    %max3A_367 = arith.constant 0.000000e+00 : f32
    %max3A_368 = vector.broadcast %max3A_367 : f32 to vector<16xf32>
    %max3A_369 = arith.maximumf %sub3A_366, %max3A_368 : vector<16xf32>
    %sub3A_370 = arith.subf %add3A_349, %sub3A_341 : vector<16xf32>
    %max3A_371 = arith.constant 0.000000e+00 : f32
    %max3A_372 = vector.broadcast %max3A_371 : f32 to vector<16xf32>
    %max3A_373 = arith.maximumf %sub3A_370, %max3A_372 : vector<16xf32>
    %mul3A_374 = arith.mulf %max3A_369, %max3A_373 : vector<16xf32>
    %swap3A_375 = arith.constant 48 : index
    %swap3A_376 = tpu.vector_load %arg23[%swap3A_375] {strides = array<i32>} : memref<656xf32, #tpu.memory_space<vmem>>, vector<16xf32>,
    %swap3A_377 = vector.shape_cast %swap3A_376 : vector<16xf32> to vector<16xf32>
    %swap3A_378 = vector.shape_cast %mul3A_374 : vector<16xf32> to vector<16xf32>
    tpu.vector_store %arg23[%swap3A_375], %swap3A_378 {strides = array<i32>} : memref<656xf32, #tpu.memory_space<vmem>>, vector<16xf32>,
    %swap3A_379 = arith.constant 48 : index
    %swap3A_380 = tpu.vector_load %arg24[%swap3A_379] {strides = array<i32>} : memref<656xf32, #tpu.memory_space<vmem>>, vector<16xf32>,
    %swap3A_381 = vector.shape_cast %swap3A_380 : vector<16xf32> to vector<16xf32>
    %swap3A_382 = vector.shape_cast %get3A_300 : vector<16xf32> to vector<16xf32>
    tpu.vector_store %arg24[%swap3A_379], %swap3A_382 {strides = array<i32>} : memref<656xf32, #tpu.memory_space<vmem>>, vector<16xf32>,
    %add3A_383 = arith.constant 48 : i32
    %add3A_384 = vector.broadcast %add3A_383 : i32 to vector<16xi32>
    %add3A_385 = arith.addi %iota3A, %add3A_384 : vector<16xi32>
    %swap3A_386 = arith.constant 48 : index
    %swap3A_387 = tpu.vector_load %arg25[%swap3A_386] {strides = array<i32>} : memref<656xi32, #tpu.memory_space<vmem>>, vector<16xi32>,
    %swap3A_388 = vector.shape_cast %swap3A_387 : vector<16xi32> to vector<16xi32>
    %swap3A_389 = vector.shape_cast %add3A_385 : vector<16xi32> to vector<16xi32>
    tpu.vector_store %arg25[%swap3A_386], %swap3A_389 {strides = array<i32>} : memref<656xi32, #tpu.memory_space<vmem>>, vector<16xi32>,
    %jit3A_390 = arith.constant 1 : i32
    %jit3A_391 = arith.constant 0 : i32
    %broadcast_in_dim3A_392 = vector.broadcast %jit3A_390 : i32 to vector<16xi32>
    %broadcast_in_dim3A_393 = vector.broadcast %jit3A_391 : i32 to vector<16xi32>
    %select_n3A_394 = arith.select %gt3A_303, %broadcast_in_dim3A_392, %broadcast_in_dim3A_393 : vector<16xi1>, vector<16xi32>
    %swap3A_395 = arith.constant 48 : index
    %swap3A_396 = tpu.vector_load %arg26[%swap3A_395] {strides = array<i32>} : memref<656xi32, #tpu.memory_space<vmem>>, vector<16xi32>,
    %swap3A_397 = vector.shape_cast %swap3A_396 : vector<16xi32> to vector<16xi32>
    %swap3A_398 = vector.shape_cast %select_n3A_394 : vector<16xi32> to vector<16xi32>
    tpu.vector_store %arg26[%swap3A_395], %swap3A_398 {strides = array<i32>} : memref<656xi32, #tpu.memory_space<vmem>>, vector<16xi32>,
    %get3A_399 = arith.constant 64 : index
    %get3A_400 = tpu.vector_load %arg14[%get3A_399] {strides = array<i32>} : memref<640xf32, #tpu.memory_space<vmem>>, vector<16xf32>,
    %get3A_401 = vector.shape_cast %get3A_400 : vector<16xf32> to vector<16xf32>
    %gt3A_402 = arith.constant -5.000000e+08 : f32
    %gt3A_403 = vector.broadcast %gt3A_402 : f32 to vector<16xf32>
    %gt3A_404 = arith.cmpf ogt, %get3A_401, %gt3A_403 : vector<16xf32>
    %get3A_405 = arith.constant 64 : index
    %get3A_406 = tpu.vector_load %arg15[%get3A_405] {strides = array<i32>} : memref<640xf32, #tpu.memory_space<vmem>>, vector<16xf32>,
    %get3A_407 = vector.shape_cast %get3A_406 : vector<16xf32> to vector<16xf32>
    %mul3A_408 = arith.constant 1.024000e+03 : f32
    %mul3A_409 = vector.broadcast %mul3A_408 : f32 to vector<16xf32>
    %mul3A_410 = arith.mulf %get3A_407, %mul3A_409 : vector<16xf32>
    %get3A_411 = arith.constant 64 : index
    %get3A_412 = tpu.vector_load %arg16[%get3A_411] {strides = array<i32>} : memref<640xf32, #tpu.memory_space<vmem>>, vector<16xf32>,
    %get3A_413 = vector.shape_cast %get3A_412 : vector<16xf32> to vector<16xf32>
    %mul3A_414 = arith.constant 1.024000e+03 : f32
    %mul3A_415 = vector.broadcast %mul3A_414 : f32 to vector<16xf32>
    %mul3A_416 = arith.mulf %get3A_413, %mul3A_415 : vector<16xf32>
    %get3A_417 = arith.constant 64 : index
    %get3A_418 = tpu.vector_load %arg17[%get3A_417] {strides = array<i32>} : memref<640xf32, #tpu.memory_space<vmem>>, vector<16xf32>,
    %get3A_419 = vector.shape_cast %get3A_418 : vector<16xf32> to vector<16xf32>
    %mul3A_420 = arith.constant 2.560000e+02 : f32
    %mul3A_421 = vector.broadcast %mul3A_420 : f32 to vector<16xf32>
    %mul3A_422 = arith.mulf %get3A_419, %mul3A_421 : vector<16xf32>
    %add3A_423 = arith.constant 1.000000e+00 : f32
    %add3A_424 = vector.broadcast %add3A_423 : f32 to vector<16xf32>
    %add3A_425 = arith.addf %mul3A_422, %add3A_424 : vector<16xf32>
    %get3A_426 = arith.constant 64 : index
    %get3A_427 = tpu.vector_load %arg18[%get3A_426] {strides = array<i32>} : memref<640xf32, #tpu.memory_space<vmem>>, vector<16xf32>,
    %get3A_428 = vector.shape_cast %get3A_427 : vector<16xf32> to vector<16xf32>
    %mul3A_429 = arith.constant 2.560000e+02 : f32
    %mul3A_430 = vector.broadcast %mul3A_429 : f32 to vector<16xf32>
    %mul3A_431 = arith.mulf %get3A_428, %mul3A_430 : vector<16xf32>
    %add3A_432 = arith.constant 1.000000e+00 : f32
    %add3A_433 = vector.broadcast %add3A_432 : f32 to vector<16xf32>
    %add3A_434 = arith.addf %mul3A_431, %add3A_433 : vector<16xf32>
    %mul3A_435 = arith.constant 5.000000e-01 : f32
    %mul3A_436 = vector.broadcast %mul3A_435 : f32 to vector<16xf32>
    %mul3A_437 = arith.mulf %add3A_425, %mul3A_436 : vector<16xf32>
    %sub3A_438 = arith.subf %mul3A_410, %mul3A_437 : vector<16xf32>
    %mul3A_439 = arith.constant 5.000000e-01 : f32
    %mul3A_440 = vector.broadcast %mul3A_439 : f32 to vector<16xf32>
    %mul3A_441 = arith.mulf %add3A_434, %mul3A_440 : vector<16xf32>
    %sub3A_442 = arith.subf %mul3A_416, %mul3A_441 : vector<16xf32>
    %mul3A_443 = arith.constant 5.000000e-01 : f32
    %mul3A_444 = vector.broadcast %mul3A_443 : f32 to vector<16xf32>
    %mul3A_445 = arith.mulf %add3A_425, %mul3A_444 : vector<16xf32>
    %add3A_446 = arith.addf %mul3A_410, %mul3A_445 : vector<16xf32>
    %mul3A_447 = arith.constant 5.000000e-01 : f32
    %mul3A_448 = vector.broadcast %mul3A_447 : f32 to vector<16xf32>
    %mul3A_449 = arith.mulf %add3A_434, %mul3A_448 : vector<16xf32>
    %add3A_450 = arith.addf %mul3A_416, %mul3A_449 : vector<16xf32>
    %swap3A_451 = arith.constant 64 : index
    %swap3A_452 = tpu.vector_load %arg19[%swap3A_451] {strides = array<i32>} : memref<656xf32, #tpu.memory_space<vmem>>, vector<16xf32>,
    %swap3A_453 = vector.shape_cast %swap3A_452 : vector<16xf32> to vector<16xf32>
    %swap3A_454 = vector.shape_cast %sub3A_438 : vector<16xf32> to vector<16xf32>
    tpu.vector_store %arg19[%swap3A_451], %swap3A_454 {strides = array<i32>} : memref<656xf32, #tpu.memory_space<vmem>>, vector<16xf32>,
    %swap3A_455 = arith.constant 64 : index
    %swap3A_456 = tpu.vector_load %arg20[%swap3A_455] {strides = array<i32>} : memref<656xf32, #tpu.memory_space<vmem>>, vector<16xf32>,
    %swap3A_457 = vector.shape_cast %swap3A_456 : vector<16xf32> to vector<16xf32>
    %swap3A_458 = vector.shape_cast %sub3A_442 : vector<16xf32> to vector<16xf32>
    tpu.vector_store %arg20[%swap3A_455], %swap3A_458 {strides = array<i32>} : memref<656xf32, #tpu.memory_space<vmem>>, vector<16xf32>,
    %swap3A_459 = arith.constant 64 : index
    %swap3A_460 = tpu.vector_load %arg21[%swap3A_459] {strides = array<i32>} : memref<656xf32, #tpu.memory_space<vmem>>, vector<16xf32>,
    %swap3A_461 = vector.shape_cast %swap3A_460 : vector<16xf32> to vector<16xf32>
    %swap3A_462 = vector.shape_cast %add3A_446 : vector<16xf32> to vector<16xf32>
    tpu.vector_store %arg21[%swap3A_459], %swap3A_462 {strides = array<i32>} : memref<656xf32, #tpu.memory_space<vmem>>, vector<16xf32>,
    %swap3A_463 = arith.constant 64 : index
    %swap3A_464 = tpu.vector_load %arg22[%swap3A_463] {strides = array<i32>} : memref<656xf32, #tpu.memory_space<vmem>>, vector<16xf32>,
    %swap3A_465 = vector.shape_cast %swap3A_464 : vector<16xf32> to vector<16xf32>
    %swap3A_466 = vector.shape_cast %add3A_450 : vector<16xf32> to vector<16xf32>
    tpu.vector_store %arg22[%swap3A_463], %swap3A_466 {strides = array<i32>} : memref<656xf32, #tpu.memory_space<vmem>>, vector<16xf32>,
    %sub3A_467 = arith.subf %add3A_446, %sub3A_438 : vector<16xf32>
    %max3A_468 = arith.constant 0.000000e+00 : f32
    %max3A_469 = vector.broadcast %max3A_468 : f32 to vector<16xf32>
    %max3A_470 = arith.maximumf %sub3A_467, %max3A_469 : vector<16xf32>
    %sub3A_471 = arith.subf %add3A_450, %sub3A_442 : vector<16xf32>
    %max3A_472 = arith.constant 0.000000e+00 : f32
    %max3A_473 = vector.broadcast %max3A_472 : f32 to vector<16xf32>
    %max3A_474 = arith.maximumf %sub3A_471, %max3A_473 : vector<16xf32>
    %mul3A_475 = arith.mulf %max3A_470, %max3A_474 : vector<16xf32>
    %swap3A_476 = arith.constant 64 : index
    %swap3A_477 = tpu.vector_load %arg23[%swap3A_476] {strides = array<i32>} : memref<656xf32, #tpu.memory_space<vmem>>, vector<16xf32>,
    %swap3A_478 = vector.shape_cast %swap3A_477 : vector<16xf32> to vector<16xf32>
    %swap3A_479 = vector.shape_cast %mul3A_475 : vector<16xf32> to vector<16xf32>
    tpu.vector_store %arg23[%swap3A_476], %swap3A_479 {strides = array<i32>} : memref<656xf32, #tpu.memory_space<vmem>>, vector<16xf32>,
    %swap3A_480 = arith.constant 64 : index
    %swap3A_481 = tpu.vector_load %arg24[%swap3A_480] {strides = array<i32>} : memref<656xf32, #tpu.memory_space<vmem>>, vector<16xf32>,
    %swap3A_482 = vector.shape_cast %swap3A_481 : vector<16xf32> to vector<16xf32>
    %swap3A_483 = vector.shape_cast %get3A_401 : vector<16xf32> to vector<16xf32>
    tpu.vector_store %arg24[%swap3A_480], %swap3A_483 {strides = array<i32>} : memref<656xf32, #tpu.memory_space<vmem>>, vector<16xf32>,
    %add3A_484 = arith.constant 64 : i32
    %add3A_485 = vector.broadcast %add3A_484 : i32 to vector<16xi32>
    %add3A_486 = arith.addi %iota3A, %add3A_485 : vector<16xi32>
    %swap3A_487 = arith.constant 64 : index
    %swap3A_488 = tpu.vector_load %arg25[%swap3A_487] {strides = array<i32>} : memref<656xi32, #tpu.memory_space<vmem>>, vector<16xi32>,
    %swap3A_489 = vector.shape_cast %swap3A_488 : vector<16xi32> to vector<16xi32>
    %swap3A_490 = vector.shape_cast %add3A_486 : vector<16xi32> to vector<16xi32>
    tpu.vector_store %arg25[%swap3A_487], %swap3A_490 {strides = array<i32>} : memref<656xi32, #tpu.memory_space<vmem>>, vector<16xi32>,
    %jit3A_491 = arith.constant 1 : i32
    %jit3A_492 = arith.constant 0 : i32
    %broadcast_in_dim3A_493 = vector.broadcast %jit3A_491 : i32 to vector<16xi32>
    %broadcast_in_dim3A_494 = vector.broadcast %jit3A_492 : i32 to vector<16xi32>
    %select_n3A_495 = arith.select %gt3A_404, %broadcast_in_dim3A_493, %broadcast_in_dim3A_494 : vector<16xi1>, vector<16xi32>
    %swap3A_496 = arith.constant 64 : index
    %swap3A_497 = tpu.vector_load %arg26[%swap3A_496] {strides = array<i32>} : memref<656xi32, #tpu.memory_space<vmem>>, vector<16xi32>,
    %swap3A_498 = vector.shape_cast %swap3A_497 : vector<16xi32> to vector<16xi32>
    %swap3A_499 = vector.shape_cast %select_n3A_495 : vector<16xi32> to vector<16xi32>
    tpu.vector_store %arg26[%swap3A_496], %swap3A_499 {strides = array<i32>} : memref<656xi32, #tpu.memory_space<vmem>>, vector<16xi32>,
    %get3A_500 = arith.constant 80 : index
    %get3A_501 = tpu.vector_load %arg14[%get3A_500] {strides = array<i32>} : memref<640xf32, #tpu.memory_space<vmem>>, vector<16xf32>,
    %get3A_502 = vector.shape_cast %get3A_501 : vector<16xf32> to vector<16xf32>
    %gt3A_503 = arith.constant -5.000000e+08 : f32
    %gt3A_504 = vector.broadcast %gt3A_503 : f32 to vector<16xf32>
    %gt3A_505 = arith.cmpf ogt, %get3A_502, %gt3A_504 : vector<16xf32>
    %get3A_506 = arith.constant 80 : index
    %get3A_507 = tpu.vector_load %arg15[%get3A_506] {strides = array<i32>} : memref<640xf32, #tpu.memory_space<vmem>>, vector<16xf32>,
    %get3A_508 = vector.shape_cast %get3A_507 : vector<16xf32> to vector<16xf32>
    %mul3A_509 = arith.constant 1.024000e+03 : f32
    %mul3A_510 = vector.broadcast %mul3A_509 : f32 to vector<16xf32>
    %mul3A_511 = arith.mulf %get3A_508, %mul3A_510 : vector<16xf32>
    %get3A_512 = arith.constant 80 : index
    %get3A_513 = tpu.vector_load %arg16[%get3A_512] {strides = array<i32>} : memref<640xf32, #tpu.memory_space<vmem>>, vector<16xf32>,
    %get3A_514 = vector.shape_cast %get3A_513 : vector<16xf32> to vector<16xf32>
    %mul3A_515 = arith.constant 1.024000e+03 : f32
    %mul3A_516 = vector.broadcast %mul3A_515 : f32 to vector<16xf32>
    %mul3A_517 = arith.mulf %get3A_514, %mul3A_516 : vector<16xf32>
    %get3A_518 = arith.constant 80 : index
    %get3A_519 = tpu.vector_load %arg17[%get3A_518] {strides = array<i32>} : memref<640xf32, #tpu.memory_space<vmem>>, vector<16xf32>,
    %get3A_520 = vector.shape_cast %get3A_519 : vector<16xf32> to vector<16xf32>
    %mul3A_521 = arith.constant 2.560000e+02 : f32
    %mul3A_522 = vector.broadcast %mul3A_521 : f32 to vector<16xf32>
    %mul3A_523 = arith.mulf %get3A_520, %mul3A_522 : vector<16xf32>
    %add3A_524 = arith.constant 1.000000e+00 : f32
    %add3A_525 = vector.broadcast %add3A_524 : f32 to vector<16xf32>
    %add3A_526 = arith.addf %mul3A_523, %add3A_525 : vector<16xf32>
    %get3A_527 = arith.constant 80 : index
    %get3A_528 = tpu.vector_load %arg18[%get3A_527] {strides = array<i32>} : memref<640xf32, #tpu.memory_space<vmem>>, vector<16xf32>,
    %get3A_529 = vector.shape_cast %get3A_528 : vector<16xf32> to vector<16xf32>
    %mul3A_530 = arith.constant 2.560000e+02 : f32
    %mul3A_531 = vector.broadcast %mul3A_530 : f32 to vector<16xf32>
    %mul3A_532 = arith.mulf %get3A_529, %mul3A_531 : vector<16xf32>
    %add3A_533 = arith.constant 1.000000e+00 : f32
    %add3A_534 = vector.broadcast %add3A_533 : f32 to vector<16xf32>
    %add3A_535 = arith.addf %mul3A_532, %add3A_534 : vector<16xf32>
    %mul3A_536 = arith.constant 5.000000e-01 : f32
    %mul3A_537 = vector.broadcast %mul3A_536 : f32 to vector<16xf32>
    %mul3A_538 = arith.mulf %add3A_526, %mul3A_537 : vector<16xf32>
    %sub3A_539 = arith.subf %mul3A_511, %mul3A_538 : vector<16xf32>
    %mul3A_540 = arith.constant 5.000000e-01 : f32
    %mul3A_541 = vector.broadcast %mul3A_540 : f32 to vector<16xf32>
    %mul3A_542 = arith.mulf %add3A_535, %mul3A_541 : vector<16xf32>
    %sub3A_543 = arith.subf %mul3A_517, %mul3A_542 : vector<16xf32>
    %mul3A_544 = arith.constant 5.000000e-01 : f32
    %mul3A_545 = vector.broadcast %mul3A_544 : f32 to vector<16xf32>
    %mul3A_546 = arith.mulf %add3A_526, %mul3A_545 : vector<16xf32>
    %add3A_547 = arith.addf %mul3A_511, %mul3A_546 : vector<16xf32>
    %mul3A_548 = arith.constant 5.000000e-01 : f32
    %mul3A_549 = vector.broadcast %mul3A_548 : f32 to vector<16xf32>
    %mul3A_550 = arith.mulf %add3A_535, %mul3A_549 : vector<16xf32>
    %add3A_551 = arith.addf %mul3A_517, %mul3A_550 : vector<16xf32>
    %swap3A_552 = arith.constant 80 : index
    %swap3A_553 = tpu.vector_load %arg19[%swap3A_552] {strides = array<i32>} : memref<656xf32, #tpu.memory_space<vmem>>, vector<16xf32>,
    %swap3A_554 = vector.shape_cast %swap3A_553 : vector<16xf32> to vector<16xf32>
    %swap3A_555 = vector.shape_cast %sub3A_539 : vector<16xf32> to vector<16xf32>
    tpu.vector_store %arg19[%swap3A_552], %swap3A_555 {strides = array<i32>} : memref<656xf32, #tpu.memory_space<vmem>>, vector<16xf32>,
    %swap3A_556 = arith.constant 80 : index
    %swap3A_557 = tpu.vector_load %arg20[%swap3A_556] {strides = array<i32>} : memref<656xf32, #tpu.memory_space<vmem>>, vector<16xf32>,
    %swap3A_558 = vector.shape_cast %swap3A_557 : vector<16xf32> to vector<16xf32>
    %swap3A_559 = vector.shape_cast %sub3A_543 : vector<16xf32> to vector<16xf32>
    tpu.vector_store %arg20[%swap3A_556], %swap3A_559 {strides = array<i32>} : memref<656xf32, #tpu.memory_space<vmem>>, vector<16xf32>,
    %swap3A_560 = arith.constant 80 : index
    %swap3A_561 = tpu.vector_load %arg21[%swap3A_560] {strides = array<i32>} : memref<656xf32, #tpu.memory_space<vmem>>, vector<16xf32>,
    %swap3A_562 = vector.shape_cast %swap3A_561 : vector<16xf32> to vector<16xf32>
    %swap3A_563 = vector.shape_cast %add3A_547 : vector<16xf32> to vector<16xf32>
    tpu.vector_store %arg21[%swap3A_560], %swap3A_563 {strides = array<i32>} : memref<656xf32, #tpu.memory_space<vmem>>, vector<16xf32>,
    %swap3A_564 = arith.constant 80 : index
    %swap3A_565 = tpu.vector_load %arg22[%swap3A_564] {strides = array<i32>} : memref<656xf32, #tpu.memory_space<vmem>>, vector<16xf32>,
    %swap3A_566 = vector.shape_cast %swap3A_565 : vector<16xf32> to vector<16xf32>
    %swap3A_567 = vector.shape_cast %add3A_551 : vector<16xf32> to vector<16xf32>
    tpu.vector_store %arg22[%swap3A_564], %swap3A_567 {strides = array<i32>} : memref<656xf32, #tpu.memory_space<vmem>>, vector<16xf32>,
    %sub3A_568 = arith.subf %add3A_547, %sub3A_539 : vector<16xf32>
    %max3A_569 = arith.constant 0.000000e+00 : f32
    %max3A_570 = vector.broadcast %max3A_569 : f32 to vector<16xf32>
    %max3A_571 = arith.maximumf %sub3A_568, %max3A_570 : vector<16xf32>
    %sub3A_572 = arith.subf %add3A_551, %sub3A_543 : vector<16xf32>
    %max3A_573 = arith.constant 0.000000e+00 : f32
    %max3A_574 = vector.broadcast %max3A_573 : f32 to vector<16xf32>
    %max3A_575 = arith.maximumf %sub3A_572, %max3A_574 : vector<16xf32>
    %mul3A_576 = arith.mulf %max3A_571, %max3A_575 : vector<16xf32>
    %swap3A_577 = arith.constant 80 : index
    %swap3A_578 = tpu.vector_load %arg23[%swap3A_577] {strides = array<i32>} : memref<656xf32, #tpu.memory_space<vmem>>, vector<16xf32>,
    %swap3A_579 = vector.shape_cast %swap3A_578 : vector<16xf32> to vector<16xf32>
    %swap3A_580 = vector.shape_cast %mul3A_576 : vector<16xf32> to vector<16xf32>
    tpu.vector_store %arg23[%swap3A_577], %swap3A_580 {strides = array<i32>} : memref<656xf32, #tpu.memory_space<vmem>>, vector<16xf32>,
    %swap3A_581 = arith.constant 80 : index
    %swap3A_582 = tpu.vector_load %arg24[%swap3A_581] {strides = array<i32>} : memref<656xf32, #tpu.memory_space<vmem>>, vector<16xf32>,
    %swap3A_583 = vector.shape_cast %swap3A_582 : vector<16xf32> to vector<16xf32>
    %swap3A_584 = vector.shape_cast %get3A_502 : vector<16xf32> to vector<16xf32>
    tpu.vector_store %arg24[%swap3A_581], %swap3A_584 {strides = array<i32>} : memref<656xf32, #tpu.memory_space<vmem>>, vector<16xf32>,
    %add3A_585 = arith.constant 80 : i32
    %add3A_586 = vector.broadcast %add3A_585 : i32 to vector<16xi32>
    %add3A_587 = arith.addi %iota3A, %add3A_586 : vector<16xi32>
    %swap3A_588 = arith.constant 80 : index
    %swap3A_589 = tpu.vector_load %arg25[%swap3A_588] {strides = array<i32>} : memref<656xi32, #tpu.memory_space<vmem>>, vector<16xi32>,
    %swap3A_590 = vector.shape_cast %swap3A_589 : vector<16xi32> to vector<16xi32>
    %swap3A_591 = vector.shape_cast %add3A_587 : vector<16xi32> to vector<16xi32>
    tpu.vector_store %arg25[%swap3A_588], %swap3A_591 {strides = array<i32>} : memref<656xi32, #tpu.memory_space<vmem>>, vector<16xi32>,
    %jit3A_592 = arith.constant 1 : i32
    %jit3A_593 = arith.constant 0 : i32
    %broadcast_in_dim3A_594 = vector.broadcast %jit3A_592 : i32 to vector<16xi32>
    %broadcast_in_dim3A_595 = vector.broadcast %jit3A_593 : i32 to vector<16xi32>
    %select_n3A_596 = arith.select %gt3A_505, %broadcast_in_dim3A_594, %broadcast_in_dim3A_595 : vector<16xi1>, vector<16xi32>
    %swap3A_597 = arith.constant 80 : index
    %swap3A_598 = tpu.vector_load %arg26[%swap3A_597] {strides = array<i32>} : memref<656xi32, #tpu.memory_space<vmem>>, vector<16xi32>,
    %swap3A_599 = vector.shape_cast %swap3A_598 : vector<16xi32> to vector<16xi32>
    %swap3A_600 = vector.shape_cast %select_n3A_596 : vector<16xi32> to vector<16xi32>
    tpu.vector_store %arg26[%swap3A_597], %swap3A_600 {strides = array<i32>} : memref<656xi32, #tpu.memory_space<vmem>>, vector<16xi32>,
    %get3A_601 = arith.constant 96 : index
    %get3A_602 = tpu.vector_load %arg14[%get3A_601] {strides = array<i32>} : memref<640xf32, #tpu.memory_space<vmem>>, vector<16xf32>,
    %get3A_603 = vector.shape_cast %get3A_602 : vector<16xf32> to vector<16xf32>
    %gt3A_604 = arith.constant -5.000000e+08 : f32
    %gt3A_605 = vector.broadcast %gt3A_604 : f32 to vector<16xf32>
    %gt3A_606 = arith.cmpf ogt, %get3A_603, %gt3A_605 : vector<16xf32>
    %get3A_607 = arith.constant 96 : index
    %get3A_608 = tpu.vector_load %arg15[%get3A_607] {strides = array<i32>} : memref<640xf32, #tpu.memory_space<vmem>>, vector<16xf32>,
    %get3A_609 = vector.shape_cast %get3A_608 : vector<16xf32> to vector<16xf32>
    %mul3A_610 = arith.constant 1.024000e+03 : f32
    %mul3A_611 = vector.broadcast %mul3A_610 : f32 to vector<16xf32>
    %mul3A_612 = arith.mulf %get3A_609, %mul3A_611 : vector<16xf32>
    %get3A_613 = arith.constant 96 : index
    %get3A_614 = tpu.vector_load %arg16[%get3A_613] {strides = array<i32>} : memref<640xf32, #tpu.memory_space<vmem>>, vector<16xf32>,
    %get3A_615 = vector.shape_cast %get3A_614 : vector<16xf32> to vector<16xf32>
    %mul3A_616 = arith.constant 1.024000e+03 : f32
    %mul3A_617 = vector.broadcast %mul3A_616 : f32 to vector<16xf32>
    %mul3A_618 = arith.mulf %get3A_615, %mul3A_617 : vector<16xf32>
    %get3A_619 = arith.constant 96 : index
    %get3A_620 = tpu.vector_load %arg17[%get3A_619] {strides = array<i32>} : memref<640xf32, #tpu.memory_space<vmem>>, vector<16xf32>,
    %get3A_621 = vector.shape_cast %get3A_620 : vector<16xf32> to vector<16xf32>
    %mul3A_622 = arith.constant 2.560000e+02 : f32
    %mul3A_623 = vector.broadcast %mul3A_622 : f32 to vector<16xf32>
    %mul3A_624 = arith.mulf %get3A_621, %mul3A_623 : vector<16xf32>
    %add3A_625 = arith.constant 1.000000e+00 : f32
    %add3A_626 = vector.broadcast %add3A_625 : f32 to vector<16xf32>
    %add3A_627 = arith.addf %mul3A_624, %add3A_626 : vector<16xf32>
    %get3A_628 = arith.constant 96 : index
    %get3A_629 = tpu.vector_load %arg18[%get3A_628] {strides = array<i32>} : memref<640xf32, #tpu.memory_space<vmem>>, vector<16xf32>,
    %get3A_630 = vector.shape_cast %get3A_629 : vector<16xf32> to vector<16xf32>
    %mul3A_631 = arith.constant 2.560000e+02 : f32
    %mul3A_632 = vector.broadcast %mul3A_631 : f32 to vector<16xf32>
    %mul3A_633 = arith.mulf %get3A_630, %mul3A_632 : vector<16xf32>
    %add3A_634 = arith.constant 1.000000e+00 : f32
    %add3A_635 = vector.broadcast %add3A_634 : f32 to vector<16xf32>
    %add3A_636 = arith.addf %mul3A_633, %add3A_635 : vector<16xf32>
    %mul3A_637 = arith.constant 5.000000e-01 : f32
    %mul3A_638 = vector.broadcast %mul3A_637 : f32 to vector<16xf32>
    %mul3A_639 = arith.mulf %add3A_627, %mul3A_638 : vector<16xf32>
    %sub3A_640 = arith.subf %mul3A_612, %mul3A_639 : vector<16xf32>
    %mul3A_641 = arith.constant 5.000000e-01 : f32
    %mul3A_642 = vector.broadcast %mul3A_641 : f32 to vector<16xf32>
    %mul3A_643 = arith.mulf %add3A_636, %mul3A_642 : vector<16xf32>
    %sub3A_644 = arith.subf %mul3A_618, %mul3A_643 : vector<16xf32>
    %mul3A_645 = arith.constant 5.000000e-01 : f32
    %mul3A_646 = vector.broadcast %mul3A_645 : f32 to vector<16xf32>
    %mul3A_647 = arith.mulf %add3A_627, %mul3A_646 : vector<16xf32>
    %add3A_648 = arith.addf %mul3A_612, %mul3A_647 : vector<16xf32>
    %mul3A_649 = arith.constant 5.000000e-01 : f32
    %mul3A_650 = vector.broadcast %mul3A_649 : f32 to vector<16xf32>
    %mul3A_651 = arith.mulf %add3A_636, %mul3A_650 : vector<16xf32>
    %add3A_652 = arith.addf %mul3A_618, %mul3A_651 : vector<16xf32>
    %swap3A_653 = arith.constant 96 : index
    %swap3A_654 = tpu.vector_load %arg19[%swap3A_653] {strides = array<i32>} : memref<656xf32, #tpu.memory_space<vmem>>, vector<16xf32>,
    %swap3A_655 = vector.shape_cast %swap3A_654 : vector<16xf32> to vector<16xf32>
    %swap3A_656 = vector.shape_cast %sub3A_640 : vector<16xf32> to vector<16xf32>
    tpu.vector_store %arg19[%swap3A_653], %swap3A_656 {strides = array<i32>} : memref<656xf32, #tpu.memory_space<vmem>>, vector<16xf32>,
    %swap3A_657 = arith.constant 96 : index
    %swap3A_658 = tpu.vector_load %arg20[%swap3A_657] {strides = array<i32>} : memref<656xf32, #tpu.memory_space<vmem>>, vector<16xf32>,
    %swap3A_659 = vector.shape_cast %swap3A_658 : vector<16xf32> to vector<16xf32>
    %swap3A_660 = vector.shape_cast %sub3A_644 : vector<16xf32> to vector<16xf32>
    tpu.vector_store %arg20[%swap3A_657], %swap3A_660 {strides = array<i32>} : memref<656xf32, #tpu.memory_space<vmem>>, vector<16xf32>,
    %swap3A_661 = arith.constant 96 : index
    %swap3A_662 = tpu.vector_load %arg21[%swap3A_661] {strides = array<i32>} : memref<656xf32, #tpu.memory_space<vmem>>, vector<16xf32>,
    %swap3A_663 = vector.shape_cast %swap3A_662 : vector<16xf32> to vector<16xf32>
    %swap3A_664 = vector.shape_cast %add3A_648 : vector<16xf32> to vector<16xf32>
    tpu.vector_store %arg21[%swap3A_661], %swap3A_664 {strides = array<i32>} : memref<656xf32, #tpu.memory_space<vmem>>, vector<16xf32>,
    %swap3A_665 = arith.constant 96 : index
    %swap3A_666 = tpu.vector_load %arg22[%swap3A_665] {strides = array<i32>} : memref<656xf32, #tpu.memory_space<vmem>>, vector<16xf32>,
    %swap3A_667 = vector.shape_cast %swap3A_666 : vector<16xf32> to vector<16xf32>
    %swap3A_668 = vector.shape_cast %add3A_652 : vector<16xf32> to vector<16xf32>
    tpu.vector_store %arg22[%swap3A_665], %swap3A_668 {strides = array<i32>} : memref<656xf32, #tpu.memory_space<vmem>>, vector<16xf32>,
    %sub3A_669 = arith.subf %add3A_648, %sub3A_640 : vector<16xf32>
    %max3A_670 = arith.constant 0.000000e+00 : f32
    %max3A_671 = vector.broadcast %max3A_670 : f32 to vector<16xf32>
    %max3A_672 = arith.maximumf %sub3A_669, %max3A_671 : vector<16xf32>
    %sub3A_673 = arith.subf %add3A_652, %sub3A_644 : vector<16xf32>
    %max3A_674 = arith.constant 0.000000e+00 : f32
    %max3A_675 = vector.broadcast %max3A_674 : f32 to vector<16xf32>
    %max3A_676 = arith.maximumf %sub3A_673, %max3A_675 : vector<16xf32>
    %mul3A_677 = arith.mulf %max3A_672, %max3A_676 : vector<16xf32>
    %swap3A_678 = arith.constant 96 : index
    %swap3A_679 = tpu.vector_load %arg23[%swap3A_678] {strides = array<i32>} : memref<656xf32, #tpu.memory_space<vmem>>, vector<16xf32>,
    %swap3A_680 = vector.shape_cast %swap3A_679 : vector<16xf32> to vector<16xf32>
    %swap3A_681 = vector.shape_cast %mul3A_677 : vector<16xf32> to vector<16xf32>
    tpu.vector_store %arg23[%swap3A_678], %swap3A_681 {strides = array<i32>} : memref<656xf32, #tpu.memory_space<vmem>>, vector<16xf32>,
    %swap3A_682 = arith.constant 96 : index
    %swap3A_683 = tpu.vector_load %arg24[%swap3A_682] {strides = array<i32>} : memref<656xf32, #tpu.memory_space<vmem>>, vector<16xf32>,
    %swap3A_684 = vector.shape_cast %swap3A_683 : vector<16xf32> to vector<16xf32>
    %swap3A_685 = vector.shape_cast %get3A_603 : vector<16xf32> to vector<16xf32>
    tpu.vector_store %arg24[%swap3A_682], %swap3A_685 {strides = array<i32>} : memref<656xf32, #tpu.memory_space<vmem>>, vector<16xf32>,
    %add3A_686 = arith.constant 96 : i32
    %add3A_687 = vector.broadcast %add3A_686 : i32 to vector<16xi32>
    %add3A_688 = arith.addi %iota3A, %add3A_687 : vector<16xi32>
    %swap3A_689 = arith.constant 96 : index
    %swap3A_690 = tpu.vector_load %arg25[%swap3A_689] {strides = array<i32>} : memref<656xi32, #tpu.memory_space<vmem>>, vector<16xi32>,
    %swap3A_691 = vector.shape_cast %swap3A_690 : vector<16xi32> to vector<16xi32>
    %swap3A_692 = vector.shape_cast %add3A_688 : vector<16xi32> to vector<16xi32>
    tpu.vector_store %arg25[%swap3A_689], %swap3A_692 {strides = array<i32>} : memref<656xi32, #tpu.memory_space<vmem>>, vector<16xi32>,
    %jit3A_693 = arith.constant 1 : i32
    %jit3A_694 = arith.constant 0 : i32
    %broadcast_in_dim3A_695 = vector.broadcast %jit3A_693 : i32 to vector<16xi32>
    %broadcast_in_dim3A_696 = vector.broadcast %jit3A_694 : i32 to vector<16xi32>
    %select_n3A_697 = arith.select %gt3A_606, %broadcast_in_dim3A_695, %broadcast_in_dim3A_696 : vector<16xi1>, vector<16xi32>
    %swap3A_698 = arith.constant 96 : index
    %swap3A_699 = tpu.vector_load %arg26[%swap3A_698] {strides = array<i32>} : memref<656xi32, #tpu.memory_space<vmem>>, vector<16xi32>,
    %swap3A_700 = vector.shape_cast %swap3A_699 : vector<16xi32> to vector<16xi32>
    %swap3A_701 = vector.shape_cast %select_n3A_697 : vector<16xi32> to vector<16xi32>
    tpu.vector_store %arg26[%swap3A_698], %swap3A_701 {strides = array<i32>} : memref<656xi32, #tpu.memory_space<vmem>>, vector<16xi32>,
    %get3A_702 = arith.constant 112 : index
    %get3A_703 = tpu.vector_load %arg14[%get3A_702] {strides = array<i32>} : memref<640xf32, #tpu.memory_space<vmem>>, vector<16xf32>,
    %get3A_704 = vector.shape_cast %get3A_703 : vector<16xf32> to vector<16xf32>
    %gt3A_705 = arith.constant -5.000000e+08 : f32
    %gt3A_706 = vector.broadcast %gt3A_705 : f32 to vector<16xf32>
    %gt3A_707 = arith.cmpf ogt, %get3A_704, %gt3A_706 : vector<16xf32>
    %get3A_708 = arith.constant 112 : index
    %get3A_709 = tpu.vector_load %arg15[%get3A_708] {strides = array<i32>} : memref<640xf32, #tpu.memory_space<vmem>>, vector<16xf32>,
    %get3A_710 = vector.shape_cast %get3A_709 : vector<16xf32> to vector<16xf32>
    %mul3A_711 = arith.constant 1.024000e+03 : f32
    %mul3A_712 = vector.broadcast %mul3A_711 : f32 to vector<16xf32>
    %mul3A_713 = arith.mulf %get3A_710, %mul3A_712 : vector<16xf32>
    %get3A_714 = arith.constant 112 : index
    %get3A_715 = tpu.vector_load %arg16[%get3A_714] {strides = array<i32>} : memref<640xf32, #tpu.memory_space<vmem>>, vector<16xf32>,
    %get3A_716 = vector.shape_cast %get3A_715 : vector<16xf32> to vector<16xf32>
    %mul3A_717 = arith.constant 1.024000e+03 : f32
    %mul3A_718 = vector.broadcast %mul3A_717 : f32 to vector<16xf32>
    %mul3A_719 = arith.mulf %get3A_716, %mul3A_718 : vector<16xf32>
    %get3A_720 = arith.constant 112 : index
    %get3A_721 = tpu.vector_load %arg17[%get3A_720] {strides = array<i32>} : memref<640xf32, #tpu.memory_space<vmem>>, vector<16xf32>,
    %get3A_722 = vector.shape_cast %get3A_721 : vector<16xf32> to vector<16xf32>
    %mul3A_723 = arith.constant 2.560000e+02 : f32
    %mul3A_724 = vector.broadcast %mul3A_723 : f32 to vector<16xf32>
    %mul3A_725 = arith.mulf %get3A_722, %mul3A_724 : vector<16xf32>
    %add3A_726 = arith.constant 1.000000e+00 : f32
    %add3A_727 = vector.broadcast %add3A_726 : f32 to vector<16xf32>
    %add3A_728 = arith.addf %mul3A_725, %add3A_727 : vector<16xf32>
    %get3A_729 = arith.constant 112 : index
    %get3A_730 = tpu.vector_load %arg18[%get3A_729] {strides = array<i32>} : memref<640xf32, #tpu.memory_space<vmem>>, vector<16xf32>,
    %get3A_731 = vector.shape_cast %get3A_730 : vector<16xf32> to vector<16xf32>
    %mul3A_732 = arith.constant 2.560000e+02 : f32
    %mul3A_733 = vector.broadcast %mul3A_732 : f32 to vector<16xf32>
    %mul3A_734 = arith.mulf %get3A_731, %mul3A_733 : vector<16xf32>
    %add3A_735 = arith.constant 1.000000e+00 : f32
    %add3A_736 = vector.broadcast %add3A_735 : f32 to vector<16xf32>
    %add3A_737 = arith.addf %mul3A_734, %add3A_736 : vector<16xf32>
    %mul3A_738 = arith.constant 5.000000e-01 : f32
    %mul3A_739 = vector.broadcast %mul3A_738 : f32 to vector<16xf32>
    %mul3A_740 = arith.mulf %add3A_728, %mul3A_739 : vector<16xf32>
    %sub3A_741 = arith.subf %mul3A_713, %mul3A_740 : vector<16xf32>
    %mul3A_742 = arith.constant 5.000000e-01 : f32
    %mul3A_743 = vector.broadcast %mul3A_742 : f32 to vector<16xf32>
    %mul3A_744 = arith.mulf %add3A_737, %mul3A_743 : vector<16xf32>
    %sub3A_745 = arith.subf %mul3A_719, %mul3A_744 : vector<16xf32>
    %mul3A_746 = arith.constant 5.000000e-01 : f32
    %mul3A_747 = vector.broadcast %mul3A_746 : f32 to vector<16xf32>
    %mul3A_748 = arith.mulf %add3A_728, %mul3A_747 : vector<16xf32>
    %add3A_749 = arith.addf %mul3A_713, %mul3A_748 : vector<16xf32>
    %mul3A_750 = arith.constant 5.000000e-01 : f32
    %mul3A_751 = vector.broadcast %mul3A_750 : f32 to vector<16xf32>
    %mul3A_752 = arith.mulf %add3A_737, %mul3A_751 : vector<16xf32>
    %add3A_753 = arith.addf %mul3A_719, %mul3A_752 : vector<16xf32>
    %swap3A_754 = arith.constant 112 : index
    %swap3A_755 = tpu.vector_load %arg19[%swap3A_754] {strides = array<i32>} : memref<656xf32, #tpu.memory_space<vmem>>, vector<16xf32>,
    %swap3A_756 = vector.shape_cast %swap3A_755 : vector<16xf32> to vector<16xf32>
    %swap3A_757 = vector.shape_cast %sub3A_741 : vector<16xf32> to vector<16xf32>
    tpu.vector_store %arg19[%swap3A_754], %swap3A_757 {strides = array<i32>} : memref<656xf32, #tpu.memory_space<vmem>>, vector<16xf32>,
    %swap3A_758 = arith.constant 112 : index
    %swap3A_759 = tpu.vector_load %arg20[%swap3A_758] {strides = array<i32>} : memref<656xf32, #tpu.memory_space<vmem>>, vector<16xf32>,
    %swap3A_760 = vector.shape_cast %swap3A_759 : vector<16xf32> to vector<16xf32>
    %swap3A_761 = vector.shape_cast %sub3A_745 : vector<16xf32> to vector<16xf32>
    tpu.vector_store %arg20[%swap3A_758], %swap3A_761 {strides = array<i32>} : memref<656xf32, #tpu.memory_space<vmem>>, vector<16xf32>,
    %swap3A_762 = arith.constant 112 : index
    %swap3A_763 = tpu.vector_load %arg21[%swap3A_762] {strides = array<i32>} : memref<656xf32, #tpu.memory_space<vmem>>, vector<16xf32>,
    %swap3A_764 = vector.shape_cast %swap3A_763 : vector<16xf32> to vector<16xf32>
    %swap3A_765 = vector.shape_cast %add3A_749 : vector<16xf32> to vector<16xf32>
    tpu.vector_store %arg21[%swap3A_762], %swap3A_765 {strides = array<i32>} : memref<656xf32, #tpu.memory_space<vmem>>, vector<16xf32>,
    %swap3A_766 = arith.constant 112 : index
    %swap3A_767 = tpu.vector_load %arg22[%swap3A_766] {strides = array<i32>} : memref<656xf32, #tpu.memory_space<vmem>>, vector<16xf32>,
    %swap3A_768 = vector.shape_cast %swap3A_767 : vector<16xf32> to vector<16xf32>
    %swap3A_769 = vector.shape_cast %add3A_753 : vector<16xf32> to vector<16xf32>
    tpu.vector_store %arg22[%swap3A_766], %swap3A_769 {strides = array<i32>} : memref<656xf32, #tpu.memory_space<vmem>>, vector<16xf32>,
    %sub3A_770 = arith.subf %add3A_749, %sub3A_741 : vector<16xf32>
    %max3A_771 = arith.constant 0.000000e+00 : f32
    %max3A_772 = vector.broadcast %max3A_771 : f32 to vector<16xf32>
    %max3A_773 = arith.maximumf %sub3A_770, %max3A_772 : vector<16xf32>
    %sub3A_774 = arith.subf %add3A_753, %sub3A_745 : vector<16xf32>
    %max3A_775 = arith.constant 0.000000e+00 : f32
    %max3A_776 = vector.broadcast %max3A_775 : f32 to vector<16xf32>
    %max3A_777 = arith.maximumf %sub3A_774, %max3A_776 : vector<16xf32>
    %mul3A_778 = arith.mulf %max3A_773, %max3A_777 : vector<16xf32>
    %swap3A_779 = arith.constant 112 : index
    %swap3A_780 = tpu.vector_load %arg23[%swap3A_779] {strides = array<i32>} : memref<656xf32, #tpu.memory_space<vmem>>, vector<16xf32>,
    %swap3A_781 = vector.shape_cast %swap3A_780 : vector<16xf32> to vector<16xf32>
    %swap3A_782 = vector.shape_cast %mul3A_778 : vector<16xf32> to vector<16xf32>
    tpu.vector_store %arg23[%swap3A_779], %swap3A_782 {strides = array<i32>} : memref<656xf32, #tpu.memory_space<vmem>>, vector<16xf32>,
    %swap3A_783 = arith.constant 112 : index
    %swap3A_784 = tpu.vector_load %arg24[%swap3A_783] {strides = array<i32>} : memref<656xf32, #tpu.memory_space<vmem>>, vector<16xf32>,
    %swap3A_785 = vector.shape_cast %swap3A_784 : vector<16xf32> to vector<16xf32>
    %swap3A_786 = vector.shape_cast %get3A_704 : vector<16xf32> to vector<16xf32>
    tpu.vector_store %arg24[%swap3A_783], %swap3A_786 {strides = array<i32>} : memref<656xf32, #tpu.memory_space<vmem>>, vector<16xf32>,
    %add3A_787 = arith.constant 112 : i32
    %add3A_788 = vector.broadcast %add3A_787 : i32 to vector<16xi32>
    %add3A_789 = arith.addi %iota3A, %add3A_788 : vector<16xi32>
    %swap3A_790 = arith.constant 112 : index
    %swap3A_791 = tpu.vector_load %arg25[%swap3A_790] {strides = array<i32>} : memref<656xi32, #tpu.memory_space<vmem>>, vector<16xi32>,
    %swap3A_792 = vector.shape_cast %swap3A_791 : vector<16xi32> to vector<16xi32>
    %swap3A_793 = vector.shape_cast %add3A_789 : vector<16xi32> to vector<16xi32>
    tpu.vector_store %arg25[%swap3A_790], %swap3A_793 {strides = array<i32>} : memref<656xi32, #tpu.memory_space<vmem>>, vector<16xi32>,
    %jit3A_794 = arith.constant 1 : i32
    %jit3A_795 = arith.constant 0 : i32
    %broadcast_in_dim3A_796 = vector.broadcast %jit3A_794 : i32 to vector<16xi32>
    %broadcast_in_dim3A_797 = vector.broadcast %jit3A_795 : i32 to vector<16xi32>
    %select_n3A_798 = arith.select %gt3A_707, %broadcast_in_dim3A_796, %broadcast_in_dim3A_797 : vector<16xi1>, vector<16xi32>
    %swap3A_799 = arith.constant 112 : index
    %swap3A_800 = tpu.vector_load %arg26[%swap3A_799] {strides = array<i32>} : memref<656xi32, #tpu.memory_space<vmem>>, vector<16xi32>,
    %swap3A_801 = vector.shape_cast %swap3A_800 : vector<16xi32> to vector<16xi32>
    %swap3A_802 = vector.shape_cast %select_n3A_798 : vector<16xi32> to vector<16xi32>
    tpu.vector_store %arg26[%swap3A_799], %swap3A_802 {strides = array<i32>} : memref<656xi32, #tpu.memory_space<vmem>>, vector<16xi32>,
    %get3A_803 = arith.constant 128 : index
    %get3A_804 = tpu.vector_load %arg14[%get3A_803] {strides = array<i32>} : memref<640xf32, #tpu.memory_space<vmem>>, vector<16xf32>,
    %get3A_805 = vector.shape_cast %get3A_804 : vector<16xf32> to vector<16xf32>
    %gt3A_806 = arith.constant -5.000000e+08 : f32
    %gt3A_807 = vector.broadcast %gt3A_806 : f32 to vector<16xf32>
    %gt3A_808 = arith.cmpf ogt, %get3A_805, %gt3A_807 : vector<16xf32>
    %get3A_809 = arith.constant 128 : index
    %get3A_810 = tpu.vector_load %arg15[%get3A_809] {strides = array<i32>} : memref<640xf32, #tpu.memory_space<vmem>>, vector<16xf32>,
    %get3A_811 = vector.shape_cast %get3A_810 : vector<16xf32> to vector<16xf32>
    %mul3A_812 = arith.constant 1.024000e+03 : f32
    %mul3A_813 = vector.broadcast %mul3A_812 : f32 to vector<16xf32>
    %mul3A_814 = arith.mulf %get3A_811, %mul3A_813 : vector<16xf32>
    %get3A_815 = arith.constant 128 : index
    %get3A_816 = tpu.vector_load %arg16[%get3A_815] {strides = array<i32>} : memref<640xf32, #tpu.memory_space<vmem>>, vector<16xf32>,
    %get3A_817 = vector.shape_cast %get3A_816 : vector<16xf32> to vector<16xf32>
    %mul3A_818 = arith.constant 1.024000e+03 : f32
    %mul3A_819 = vector.broadcast %mul3A_818 : f32 to vector<16xf32>
    %mul3A_820 = arith.mulf %get3A_817, %mul3A_819 : vector<16xf32>
    %get3A_821 = arith.constant 128 : index
    %get3A_822 = tpu.vector_load %arg17[%get3A_821] {strides = array<i32>} : memref<640xf32, #tpu.memory_space<vmem>>, vector<16xf32>,
    %get3A_823 = vector.shape_cast %get3A_822 : vector<16xf32> to vector<16xf32>
    %mul3A_824 = arith.constant 2.560000e+02 : f32
    %mul3A_825 = vector.broadcast %mul3A_824 : f32 to vector<16xf32>
    %mul3A_826 = arith.mulf %get3A_823, %mul3A_825 : vector<16xf32>
    %add3A_827 = arith.constant 1.000000e+00 : f32
    %add3A_828 = vector.broadcast %add3A_827 : f32 to vector<16xf32>
    %add3A_829 = arith.addf %mul3A_826, %add3A_828 : vector<16xf32>
    %get3A_830 = arith.constant 128 : index
    %get3A_831 = tpu.vector_load %arg18[%get3A_830] {strides = array<i32>} : memref<640xf32, #tpu.memory_space<vmem>>, vector<16xf32>,
    %get3A_832 = vector.shape_cast %get3A_831 : vector<16xf32> to vector<16xf32>
    %mul3A_833 = arith.constant 2.560000e+02 : f32
    %mul3A_834 = vector.broadcast %mul3A_833 : f32 to vector<16xf32>
    %mul3A_835 = arith.mulf %get3A_832, %mul3A_834 : vector<16xf32>
    %add3A_836 = arith.constant 1.000000e+00 : f32
    %add3A_837 = vector.broadcast %add3A_836 : f32 to vector<16xf32>
    %add3A_838 = arith.addf %mul3A_835, %add3A_837 : vector<16xf32>
    %mul3A_839 = arith.constant 5.000000e-01 : f32
    %mul3A_840 = vector.broadcast %mul3A_839 : f32 to vector<16xf32>
    %mul3A_841 = arith.mulf %add3A_829, %mul3A_840 : vector<16xf32>
    %sub3A_842 = arith.subf %mul3A_814, %mul3A_841 : vector<16xf32>
    %mul3A_843 = arith.constant 5.000000e-01 : f32
    %mul3A_844 = vector.broadcast %mul3A_843 : f32 to vector<16xf32>
    %mul3A_845 = arith.mulf %add3A_838, %mul3A_844 : vector<16xf32>
    %sub3A_846 = arith.subf %mul3A_820, %mul3A_845 : vector<16xf32>
    %mul3A_847 = arith.constant 5.000000e-01 : f32
    %mul3A_848 = vector.broadcast %mul3A_847 : f32 to vector<16xf32>
    %mul3A_849 = arith.mulf %add3A_829, %mul3A_848 : vector<16xf32>
    %add3A_850 = arith.addf %mul3A_814, %mul3A_849 : vector<16xf32>
    %mul3A_851 = arith.constant 5.000000e-01 : f32
    %mul3A_852 = vector.broadcast %mul3A_851 : f32 to vector<16xf32>
    %mul3A_853 = arith.mulf %add3A_838, %mul3A_852 : vector<16xf32>
    %add3A_854 = arith.addf %mul3A_820, %mul3A_853 : vector<16xf32>
    %swap3A_855 = arith.constant 128 : index
    %swap3A_856 = tpu.vector_load %arg19[%swap3A_855] {strides = array<i32>} : memref<656xf32, #tpu.memory_space<vmem>>, vector<16xf32>,
    %swap3A_857 = vector.shape_cast %swap3A_856 : vector<16xf32> to vector<16xf32>
    %swap3A_858 = vector.shape_cast %sub3A_842 : vector<16xf32> to vector<16xf32>
    tpu.vector_store %arg19[%swap3A_855], %swap3A_858 {strides = array<i32>} : memref<656xf32, #tpu.memory_space<vmem>>, vector<16xf32>,
    %swap3A_859 = arith.constant 128 : index
    %swap3A_860 = tpu.vector_load %arg20[%swap3A_859] {strides = array<i32>} : memref<656xf32, #tpu.memory_space<vmem>>, vector<16xf32>,
    %swap3A_861 = vector.shape_cast %swap3A_860 : vector<16xf32> to vector<16xf32>
    %swap3A_862 = vector.shape_cast %sub3A_846 : vector<16xf32> to vector<16xf32>
    tpu.vector_store %arg20[%swap3A_859], %swap3A_862 {strides = array<i32>} : memref<656xf32, #tpu.memory_space<vmem>>, vector<16xf32>,
    %swap3A_863 = arith.constant 128 : index
    %swap3A_864 = tpu.vector_load %arg21[%swap3A_863] {strides = array<i32>} : memref<656xf32, #tpu.memory_space<vmem>>, vector<16xf32>,
    %swap3A_865 = vector.shape_cast %swap3A_864 : vector<16xf32> to vector<16xf32>
    %swap3A_866 = vector.shape_cast %add3A_850 : vector<16xf32> to vector<16xf32>
    tpu.vector_store %arg21[%swap3A_863], %swap3A_866 {strides = array<i32>} : memref<656xf32, #tpu.memory_space<vmem>>, vector<16xf32>,
    %swap3A_867 = arith.constant 128 : index
    %swap3A_868 = tpu.vector_load %arg22[%swap3A_867] {strides = array<i32>} : memref<656xf32, #tpu.memory_space<vmem>>, vector<16xf32>,
    %swap3A_869 = vector.shape_cast %swap3A_868 : vector<16xf32> to vector<16xf32>
    %swap3A_870 = vector.shape_cast %add3A_854 : vector<16xf32> to vector<16xf32>
    tpu.vector_store %arg22[%swap3A_867], %swap3A_870 {strides = array<i32>} : memref<656xf32, #tpu.memory_space<vmem>>, vector<16xf32>,
    %sub3A_871 = arith.subf %add3A_850, %sub3A_842 : vector<16xf32>
    %max3A_872 = arith.constant 0.000000e+00 : f32
    %max3A_873 = vector.broadcast %max3A_872 : f32 to vector<16xf32>
    %max3A_874 = arith.maximumf %sub3A_871, %max3A_873 : vector<16xf32>
    %sub3A_875 = arith.subf %add3A_854, %sub3A_846 : vector<16xf32>
    %max3A_876 = arith.constant 0.000000e+00 : f32
    %max3A_877 = vector.broadcast %max3A_876 : f32 to vector<16xf32>
    %max3A_878 = arith.maximumf %sub3A_875, %max3A_877 : vector<16xf32>
    %mul3A_879 = arith.mulf %max3A_874, %max3A_878 : vector<16xf32>
    %swap3A_880 = arith.constant 128 : index
    %swap3A_881 = tpu.vector_load %arg23[%swap3A_880] {strides = array<i32>} : memref<656xf32, #tpu.memory_space<vmem>>, vector<16xf32>,
    %swap3A_882 = vector.shape_cast %swap3A_881 : vector<16xf32> to vector<16xf32>
    %swap3A_883 = vector.shape_cast %mul3A_879 : vector<16xf32> to vector<16xf32>
    tpu.vector_store %arg23[%swap3A_880], %swap3A_883 {strides = array<i32>} : memref<656xf32, #tpu.memory_space<vmem>>, vector<16xf32>,
    %swap3A_884 = arith.constant 128 : index
    %swap3A_885 = tpu.vector_load %arg24[%swap3A_884] {strides = array<i32>} : memref<656xf32, #tpu.memory_space<vmem>>, vector<16xf32>,
    %swap3A_886 = vector.shape_cast %swap3A_885 : vector<16xf32> to vector<16xf32>
    %swap3A_887 = vector.shape_cast %get3A_805 : vector<16xf32> to vector<16xf32>
    tpu.vector_store %arg24[%swap3A_884], %swap3A_887 {strides = array<i32>} : memref<656xf32, #tpu.memory_space<vmem>>, vector<16xf32>,
    %add3A_888 = arith.constant 128 : i32
    %add3A_889 = vector.broadcast %add3A_888 : i32 to vector<16xi32>
    %add3A_890 = arith.addi %iota3A, %add3A_889 : vector<16xi32>
    %swap3A_891 = arith.constant 128 : index
    %swap3A_892 = tpu.vector_load %arg25[%swap3A_891] {strides = array<i32>} : memref<656xi32, #tpu.memory_space<vmem>>, vector<16xi32>,
    %swap3A_893 = vector.shape_cast %swap3A_892 : vector<16xi32> to vector<16xi32>
    %swap3A_894 = vector.shape_cast %add3A_890 : vector<16xi32> to vector<16xi32>
    tpu.vector_store %arg25[%swap3A_891], %swap3A_894 {strides = array<i32>} : memref<656xi32, #tpu.memory_space<vmem>>, vector<16xi32>,
    %jit3A_895 = arith.constant 1 : i32
    %jit3A_896 = arith.constant 0 : i32
    %broadcast_in_dim3A_897 = vector.broadcast %jit3A_895 : i32 to vector<16xi32>
    %broadcast_in_dim3A_898 = vector.broadcast %jit3A_896 : i32 to vector<16xi32>
    %select_n3A_899 = arith.select %gt3A_808, %broadcast_in_dim3A_897, %broadcast_in_dim3A_898 : vector<16xi1>, vector<16xi32>
    %swap3A_900 = arith.constant 128 : index
    %swap3A_901 = tpu.vector_load %arg26[%swap3A_900] {strides = array<i32>} : memref<656xi32, #tpu.memory_space<vmem>>, vector<16xi32>,
    %swap3A_902 = vector.shape_cast %swap3A_901 : vector<16xi32> to vector<16xi32>
    %swap3A_903 = vector.shape_cast %select_n3A_899 : vector<16xi32> to vector<16xi32>
    tpu.vector_store %arg26[%swap3A_900], %swap3A_903 {strides = array<i32>} : memref<656xi32, #tpu.memory_space<vmem>>, vector<16xi32>,
    %get3A_904 = arith.constant 144 : index
    %get3A_905 = tpu.vector_load %arg14[%get3A_904] {strides = array<i32>} : memref<640xf32, #tpu.memory_space<vmem>>, vector<16xf32>,
    %get3A_906 = vector.shape_cast %get3A_905 : vector<16xf32> to vector<16xf32>
    %gt3A_907 = arith.constant -5.000000e+08 : f32
    %gt3A_908 = vector.broadcast %gt3A_907 : f32 to vector<16xf32>
    %gt3A_909 = arith.cmpf ogt, %get3A_906, %gt3A_908 : vector<16xf32>
    %get3A_910 = arith.constant 144 : index
    %get3A_911 = tpu.vector_load %arg15[%get3A_910] {strides = array<i32>} : memref<640xf32, #tpu.memory_space<vmem>>, vector<16xf32>,
    %get3A_912 = vector.shape_cast %get3A_911 : vector<16xf32> to vector<16xf32>
    %mul3A_913 = arith.constant 1.024000e+03 : f32
    %mul3A_914 = vector.broadcast %mul3A_913 : f32 to vector<16xf32>
    %mul3A_915 = arith.mulf %get3A_912, %mul3A_914 : vector<16xf32>
    %get3A_916 = arith.constant 144 : index
    %get3A_917 = tpu.vector_load %arg16[%get3A_916] {strides = array<i32>} : memref<640xf32, #tpu.memory_space<vmem>>, vector<16xf32>,
    %get3A_918 = vector.shape_cast %get3A_917 : vector<16xf32> to vector<16xf32>
    %mul3A_919 = arith.constant 1.024000e+03 : f32
    %mul3A_920 = vector.broadcast %mul3A_919 : f32 to vector<16xf32>
    %mul3A_921 = arith.mulf %get3A_918, %mul3A_920 : vector<16xf32>
    %get3A_922 = arith.constant 144 : index
    %get3A_923 = tpu.vector_load %arg17[%get3A_922] {strides = array<i32>} : memref<640xf32, #tpu.memory_space<vmem>>, vector<16xf32>,
    %get3A_924 = vector.shape_cast %get3A_923 : vector<16xf32> to vector<16xf32>
    %mul3A_925 = arith.constant 2.560000e+02 : f32
    %mul3A_926 = vector.broadcast %mul3A_925 : f32 to vector<16xf32>
    %mul3A_927 = arith.mulf %get3A_924, %mul3A_926 : vector<16xf32>
    %add3A_928 = arith.constant 1.000000e+00 : f32
    %add3A_929 = vector.broadcast %add3A_928 : f32 to vector<16xf32>
    %add3A_930 = arith.addf %mul3A_927, %add3A_929 : vector<16xf32>
    %get3A_931 = arith.constant 144 : index
    %get3A_932 = tpu.vector_load %arg18[%get3A_931] {strides = array<i32>} : memref<640xf32, #tpu.memory_space<vmem>>, vector<16xf32>,
    %get3A_933 = vector.shape_cast %get3A_932 : vector<16xf32> to vector<16xf32>
    %mul3A_934 = arith.constant 2.560000e+02 : f32
    %mul3A_935 = vector.broadcast %mul3A_934 : f32 to vector<16xf32>
    %mul3A_936 = arith.mulf %get3A_933, %mul3A_935 : vector<16xf32>
    %add3A_937 = arith.constant 1.000000e+00 : f32
    %add3A_938 = vector.broadcast %add3A_937 : f32 to vector<16xf32>
    %add3A_939 = arith.addf %mul3A_936, %add3A_938 : vector<16xf32>
    %mul3A_940 = arith.constant 5.000000e-01 : f32
    %mul3A_941 = vector.broadcast %mul3A_940 : f32 to vector<16xf32>
    %mul3A_942 = arith.mulf %add3A_930, %mul3A_941 : vector<16xf32>
    %sub3A_943 = arith.subf %mul3A_915, %mul3A_942 : vector<16xf32>
    %mul3A_944 = arith.constant 5.000000e-01 : f32
    %mul3A_945 = vector.broadcast %mul3A_944 : f32 to vector<16xf32>
    %mul3A_946 = arith.mulf %add3A_939, %mul3A_945 : vector<16xf32>
    %sub3A_947 = arith.subf %mul3A_921, %mul3A_946 : vector<16xf32>
    %mul3A_948 = arith.constant 5.000000e-01 : f32
    %mul3A_949 = vector.broadcast %mul3A_948 : f32 to vector<16xf32>
    %mul3A_950 = arith.mulf %add3A_930, %mul3A_949 : vector<16xf32>
    %add3A_951 = arith.addf %mul3A_915, %mul3A_950 : vector<16xf32>
    %mul3A_952 = arith.constant 5.000000e-01 : f32
    %mul3A_953 = vector.broadcast %mul3A_952 : f32 to vector<16xf32>
    %mul3A_954 = arith.mulf %add3A_939, %mul3A_953 : vector<16xf32>
    %add3A_955 = arith.addf %mul3A_921, %mul3A_954 : vector<16xf32>
    %swap3A_956 = arith.constant 144 : index
    %swap3A_957 = tpu.vector_load %arg19[%swap3A_956] {strides = array<i32>} : memref<656xf32, #tpu.memory_space<vmem>>, vector<16xf32>,
    %swap3A_958 = vector.shape_cast %swap3A_957 : vector<16xf32> to vector<16xf32>
    %swap3A_959 = vector.shape_cast %sub3A_943 : vector<16xf32> to vector<16xf32>
    tpu.vector_store %arg19[%swap3A_956], %swap3A_959 {strides = array<i32>} : memref<656xf32, #tpu.memory_space<vmem>>, vector<16xf32>,
    %swap3A_960 = arith.constant 144 : index
    %swap3A_961 = tpu.vector_load %arg20[%swap3A_960] {strides = array<i32>} : memref<656xf32, #tpu.memory_space<vmem>>, vector<16xf32>,
    %swap3A_962 = vector.shape_cast %swap3A_961 : vector<16xf32> to vector<16xf32>
    %swap3A_963 = vector.shape_cast %sub3A_947 : vector<16xf32> to vector<16xf32>
    tpu.vector_store %arg20[%swap3A_960], %swap3A_963 {strides = array<i32>} : memref<656xf32, #tpu.memory_space<vmem>>, vector<16xf32>,
    %swap3A_964 = arith.constant 144 : index
    %swap3A_965 = tpu.vector_load %arg21[%swap3A_964] {strides = array<i32>} : memref<656xf32, #tpu.memory_space<vmem>>, vector<16xf32>,
    %swap3A_966 = vector.shape_cast %swap3A_965 : vector<16xf32> to vector<16xf32>
    %swap3A_967 = vector.shape_cast %add3A_951 : vector<16xf32> to vector<16xf32>
    tpu.vector_store %arg21[%swap3A_964], %swap3A_967 {strides = array<i32>} : memref<656xf32, #tpu.memory_space<vmem>>, vector<16xf32>,
    %swap3A_968 = arith.constant 144 : index
    %swap3A_969 = tpu.vector_load %arg22[%swap3A_968] {strides = array<i32>} : memref<656xf32, #tpu.memory_space<vmem>>, vector<16xf32>,
    %swap3A_970 = vector.shape_cast %swap3A_969 : vector<16xf32> to vector<16xf32>
    %swap3A_971 = vector.shape_cast %add3A_955 : vector<16xf32> to vector<16xf32>
    tpu.vector_store %arg22[%swap3A_968], %swap3A_971 {strides = array<i32>} : memref<656xf32, #tpu.memory_space<vmem>>, vector<16xf32>,
    %sub3A_972 = arith.subf %add3A_951, %sub3A_943 : vector<16xf32>
    %max3A_973 = arith.constant 0.000000e+00 : f32
    %max3A_974 = vector.broadcast %max3A_973 : f32 to vector<16xf32>
    %max3A_975 = arith.maximumf %sub3A_972, %max3A_974 : vector<16xf32>
    %sub3A_976 = arith.subf %add3A_955, %sub3A_947 : vector<16xf32>
    %max3A_977 = arith.constant 0.000000e+00 : f32
    %max3A_978 = vector.broadcast %max3A_977 : f32 to vector<16xf32>
    %max3A_979 = arith.maximumf %sub3A_976, %max3A_978 : vector<16xf32>
    %mul3A_980 = arith.mulf %max3A_975, %max3A_979 : vector<16xf32>
    %swap3A_981 = arith.constant 144 : index
    %swap3A_982 = tpu.vector_load %arg23[%swap3A_981] {strides = array<i32>} : memref<656xf32, #tpu.memory_space<vmem>>, vector<16xf32>,
    %swap3A_983 = vector.shape_cast %swap3A_982 : vector<16xf32> to vector<16xf32>
    %swap3A_984 = vector.shape_cast %mul3A_980 : vector<16xf32> to vector<16xf32>
    tpu.vector_store %arg23[%swap3A_981], %swap3A_984 {strides = array<i32>} : memref<656xf32, #tpu.memory_space<vmem>>, vector<16xf32>,
    %swap3A_985 = arith.constant 144 : index
    %swap3A_986 = tpu.vector_load %arg24[%swap3A_985] {strides = array<i32>} : memref<656xf32, #tpu.memory_space<vmem>>, vector<16xf32>,
    %swap3A_987 = vector.shape_cast %swap3A_986 : vector<16xf32> to vector<16xf32>
    %swap3A_988 = vector.shape_cast %get3A_906 : vector<16xf32> to vector<16xf32>
    tpu.vector_store %arg24[%swap3A_985], %swap3A_988 {strides = array<i32>} : memref<656xf32, #tpu.memory_space<vmem>>, vector<16xf32>,
    %add3A_989 = arith.constant 144 : i32
    %add3A_990 = vector.broadcast %add3A_989 : i32 to vector<16xi32>
    %add3A_991 = arith.addi %iota3A, %add3A_990 : vector<16xi32>
    %swap3A_992 = arith.constant 144 : index
    %swap3A_993 = tpu.vector_load %arg25[%swap3A_992] {strides = array<i32>} : memref<656xi32, #tpu.memory_space<vmem>>, vector<16xi32>,
    %swap3A_994 = vector.shape_cast %swap3A_993 : vector<16xi32> to vector<16xi32>
    %swap3A_995 = vector.shape_cast %add3A_991 : vector<16xi32> to vector<16xi32>
    tpu.vector_store %arg25[%swap3A_992], %swap3A_995 {strides = array<i32>} : memref<656xi32, #tpu.memory_space<vmem>>, vector<16xi32>,
    %jit3A_996 = arith.constant 1 : i32
    %jit3A_997 = arith.constant 0 : i32
    %broadcast_in_dim3A_998 = vector.broadcast %jit3A_996 : i32 to vector<16xi32>
    %broadcast_in_dim3A_999 = vector.broadcast %jit3A_997 : i32 to vector<16xi32>
    %select_n3A_1000 = arith.select %gt3A_909, %broadcast_in_dim3A_998, %broadcast_in_dim3A_999 : vector<16xi1>, vector<16xi32>
    %swap3A_1001 = arith.constant 144 : index
    %swap3A_1002 = tpu.vector_load %arg26[%swap3A_1001] {strides = array<i32>} : memref<656xi32, #tpu.memory_space<vmem>>, vector<16xi32>,
    %swap3A_1003 = vector.shape_cast %swap3A_1002 : vector<16xi32> to vector<16xi32>
    %swap3A_1004 = vector.shape_cast %select_n3A_1000 : vector<16xi32> to vector<16xi32>
    tpu.vector_store %arg26[%swap3A_1001], %swap3A_1004 {strides = array<i32>} : memref<656xi32, #tpu.memory_space<vmem>>, vector<16xi32>,
    %get3A_1005 = arith.constant 160 : index
    %get3A_1006 = tpu.vector_load %arg14[%get3A_1005] {strides = array<i32>} : memref<640xf32, #tpu.memory_space<vmem>>, vector<16xf32>,
    %get3A_1007 = vector.shape_cast %get3A_1006 : vector<16xf32> to vector<16xf32>
    %gt3A_1008 = arith.constant -5.000000e+08 : f32
    %gt3A_1009 = vector.broadcast %gt3A_1008 : f32 to vector<16xf32>
    %gt3A_1010 = arith.cmpf ogt, %get3A_1007, %gt3A_1009 : vector<16xf32>
    %get3A_1011 = arith.constant 160 : index
    %get3A_1012 = tpu.vector_load %arg15[%get3A_1011] {strides = array<i32>} : memref<640xf32, #tpu.memory_space<vmem>>, vector<16xf32>,
    %get3A_1013 = vector.shape_cast %get3A_1012 : vector<16xf32> to vector<16xf32>
    %mul3A_1014 = arith.constant 1.024000e+03 : f32
    %mul3A_1015 = vector.broadcast %mul3A_1014 : f32 to vector<16xf32>
    %mul3A_1016 = arith.mulf %get3A_1013, %mul3A_1015 : vector<16xf32>
    %get3A_1017 = arith.constant 160 : index
    %get3A_1018 = tpu.vector_load %arg16[%get3A_1017] {strides = array<i32>} : memref<640xf32, #tpu.memory_space<vmem>>, vector<16xf32>,
    %get3A_1019 = vector.shape_cast %get3A_1018 : vector<16xf32> to vector<16xf32>
    %mul3A_1020 = arith.constant 1.024000e+03 : f32
    %mul3A_1021 = vector.broadcast %mul3A_1020 : f32 to vector<16xf32>
    %mul3A_1022 = arith.mulf %get3A_1019, %mul3A_1021 : vector<16xf32>
    %get3A_1023 = arith.constant 160 : index
    %get3A_1024 = tpu.vector_load %arg17[%get3A_1023] {strides = array<i32>} : memref<640xf32, #tpu.memory_space<vmem>>, vector<16xf32>,
    %get3A_1025 = vector.shape_cast %get3A_1024 : vector<16xf32> to vector<16xf32>
    %mul3A_1026 = arith.constant 2.560000e+02 : f32
    %mul3A_1027 = vector.broadcast %mul3A_1026 : f32 to vector<16xf32>
    %mul3A_1028 = arith.mulf %get3A_1025, %mul3A_1027 : vector<16xf32>
    %add3A_1029 = arith.constant 1.000000e+00 : f32
    %add3A_1030 = vector.broadcast %add3A_1029 : f32 to vector<16xf32>
    %add3A_1031 = arith.addf %mul3A_1028, %add3A_1030 : vector<16xf32>
    %get3A_1032 = arith.constant 160 : index
    %get3A_1033 = tpu.vector_load %arg18[%get3A_1032] {strides = array<i32>} : memref<640xf32, #tpu.memory_space<vmem>>, vector<16xf32>,
    %get3A_1034 = vector.shape_cast %get3A_1033 : vector<16xf32> to vector<16xf32>
    %mul3A_1035 = arith.constant 2.560000e+02 : f32
    %mul3A_1036 = vector.broadcast %mul3A_1035 : f32 to vector<16xf32>
    %mul3A_1037 = arith.mulf %get3A_1034, %mul3A_1036 : vector<16xf32>
    %add3A_1038 = arith.constant 1.000000e+00 : f32
    %add3A_1039 = vector.broadcast %add3A_1038 : f32 to vector<16xf32>
    %add3A_1040 = arith.addf %mul3A_1037, %add3A_1039 : vector<16xf32>
    %mul3A_1041 = arith.constant 5.000000e-01 : f32
    %mul3A_1042 = vector.broadcast %mul3A_1041 : f32 to vector<16xf32>
    %mul3A_1043 = arith.mulf %add3A_1031, %mul3A_1042 : vector<16xf32>
    %sub3A_1044 = arith.subf %mul3A_1016, %mul3A_1043 : vector<16xf32>
    %mul3A_1045 = arith.constant 5.000000e-01 : f32
    %mul3A_1046 = vector.broadcast %mul3A_1045 : f32 to vector<16xf32>
    %mul3A_1047 = arith.mulf %add3A_1040, %mul3A_1046 : vector<16xf32>
    %sub3A_1048 = arith.subf %mul3A_1022, %mul3A_1047 : vector<16xf32>
    %mul3A_1049 = arith.constant 5.000000e-01 : f32
    %mul3A_1050 = vector.broadcast %mul3A_1049 : f32 to vector<16xf32>
    %mul3A_1051 = arith.mulf %add3A_1031, %mul3A_1050 : vector<16xf32>
    %add3A_1052 = arith.addf %mul3A_1016, %mul3A_1051 : vector<16xf32>
    %mul3A_1053 = arith.constant 5.000000e-01 : f32
    %mul3A_1054 = vector.broadcast %mul3A_1053 : f32 to vector<16xf32>
    %mul3A_1055 = arith.mulf %add3A_1040, %mul3A_1054 : vector<16xf32>
    %add3A_1056 = arith.addf %mul3A_1022, %mul3A_1055 : vector<16xf32>
    %swap3A_1057 = arith.constant 160 : index
    %swap3A_1058 = tpu.vector_load %arg19[%swap3A_1057] {strides = array<i32>} : memref<656xf32, #tpu.memory_space<vmem>>, vector<16xf32>,
    %swap3A_1059 = vector.shape_cast %swap3A_1058 : vector<16xf32> to vector<16xf32>
    %swap3A_1060 = vector.shape_cast %sub3A_1044 : vector<16xf32> to vector<16xf32>
    tpu.vector_store %arg19[%swap3A_1057], %swap3A_1060 {strides = array<i32>} : memref<656xf32, #tpu.memory_space<vmem>>, vector<16xf32>,
    %swap3A_1061 = arith.constant 160 : index
    %swap3A_1062 = tpu.vector_load %arg20[%swap3A_1061] {strides = array<i32>} : memref<656xf32, #tpu.memory_space<vmem>>, vector<16xf32>,
    %swap3A_1063 = vector.shape_cast %swap3A_1062 : vector<16xf32> to vector<16xf32>
    %swap3A_1064 = vector.shape_cast %sub3A_1048 : vector<16xf32> to vector<16xf32>
    tpu.vector_store %arg20[%swap3A_1061], %swap3A_1064 {strides = array<i32>} : memref<656xf32, #tpu.memory_space<vmem>>, vector<16xf32>,
    %swap3A_1065 = arith.constant 160 : index
    %swap3A_1066 = tpu.vector_load %arg21[%swap3A_1065] {strides = array<i32>} : memref<656xf32, #tpu.memory_space<vmem>>, vector<16xf32>,
    %swap3A_1067 = vector.shape_cast %swap3A_1066 : vector<16xf32> to vector<16xf32>
    %swap3A_1068 = vector.shape_cast %add3A_1052 : vector<16xf32> to vector<16xf32>
    tpu.vector_store %arg21[%swap3A_1065], %swap3A_1068 {strides = array<i32>} : memref<656xf32, #tpu.memory_space<vmem>>, vector<16xf32>,
    %swap3A_1069 = arith.constant 160 : index
    %swap3A_1070 = tpu.vector_load %arg22[%swap3A_1069] {strides = array<i32>} : memref<656xf32, #tpu.memory_space<vmem>>, vector<16xf32>,
    %swap3A_1071 = vector.shape_cast %swap3A_1070 : vector<16xf32> to vector<16xf32>
    %swap3A_1072 = vector.shape_cast %add3A_1056 : vector<16xf32> to vector<16xf32>
    tpu.vector_store %arg22[%swap3A_1069], %swap3A_1072 {strides = array<i32>} : memref<656xf32, #tpu.memory_space<vmem>>, vector<16xf32>,
    %sub3A_1073 = arith.subf %add3A_1052, %sub3A_1044 : vector<16xf32>
    %max3A_1074 = arith.constant 0.000000e+00 : f32
    %max3A_1075 = vector.broadcast %max3A_1074 : f32 to vector<16xf32>
    %max3A_1076 = arith.maximumf %sub3A_1073, %max3A_1075 : vector<16xf32>
    %sub3A_1077 = arith.subf %add3A_1056, %sub3A_1048 : vector<16xf32>
    %max3A_1078 = arith.constant 0.000000e+00 : f32
    %max3A_1079 = vector.broadcast %max3A_1078 : f32 to vector<16xf32>
    %max3A_1080 = arith.maximumf %sub3A_1077, %max3A_1079 : vector<16xf32>
    %mul3A_1081 = arith.mulf %max3A_1076, %max3A_1080 : vector<16xf32>
    %swap3A_1082 = arith.constant 160 : index
    %swap3A_1083 = tpu.vector_load %arg23[%swap3A_1082] {strides = array<i32>} : memref<656xf32, #tpu.memory_space<vmem>>, vector<16xf32>,
    %swap3A_1084 = vector.shape_cast %swap3A_1083 : vector<16xf32> to vector<16xf32>
    %swap3A_1085 = vector.shape_cast %mul3A_1081 : vector<16xf32> to vector<16xf32>
    tpu.vector_store %arg23[%swap3A_1082], %swap3A_1085 {strides = array<i32>} : memref<656xf32, #tpu.memory_space<vmem>>, vector<16xf32>,
    %swap3A_1086 = arith.constant 160 : index
    %swap3A_1087 = tpu.vector_load %arg24[%swap3A_1086] {strides = array<i32>} : memref<656xf32, #tpu.memory_space<vmem>>, vector<16xf32>,
    %swap3A_1088 = vector.shape_cast %swap3A_1087 : vector<16xf32> to vector<16xf32>
    %swap3A_1089 = vector.shape_cast %get3A_1007 : vector<16xf32> to vector<16xf32>
    tpu.vector_store %arg24[%swap3A_1086], %swap3A_1089 {strides = array<i32>} : memref<656xf32, #tpu.memory_space<vmem>>, vector<16xf32>,
    %add3A_1090 = arith.constant 160 : i32
    %add3A_1091 = vector.broadcast %add3A_1090 : i32 to vector<16xi32>
    %add3A_1092 = arith.addi %iota3A, %add3A_1091 : vector<16xi32>
    %swap3A_1093 = arith.constant 160 : index
    %swap3A_1094 = tpu.vector_load %arg25[%swap3A_1093] {strides = array<i32>} : memref<656xi32, #tpu.memory_space<vmem>>, vector<16xi32>,
    %swap3A_1095 = vector.shape_cast %swap3A_1094 : vector<16xi32> to vector<16xi32>
    %swap3A_1096 = vector.shape_cast %add3A_1092 : vector<16xi32> to vector<16xi32>
    tpu.vector_store %arg25[%swap3A_1093], %swap3A_1096 {strides = array<i32>} : memref<656xi32, #tpu.memory_space<vmem>>, vector<16xi32>,
    %jit3A_1097 = arith.constant 1 : i32
    %jit3A_1098 = arith.constant 0 : i32
    %broadcast_in_dim3A_1099 = vector.broadcast %jit3A_1097 : i32 to vector<16xi32>
    %broadcast_in_dim3A_1100 = vector.broadcast %jit3A_1098 : i32 to vector<16xi32>
    %select_n3A_1101 = arith.select %gt3A_1010, %broadcast_in_dim3A_1099, %broadcast_in_dim3A_1100 : vector<16xi1>, vector<16xi32>
    %swap3A_1102 = arith.constant 160 : index
    %swap3A_1103 = tpu.vector_load %arg26[%swap3A_1102] {strides = array<i32>} : memref<656xi32, #tpu.memory_space<vmem>>, vector<16xi32>,
    %swap3A_1104 = vector.shape_cast %swap3A_1103 : vector<16xi32> to vector<16xi32>
    %swap3A_1105 = vector.shape_cast %select_n3A_1101 : vector<16xi32> to vector<16xi32>
    tpu.vector_store %arg26[%swap3A_1102], %swap3A_1105 {strides = array<i32>} : memref<656xi32, #tpu.memory_space<vmem>>, vector<16xi32>,
    %get3A_1106 = arith.constant 176 : index
    %get3A_1107 = tpu.vector_load %arg14[%get3A_1106] {strides = array<i32>} : memref<640xf32, #tpu.memory_space<vmem>>, vector<16xf32>,
    %get3A_1108 = vector.shape_cast %get3A_1107 : vector<16xf32> to vector<16xf32>
    %gt3A_1109 = arith.constant -5.000000e+08 : f32
    %gt3A_1110 = vector.broadcast %gt3A_1109 : f32 to vector<16xf32>
    %gt3A_1111 = arith.cmpf ogt, %get3A_1108, %gt3A_1110 : vector<16xf32>
    %get3A_1112 = arith.constant 176 : index
    %get3A_1113 = tpu.vector_load %arg15[%get3A_1112] {strides = array<i32>} : memref<640xf32, #tpu.memory_space<vmem>>, vector<16xf32>,
    %get3A_1114 = vector.shape_cast %get3A_1113 : vector<16xf32> to vector<16xf32>
    %mul3A_1115 = arith.constant 1.024000e+03 : f32
    %mul3A_1116 = vector.broadcast %mul3A_1115 : f32 to vector<16xf32>
    %mul3A_1117 = arith.mulf %get3A_1114, %mul3A_1116 : vector<16xf32>
    %get3A_1118 = arith.constant 176 : index
    %get3A_1119 = tpu.vector_load %arg16[%get3A_1118] {strides = array<i32>} : memref<640xf32, #tpu.memory_space<vmem>>, vector<16xf32>,
    %get3A_1120 = vector.shape_cast %get3A_1119 : vector<16xf32> to vector<16xf32>
    %mul3A_1121 = arith.constant 1.024000e+03 : f32
    %mul3A_1122 = vector.broadcast %mul3A_1121 : f32 to vector<16xf32>
    %mul3A_1123 = arith.mulf %get3A_1120, %mul3A_1122 : vector<16xf32>
    %get3A_1124 = arith.constant 176 : index
    %get3A_1125 = tpu.vector_load %arg17[%get3A_1124] {strides = array<i32>} : memref<640xf32, #tpu.memory_space<vmem>>, vector<16xf32>,
    %get3A_1126 = vector.shape_cast %get3A_1125 : vector<16xf32> to vector<16xf32>
    %mul3A_1127 = arith.constant 2.560000e+02 : f32
    %mul3A_1128 = vector.broadcast %mul3A_1127 : f32 to vector<16xf32>
    %mul3A_1129 = arith.mulf %get3A_1126, %mul3A_1128 : vector<16xf32>
    %add3A_1130 = arith.constant 1.000000e+00 : f32
    %add3A_1131 = vector.broadcast %add3A_1130 : f32 to vector<16xf32>
    %add3A_1132 = arith.addf %mul3A_1129, %add3A_1131 : vector<16xf32>
    %get3A_1133 = arith.constant 176 : index
    %get3A_1134 = tpu.vector_load %arg18[%get3A_1133] {strides = array<i32>} : memref<640xf32, #tpu.memory_space<vmem>>, vector<16xf32>,
    %get3A_1135 = vector.shape_cast %get3A_1134 : vector<16xf32> to vector<16xf32>
    %mul3A_1136 = arith.constant 2.560000e+02 : f32
    %mul3A_1137 = vector.broadcast %mul3A_1136 : f32 to vector<16xf32>
    %mul3A_1138 = arith.mulf %get3A_1135, %mul3A_1137 : vector<16xf32>
    %add3A_1139 = arith.constant 1.000000e+00 : f32
    %add3A_1140 = vector.broadcast %add3A_1139 : f32 to vector<16xf32>
    %add3A_1141 = arith.addf %mul3A_1138, %add3A_1140 : vector<16xf32>
    %mul3A_1142 = arith.constant 5.000000e-01 : f32
    %mul3A_1143 = vector.broadcast %mul3A_1142 : f32 to vector<16xf32>
    %mul3A_1144 = arith.mulf %add3A_1132, %mul3A_1143 : vector<16xf32>
    %sub3A_1145 = arith.subf %mul3A_1117, %mul3A_1144 : vector<16xf32>
    %mul3A_1146 = arith.constant 5.000000e-01 : f32
    %mul3A_1147 = vector.broadcast %mul3A_1146 : f32 to vector<16xf32>
    %mul3A_1148 = arith.mulf %add3A_1141, %mul3A_1147 : vector<16xf32>
    %sub3A_1149 = arith.subf %mul3A_1123, %mul3A_1148 : vector<16xf32>
    %mul3A_1150 = arith.constant 5.000000e-01 : f32
    %mul3A_1151 = vector.broadcast %mul3A_1150 : f32 to vector<16xf32>
    %mul3A_1152 = arith.mulf %add3A_1132, %mul3A_1151 : vector<16xf32>
    %add3A_1153 = arith.addf %mul3A_1117, %mul3A_1152 : vector<16xf32>
    %mul3A_1154 = arith.constant 5.000000e-01 : f32
    %mul3A_1155 = vector.broadcast %mul3A_1154 : f32 to vector<16xf32>
    %mul3A_1156 = arith.mulf %add3A_1141, %mul3A_1155 : vector<16xf32>
    %add3A_1157 = arith.addf %mul3A_1123, %mul3A_1156 : vector<16xf32>
    %swap3A_1158 = arith.constant 176 : index
    %swap3A_1159 = tpu.vector_load %arg19[%swap3A_1158] {strides = array<i32>} : memref<656xf32, #tpu.memory_space<vmem>>, vector<16xf32>,
    %swap3A_1160 = vector.shape_cast %swap3A_1159 : vector<16xf32> to vector<16xf32>
    %swap3A_1161 = vector.shape_cast %sub3A_1145 : vector<16xf32> to vector<16xf32>
    tpu.vector_store %arg19[%swap3A_1158], %swap3A_1161 {strides = array<i32>} : memref<656xf32, #tpu.memory_space<vmem>>, vector<16xf32>,
    %swap3A_1162 = arith.constant 176 : index
    %swap3A_1163 = tpu.vector_load %arg20[%swap3A_1162] {strides = array<i32>} : memref<656xf32, #tpu.memory_space<vmem>>, vector<16xf32>,
    %swap3A_1164 = vector.shape_cast %swap3A_1163 : vector<16xf32> to vector<16xf32>
    %swap3A_1165 = vector.shape_cast %sub3A_1149 : vector<16xf32> to vector<16xf32>
    tpu.vector_store %arg20[%swap3A_1162], %swap3A_1165 {strides = array<i32>} : memref<656xf32, #tpu.memory_space<vmem>>, vector<16xf32>,
    %swap3A_1166 = arith.constant 176 : index
    %swap3A_1167 = tpu.vector_load %arg21[%swap3A_1166] {strides = array<i32>} : memref<656xf32, #tpu.memory_space<vmem>>, vector<16xf32>,
    %swap3A_1168 = vector.shape_cast %swap3A_1167 : vector<16xf32> to vector<16xf32>
    %swap3A_1169 = vector.shape_cast %add3A_1153 : vector<16xf32> to vector<16xf32>
    tpu.vector_store %arg21[%swap3A_1166], %swap3A_1169 {strides = array<i32>} : memref<656xf32, #tpu.memory_space<vmem>>, vector<16xf32>,
    %swap3A_1170 = arith.constant 176 : index
    %swap3A_1171 = tpu.vector_load %arg22[%swap3A_1170] {strides = array<i32>} : memref<656xf32, #tpu.memory_space<vmem>>, vector<16xf32>,
    %swap3A_1172 = vector.shape_cast %swap3A_1171 : vector<16xf32> to vector<16xf32>
    %swap3A_1173 = vector.shape_cast %add3A_1157 : vector<16xf32> to vector<16xf32>
    tpu.vector_store %arg22[%swap3A_1170], %swap3A_1173 {strides = array<i32>} : memref<656xf32, #tpu.memory_space<vmem>>, vector<16xf32>,
    %sub3A_1174 = arith.subf %add3A_1153, %sub3A_1145 : vector<16xf32>
    %max3A_1175 = arith.constant 0.000000e+00 : f32
    %max3A_1176 = vector.broadcast %max3A_1175 : f32 to vector<16xf32>
    %max3A_1177 = arith.maximumf %sub3A_1174, %max3A_1176 : vector<16xf32>
    %sub3A_1178 = arith.subf %add3A_1157, %sub3A_1149 : vector<16xf32>
    %max3A_1179 = arith.constant 0.000000e+00 : f32
    %max3A_1180 = vector.broadcast %max3A_1179 : f32 to vector<16xf32>
    %max3A_1181 = arith.maximumf %sub3A_1178, %max3A_1180 : vector<16xf32>
    %mul3A_1182 = arith.mulf %max3A_1177, %max3A_1181 : vector<16xf32>
    %swap3A_1183 = arith.constant 176 : index
    %swap3A_1184 = tpu.vector_load %arg23[%swap3A_1183] {strides = array<i32>} : memref<656xf32, #tpu.memory_space<vmem>>, vector<16xf32>,
    %swap3A_1185 = vector.shape_cast %swap3A_1184 : vector<16xf32> to vector<16xf32>
    %swap3A_1186 = vector.shape_cast %mul3A_1182 : vector<16xf32> to vector<16xf32>
    tpu.vector_store %arg23[%swap3A_1183], %swap3A_1186 {strides = array<i32>} : memref<656xf32, #tpu.memory_space<vmem>>, vector<16xf32>,
    %swap3A_1187 = arith.constant 176 : index
    %swap3A_1188 = tpu.vector_load %arg24[%swap3A_1187] {strides = array<i32>} : memref<656xf32, #tpu.memory_space<vmem>>, vector<16xf32>,
    %swap3A_1189 = vector.shape_cast %swap3A_1188 : vector<16xf32> to vector<16xf32>
    %swap3A_1190 = vector.shape_cast %get3A_1108 : vector<16xf32> to vector<16xf32>
    tpu.vector_store %arg24[%swap3A_1187], %swap3A_1190 {strides = array<i32>} : memref<656xf32, #tpu.memory_space<vmem>>, vector<16xf32>,
    %add3A_1191 = arith.constant 176 : i32
    %add3A_1192 = vector.broadcast %add3A_1191 : i32 to vector<16xi32>
    %add3A_1193 = arith.addi %iota3A, %add3A_1192 : vector<16xi32>
    %swap3A_1194 = arith.constant 176 : index
    %swap3A_1195 = tpu.vector_load %arg25[%swap3A_1194] {strides = array<i32>} : memref<656xi32, #tpu.memory_space<vmem>>, vector<16xi32>,
    %swap3A_1196 = vector.shape_cast %swap3A_1195 : vector<16xi32> to vector<16xi32>
    %swap3A_1197 = vector.shape_cast %add3A_1193 : vector<16xi32> to vector<16xi32>
    tpu.vector_store %arg25[%swap3A_1194], %swap3A_1197 {strides = array<i32>} : memref<656xi32, #tpu.memory_space<vmem>>, vector<16xi32>,
    %jit3A_1198 = arith.constant 1 : i32
    %jit3A_1199 = arith.constant 0 : i32
    %broadcast_in_dim3A_1200 = vector.broadcast %jit3A_1198 : i32 to vector<16xi32>
    %broadcast_in_dim3A_1201 = vector.broadcast %jit3A_1199 : i32 to vector<16xi32>
    %select_n3A_1202 = arith.select %gt3A_1111, %broadcast_in_dim3A_1200, %broadcast_in_dim3A_1201 : vector<16xi1>, vector<16xi32>
    %swap3A_1203 = arith.constant 176 : index
    %swap3A_1204 = tpu.vector_load %arg26[%swap3A_1203] {strides = array<i32>} : memref<656xi32, #tpu.memory_space<vmem>>, vector<16xi32>,
    %swap3A_1205 = vector.shape_cast %swap3A_1204 : vector<16xi32> to vector<16xi32>
    %swap3A_1206 = vector.shape_cast %select_n3A_1202 : vector<16xi32> to vector<16xi32>
    tpu.vector_store %arg26[%swap3A_1203], %swap3A_1206 {strides = array<i32>} : memref<656xi32, #tpu.memory_space<vmem>>, vector<16xi32>,
    %get3A_1207 = arith.constant 192 : index
    %get3A_1208 = tpu.vector_load %arg14[%get3A_1207] {strides = array<i32>} : memref<640xf32, #tpu.memory_space<vmem>>, vector<16xf32>,
    %get3A_1209 = vector.shape_cast %get3A_1208 : vector<16xf32> to vector<16xf32>
    %gt3A_1210 = arith.constant -5.000000e+08 : f32
    %gt3A_1211 = vector.broadcast %gt3A_1210 : f32 to vector<16xf32>
    %gt3A_1212 = arith.cmpf ogt, %get3A_1209, %gt3A_1211 : vector<16xf32>
    %get3A_1213 = arith.constant 192 : index
    %get3A_1214 = tpu.vector_load %arg15[%get3A_1213] {strides = array<i32>} : memref<640xf32, #tpu.memory_space<vmem>>, vector<16xf32>,
    %get3A_1215 = vector.shape_cast %get3A_1214 : vector<16xf32> to vector<16xf32>
    %mul3A_1216 = arith.constant 1.024000e+03 : f32
    %mul3A_1217 = vector.broadcast %mul3A_1216 : f32 to vector<16xf32>
    %mul3A_1218 = arith.mulf %get3A_1215, %mul3A_1217 : vector<16xf32>
    %get3A_1219 = arith.constant 192 : index
    %get3A_1220 = tpu.vector_load %arg16[%get3A_1219] {strides = array<i32>} : memref<640xf32, #tpu.memory_space<vmem>>, vector<16xf32>,
    %get3A_1221 = vector.shape_cast %get3A_1220 : vector<16xf32> to vector<16xf32>
    %mul3A_1222 = arith.constant 1.024000e+03 : f32
    %mul3A_1223 = vector.broadcast %mul3A_1222 : f32 to vector<16xf32>
    %mul3A_1224 = arith.mulf %get3A_1221, %mul3A_1223 : vector<16xf32>
    %get3A_1225 = arith.constant 192 : index
    %get3A_1226 = tpu.vector_load %arg17[%get3A_1225] {strides = array<i32>} : memref<640xf32, #tpu.memory_space<vmem>>, vector<16xf32>,
    %get3A_1227 = vector.shape_cast %get3A_1226 : vector<16xf32> to vector<16xf32>
    %mul3A_1228 = arith.constant 2.560000e+02 : f32
    %mul3A_1229 = vector.broadcast %mul3A_1228 : f32 to vector<16xf32>
    %mul3A_1230 = arith.mulf %get3A_1227, %mul3A_1229 : vector<16xf32>
    %add3A_1231 = arith.constant 1.000000e+00 : f32
    %add3A_1232 = vector.broadcast %add3A_1231 : f32 to vector<16xf32>
    %add3A_1233 = arith.addf %mul3A_1230, %add3A_1232 : vector<16xf32>
    %get3A_1234 = arith.constant 192 : index
    %get3A_1235 = tpu.vector_load %arg18[%get3A_1234] {strides = array<i32>} : memref<640xf32, #tpu.memory_space<vmem>>, vector<16xf32>,
    %get3A_1236 = vector.shape_cast %get3A_1235 : vector<16xf32> to vector<16xf32>
    %mul3A_1237 = arith.constant 2.560000e+02 : f32
    %mul3A_1238 = vector.broadcast %mul3A_1237 : f32 to vector<16xf32>
    %mul3A_1239 = arith.mulf %get3A_1236, %mul3A_1238 : vector<16xf32>
    %add3A_1240 = arith.constant 1.000000e+00 : f32
    %add3A_1241 = vector.broadcast %add3A_1240 : f32 to vector<16xf32>
    %add3A_1242 = arith.addf %mul3A_1239, %add3A_1241 : vector<16xf32>
    %mul3A_1243 = arith.constant 5.000000e-01 : f32
    %mul3A_1244 = vector.broadcast %mul3A_1243 : f32 to vector<16xf32>
    %mul3A_1245 = arith.mulf %add3A_1233, %mul3A_1244 : vector<16xf32>
    %sub3A_1246 = arith.subf %mul3A_1218, %mul3A_1245 : vector<16xf32>
    %mul3A_1247 = arith.constant 5.000000e-01 : f32
    %mul3A_1248 = vector.broadcast %mul3A_1247 : f32 to vector<16xf32>
    %mul3A_1249 = arith.mulf %add3A_1242, %mul3A_1248 : vector<16xf32>
    %sub3A_1250 = arith.subf %mul3A_1224, %mul3A_1249 : vector<16xf32>
    %mul3A_1251 = arith.constant 5.000000e-01 : f32
    %mul3A_1252 = vector.broadcast %mul3A_1251 : f32 to vector<16xf32>
    %mul3A_1253 = arith.mulf %add3A_1233, %mul3A_1252 : vector<16xf32>
    %add3A_1254 = arith.addf %mul3A_1218, %mul3A_1253 : vector<16xf32>
    %mul3A_1255 = arith.constant 5.000000e-01 : f32
    %mul3A_1256 = vector.broadcast %mul3A_1255 : f32 to vector<16xf32>
    %mul3A_1257 = arith.mulf %add3A_1242, %mul3A_1256 : vector<16xf32>
    %add3A_1258 = arith.addf %mul3A_1224, %mul3A_1257 : vector<16xf32>
    %swap3A_1259 = arith.constant 192 : index
    %swap3A_1260 = tpu.vector_load %arg19[%swap3A_1259] {strides = array<i32>} : memref<656xf32, #tpu.memory_space<vmem>>, vector<16xf32>,
    %swap3A_1261 = vector.shape_cast %swap3A_1260 : vector<16xf32> to vector<16xf32>
    %swap3A_1262 = vector.shape_cast %sub3A_1246 : vector<16xf32> to vector<16xf32>
    tpu.vector_store %arg19[%swap3A_1259], %swap3A_1262 {strides = array<i32>} : memref<656xf32, #tpu.memory_space<vmem>>, vector<16xf32>,
    %swap3A_1263 = arith.constant 192 : index
    %swap3A_1264 = tpu.vector_load %arg20[%swap3A_1263] {strides = array<i32>} : memref<656xf32, #tpu.memory_space<vmem>>, vector<16xf32>,
    %swap3A_1265 = vector.shape_cast %swap3A_1264 : vector<16xf32> to vector<16xf32>
    %swap3A_1266 = vector.shape_cast %sub3A_1250 : vector<16xf32> to vector<16xf32>
    tpu.vector_store %arg20[%swap3A_1263], %swap3A_1266 {strides = array<i32>} : memref<656xf32, #tpu.memory_space<vmem>>, vector<16xf32>,
    %swap3A_1267 = arith.constant 192 : index
    %swap3A_1268 = tpu.vector_load %arg21[%swap3A_1267] {strides = array<i32>} : memref<656xf32, #tpu.memory_space<vmem>>, vector<16xf32>,
    %swap3A_1269 = vector.shape_cast %swap3A_1268 : vector<16xf32> to vector<16xf32>
    %swap3A_1270 = vector.shape_cast %add3A_1254 : vector<16xf32> to vector<16xf32>
    tpu.vector_store %arg21[%swap3A_1267], %swap3A_1270 {strides = array<i32>} : memref<656xf32, #tpu.memory_space<vmem>>, vector<16xf32>,
    %swap3A_1271 = arith.constant 192 : index
    %swap3A_1272 = tpu.vector_load %arg22[%swap3A_1271] {strides = array<i32>} : memref<656xf32, #tpu.memory_space<vmem>>, vector<16xf32>,
    %swap3A_1273 = vector.shape_cast %swap3A_1272 : vector<16xf32> to vector<16xf32>
    %swap3A_1274 = vector.shape_cast %add3A_1258 : vector<16xf32> to vector<16xf32>
    tpu.vector_store %arg22[%swap3A_1271], %swap3A_1274 {strides = array<i32>} : memref<656xf32, #tpu.memory_space<vmem>>, vector<16xf32>,
    %sub3A_1275 = arith.subf %add3A_1254, %sub3A_1246 : vector<16xf32>
    %max3A_1276 = arith.constant 0.000000e+00 : f32
    %max3A_1277 = vector.broadcast %max3A_1276 : f32 to vector<16xf32>
    %max3A_1278 = arith.maximumf %sub3A_1275, %max3A_1277 : vector<16xf32>
    %sub3A_1279 = arith.subf %add3A_1258, %sub3A_1250 : vector<16xf32>
    %max3A_1280 = arith.constant 0.000000e+00 : f32
    %max3A_1281 = vector.broadcast %max3A_1280 : f32 to vector<16xf32>
    %max3A_1282 = arith.maximumf %sub3A_1279, %max3A_1281 : vector<16xf32>
    %mul3A_1283 = arith.mulf %max3A_1278, %max3A_1282 : vector<16xf32>
    %swap3A_1284 = arith.constant 192 : index
    %swap3A_1285 = tpu.vector_load %arg23[%swap3A_1284] {strides = array<i32>} : memref<656xf32, #tpu.memory_space<vmem>>, vector<16xf32>,
    %swap3A_1286 = vector.shape_cast %swap3A_1285 : vector<16xf32> to vector<16xf32>
    %swap3A_1287 = vector.shape_cast %mul3A_1283 : vector<16xf32> to vector<16xf32>
    tpu.vector_store %arg23[%swap3A_1284], %swap3A_1287 {strides = array<i32>} : memref<656xf32, #tpu.memory_space<vmem>>, vector<16xf32>,
    %swap3A_1288 = arith.constant 192 : index
    %swap3A_1289 = tpu.vector_load %arg24[%swap3A_1288] {strides = array<i32>} : memref<656xf32, #tpu.memory_space<vmem>>, vector<16xf32>,
    %swap3A_1290 = vector.shape_cast %swap3A_1289 : vector<16xf32> to vector<16xf32>
    %swap3A_1291 = vector.shape_cast %get3A_1209 : vector<16xf32> to vector<16xf32>
    tpu.vector_store %arg24[%swap3A_1288], %swap3A_1291 {strides = array<i32>} : memref<656xf32, #tpu.memory_space<vmem>>, vector<16xf32>,
    %add3A_1292 = arith.constant 192 : i32
    %add3A_1293 = vector.broadcast %add3A_1292 : i32 to vector<16xi32>
    %add3A_1294 = arith.addi %iota3A, %add3A_1293 : vector<16xi32>
    %swap3A_1295 = arith.constant 192 : index
    %swap3A_1296 = tpu.vector_load %arg25[%swap3A_1295] {strides = array<i32>} : memref<656xi32, #tpu.memory_space<vmem>>, vector<16xi32>,
    %swap3A_1297 = vector.shape_cast %swap3A_1296 : vector<16xi32> to vector<16xi32>
    %swap3A_1298 = vector.shape_cast %add3A_1294 : vector<16xi32> to vector<16xi32>
    tpu.vector_store %arg25[%swap3A_1295], %swap3A_1298 {strides = array<i32>} : memref<656xi32, #tpu.memory_space<vmem>>, vector<16xi32>,
    %jit3A_1299 = arith.constant 1 : i32
    %jit3A_1300 = arith.constant 0 : i32
    %broadcast_in_dim3A_1301 = vector.broadcast %jit3A_1299 : i32 to vector<16xi32>
    %broadcast_in_dim3A_1302 = vector.broadcast %jit3A_1300 : i32 to vector<16xi32>
    %select_n3A_1303 = arith.select %gt3A_1212, %broadcast_in_dim3A_1301, %broadcast_in_dim3A_1302 : vector<16xi1>, vector<16xi32>
    %swap3A_1304 = arith.constant 192 : index
    %swap3A_1305 = tpu.vector_load %arg26[%swap3A_1304] {strides = array<i32>} : memref<656xi32, #tpu.memory_space<vmem>>, vector<16xi32>,
    %swap3A_1306 = vector.shape_cast %swap3A_1305 : vector<16xi32> to vector<16xi32>
    %swap3A_1307 = vector.shape_cast %select_n3A_1303 : vector<16xi32> to vector<16xi32>
    tpu.vector_store %arg26[%swap3A_1304], %swap3A_1307 {strides = array<i32>} : memref<656xi32, #tpu.memory_space<vmem>>, vector<16xi32>,
    %get3A_1308 = arith.constant 208 : index
    %get3A_1309 = tpu.vector_load %arg14[%get3A_1308] {strides = array<i32>} : memref<640xf32, #tpu.memory_space<vmem>>, vector<16xf32>,
    %get3A_1310 = vector.shape_cast %get3A_1309 : vector<16xf32> to vector<16xf32>
    %gt3A_1311 = arith.constant -5.000000e+08 : f32
    %gt3A_1312 = vector.broadcast %gt3A_1311 : f32 to vector<16xf32>
    %gt3A_1313 = arith.cmpf ogt, %get3A_1310, %gt3A_1312 : vector<16xf32>
    %get3A_1314 = arith.constant 208 : index
    %get3A_1315 = tpu.vector_load %arg15[%get3A_1314] {strides = array<i32>} : memref<640xf32, #tpu.memory_space<vmem>>, vector<16xf32>,
    %get3A_1316 = vector.shape_cast %get3A_1315 : vector<16xf32> to vector<16xf32>
    %mul3A_1317 = arith.constant 1.024000e+03 : f32
    %mul3A_1318 = vector.broadcast %mul3A_1317 : f32 to vector<16xf32>
    %mul3A_1319 = arith.mulf %get3A_1316, %mul3A_1318 : vector<16xf32>
    %get3A_1320 = arith.constant 208 : index
    %get3A_1321 = tpu.vector_load %arg16[%get3A_1320] {strides = array<i32>} : memref<640xf32, #tpu.memory_space<vmem>>, vector<16xf32>,
    %get3A_1322 = vector.shape_cast %get3A_1321 : vector<16xf32> to vector<16xf32>
    %mul3A_1323 = arith.constant 1.024000e+03 : f32
    %mul3A_1324 = vector.broadcast %mul3A_1323 : f32 to vector<16xf32>
    %mul3A_1325 = arith.mulf %get3A_1322, %mul3A_1324 : vector<16xf32>
    %get3A_1326 = arith.constant 208 : index
    %get3A_1327 = tpu.vector_load %arg17[%get3A_1326] {strides = array<i32>} : memref<640xf32, #tpu.memory_space<vmem>>, vector<16xf32>,
    %get3A_1328 = vector.shape_cast %get3A_1327 : vector<16xf32> to vector<16xf32>
    %mul3A_1329 = arith.constant 2.560000e+02 : f32
    %mul3A_1330 = vector.broadcast %mul3A_1329 : f32 to vector<16xf32>
    %mul3A_1331 = arith.mulf %get3A_1328, %mul3A_1330 : vector<16xf32>
    %add3A_1332 = arith.constant 1.000000e+00 : f32
    %add3A_1333 = vector.broadcast %add3A_1332 : f32 to vector<16xf32>
    %add3A_1334 = arith.addf %mul3A_1331, %add3A_1333 : vector<16xf32>
    %get3A_1335 = arith.constant 208 : index
    %get3A_1336 = tpu.vector_load %arg18[%get3A_1335] {strides = array<i32>} : memref<640xf32, #tpu.memory_space<vmem>>, vector<16xf32>,
    %get3A_1337 = vector.shape_cast %get3A_1336 : vector<16xf32> to vector<16xf32>
    %mul3A_1338 = arith.constant 2.560000e+02 : f32
    %mul3A_1339 = vector.broadcast %mul3A_1338 : f32 to vector<16xf32>
    %mul3A_1340 = arith.mulf %get3A_1337, %mul3A_1339 : vector<16xf32>
    %add3A_1341 = arith.constant 1.000000e+00 : f32
    %add3A_1342 = vector.broadcast %add3A_1341 : f32 to vector<16xf32>
    %add3A_1343 = arith.addf %mul3A_1340, %add3A_1342 : vector<16xf32>
    %mul3A_1344 = arith.constant 5.000000e-01 : f32
    %mul3A_1345 = vector.broadcast %mul3A_1344 : f32 to vector<16xf32>
    %mul3A_1346 = arith.mulf %add3A_1334, %mul3A_1345 : vector<16xf32>
    %sub3A_1347 = arith.subf %mul3A_1319, %mul3A_1346 : vector<16xf32>
    %mul3A_1348 = arith.constant 5.000000e-01 : f32
    %mul3A_1349 = vector.broadcast %mul3A_1348 : f32 to vector<16xf32>
    %mul3A_1350 = arith.mulf %add3A_1343, %mul3A_1349 : vector<16xf32>
    %sub3A_1351 = arith.subf %mul3A_1325, %mul3A_1350 : vector<16xf32>
    %mul3A_1352 = arith.constant 5.000000e-01 : f32
    %mul3A_1353 = vector.broadcast %mul3A_1352 : f32 to vector<16xf32>
    %mul3A_1354 = arith.mulf %add3A_1334, %mul3A_1353 : vector<16xf32>
    %add3A_1355 = arith.addf %mul3A_1319, %mul3A_1354 : vector<16xf32>
    %mul3A_1356 = arith.constant 5.000000e-01 : f32
    %mul3A_1357 = vector.broadcast %mul3A_1356 : f32 to vector<16xf32>
    %mul3A_1358 = arith.mulf %add3A_1343, %mul3A_1357 : vector<16xf32>
    %add3A_1359 = arith.addf %mul3A_1325, %mul3A_1358 : vector<16xf32>
    %swap3A_1360 = arith.constant 208 : index
    %swap3A_1361 = tpu.vector_load %arg19[%swap3A_1360] {strides = array<i32>} : memref<656xf32, #tpu.memory_space<vmem>>, vector<16xf32>,
    %swap3A_1362 = vector.shape_cast %swap3A_1361 : vector<16xf32> to vector<16xf32>
    %swap3A_1363 = vector.shape_cast %sub3A_1347 : vector<16xf32> to vector<16xf32>
    tpu.vector_store %arg19[%swap3A_1360], %swap3A_1363 {strides = array<i32>} : memref<656xf32, #tpu.memory_space<vmem>>, vector<16xf32>,
    %swap3A_1364 = arith.constant 208 : index
    %swap3A_1365 = tpu.vector_load %arg20[%swap3A_1364] {strides = array<i32>} : memref<656xf32, #tpu.memory_space<vmem>>, vector<16xf32>,
    %swap3A_1366 = vector.shape_cast %swap3A_1365 : vector<16xf32> to vector<16xf32>
    %swap3A_1367 = vector.shape_cast %sub3A_1351 : vector<16xf32> to vector<16xf32>
    tpu.vector_store %arg20[%swap3A_1364], %swap3A_1367 {strides = array<i32>} : memref<656xf32, #tpu.memory_space<vmem>>, vector<16xf32>,
    %swap3A_1368 = arith.constant 208 : index
    %swap3A_1369 = tpu.vector_load %arg21[%swap3A_1368] {strides = array<i32>} : memref<656xf32, #tpu.memory_space<vmem>>, vector<16xf32>,
    %swap3A_1370 = vector.shape_cast %swap3A_1369 : vector<16xf32> to vector<16xf32>
    %swap3A_1371 = vector.shape_cast %add3A_1355 : vector<16xf32> to vector<16xf32>
    tpu.vector_store %arg21[%swap3A_1368], %swap3A_1371 {strides = array<i32>} : memref<656xf32, #tpu.memory_space<vmem>>, vector<16xf32>,
    %swap3A_1372 = arith.constant 208 : index
    %swap3A_1373 = tpu.vector_load %arg22[%swap3A_1372] {strides = array<i32>} : memref<656xf32, #tpu.memory_space<vmem>>, vector<16xf32>,
    %swap3A_1374 = vector.shape_cast %swap3A_1373 : vector<16xf32> to vector<16xf32>
    %swap3A_1375 = vector.shape_cast %add3A_1359 : vector<16xf32> to vector<16xf32>
    tpu.vector_store %arg22[%swap3A_1372], %swap3A_1375 {strides = array<i32>} : memref<656xf32, #tpu.memory_space<vmem>>, vector<16xf32>,
    %sub3A_1376 = arith.subf %add3A_1355, %sub3A_1347 : vector<16xf32>
    %max3A_1377 = arith.constant 0.000000e+00 : f32
    %max3A_1378 = vector.broadcast %max3A_1377 : f32 to vector<16xf32>
    %max3A_1379 = arith.maximumf %sub3A_1376, %max3A_1378 : vector<16xf32>
    %sub3A_1380 = arith.subf %add3A_1359, %sub3A_1351 : vector<16xf32>
    %max3A_1381 = arith.constant 0.000000e+00 : f32
    %max3A_1382 = vector.broadcast %max3A_1381 : f32 to vector<16xf32>
    %max3A_1383 = arith.maximumf %sub3A_1380, %max3A_1382 : vector<16xf32>
    %mul3A_1384 = arith.mulf %max3A_1379, %max3A_1383 : vector<16xf32>
    %swap3A_1385 = arith.constant 208 : index
    %swap3A_1386 = tpu.vector_load %arg23[%swap3A_1385] {strides = array<i32>} : memref<656xf32, #tpu.memory_space<vmem>>, vector<16xf32>,
    %swap3A_1387 = vector.shape_cast %swap3A_1386 : vector<16xf32> to vector<16xf32>
    %swap3A_1388 = vector.shape_cast %mul3A_1384 : vector<16xf32> to vector<16xf32>
    tpu.vector_store %arg23[%swap3A_1385], %swap3A_1388 {strides = array<i32>} : memref<656xf32, #tpu.memory_space<vmem>>, vector<16xf32>,
    %swap3A_1389 = arith.constant 208 : index
    %swap3A_1390 = tpu.vector_load %arg24[%swap3A_1389] {strides = array<i32>} : memref<656xf32, #tpu.memory_space<vmem>>, vector<16xf32>,
    %swap3A_1391 = vector.shape_cast %swap3A_1390 : vector<16xf32> to vector<16xf32>
    %swap3A_1392 = vector.shape_cast %get3A_1310 : vector<16xf32> to vector<16xf32>
    tpu.vector_store %arg24[%swap3A_1389], %swap3A_1392 {strides = array<i32>} : memref<656xf32, #tpu.memory_space<vmem>>, vector<16xf32>,
    %add3A_1393 = arith.constant 208 : i32
    %add3A_1394 = vector.broadcast %add3A_1393 : i32 to vector<16xi32>
    %add3A_1395 = arith.addi %iota3A, %add3A_1394 : vector<16xi32>
    %swap3A_1396 = arith.constant 208 : index
    %swap3A_1397 = tpu.vector_load %arg25[%swap3A_1396] {strides = array<i32>} : memref<656xi32, #tpu.memory_space<vmem>>, vector<16xi32>,
    %swap3A_1398 = vector.shape_cast %swap3A_1397 : vector<16xi32> to vector<16xi32>
    %swap3A_1399 = vector.shape_cast %add3A_1395 : vector<16xi32> to vector<16xi32>
    tpu.vector_store %arg25[%swap3A_1396], %swap3A_1399 {strides = array<i32>} : memref<656xi32, #tpu.memory_space<vmem>>, vector<16xi32>,
    %jit3A_1400 = arith.constant 1 : i32
    %jit3A_1401 = arith.constant 0 : i32
    %broadcast_in_dim3A_1402 = vector.broadcast %jit3A_1400 : i32 to vector<16xi32>
    %broadcast_in_dim3A_1403 = vector.broadcast %jit3A_1401 : i32 to vector<16xi32>
    %select_n3A_1404 = arith.select %gt3A_1313, %broadcast_in_dim3A_1402, %broadcast_in_dim3A_1403 : vector<16xi1>, vector<16xi32>
    %swap3A_1405 = arith.constant 208 : index
    %swap3A_1406 = tpu.vector_load %arg26[%swap3A_1405] {strides = array<i32>} : memref<656xi32, #tpu.memory_space<vmem>>, vector<16xi32>,
    %swap3A_1407 = vector.shape_cast %swap3A_1406 : vector<16xi32> to vector<16xi32>
    %swap3A_1408 = vector.shape_cast %select_n3A_1404 : vector<16xi32> to vector<16xi32>
    tpu.vector_store %arg26[%swap3A_1405], %swap3A_1408 {strides = array<i32>} : memref<656xi32, #tpu.memory_space<vmem>>, vector<16xi32>,
    %get3A_1409 = arith.constant 224 : index
    %get3A_1410 = tpu.vector_load %arg14[%get3A_1409] {strides = array<i32>} : memref<640xf32, #tpu.memory_space<vmem>>, vector<16xf32>,
    %get3A_1411 = vector.shape_cast %get3A_1410 : vector<16xf32> to vector<16xf32>
    %gt3A_1412 = arith.constant -5.000000e+08 : f32
    %gt3A_1413 = vector.broadcast %gt3A_1412 : f32 to vector<16xf32>
    %gt3A_1414 = arith.cmpf ogt, %get3A_1411, %gt3A_1413 : vector<16xf32>
    %get3A_1415 = arith.constant 224 : index
    %get3A_1416 = tpu.vector_load %arg15[%get3A_1415] {strides = array<i32>} : memref<640xf32, #tpu.memory_space<vmem>>, vector<16xf32>,
    %get3A_1417 = vector.shape_cast %get3A_1416 : vector<16xf32> to vector<16xf32>
    %mul3A_1418 = arith.constant 1.024000e+03 : f32
    %mul3A_1419 = vector.broadcast %mul3A_1418 : f32 to vector<16xf32>
    %mul3A_1420 = arith.mulf %get3A_1417, %mul3A_1419 : vector<16xf32>
    %get3A_1421 = arith.constant 224 : index
    %get3A_1422 = tpu.vector_load %arg16[%get3A_1421] {strides = array<i32>} : memref<640xf32, #tpu.memory_space<vmem>>, vector<16xf32>,
    %get3A_1423 = vector.shape_cast %get3A_1422 : vector<16xf32> to vector<16xf32>
    %mul3A_1424 = arith.constant 1.024000e+03 : f32
    %mul3A_1425 = vector.broadcast %mul3A_1424 : f32 to vector<16xf32>
    %mul3A_1426 = arith.mulf %get3A_1423, %mul3A_1425 : vector<16xf32>
    %get3A_1427 = arith.constant 224 : index
    %get3A_1428 = tpu.vector_load %arg17[%get3A_1427] {strides = array<i32>} : memref<640xf32, #tpu.memory_space<vmem>>, vector<16xf32>,
    %get3A_1429 = vector.shape_cast %get3A_1428 : vector<16xf32> to vector<16xf32>
    %mul3A_1430 = arith.constant 2.560000e+02 : f32
    %mul3A_1431 = vector.broadcast %mul3A_1430 : f32 to vector<16xf32>
    %mul3A_1432 = arith.mulf %get3A_1429, %mul3A_1431 : vector<16xf32>
    %add3A_1433 = arith.constant 1.000000e+00 : f32
    %add3A_1434 = vector.broadcast %add3A_1433 : f32 to vector<16xf32>
    %add3A_1435 = arith.addf %mul3A_1432, %add3A_1434 : vector<16xf32>
    %get3A_1436 = arith.constant 224 : index
    %get3A_1437 = tpu.vector_load %arg18[%get3A_1436] {strides = array<i32>} : memref<640xf32, #tpu.memory_space<vmem>>, vector<16xf32>,
    %get3A_1438 = vector.shape_cast %get3A_1437 : vector<16xf32> to vector<16xf32>
    %mul3A_1439 = arith.constant 2.560000e+02 : f32
    %mul3A_1440 = vector.broadcast %mul3A_1439 : f32 to vector<16xf32>
    %mul3A_1441 = arith.mulf %get3A_1438, %mul3A_1440 : vector<16xf32>
    %add3A_1442 = arith.constant 1.000000e+00 : f32
    %add3A_1443 = vector.broadcast %add3A_1442 : f32 to vector<16xf32>
    %add3A_1444 = arith.addf %mul3A_1441, %add3A_1443 : vector<16xf32>
    %mul3A_1445 = arith.constant 5.000000e-01 : f32
    %mul3A_1446 = vector.broadcast %mul3A_1445 : f32 to vector<16xf32>
    %mul3A_1447 = arith.mulf %add3A_1435, %mul3A_1446 : vector<16xf32>
    %sub3A_1448 = arith.subf %mul3A_1420, %mul3A_1447 : vector<16xf32>
    %mul3A_1449 = arith.constant 5.000000e-01 : f32
    %mul3A_1450 = vector.broadcast %mul3A_1449 : f32 to vector<16xf32>
    %mul3A_1451 = arith.mulf %add3A_1444, %mul3A_1450 : vector<16xf32>
    %sub3A_1452 = arith.subf %mul3A_1426, %mul3A_1451 : vector<16xf32>
    %mul3A_1453 = arith.constant 5.000000e-01 : f32
    %mul3A_1454 = vector.broadcast %mul3A_1453 : f32 to vector<16xf32>
    %mul3A_1455 = arith.mulf %add3A_1435, %mul3A_1454 : vector<16xf32>
    %add3A_1456 = arith.addf %mul3A_1420, %mul3A_1455 : vector<16xf32>
    %mul3A_1457 = arith.constant 5.000000e-01 : f32
    %mul3A_1458 = vector.broadcast %mul3A_1457 : f32 to vector<16xf32>
    %mul3A_1459 = arith.mulf %add3A_1444, %mul3A_1458 : vector<16xf32>
    %add3A_1460 = arith.addf %mul3A_1426, %mul3A_1459 : vector<16xf32>
    %swap3A_1461 = arith.constant 224 : index
    %swap3A_1462 = tpu.vector_load %arg19[%swap3A_1461] {strides = array<i32>} : memref<656xf32, #tpu.memory_space<vmem>>, vector<16xf32>,
    %swap3A_1463 = vector.shape_cast %swap3A_1462 : vector<16xf32> to vector<16xf32>
    %swap3A_1464 = vector.shape_cast %sub3A_1448 : vector<16xf32> to vector<16xf32>
    tpu.vector_store %arg19[%swap3A_1461], %swap3A_1464 {strides = array<i32>} : memref<656xf32, #tpu.memory_space<vmem>>, vector<16xf32>,
    %swap3A_1465 = arith.constant 224 : index
    %swap3A_1466 = tpu.vector_load %arg20[%swap3A_1465] {strides = array<i32>} : memref<656xf32, #tpu.memory_space<vmem>>, vector<16xf32>,
    %swap3A_1467 = vector.shape_cast %swap3A_1466 : vector<16xf32> to vector<16xf32>
    %swap3A_1468 = vector.shape_cast %sub3A_1452 : vector<16xf32> to vector<16xf32>
    tpu.vector_store %arg20[%swap3A_1465], %swap3A_1468 {strides = array<i32>} : memref<656xf32, #tpu.memory_space<vmem>>, vector<16xf32>,
    %swap3A_1469 = arith.constant 224 : index
    %swap3A_1470 = tpu.vector_load %arg21[%swap3A_1469] {strides = array<i32>} : memref<656xf32, #tpu.memory_space<vmem>>, vector<16xf32>,
    %swap3A_1471 = vector.shape_cast %swap3A_1470 : vector<16xf32> to vector<16xf32>
    %swap3A_1472 = vector.shape_cast %add3A_1456 : vector<16xf32> to vector<16xf32>
    tpu.vector_store %arg21[%swap3A_1469], %swap3A_1472 {strides = array<i32>} : memref<656xf32, #tpu.memory_space<vmem>>, vector<16xf32>,
    %swap3A_1473 = arith.constant 224 : index
    %swap3A_1474 = tpu.vector_load %arg22[%swap3A_1473] {strides = array<i32>} : memref<656xf32, #tpu.memory_space<vmem>>, vector<16xf32>,
    %swap3A_1475 = vector.shape_cast %swap3A_1474 : vector<16xf32> to vector<16xf32>
    %swap3A_1476 = vector.shape_cast %add3A_1460 : vector<16xf32> to vector<16xf32>
    tpu.vector_store %arg22[%swap3A_1473], %swap3A_1476 {strides = array<i32>} : memref<656xf32, #tpu.memory_space<vmem>>, vector<16xf32>,
    %sub3A_1477 = arith.subf %add3A_1456, %sub3A_1448 : vector<16xf32>
    %max3A_1478 = arith.constant 0.000000e+00 : f32
    %max3A_1479 = vector.broadcast %max3A_1478 : f32 to vector<16xf32>
    %max3A_1480 = arith.maximumf %sub3A_1477, %max3A_1479 : vector<16xf32>
    %sub3A_1481 = arith.subf %add3A_1460, %sub3A_1452 : vector<16xf32>
    %max3A_1482 = arith.constant 0.000000e+00 : f32
    %max3A_1483 = vector.broadcast %max3A_1482 : f32 to vector<16xf32>
    %max3A_1484 = arith.maximumf %sub3A_1481, %max3A_1483 : vector<16xf32>
    %mul3A_1485 = arith.mulf %max3A_1480, %max3A_1484 : vector<16xf32>
    %swap3A_1486 = arith.constant 224 : index
    %swap3A_1487 = tpu.vector_load %arg23[%swap3A_1486] {strides = array<i32>} : memref<656xf32, #tpu.memory_space<vmem>>, vector<16xf32>,
    %swap3A_1488 = vector.shape_cast %swap3A_1487 : vector<16xf32> to vector<16xf32>
    %swap3A_1489 = vector.shape_cast %mul3A_1485 : vector<16xf32> to vector<16xf32>
    tpu.vector_store %arg23[%swap3A_1486], %swap3A_1489 {strides = array<i32>} : memref<656xf32, #tpu.memory_space<vmem>>, vector<16xf32>,
    %swap3A_1490 = arith.constant 224 : index
    %swap3A_1491 = tpu.vector_load %arg24[%swap3A_1490] {strides = array<i32>} : memref<656xf32, #tpu.memory_space<vmem>>, vector<16xf32>,
    %swap3A_1492 = vector.shape_cast %swap3A_1491 : vector<16xf32> to vector<16xf32>
    %swap3A_1493 = vector.shape_cast %get3A_1411 : vector<16xf32> to vector<16xf32>
    tpu.vector_store %arg24[%swap3A_1490], %swap3A_1493 {strides = array<i32>} : memref<656xf32, #tpu.memory_space<vmem>>, vector<16xf32>,
    %add3A_1494 = arith.constant 224 : i32
    %add3A_1495 = vector.broadcast %add3A_1494 : i32 to vector<16xi32>
    %add3A_1496 = arith.addi %iota3A, %add3A_1495 : vector<16xi32>
    %swap3A_1497 = arith.constant 224 : index
    %swap3A_1498 = tpu.vector_load %arg25[%swap3A_1497] {strides = array<i32>} : memref<656xi32, #tpu.memory_space<vmem>>, vector<16xi32>,
    %swap3A_1499 = vector.shape_cast %swap3A_1498 : vector<16xi32> to vector<16xi32>
    %swap3A_1500 = vector.shape_cast %add3A_1496 : vector<16xi32> to vector<16xi32>
    tpu.vector_store %arg25[%swap3A_1497], %swap3A_1500 {strides = array<i32>} : memref<656xi32, #tpu.memory_space<vmem>>, vector<16xi32>,
    %jit3A_1501 = arith.constant 1 : i32
    %jit3A_1502 = arith.constant 0 : i32
    %broadcast_in_dim3A_1503 = vector.broadcast %jit3A_1501 : i32 to vector<16xi32>
    %broadcast_in_dim3A_1504 = vector.broadcast %jit3A_1502 : i32 to vector<16xi32>
    %select_n3A_1505 = arith.select %gt3A_1414, %broadcast_in_dim3A_1503, %broadcast_in_dim3A_1504 : vector<16xi1>, vector<16xi32>
    %swap3A_1506 = arith.constant 224 : index
    %swap3A_1507 = tpu.vector_load %arg26[%swap3A_1506] {strides = array<i32>} : memref<656xi32, #tpu.memory_space<vmem>>, vector<16xi32>,
    %swap3A_1508 = vector.shape_cast %swap3A_1507 : vector<16xi32> to vector<16xi32>
    %swap3A_1509 = vector.shape_cast %select_n3A_1505 : vector<16xi32> to vector<16xi32>
    tpu.vector_store %arg26[%swap3A_1506], %swap3A_1509 {strides = array<i32>} : memref<656xi32, #tpu.memory_space<vmem>>, vector<16xi32>,
    %get3A_1510 = arith.constant 240 : index
    %get3A_1511 = tpu.vector_load %arg14[%get3A_1510] {strides = array<i32>} : memref<640xf32, #tpu.memory_space<vmem>>, vector<16xf32>,
    %get3A_1512 = vector.shape_cast %get3A_1511 : vector<16xf32> to vector<16xf32>
    %gt3A_1513 = arith.constant -5.000000e+08 : f32
    %gt3A_1514 = vector.broadcast %gt3A_1513 : f32 to vector<16xf32>
    %gt3A_1515 = arith.cmpf ogt, %get3A_1512, %gt3A_1514 : vector<16xf32>
    %get3A_1516 = arith.constant 240 : index
    %get3A_1517 = tpu.vector_load %arg15[%get3A_1516] {strides = array<i32>} : memref<640xf32, #tpu.memory_space<vmem>>, vector<16xf32>,
    %get3A_1518 = vector.shape_cast %get3A_1517 : vector<16xf32> to vector<16xf32>
    %mul3A_1519 = arith.constant 1.024000e+03 : f32
    %mul3A_1520 = vector.broadcast %mul3A_1519 : f32 to vector<16xf32>
    %mul3A_1521 = arith.mulf %get3A_1518, %mul3A_1520 : vector<16xf32>
    %get3A_1522 = arith.constant 240 : index
    %get3A_1523 = tpu.vector_load %arg16[%get3A_1522] {strides = array<i32>} : memref<640xf32, #tpu.memory_space<vmem>>, vector<16xf32>,
    %get3A_1524 = vector.shape_cast %get3A_1523 : vector<16xf32> to vector<16xf32>
    %mul3A_1525 = arith.constant 1.024000e+03 : f32
    %mul3A_1526 = vector.broadcast %mul3A_1525 : f32 to vector<16xf32>
    %mul3A_1527 = arith.mulf %get3A_1524, %mul3A_1526 : vector<16xf32>
    %get3A_1528 = arith.constant 240 : index
    %get3A_1529 = tpu.vector_load %arg17[%get3A_1528] {strides = array<i32>} : memref<640xf32, #tpu.memory_space<vmem>>, vector<16xf32>,
    %get3A_1530 = vector.shape_cast %get3A_1529 : vector<16xf32> to vector<16xf32>
    %mul3A_1531 = arith.constant 2.560000e+02 : f32
    %mul3A_1532 = vector.broadcast %mul3A_1531 : f32 to vector<16xf32>
    %mul3A_1533 = arith.mulf %get3A_1530, %mul3A_1532 : vector<16xf32>
    %add3A_1534 = arith.constant 1.000000e+00 : f32
    %add3A_1535 = vector.broadcast %add3A_1534 : f32 to vector<16xf32>
    %add3A_1536 = arith.addf %mul3A_1533, %add3A_1535 : vector<16xf32>
    %get3A_1537 = arith.constant 240 : index
    %get3A_1538 = tpu.vector_load %arg18[%get3A_1537] {strides = array<i32>} : memref<640xf32, #tpu.memory_space<vmem>>, vector<16xf32>,
    %get3A_1539 = vector.shape_cast %get3A_1538 : vector<16xf32> to vector<16xf32>
    %mul3A_1540 = arith.constant 2.560000e+02 : f32
    %mul3A_1541 = vector.broadcast %mul3A_1540 : f32 to vector<16xf32>
    %mul3A_1542 = arith.mulf %get3A_1539, %mul3A_1541 : vector<16xf32>
    %add3A_1543 = arith.constant 1.000000e+00 : f32
    %add3A_1544 = vector.broadcast %add3A_1543 : f32 to vector<16xf32>
    %add3A_1545 = arith.addf %mul3A_1542, %add3A_1544 : vector<16xf32>
    %mul3A_1546 = arith.constant 5.000000e-01 : f32
    %mul3A_1547 = vector.broadcast %mul3A_1546 : f32 to vector<16xf32>
    %mul3A_1548 = arith.mulf %add3A_1536, %mul3A_1547 : vector<16xf32>
    %sub3A_1549 = arith.subf %mul3A_1521, %mul3A_1548 : vector<16xf32>
    %mul3A_1550 = arith.constant 5.000000e-01 : f32
    %mul3A_1551 = vector.broadcast %mul3A_1550 : f32 to vector<16xf32>
    %mul3A_1552 = arith.mulf %add3A_1545, %mul3A_1551 : vector<16xf32>
    %sub3A_1553 = arith.subf %mul3A_1527, %mul3A_1552 : vector<16xf32>
    %mul3A_1554 = arith.constant 5.000000e-01 : f32
    %mul3A_1555 = vector.broadcast %mul3A_1554 : f32 to vector<16xf32>
    %mul3A_1556 = arith.mulf %add3A_1536, %mul3A_1555 : vector<16xf32>
    %add3A_1557 = arith.addf %mul3A_1521, %mul3A_1556 : vector<16xf32>
    %mul3A_1558 = arith.constant 5.000000e-01 : f32
    %mul3A_1559 = vector.broadcast %mul3A_1558 : f32 to vector<16xf32>
    %mul3A_1560 = arith.mulf %add3A_1545, %mul3A_1559 : vector<16xf32>
    %add3A_1561 = arith.addf %mul3A_1527, %mul3A_1560 : vector<16xf32>
    %swap3A_1562 = arith.constant 240 : index
    %swap3A_1563 = tpu.vector_load %arg19[%swap3A_1562] {strides = array<i32>} : memref<656xf32, #tpu.memory_space<vmem>>, vector<16xf32>,
    %swap3A_1564 = vector.shape_cast %swap3A_1563 : vector<16xf32> to vector<16xf32>
    %swap3A_1565 = vector.shape_cast %sub3A_1549 : vector<16xf32> to vector<16xf32>
    tpu.vector_store %arg19[%swap3A_1562], %swap3A_1565 {strides = array<i32>} : memref<656xf32, #tpu.memory_space<vmem>>, vector<16xf32>,
    %swap3A_1566 = arith.constant 240 : index
    %swap3A_1567 = tpu.vector_load %arg20[%swap3A_1566] {strides = array<i32>} : memref<656xf32, #tpu.memory_space<vmem>>, vector<16xf32>,
    %swap3A_1568 = vector.shape_cast %swap3A_1567 : vector<16xf32> to vector<16xf32>
    %swap3A_1569 = vector.shape_cast %sub3A_1553 : vector<16xf32> to vector<16xf32>
    tpu.vector_store %arg20[%swap3A_1566], %swap3A_1569 {strides = array<i32>} : memref<656xf32, #tpu.memory_space<vmem>>, vector<16xf32>,
    %swap3A_1570 = arith.constant 240 : index
    %swap3A_1571 = tpu.vector_load %arg21[%swap3A_1570] {strides = array<i32>} : memref<656xf32, #tpu.memory_space<vmem>>, vector<16xf32>,
    %swap3A_1572 = vector.shape_cast %swap3A_1571 : vector<16xf32> to vector<16xf32>
    %swap3A_1573 = vector.shape_cast %add3A_1557 : vector<16xf32> to vector<16xf32>
    tpu.vector_store %arg21[%swap3A_1570], %swap3A_1573 {strides = array<i32>} : memref<656xf32, #tpu.memory_space<vmem>>, vector<16xf32>,
    %swap3A_1574 = arith.constant 240 : index
    %swap3A_1575 = tpu.vector_load %arg22[%swap3A_1574] {strides = array<i32>} : memref<656xf32, #tpu.memory_space<vmem>>, vector<16xf32>,
    %swap3A_1576 = vector.shape_cast %swap3A_1575 : vector<16xf32> to vector<16xf32>
    %swap3A_1577 = vector.shape_cast %add3A_1561 : vector<16xf32> to vector<16xf32>
    tpu.vector_store %arg22[%swap3A_1574], %swap3A_1577 {strides = array<i32>} : memref<656xf32, #tpu.memory_space<vmem>>, vector<16xf32>,
    %sub3A_1578 = arith.subf %add3A_1557, %sub3A_1549 : vector<16xf32>
    %max3A_1579 = arith.constant 0.000000e+00 : f32
    %max3A_1580 = vector.broadcast %max3A_1579 : f32 to vector<16xf32>
    %max3A_1581 = arith.maximumf %sub3A_1578, %max3A_1580 : vector<16xf32>
    %sub3A_1582 = arith.subf %add3A_1561, %sub3A_1553 : vector<16xf32>
    %max3A_1583 = arith.constant 0.000000e+00 : f32
    %max3A_1584 = vector.broadcast %max3A_1583 : f32 to vector<16xf32>
    %max3A_1585 = arith.maximumf %sub3A_1582, %max3A_1584 : vector<16xf32>
    %mul3A_1586 = arith.mulf %max3A_1581, %max3A_1585 : vector<16xf32>
    %swap3A_1587 = arith.constant 240 : index
    %swap3A_1588 = tpu.vector_load %arg23[%swap3A_1587] {strides = array<i32>} : memref<656xf32, #tpu.memory_space<vmem>>, vector<16xf32>,
    %swap3A_1589 = vector.shape_cast %swap3A_1588 : vector<16xf32> to vector<16xf32>
    %swap3A_1590 = vector.shape_cast %mul3A_1586 : vector<16xf32> to vector<16xf32>
    tpu.vector_store %arg23[%swap3A_1587], %swap3A_1590 {strides = array<i32>} : memref<656xf32, #tpu.memory_space<vmem>>, vector<16xf32>,
    %swap3A_1591 = arith.constant 240 : index
    %swap3A_1592 = tpu.vector_load %arg24[%swap3A_1591] {strides = array<i32>} : memref<656xf32, #tpu.memory_space<vmem>>, vector<16xf32>,
    %swap3A_1593 = vector.shape_cast %swap3A_1592 : vector<16xf32> to vector<16xf32>
    %swap3A_1594 = vector.shape_cast %get3A_1512 : vector<16xf32> to vector<16xf32>
    tpu.vector_store %arg24[%swap3A_1591], %swap3A_1594 {strides = array<i32>} : memref<656xf32, #tpu.memory_space<vmem>>, vector<16xf32>,
    %add3A_1595 = arith.constant 240 : i32
    %add3A_1596 = vector.broadcast %add3A_1595 : i32 to vector<16xi32>
    %add3A_1597 = arith.addi %iota3A, %add3A_1596 : vector<16xi32>
    %swap3A_1598 = arith.constant 240 : index
    %swap3A_1599 = tpu.vector_load %arg25[%swap3A_1598] {strides = array<i32>} : memref<656xi32, #tpu.memory_space<vmem>>, vector<16xi32>,
    %swap3A_1600 = vector.shape_cast %swap3A_1599 : vector<16xi32> to vector<16xi32>
    %swap3A_1601 = vector.shape_cast %add3A_1597 : vector<16xi32> to vector<16xi32>
    tpu.vector_store %arg25[%swap3A_1598], %swap3A_1601 {strides = array<i32>} : memref<656xi32, #tpu.memory_space<vmem>>, vector<16xi32>,
    %jit3A_1602 = arith.constant 1 : i32
    %jit3A_1603 = arith.constant 0 : i32
    %broadcast_in_dim3A_1604 = vector.broadcast %jit3A_1602 : i32 to vector<16xi32>
    %broadcast_in_dim3A_1605 = vector.broadcast %jit3A_1603 : i32 to vector<16xi32>
    %select_n3A_1606 = arith.select %gt3A_1515, %broadcast_in_dim3A_1604, %broadcast_in_dim3A_1605 : vector<16xi1>, vector<16xi32>
    %swap3A_1607 = arith.constant 240 : index
    %swap3A_1608 = tpu.vector_load %arg26[%swap3A_1607] {strides = array<i32>} : memref<656xi32, #tpu.memory_space<vmem>>, vector<16xi32>,
    %swap3A_1609 = vector.shape_cast %swap3A_1608 : vector<16xi32> to vector<16xi32>
    %swap3A_1610 = vector.shape_cast %select_n3A_1606 : vector<16xi32> to vector<16xi32>
    tpu.vector_store %arg26[%swap3A_1607], %swap3A_1610 {strides = array<i32>} : memref<656xi32, #tpu.memory_space<vmem>>, vector<16xi32>,
    %get3A_1611 = arith.constant 256 : index
    %get3A_1612 = tpu.vector_load %arg14[%get3A_1611] {strides = array<i32>} : memref<640xf32, #tpu.memory_space<vmem>>, vector<16xf32>,
    %get3A_1613 = vector.shape_cast %get3A_1612 : vector<16xf32> to vector<16xf32>
    %gt3A_1614 = arith.constant -5.000000e+08 : f32
    %gt3A_1615 = vector.broadcast %gt3A_1614 : f32 to vector<16xf32>
    %gt3A_1616 = arith.cmpf ogt, %get3A_1613, %gt3A_1615 : vector<16xf32>
    %get3A_1617 = arith.constant 256 : index
    %get3A_1618 = tpu.vector_load %arg15[%get3A_1617] {strides = array<i32>} : memref<640xf32, #tpu.memory_space<vmem>>, vector<16xf32>,
    %get3A_1619 = vector.shape_cast %get3A_1618 : vector<16xf32> to vector<16xf32>
    %mul3A_1620 = arith.constant 1.024000e+03 : f32
    %mul3A_1621 = vector.broadcast %mul3A_1620 : f32 to vector<16xf32>
    %mul3A_1622 = arith.mulf %get3A_1619, %mul3A_1621 : vector<16xf32>
    %get3A_1623 = arith.constant 256 : index
    %get3A_1624 = tpu.vector_load %arg16[%get3A_1623] {strides = array<i32>} : memref<640xf32, #tpu.memory_space<vmem>>, vector<16xf32>,
    %get3A_1625 = vector.shape_cast %get3A_1624 : vector<16xf32> to vector<16xf32>
    %mul3A_1626 = arith.constant 1.024000e+03 : f32
    %mul3A_1627 = vector.broadcast %mul3A_1626 : f32 to vector<16xf32>
    %mul3A_1628 = arith.mulf %get3A_1625, %mul3A_1627 : vector<16xf32>
    %get3A_1629 = arith.constant 256 : index
    %get3A_1630 = tpu.vector_load %arg17[%get3A_1629] {strides = array<i32>} : memref<640xf32, #tpu.memory_space<vmem>>, vector<16xf32>,
    %get3A_1631 = vector.shape_cast %get3A_1630 : vector<16xf32> to vector<16xf32>
    %mul3A_1632 = arith.constant 2.560000e+02 : f32
    %mul3A_1633 = vector.broadcast %mul3A_1632 : f32 to vector<16xf32>
    %mul3A_1634 = arith.mulf %get3A_1631, %mul3A_1633 : vector<16xf32>
    %add3A_1635 = arith.constant 1.000000e+00 : f32
    %add3A_1636 = vector.broadcast %add3A_1635 : f32 to vector<16xf32>
    %add3A_1637 = arith.addf %mul3A_1634, %add3A_1636 : vector<16xf32>
    %get3A_1638 = arith.constant 256 : index
    %get3A_1639 = tpu.vector_load %arg18[%get3A_1638] {strides = array<i32>} : memref<640xf32, #tpu.memory_space<vmem>>, vector<16xf32>,
    %get3A_1640 = vector.shape_cast %get3A_1639 : vector<16xf32> to vector<16xf32>
    %mul3A_1641 = arith.constant 2.560000e+02 : f32
    %mul3A_1642 = vector.broadcast %mul3A_1641 : f32 to vector<16xf32>
    %mul3A_1643 = arith.mulf %get3A_1640, %mul3A_1642 : vector<16xf32>
    %add3A_1644 = arith.constant 1.000000e+00 : f32
    %add3A_1645 = vector.broadcast %add3A_1644 : f32 to vector<16xf32>
    %add3A_1646 = arith.addf %mul3A_1643, %add3A_1645 : vector<16xf32>
    %mul3A_1647 = arith.constant 5.000000e-01 : f32
    %mul3A_1648 = vector.broadcast %mul3A_1647 : f32 to vector<16xf32>
    %mul3A_1649 = arith.mulf %add3A_1637, %mul3A_1648 : vector<16xf32>
    %sub3A_1650 = arith.subf %mul3A_1622, %mul3A_1649 : vector<16xf32>
    %mul3A_1651 = arith.constant 5.000000e-01 : f32
    %mul3A_1652 = vector.broadcast %mul3A_1651 : f32 to vector<16xf32>
    %mul3A_1653 = arith.mulf %add3A_1646, %mul3A_1652 : vector<16xf32>
    %sub3A_1654 = arith.subf %mul3A_1628, %mul3A_1653 : vector<16xf32>
    %mul3A_1655 = arith.constant 5.000000e-01 : f32
    %mul3A_1656 = vector.broadcast %mul3A_1655 : f32 to vector<16xf32>
    %mul3A_1657 = arith.mulf %add3A_1637, %mul3A_1656 : vector<16xf32>
    %add3A_1658 = arith.addf %mul3A_1622, %mul3A_1657 : vector<16xf32>
    %mul3A_1659 = arith.constant 5.000000e-01 : f32
    %mul3A_1660 = vector.broadcast %mul3A_1659 : f32 to vector<16xf32>
    %mul3A_1661 = arith.mulf %add3A_1646, %mul3A_1660 : vector<16xf32>
    %add3A_1662 = arith.addf %mul3A_1628, %mul3A_1661 : vector<16xf32>
    %swap3A_1663 = arith.constant 256 : index
    %swap3A_1664 = tpu.vector_load %arg19[%swap3A_1663] {strides = array<i32>} : memref<656xf32, #tpu.memory_space<vmem>>, vector<16xf32>,
    %swap3A_1665 = vector.shape_cast %swap3A_1664 : vector<16xf32> to vector<16xf32>
    %swap3A_1666 = vector.shape_cast %sub3A_1650 : vector<16xf32> to vector<16xf32>
    tpu.vector_store %arg19[%swap3A_1663], %swap3A_1666 {strides = array<i32>} : memref<656xf32, #tpu.memory_space<vmem>>, vector<16xf32>,
    %swap3A_1667 = arith.constant 256 : index
    %swap3A_1668 = tpu.vector_load %arg20[%swap3A_1667] {strides = array<i32>} : memref<656xf32, #tpu.memory_space<vmem>>, vector<16xf32>,
    %swap3A_1669 = vector.shape_cast %swap3A_1668 : vector<16xf32> to vector<16xf32>
    %swap3A_1670 = vector.shape_cast %sub3A_1654 : vector<16xf32> to vector<16xf32>
    tpu.vector_store %arg20[%swap3A_1667], %swap3A_1670 {strides = array<i32>} : memref<656xf32, #tpu.memory_space<vmem>>, vector<16xf32>,
    %swap3A_1671 = arith.constant 256 : index
    %swap3A_1672 = tpu.vector_load %arg21[%swap3A_1671] {strides = array<i32>} : memref<656xf32, #tpu.memory_space<vmem>>, vector<16xf32>,
    %swap3A_1673 = vector.shape_cast %swap3A_1672 : vector<16xf32> to vector<16xf32>
    %swap3A_1674 = vector.shape_cast %add3A_1658 : vector<16xf32> to vector<16xf32>
    tpu.vector_store %arg21[%swap3A_1671], %swap3A_1674 {strides = array<i32>} : memref<656xf32, #tpu.memory_space<vmem>>, vector<16xf32>,
    %swap3A_1675 = arith.constant 256 : index
    %swap3A_1676 = tpu.vector_load %arg22[%swap3A_1675] {strides = array<i32>} : memref<656xf32, #tpu.memory_space<vmem>>, vector<16xf32>,
    %swap3A_1677 = vector.shape_cast %swap3A_1676 : vector<16xf32> to vector<16xf32>
    %swap3A_1678 = vector.shape_cast %add3A_1662 : vector<16xf32> to vector<16xf32>
    tpu.vector_store %arg22[%swap3A_1675], %swap3A_1678 {strides = array<i32>} : memref<656xf32, #tpu.memory_space<vmem>>, vector<16xf32>,
    %sub3A_1679 = arith.subf %add3A_1658, %sub3A_1650 : vector<16xf32>
    %max3A_1680 = arith.constant 0.000000e+00 : f32
    %max3A_1681 = vector.broadcast %max3A_1680 : f32 to vector<16xf32>
    %max3A_1682 = arith.maximumf %sub3A_1679, %max3A_1681 : vector<16xf32>
    %sub3A_1683 = arith.subf %add3A_1662, %sub3A_1654 : vector<16xf32>
    %max3A_1684 = arith.constant 0.000000e+00 : f32
    %max3A_1685 = vector.broadcast %max3A_1684 : f32 to vector<16xf32>
    %max3A_1686 = arith.maximumf %sub3A_1683, %max3A_1685 : vector<16xf32>
    %mul3A_1687 = arith.mulf %max3A_1682, %max3A_1686 : vector<16xf32>
    %swap3A_1688 = arith.constant 256 : index
    %swap3A_1689 = tpu.vector_load %arg23[%swap3A_1688] {strides = array<i32>} : memref<656xf32, #tpu.memory_space<vmem>>, vector<16xf32>,
    %swap3A_1690 = vector.shape_cast %swap3A_1689 : vector<16xf32> to vector<16xf32>
    %swap3A_1691 = vector.shape_cast %mul3A_1687 : vector<16xf32> to vector<16xf32>
    tpu.vector_store %arg23[%swap3A_1688], %swap3A_1691 {strides = array<i32>} : memref<656xf32, #tpu.memory_space<vmem>>, vector<16xf32>,
    %swap3A_1692 = arith.constant 256 : index
    %swap3A_1693 = tpu.vector_load %arg24[%swap3A_1692] {strides = array<i32>} : memref<656xf32, #tpu.memory_space<vmem>>, vector<16xf32>,
    %swap3A_1694 = vector.shape_cast %swap3A_1693 : vector<16xf32> to vector<16xf32>
    %swap3A_1695 = vector.shape_cast %get3A_1613 : vector<16xf32> to vector<16xf32>
    tpu.vector_store %arg24[%swap3A_1692], %swap3A_1695 {strides = array<i32>} : memref<656xf32, #tpu.memory_space<vmem>>, vector<16xf32>,
    %add3A_1696 = arith.constant 256 : i32
    %add3A_1697 = vector.broadcast %add3A_1696 : i32 to vector<16xi32>
    %add3A_1698 = arith.addi %iota3A, %add3A_1697 : vector<16xi32>
    %swap3A_1699 = arith.constant 256 : index
    %swap3A_1700 = tpu.vector_load %arg25[%swap3A_1699] {strides = array<i32>} : memref<656xi32, #tpu.memory_space<vmem>>, vector<16xi32>,
    %swap3A_1701 = vector.shape_cast %swap3A_1700 : vector<16xi32> to vector<16xi32>
    %swap3A_1702 = vector.shape_cast %add3A_1698 : vector<16xi32> to vector<16xi32>
    tpu.vector_store %arg25[%swap3A_1699], %swap3A_1702 {strides = array<i32>} : memref<656xi32, #tpu.memory_space<vmem>>, vector<16xi32>,
    %jit3A_1703 = arith.constant 1 : i32
    %jit3A_1704 = arith.constant 0 : i32
    %broadcast_in_dim3A_1705 = vector.broadcast %jit3A_1703 : i32 to vector<16xi32>
    %broadcast_in_dim3A_1706 = vector.broadcast %jit3A_1704 : i32 to vector<16xi32>
    %select_n3A_1707 = arith.select %gt3A_1616, %broadcast_in_dim3A_1705, %broadcast_in_dim3A_1706 : vector<16xi1>, vector<16xi32>
    %swap3A_1708 = arith.constant 256 : index
    %swap3A_1709 = tpu.vector_load %arg26[%swap3A_1708] {strides = array<i32>} : memref<656xi32, #tpu.memory_space<vmem>>, vector<16xi32>,
    %swap3A_1710 = vector.shape_cast %swap3A_1709 : vector<16xi32> to vector<16xi32>
    %swap3A_1711 = vector.shape_cast %select_n3A_1707 : vector<16xi32> to vector<16xi32>
    tpu.vector_store %arg26[%swap3A_1708], %swap3A_1711 {strides = array<i32>} : memref<656xi32, #tpu.memory_space<vmem>>, vector<16xi32>,
    %get3A_1712 = arith.constant 272 : index
    %get3A_1713 = tpu.vector_load %arg14[%get3A_1712] {strides = array<i32>} : memref<640xf32, #tpu.memory_space<vmem>>, vector<16xf32>,
    %get3A_1714 = vector.shape_cast %get3A_1713 : vector<16xf32> to vector<16xf32>
    %gt3A_1715 = arith.constant -5.000000e+08 : f32
    %gt3A_1716 = vector.broadcast %gt3A_1715 : f32 to vector<16xf32>
    %gt3A_1717 = arith.cmpf ogt, %get3A_1714, %gt3A_1716 : vector<16xf32>
    %get3A_1718 = arith.constant 272 : index
    %get3A_1719 = tpu.vector_load %arg15[%get3A_1718] {strides = array<i32>} : memref<640xf32, #tpu.memory_space<vmem>>, vector<16xf32>,
    %get3A_1720 = vector.shape_cast %get3A_1719 : vector<16xf32> to vector<16xf32>
    %mul3A_1721 = arith.constant 1.024000e+03 : f32
    %mul3A_1722 = vector.broadcast %mul3A_1721 : f32 to vector<16xf32>
    %mul3A_1723 = arith.mulf %get3A_1720, %mul3A_1722 : vector<16xf32>
    %get3A_1724 = arith.constant 272 : index
    %get3A_1725 = tpu.vector_load %arg16[%get3A_1724] {strides = array<i32>} : memref<640xf32, #tpu.memory_space<vmem>>, vector<16xf32>,
    %get3A_1726 = vector.shape_cast %get3A_1725 : vector<16xf32> to vector<16xf32>
    %mul3A_1727 = arith.constant 1.024000e+03 : f32
    %mul3A_1728 = vector.broadcast %mul3A_1727 : f32 to vector<16xf32>
    %mul3A_1729 = arith.mulf %get3A_1726, %mul3A_1728 : vector<16xf32>
    %get3A_1730 = arith.constant 272 : index
    %get3A_1731 = tpu.vector_load %arg17[%get3A_1730] {strides = array<i32>} : memref<640xf32, #tpu.memory_space<vmem>>, vector<16xf32>,
    %get3A_1732 = vector.shape_cast %get3A_1731 : vector<16xf32> to vector<16xf32>
    %mul3A_1733 = arith.constant 2.560000e+02 : f32
    %mul3A_1734 = vector.broadcast %mul3A_1733 : f32 to vector<16xf32>
    %mul3A_1735 = arith.mulf %get3A_1732, %mul3A_1734 : vector<16xf32>
    %add3A_1736 = arith.constant 1.000000e+00 : f32
    %add3A_1737 = vector.broadcast %add3A_1736 : f32 to vector<16xf32>
    %add3A_1738 = arith.addf %mul3A_1735, %add3A_1737 : vector<16xf32>
    %get3A_1739 = arith.constant 272 : index
    %get3A_1740 = tpu.vector_load %arg18[%get3A_1739] {strides = array<i32>} : memref<640xf32, #tpu.memory_space<vmem>>, vector<16xf32>,
    %get3A_1741 = vector.shape_cast %get3A_1740 : vector<16xf32> to vector<16xf32>
    %mul3A_1742 = arith.constant 2.560000e+02 : f32
    %mul3A_1743 = vector.broadcast %mul3A_1742 : f32 to vector<16xf32>
    %mul3A_1744 = arith.mulf %get3A_1741, %mul3A_1743 : vector<16xf32>
    %add3A_1745 = arith.constant 1.000000e+00 : f32
    %add3A_1746 = vector.broadcast %add3A_1745 : f32 to vector<16xf32>
    %add3A_1747 = arith.addf %mul3A_1744, %add3A_1746 : vector<16xf32>
    %mul3A_1748 = arith.constant 5.000000e-01 : f32
    %mul3A_1749 = vector.broadcast %mul3A_1748 : f32 to vector<16xf32>
    %mul3A_1750 = arith.mulf %add3A_1738, %mul3A_1749 : vector<16xf32>
    %sub3A_1751 = arith.subf %mul3A_1723, %mul3A_1750 : vector<16xf32>
    %mul3A_1752 = arith.constant 5.000000e-01 : f32
    %mul3A_1753 = vector.broadcast %mul3A_1752 : f32 to vector<16xf32>
    %mul3A_1754 = arith.mulf %add3A_1747, %mul3A_1753 : vector<16xf32>
    %sub3A_1755 = arith.subf %mul3A_1729, %mul3A_1754 : vector<16xf32>
    %mul3A_1756 = arith.constant 5.000000e-01 : f32
    %mul3A_1757 = vector.broadcast %mul3A_1756 : f32 to vector<16xf32>
    %mul3A_1758 = arith.mulf %add3A_1738, %mul3A_1757 : vector<16xf32>
    %add3A_1759 = arith.addf %mul3A_1723, %mul3A_1758 : vector<16xf32>
    %mul3A_1760 = arith.constant 5.000000e-01 : f32
    %mul3A_1761 = vector.broadcast %mul3A_1760 : f32 to vector<16xf32>
    %mul3A_1762 = arith.mulf %add3A_1747, %mul3A_1761 : vector<16xf32>
    %add3A_1763 = arith.addf %mul3A_1729, %mul3A_1762 : vector<16xf32>
    %swap3A_1764 = arith.constant 272 : index
    %swap3A_1765 = tpu.vector_load %arg19[%swap3A_1764] {strides = array<i32>} : memref<656xf32, #tpu.memory_space<vmem>>, vector<16xf32>,
    %swap3A_1766 = vector.shape_cast %swap3A_1765 : vector<16xf32> to vector<16xf32>
    %swap3A_1767 = vector.shape_cast %sub3A_1751 : vector<16xf32> to vector<16xf32>
    tpu.vector_store %arg19[%swap3A_1764], %swap3A_1767 {strides = array<i32>} : memref<656xf32, #tpu.memory_space<vmem>>, vector<16xf32>,
    %swap3A_1768 = arith.constant 272 : index
    %swap3A_1769 = tpu.vector_load %arg20[%swap3A_1768] {strides = array<i32>} : memref<656xf32, #tpu.memory_space<vmem>>, vector<16xf32>,
    %swap3A_1770 = vector.shape_cast %swap3A_1769 : vector<16xf32> to vector<16xf32>
    %swap3A_1771 = vector.shape_cast %sub3A_1755 : vector<16xf32> to vector<16xf32>
    tpu.vector_store %arg20[%swap3A_1768], %swap3A_1771 {strides = array<i32>} : memref<656xf32, #tpu.memory_space<vmem>>, vector<16xf32>,
    %swap3A_1772 = arith.constant 272 : index
    %swap3A_1773 = tpu.vector_load %arg21[%swap3A_1772] {strides = array<i32>} : memref<656xf32, #tpu.memory_space<vmem>>, vector<16xf32>,
    %swap3A_1774 = vector.shape_cast %swap3A_1773 : vector<16xf32> to vector<16xf32>
    %swap3A_1775 = vector.shape_cast %add3A_1759 : vector<16xf32> to vector<16xf32>
    tpu.vector_store %arg21[%swap3A_1772], %swap3A_1775 {strides = array<i32>} : memref<656xf32, #tpu.memory_space<vmem>>, vector<16xf32>,
    %swap3A_1776 = arith.constant 272 : index
    %swap3A_1777 = tpu.vector_load %arg22[%swap3A_1776] {strides = array<i32>} : memref<656xf32, #tpu.memory_space<vmem>>, vector<16xf32>,
    %swap3A_1778 = vector.shape_cast %swap3A_1777 : vector<16xf32> to vector<16xf32>
    %swap3A_1779 = vector.shape_cast %add3A_1763 : vector<16xf32> to vector<16xf32>
    tpu.vector_store %arg22[%swap3A_1776], %swap3A_1779 {strides = array<i32>} : memref<656xf32, #tpu.memory_space<vmem>>, vector<16xf32>,
    %sub3A_1780 = arith.subf %add3A_1759, %sub3A_1751 : vector<16xf32>
    %max3A_1781 = arith.constant 0.000000e+00 : f32
    %max3A_1782 = vector.broadcast %max3A_1781 : f32 to vector<16xf32>
    %max3A_1783 = arith.maximumf %sub3A_1780, %max3A_1782 : vector<16xf32>
    %sub3A_1784 = arith.subf %add3A_1763, %sub3A_1755 : vector<16xf32>
    %max3A_1785 = arith.constant 0.000000e+00 : f32
    %max3A_1786 = vector.broadcast %max3A_1785 : f32 to vector<16xf32>
    %max3A_1787 = arith.maximumf %sub3A_1784, %max3A_1786 : vector<16xf32>
    %mul3A_1788 = arith.mulf %max3A_1783, %max3A_1787 : vector<16xf32>
    %swap3A_1789 = arith.constant 272 : index
    %swap3A_1790 = tpu.vector_load %arg23[%swap3A_1789] {strides = array<i32>} : memref<656xf32, #tpu.memory_space<vmem>>, vector<16xf32>,
    %swap3A_1791 = vector.shape_cast %swap3A_1790 : vector<16xf32> to vector<16xf32>
    %swap3A_1792 = vector.shape_cast %mul3A_1788 : vector<16xf32> to vector<16xf32>
    tpu.vector_store %arg23[%swap3A_1789], %swap3A_1792 {strides = array<i32>} : memref<656xf32, #tpu.memory_space<vmem>>, vector<16xf32>,
    %swap3A_1793 = arith.constant 272 : index
    %swap3A_1794 = tpu.vector_load %arg24[%swap3A_1793] {strides = array<i32>} : memref<656xf32, #tpu.memory_space<vmem>>, vector<16xf32>,
    %swap3A_1795 = vector.shape_cast %swap3A_1794 : vector<16xf32> to vector<16xf32>
    %swap3A_1796 = vector.shape_cast %get3A_1714 : vector<16xf32> to vector<16xf32>
    tpu.vector_store %arg24[%swap3A_1793], %swap3A_1796 {strides = array<i32>} : memref<656xf32, #tpu.memory_space<vmem>>, vector<16xf32>,
    %add3A_1797 = arith.constant 272 : i32
    %add3A_1798 = vector.broadcast %add3A_1797 : i32 to vector<16xi32>
    %add3A_1799 = arith.addi %iota3A, %add3A_1798 : vector<16xi32>
    %swap3A_1800 = arith.constant 272 : index
    %swap3A_1801 = tpu.vector_load %arg25[%swap3A_1800] {strides = array<i32>} : memref<656xi32, #tpu.memory_space<vmem>>, vector<16xi32>,
    %swap3A_1802 = vector.shape_cast %swap3A_1801 : vector<16xi32> to vector<16xi32>
    %swap3A_1803 = vector.shape_cast %add3A_1799 : vector<16xi32> to vector<16xi32>
    tpu.vector_store %arg25[%swap3A_1800], %swap3A_1803 {strides = array<i32>} : memref<656xi32, #tpu.memory_space<vmem>>, vector<16xi32>,
    %jit3A_1804 = arith.constant 1 : i32
    %jit3A_1805 = arith.constant 0 : i32
    %broadcast_in_dim3A_1806 = vector.broadcast %jit3A_1804 : i32 to vector<16xi32>
    %broadcast_in_dim3A_1807 = vector.broadcast %jit3A_1805 : i32 to vector<16xi32>
    %select_n3A_1808 = arith.select %gt3A_1717, %broadcast_in_dim3A_1806, %broadcast_in_dim3A_1807 : vector<16xi1>, vector<16xi32>
    %swap3A_1809 = arith.constant 272 : index
    %swap3A_1810 = tpu.vector_load %arg26[%swap3A_1809] {strides = array<i32>} : memref<656xi32, #tpu.memory_space<vmem>>, vector<16xi32>,
    %swap3A_1811 = vector.shape_cast %swap3A_1810 : vector<16xi32> to vector<16xi32>
    %swap3A_1812 = vector.shape_cast %select_n3A_1808 : vector<16xi32> to vector<16xi32>
    tpu.vector_store %arg26[%swap3A_1809], %swap3A_1812 {strides = array<i32>} : memref<656xi32, #tpu.memory_space<vmem>>, vector<16xi32>,
    %get3A_1813 = arith.constant 288 : index
    %get3A_1814 = tpu.vector_load %arg14[%get3A_1813] {strides = array<i32>} : memref<640xf32, #tpu.memory_space<vmem>>, vector<16xf32>,
    %get3A_1815 = vector.shape_cast %get3A_1814 : vector<16xf32> to vector<16xf32>
    %gt3A_1816 = arith.constant -5.000000e+08 : f32
    %gt3A_1817 = vector.broadcast %gt3A_1816 : f32 to vector<16xf32>
    %gt3A_1818 = arith.cmpf ogt, %get3A_1815, %gt3A_1817 : vector<16xf32>
    %get3A_1819 = arith.constant 288 : index
    %get3A_1820 = tpu.vector_load %arg15[%get3A_1819] {strides = array<i32>} : memref<640xf32, #tpu.memory_space<vmem>>, vector<16xf32>,
    %get3A_1821 = vector.shape_cast %get3A_1820 : vector<16xf32> to vector<16xf32>
    %mul3A_1822 = arith.constant 1.024000e+03 : f32
    %mul3A_1823 = vector.broadcast %mul3A_1822 : f32 to vector<16xf32>
    %mul3A_1824 = arith.mulf %get3A_1821, %mul3A_1823 : vector<16xf32>
    %get3A_1825 = arith.constant 288 : index
    %get3A_1826 = tpu.vector_load %arg16[%get3A_1825] {strides = array<i32>} : memref<640xf32, #tpu.memory_space<vmem>>, vector<16xf32>,
    %get3A_1827 = vector.shape_cast %get3A_1826 : vector<16xf32> to vector<16xf32>
    %mul3A_1828 = arith.constant 1.024000e+03 : f32
    %mul3A_1829 = vector.broadcast %mul3A_1828 : f32 to vector<16xf32>
    %mul3A_1830 = arith.mulf %get3A_1827, %mul3A_1829 : vector<16xf32>
    %get3A_1831 = arith.constant 288 : index
    %get3A_1832 = tpu.vector_load %arg17[%get3A_1831] {strides = array<i32>} : memref<640xf32, #tpu.memory_space<vmem>>, vector<16xf32>,
    %get3A_1833 = vector.shape_cast %get3A_1832 : vector<16xf32> to vector<16xf32>
    %mul3A_1834 = arith.constant 2.560000e+02 : f32
    %mul3A_1835 = vector.broadcast %mul3A_1834 : f32 to vector<16xf32>
    %mul3A_1836 = arith.mulf %get3A_1833, %mul3A_1835 : vector<16xf32>
    %add3A_1837 = arith.constant 1.000000e+00 : f32
    %add3A_1838 = vector.broadcast %add3A_1837 : f32 to vector<16xf32>
    %add3A_1839 = arith.addf %mul3A_1836, %add3A_1838 : vector<16xf32>
    %get3A_1840 = arith.constant 288 : index
    %get3A_1841 = tpu.vector_load %arg18[%get3A_1840] {strides = array<i32>} : memref<640xf32, #tpu.memory_space<vmem>>, vector<16xf32>,
    %get3A_1842 = vector.shape_cast %get3A_1841 : vector<16xf32> to vector<16xf32>
    %mul3A_1843 = arith.constant 2.560000e+02 : f32
    %mul3A_1844 = vector.broadcast %mul3A_1843 : f32 to vector<16xf32>
    %mul3A_1845 = arith.mulf %get3A_1842, %mul3A_1844 : vector<16xf32>
    %add3A_1846 = arith.constant 1.000000e+00 : f32
    %add3A_1847 = vector.broadcast %add3A_1846 : f32 to vector<16xf32>
    %add3A_1848 = arith.addf %mul3A_1845, %add3A_1847 : vector<16xf32>
    %mul3A_1849 = arith.constant 5.000000e-01 : f32
    %mul3A_1850 = vector.broadcast %mul3A_1849 : f32 to vector<16xf32>
    %mul3A_1851 = arith.mulf %add3A_1839, %mul3A_1850 : vector<16xf32>
    %sub3A_1852 = arith.subf %mul3A_1824, %mul3A_1851 : vector<16xf32>
    %mul3A_1853 = arith.constant 5.000000e-01 : f32
    %mul3A_1854 = vector.broadcast %mul3A_1853 : f32 to vector<16xf32>
    %mul3A_1855 = arith.mulf %add3A_1848, %mul3A_1854 : vector<16xf32>
    %sub3A_1856 = arith.subf %mul3A_1830, %mul3A_1855 : vector<16xf32>
    %mul3A_1857 = arith.constant 5.000000e-01 : f32
    %mul3A_1858 = vector.broadcast %mul3A_1857 : f32 to vector<16xf32>
    %mul3A_1859 = arith.mulf %add3A_1839, %mul3A_1858 : vector<16xf32>
    %add3A_1860 = arith.addf %mul3A_1824, %mul3A_1859 : vector<16xf32>
    %mul3A_1861 = arith.constant 5.000000e-01 : f32
    %mul3A_1862 = vector.broadcast %mul3A_1861 : f32 to vector<16xf32>
    %mul3A_1863 = arith.mulf %add3A_1848, %mul3A_1862 : vector<16xf32>
    %add3A_1864 = arith.addf %mul3A_1830, %mul3A_1863 : vector<16xf32>
    %swap3A_1865 = arith.constant 288 : index
    %swap3A_1866 = tpu.vector_load %arg19[%swap3A_1865] {strides = array<i32>} : memref<656xf32, #tpu.memory_space<vmem>>, vector<16xf32>,
    %swap3A_1867 = vector.shape_cast %swap3A_1866 : vector<16xf32> to vector<16xf32>
    %swap3A_1868 = vector.shape_cast %sub3A_1852 : vector<16xf32> to vector<16xf32>
    tpu.vector_store %arg19[%swap3A_1865], %swap3A_1868 {strides = array<i32>} : memref<656xf32, #tpu.memory_space<vmem>>, vector<16xf32>,
    %swap3A_1869 = arith.constant 288 : index
    %swap3A_1870 = tpu.vector_load %arg20[%swap3A_1869] {strides = array<i32>} : memref<656xf32, #tpu.memory_space<vmem>>, vector<16xf32>,
    %swap3A_1871 = vector.shape_cast %swap3A_1870 : vector<16xf32> to vector<16xf32>
    %swap3A_1872 = vector.shape_cast %sub3A_1856 : vector<16xf32> to vector<16xf32>
    tpu.vector_store %arg20[%swap3A_1869], %swap3A_1872 {strides = array<i32>} : memref<656xf32, #tpu.memory_space<vmem>>, vector<16xf32>,
    %swap3A_1873 = arith.constant 288 : index
    %swap3A_1874 = tpu.vector_load %arg21[%swap3A_1873] {strides = array<i32>} : memref<656xf32, #tpu.memory_space<vmem>>, vector<16xf32>,
    %swap3A_1875 = vector.shape_cast %swap3A_1874 : vector<16xf32> to vector<16xf32>
    %swap3A_1876 = vector.shape_cast %add3A_1860 : vector<16xf32> to vector<16xf32>
    tpu.vector_store %arg21[%swap3A_1873], %swap3A_1876 {strides = array<i32>} : memref<656xf32, #tpu.memory_space<vmem>>, vector<16xf32>,
    %swap3A_1877 = arith.constant 288 : index
    %swap3A_1878 = tpu.vector_load %arg22[%swap3A_1877] {strides = array<i32>} : memref<656xf32, #tpu.memory_space<vmem>>, vector<16xf32>,
    %swap3A_1879 = vector.shape_cast %swap3A_1878 : vector<16xf32> to vector<16xf32>
    %swap3A_1880 = vector.shape_cast %add3A_1864 : vector<16xf32> to vector<16xf32>
    tpu.vector_store %arg22[%swap3A_1877], %swap3A_1880 {strides = array<i32>} : memref<656xf32, #tpu.memory_space<vmem>>, vector<16xf32>,
    %sub3A_1881 = arith.subf %add3A_1860, %sub3A_1852 : vector<16xf32>
    %max3A_1882 = arith.constant 0.000000e+00 : f32
    %max3A_1883 = vector.broadcast %max3A_1882 : f32 to vector<16xf32>
    %max3A_1884 = arith.maximumf %sub3A_1881, %max3A_1883 : vector<16xf32>
    %sub3A_1885 = arith.subf %add3A_1864, %sub3A_1856 : vector<16xf32>
    %max3A_1886 = arith.constant 0.000000e+00 : f32
    %max3A_1887 = vector.broadcast %max3A_1886 : f32 to vector<16xf32>
    %max3A_1888 = arith.maximumf %sub3A_1885, %max3A_1887 : vector<16xf32>
    %mul3A_1889 = arith.mulf %max3A_1884, %max3A_1888 : vector<16xf32>
    %swap3A_1890 = arith.constant 288 : index
    %swap3A_1891 = tpu.vector_load %arg23[%swap3A_1890] {strides = array<i32>} : memref<656xf32, #tpu.memory_space<vmem>>, vector<16xf32>,
    %swap3A_1892 = vector.shape_cast %swap3A_1891 : vector<16xf32> to vector<16xf32>
    %swap3A_1893 = vector.shape_cast %mul3A_1889 : vector<16xf32> to vector<16xf32>
    tpu.vector_store %arg23[%swap3A_1890], %swap3A_1893 {strides = array<i32>} : memref<656xf32, #tpu.memory_space<vmem>>, vector<16xf32>,
    %swap3A_1894 = arith.constant 288 : index
    %swap3A_1895 = tpu.vector_load %arg24[%swap3A_1894] {strides = array<i32>} : memref<656xf32, #tpu.memory_space<vmem>>, vector<16xf32>,
    %swap3A_1896 = vector.shape_cast %swap3A_1895 : vector<16xf32> to vector<16xf32>
    %swap3A_1897 = vector.shape_cast %get3A_1815 : vector<16xf32> to vector<16xf32>
    tpu.vector_store %arg24[%swap3A_1894], %swap3A_1897 {strides = array<i32>} : memref<656xf32, #tpu.memory_space<vmem>>, vector<16xf32>,
    %add3A_1898 = arith.constant 288 : i32
    %add3A_1899 = vector.broadcast %add3A_1898 : i32 to vector<16xi32>
    %add3A_1900 = arith.addi %iota3A, %add3A_1899 : vector<16xi32>
    %swap3A_1901 = arith.constant 288 : index
    %swap3A_1902 = tpu.vector_load %arg25[%swap3A_1901] {strides = array<i32>} : memref<656xi32, #tpu.memory_space<vmem>>, vector<16xi32>,
    %swap3A_1903 = vector.shape_cast %swap3A_1902 : vector<16xi32> to vector<16xi32>
    %swap3A_1904 = vector.shape_cast %add3A_1900 : vector<16xi32> to vector<16xi32>
    tpu.vector_store %arg25[%swap3A_1901], %swap3A_1904 {strides = array<i32>} : memref<656xi32, #tpu.memory_space<vmem>>, vector<16xi32>,
    %jit3A_1905 = arith.constant 1 : i32
    %jit3A_1906 = arith.constant 0 : i32
    %broadcast_in_dim3A_1907 = vector.broadcast %jit3A_1905 : i32 to vector<16xi32>
    %broadcast_in_dim3A_1908 = vector.broadcast %jit3A_1906 : i32 to vector<16xi32>
    %select_n3A_1909 = arith.select %gt3A_1818, %broadcast_in_dim3A_1907, %broadcast_in_dim3A_1908 : vector<16xi1>, vector<16xi32>
    %swap3A_1910 = arith.constant 288 : index
    %swap3A_1911 = tpu.vector_load %arg26[%swap3A_1910] {strides = array<i32>} : memref<656xi32, #tpu.memory_space<vmem>>, vector<16xi32>,
    %swap3A_1912 = vector.shape_cast %swap3A_1911 : vector<16xi32> to vector<16xi32>
    %swap3A_1913 = vector.shape_cast %select_n3A_1909 : vector<16xi32> to vector<16xi32>
    tpu.vector_store %arg26[%swap3A_1910], %swap3A_1913 {strides = array<i32>} : memref<656xi32, #tpu.memory_space<vmem>>, vector<16xi32>,
    %get3A_1914 = arith.constant 304 : index
    %get3A_1915 = tpu.vector_load %arg14[%get3A_1914] {strides = array<i32>} : memref<640xf32, #tpu.memory_space<vmem>>, vector<16xf32>,
    %get3A_1916 = vector.shape_cast %get3A_1915 : vector<16xf32> to vector<16xf32>
    %gt3A_1917 = arith.constant -5.000000e+08 : f32
    %gt3A_1918 = vector.broadcast %gt3A_1917 : f32 to vector<16xf32>
    %gt3A_1919 = arith.cmpf ogt, %get3A_1916, %gt3A_1918 : vector<16xf32>
    %get3A_1920 = arith.constant 304 : index
    %get3A_1921 = tpu.vector_load %arg15[%get3A_1920] {strides = array<i32>} : memref<640xf32, #tpu.memory_space<vmem>>, vector<16xf32>,
    %get3A_1922 = vector.shape_cast %get3A_1921 : vector<16xf32> to vector<16xf32>
    %mul3A_1923 = arith.constant 1.024000e+03 : f32
    %mul3A_1924 = vector.broadcast %mul3A_1923 : f32 to vector<16xf32>
    %mul3A_1925 = arith.mulf %get3A_1922, %mul3A_1924 : vector<16xf32>
    %get3A_1926 = arith.constant 304 : index
    %get3A_1927 = tpu.vector_load %arg16[%get3A_1926] {strides = array<i32>} : memref<640xf32, #tpu.memory_space<vmem>>, vector<16xf32>,
    %get3A_1928 = vector.shape_cast %get3A_1927 : vector<16xf32> to vector<16xf32>
    %mul3A_1929 = arith.constant 1.024000e+03 : f32
    %mul3A_1930 = vector.broadcast %mul3A_1929 : f32 to vector<16xf32>
    %mul3A_1931 = arith.mulf %get3A_1928, %mul3A_1930 : vector<16xf32>
    %get3A_1932 = arith.constant 304 : index
    %get3A_1933 = tpu.vector_load %arg17[%get3A_1932] {strides = array<i32>} : memref<640xf32, #tpu.memory_space<vmem>>, vector<16xf32>,
    %get3A_1934 = vector.shape_cast %get3A_1933 : vector<16xf32> to vector<16xf32>
    %mul3A_1935 = arith.constant 2.560000e+02 : f32
    %mul3A_1936 = vector.broadcast %mul3A_1935 : f32 to vector<16xf32>
    %mul3A_1937 = arith.mulf %get3A_1934, %mul3A_1936 : vector<16xf32>
    %add3A_1938 = arith.constant 1.000000e+00 : f32
    %add3A_1939 = vector.broadcast %add3A_1938 : f32 to vector<16xf32>
    %add3A_1940 = arith.addf %mul3A_1937, %add3A_1939 : vector<16xf32>
    %get3A_1941 = arith.constant 304 : index
    %get3A_1942 = tpu.vector_load %arg18[%get3A_1941] {strides = array<i32>} : memref<640xf32, #tpu.memory_space<vmem>>, vector<16xf32>,
    %get3A_1943 = vector.shape_cast %get3A_1942 : vector<16xf32> to vector<16xf32>
    %mul3A_1944 = arith.constant 2.560000e+02 : f32
    %mul3A_1945 = vector.broadcast %mul3A_1944 : f32 to vector<16xf32>
    %mul3A_1946 = arith.mulf %get3A_1943, %mul3A_1945 : vector<16xf32>
    %add3A_1947 = arith.constant 1.000000e+00 : f32
    %add3A_1948 = vector.broadcast %add3A_1947 : f32 to vector<16xf32>
    %add3A_1949 = arith.addf %mul3A_1946, %add3A_1948 : vector<16xf32>
    %mul3A_1950 = arith.constant 5.000000e-01 : f32
    %mul3A_1951 = vector.broadcast %mul3A_1950 : f32 to vector<16xf32>
    %mul3A_1952 = arith.mulf %add3A_1940, %mul3A_1951 : vector<16xf32>
    %sub3A_1953 = arith.subf %mul3A_1925, %mul3A_1952 : vector<16xf32>
    %mul3A_1954 = arith.constant 5.000000e-01 : f32
    %mul3A_1955 = vector.broadcast %mul3A_1954 : f32 to vector<16xf32>
    %mul3A_1956 = arith.mulf %add3A_1949, %mul3A_1955 : vector<16xf32>
    %sub3A_1957 = arith.subf %mul3A_1931, %mul3A_1956 : vector<16xf32>
    %mul3A_1958 = arith.constant 5.000000e-01 : f32
    %mul3A_1959 = vector.broadcast %mul3A_1958 : f32 to vector<16xf32>
    %mul3A_1960 = arith.mulf %add3A_1940, %mul3A_1959 : vector<16xf32>
    %add3A_1961 = arith.addf %mul3A_1925, %mul3A_1960 : vector<16xf32>
    %mul3A_1962 = arith.constant 5.000000e-01 : f32
    %mul3A_1963 = vector.broadcast %mul3A_1962 : f32 to vector<16xf32>
    %mul3A_1964 = arith.mulf %add3A_1949, %mul3A_1963 : vector<16xf32>
    %add3A_1965 = arith.addf %mul3A_1931, %mul3A_1964 : vector<16xf32>
    %swap3A_1966 = arith.constant 304 : index
    %swap3A_1967 = tpu.vector_load %arg19[%swap3A_1966] {strides = array<i32>} : memref<656xf32, #tpu.memory_space<vmem>>, vector<16xf32>,
    %swap3A_1968 = vector.shape_cast %swap3A_1967 : vector<16xf32> to vector<16xf32>
    %swap3A_1969 = vector.shape_cast %sub3A_1953 : vector<16xf32> to vector<16xf32>
    tpu.vector_store %arg19[%swap3A_1966], %swap3A_1969 {strides = array<i32>} : memref<656xf32, #tpu.memory_space<vmem>>, vector<16xf32>,
    %swap3A_1970 = arith.constant 304 : index
    %swap3A_1971 = tpu.vector_load %arg20[%swap3A_1970] {strides = array<i32>} : memref<656xf32, #tpu.memory_space<vmem>>, vector<16xf32>,
    %swap3A_1972 = vector.shape_cast %swap3A_1971 : vector<16xf32> to vector<16xf32>
    %swap3A_1973 = vector.shape_cast %sub3A_1957 : vector<16xf32> to vector<16xf32>
    tpu.vector_store %arg20[%swap3A_1970], %swap3A_1973 {strides = array<i32>} : memref<656xf32, #tpu.memory_space<vmem>>, vector<16xf32>,
    %swap3A_1974 = arith.constant 304 : index
    %swap3A_1975 = tpu.vector_load %arg21[%swap3A_1974] {strides = array<i32>} : memref<656xf32, #tpu.memory_space<vmem>>, vector<16xf32>,
    %swap3A_1976 = vector.shape_cast %swap3A_1975 : vector<16xf32> to vector<16xf32>
    %swap3A_1977 = vector.shape_cast %add3A_1961 : vector<16xf32> to vector<16xf32>
    tpu.vector_store %arg21[%swap3A_1974], %swap3A_1977 {strides = array<i32>} : memref<656xf32, #tpu.memory_space<vmem>>, vector<16xf32>,
    %swap3A_1978 = arith.constant 304 : index
    %swap3A_1979 = tpu.vector_load %arg22[%swap3A_1978] {strides = array<i32>} : memref<656xf32, #tpu.memory_space<vmem>>, vector<16xf32>,
    %swap3A_1980 = vector.shape_cast %swap3A_1979 : vector<16xf32> to vector<16xf32>
    %swap3A_1981 = vector.shape_cast %add3A_1965 : vector<16xf32> to vector<16xf32>
    tpu.vector_store %arg22[%swap3A_1978], %swap3A_1981 {strides = array<i32>} : memref<656xf32, #tpu.memory_space<vmem>>, vector<16xf32>,
    %sub3A_1982 = arith.subf %add3A_1961, %sub3A_1953 : vector<16xf32>
    %max3A_1983 = arith.constant 0.000000e+00 : f32
    %max3A_1984 = vector.broadcast %max3A_1983 : f32 to vector<16xf32>
    %max3A_1985 = arith.maximumf %sub3A_1982, %max3A_1984 : vector<16xf32>
    %sub3A_1986 = arith.subf %add3A_1965, %sub3A_1957 : vector<16xf32>
    %max3A_1987 = arith.constant 0.000000e+00 : f32
    %max3A_1988 = vector.broadcast %max3A_1987 : f32 to vector<16xf32>
    %max3A_1989 = arith.maximumf %sub3A_1986, %max3A_1988 : vector<16xf32>
    %mul3A_1990 = arith.mulf %max3A_1985, %max3A_1989 : vector<16xf32>
    %swap3A_1991 = arith.constant 304 : index
    %swap3A_1992 = tpu.vector_load %arg23[%swap3A_1991] {strides = array<i32>} : memref<656xf32, #tpu.memory_space<vmem>>, vector<16xf32>,
    %swap3A_1993 = vector.shape_cast %swap3A_1992 : vector<16xf32> to vector<16xf32>
    %swap3A_1994 = vector.shape_cast %mul3A_1990 : vector<16xf32> to vector<16xf32>
    tpu.vector_store %arg23[%swap3A_1991], %swap3A_1994 {strides = array<i32>} : memref<656xf32, #tpu.memory_space<vmem>>, vector<16xf32>,
    %swap3A_1995 = arith.constant 304 : index
    %swap3A_1996 = tpu.vector_load %arg24[%swap3A_1995] {strides = array<i32>} : memref<656xf32, #tpu.memory_space<vmem>>, vector<16xf32>,
    %swap3A_1997 = vector.shape_cast %swap3A_1996 : vector<16xf32> to vector<16xf32>
    %swap3A_1998 = vector.shape_cast %get3A_1916 : vector<16xf32> to vector<16xf32>
    tpu.vector_store %arg24[%swap3A_1995], %swap3A_1998 {strides = array<i32>} : memref<656xf32, #tpu.memory_space<vmem>>, vector<16xf32>,
    %add3A_1999 = arith.constant 304 : i32
    %add3A_2000 = vector.broadcast %add3A_1999 : i32 to vector<16xi32>
    %add3A_2001 = arith.addi %iota3A, %add3A_2000 : vector<16xi32>
    %swap3A_2002 = arith.constant 304 : index
    %swap3A_2003 = tpu.vector_load %arg25[%swap3A_2002] {strides = array<i32>} : memref<656xi32, #tpu.memory_space<vmem>>, vector<16xi32>,
    %swap3A_2004 = vector.shape_cast %swap3A_2003 : vector<16xi32> to vector<16xi32>
    %swap3A_2005 = vector.shape_cast %add3A_2001 : vector<16xi32> to vector<16xi32>
    tpu.vector_store %arg25[%swap3A_2002], %swap3A_2005 {strides = array<i32>} : memref<656xi32, #tpu.memory_space<vmem>>, vector<16xi32>,
    %jit3A_2006 = arith.constant 1 : i32
    %jit3A_2007 = arith.constant 0 : i32
    %broadcast_in_dim3A_2008 = vector.broadcast %jit3A_2006 : i32 to vector<16xi32>
    %broadcast_in_dim3A_2009 = vector.broadcast %jit3A_2007 : i32 to vector<16xi32>
    %select_n3A_2010 = arith.select %gt3A_1919, %broadcast_in_dim3A_2008, %broadcast_in_dim3A_2009 : vector<16xi1>, vector<16xi32>
    %swap3A_2011 = arith.constant 304 : index
    %swap3A_2012 = tpu.vector_load %arg26[%swap3A_2011] {strides = array<i32>} : memref<656xi32, #tpu.memory_space<vmem>>, vector<16xi32>,
    %swap3A_2013 = vector.shape_cast %swap3A_2012 : vector<16xi32> to vector<16xi32>
    %swap3A_2014 = vector.shape_cast %select_n3A_2010 : vector<16xi32> to vector<16xi32>
    tpu.vector_store %arg26[%swap3A_2011], %swap3A_2014 {strides = array<i32>} : memref<656xi32, #tpu.memory_space<vmem>>, vector<16xi32>,
    %get3A_2015 = arith.constant 320 : index
    %get3A_2016 = tpu.vector_load %arg14[%get3A_2015] {strides = array<i32>} : memref<640xf32, #tpu.memory_space<vmem>>, vector<16xf32>,
    %get3A_2017 = vector.shape_cast %get3A_2016 : vector<16xf32> to vector<16xf32>
    %gt3A_2018 = arith.constant -5.000000e+08 : f32
    %gt3A_2019 = vector.broadcast %gt3A_2018 : f32 to vector<16xf32>
    %gt3A_2020 = arith.cmpf ogt, %get3A_2017, %gt3A_2019 : vector<16xf32>
    %get3A_2021 = arith.constant 320 : index
    %get3A_2022 = tpu.vector_load %arg15[%get3A_2021] {strides = array<i32>} : memref<640xf32, #tpu.memory_space<vmem>>, vector<16xf32>,
    %get3A_2023 = vector.shape_cast %get3A_2022 : vector<16xf32> to vector<16xf32>
    %mul3A_2024 = arith.constant 1.024000e+03 : f32
    %mul3A_2025 = vector.broadcast %mul3A_2024 : f32 to vector<16xf32>
    %mul3A_2026 = arith.mulf %get3A_2023, %mul3A_2025 : vector<16xf32>
    %get3A_2027 = arith.constant 320 : index
    %get3A_2028 = tpu.vector_load %arg16[%get3A_2027] {strides = array<i32>} : memref<640xf32, #tpu.memory_space<vmem>>, vector<16xf32>,
    %get3A_2029 = vector.shape_cast %get3A_2028 : vector<16xf32> to vector<16xf32>
    %mul3A_2030 = arith.constant 1.024000e+03 : f32
    %mul3A_2031 = vector.broadcast %mul3A_2030 : f32 to vector<16xf32>
    %mul3A_2032 = arith.mulf %get3A_2029, %mul3A_2031 : vector<16xf32>
    %get3A_2033 = arith.constant 320 : index
    %get3A_2034 = tpu.vector_load %arg17[%get3A_2033] {strides = array<i32>} : memref<640xf32, #tpu.memory_space<vmem>>, vector<16xf32>,
    %get3A_2035 = vector.shape_cast %get3A_2034 : vector<16xf32> to vector<16xf32>
    %mul3A_2036 = arith.constant 2.560000e+02 : f32
    %mul3A_2037 = vector.broadcast %mul3A_2036 : f32 to vector<16xf32>
    %mul3A_2038 = arith.mulf %get3A_2035, %mul3A_2037 : vector<16xf32>
    %add3A_2039 = arith.constant 1.000000e+00 : f32
    %add3A_2040 = vector.broadcast %add3A_2039 : f32 to vector<16xf32>
    %add3A_2041 = arith.addf %mul3A_2038, %add3A_2040 : vector<16xf32>
    %get3A_2042 = arith.constant 320 : index
    %get3A_2043 = tpu.vector_load %arg18[%get3A_2042] {strides = array<i32>} : memref<640xf32, #tpu.memory_space<vmem>>, vector<16xf32>,
    %get3A_2044 = vector.shape_cast %get3A_2043 : vector<16xf32> to vector<16xf32>
    %mul3A_2045 = arith.constant 2.560000e+02 : f32
    %mul3A_2046 = vector.broadcast %mul3A_2045 : f32 to vector<16xf32>
    %mul3A_2047 = arith.mulf %get3A_2044, %mul3A_2046 : vector<16xf32>
    %add3A_2048 = arith.constant 1.000000e+00 : f32
    %add3A_2049 = vector.broadcast %add3A_2048 : f32 to vector<16xf32>
    %add3A_2050 = arith.addf %mul3A_2047, %add3A_2049 : vector<16xf32>
    %mul3A_2051 = arith.constant 5.000000e-01 : f32
    %mul3A_2052 = vector.broadcast %mul3A_2051 : f32 to vector<16xf32>
    %mul3A_2053 = arith.mulf %add3A_2041, %mul3A_2052 : vector<16xf32>
    %sub3A_2054 = arith.subf %mul3A_2026, %mul3A_2053 : vector<16xf32>
    %mul3A_2055 = arith.constant 5.000000e-01 : f32
    %mul3A_2056 = vector.broadcast %mul3A_2055 : f32 to vector<16xf32>
    %mul3A_2057 = arith.mulf %add3A_2050, %mul3A_2056 : vector<16xf32>
    %sub3A_2058 = arith.subf %mul3A_2032, %mul3A_2057 : vector<16xf32>
    %mul3A_2059 = arith.constant 5.000000e-01 : f32
    %mul3A_2060 = vector.broadcast %mul3A_2059 : f32 to vector<16xf32>
    %mul3A_2061 = arith.mulf %add3A_2041, %mul3A_2060 : vector<16xf32>
    %add3A_2062 = arith.addf %mul3A_2026, %mul3A_2061 : vector<16xf32>
    %mul3A_2063 = arith.constant 5.000000e-01 : f32
    %mul3A_2064 = vector.broadcast %mul3A_2063 : f32 to vector<16xf32>
    %mul3A_2065 = arith.mulf %add3A_2050, %mul3A_2064 : vector<16xf32>
    %add3A_2066 = arith.addf %mul3A_2032, %mul3A_2065 : vector<16xf32>
    %swap3A_2067 = arith.constant 320 : index
    %swap3A_2068 = tpu.vector_load %arg19[%swap3A_2067] {strides = array<i32>} : memref<656xf32, #tpu.memory_space<vmem>>, vector<16xf32>,
    %swap3A_2069 = vector.shape_cast %swap3A_2068 : vector<16xf32> to vector<16xf32>
    %swap3A_2070 = vector.shape_cast %sub3A_2054 : vector<16xf32> to vector<16xf32>
    tpu.vector_store %arg19[%swap3A_2067], %swap3A_2070 {strides = array<i32>} : memref<656xf32, #tpu.memory_space<vmem>>, vector<16xf32>,
    %swap3A_2071 = arith.constant 320 : index
    %swap3A_2072 = tpu.vector_load %arg20[%swap3A_2071] {strides = array<i32>} : memref<656xf32, #tpu.memory_space<vmem>>, vector<16xf32>,
    %swap3A_2073 = vector.shape_cast %swap3A_2072 : vector<16xf32> to vector<16xf32>
    %swap3A_2074 = vector.shape_cast %sub3A_2058 : vector<16xf32> to vector<16xf32>
    tpu.vector_store %arg20[%swap3A_2071], %swap3A_2074 {strides = array<i32>} : memref<656xf32, #tpu.memory_space<vmem>>, vector<16xf32>,
    %swap3A_2075 = arith.constant 320 : index
    %swap3A_2076 = tpu.vector_load %arg21[%swap3A_2075] {strides = array<i32>} : memref<656xf32, #tpu.memory_space<vmem>>, vector<16xf32>,
    %swap3A_2077 = vector.shape_cast %swap3A_2076 : vector<16xf32> to vector<16xf32>
    %swap3A_2078 = vector.shape_cast %add3A_2062 : vector<16xf32> to vector<16xf32>
    tpu.vector_store %arg21[%swap3A_2075], %swap3A_2078 {strides = array<i32>} : memref<656xf32, #tpu.memory_space<vmem>>, vector<16xf32>,
    %swap3A_2079 = arith.constant 320 : index
    %swap3A_2080 = tpu.vector_load %arg22[%swap3A_2079] {strides = array<i32>} : memref<656xf32, #tpu.memory_space<vmem>>, vector<16xf32>,
    %swap3A_2081 = vector.shape_cast %swap3A_2080 : vector<16xf32> to vector<16xf32>
    %swap3A_2082 = vector.shape_cast %add3A_2066 : vector<16xf32> to vector<16xf32>
    tpu.vector_store %arg22[%swap3A_2079], %swap3A_2082 {strides = array<i32>} : memref<656xf32, #tpu.memory_space<vmem>>, vector<16xf32>,
    %sub3A_2083 = arith.subf %add3A_2062, %sub3A_2054 : vector<16xf32>
    %max3A_2084 = arith.constant 0.000000e+00 : f32
    %max3A_2085 = vector.broadcast %max3A_2084 : f32 to vector<16xf32>
    %max3A_2086 = arith.maximumf %sub3A_2083, %max3A_2085 : vector<16xf32>
    %sub3A_2087 = arith.subf %add3A_2066, %sub3A_2058 : vector<16xf32>
    %max3A_2088 = arith.constant 0.000000e+00 : f32
    %max3A_2089 = vector.broadcast %max3A_2088 : f32 to vector<16xf32>
    %max3A_2090 = arith.maximumf %sub3A_2087, %max3A_2089 : vector<16xf32>
    %mul3A_2091 = arith.mulf %max3A_2086, %max3A_2090 : vector<16xf32>
    %swap3A_2092 = arith.constant 320 : index
    %swap3A_2093 = tpu.vector_load %arg23[%swap3A_2092] {strides = array<i32>} : memref<656xf32, #tpu.memory_space<vmem>>, vector<16xf32>,
    %swap3A_2094 = vector.shape_cast %swap3A_2093 : vector<16xf32> to vector<16xf32>
    %swap3A_2095 = vector.shape_cast %mul3A_2091 : vector<16xf32> to vector<16xf32>
    tpu.vector_store %arg23[%swap3A_2092], %swap3A_2095 {strides = array<i32>} : memref<656xf32, #tpu.memory_space<vmem>>, vector<16xf32>,
    %swap3A_2096 = arith.constant 320 : index
    %swap3A_2097 = tpu.vector_load %arg24[%swap3A_2096] {strides = array<i32>} : memref<656xf32, #tpu.memory_space<vmem>>, vector<16xf32>,
    %swap3A_2098 = vector.shape_cast %swap3A_2097 : vector<16xf32> to vector<16xf32>
    %swap3A_2099 = vector.shape_cast %get3A_2017 : vector<16xf32> to vector<16xf32>
    tpu.vector_store %arg24[%swap3A_2096], %swap3A_2099 {strides = array<i32>} : memref<656xf32, #tpu.memory_space<vmem>>, vector<16xf32>,
    %add3A_2100 = arith.constant 320 : i32
    %add3A_2101 = vector.broadcast %add3A_2100 : i32 to vector<16xi32>
    %add3A_2102 = arith.addi %iota3A, %add3A_2101 : vector<16xi32>
    %swap3A_2103 = arith.constant 320 : index
    %swap3A_2104 = tpu.vector_load %arg25[%swap3A_2103] {strides = array<i32>} : memref<656xi32, #tpu.memory_space<vmem>>, vector<16xi32>,
    %swap3A_2105 = vector.shape_cast %swap3A_2104 : vector<16xi32> to vector<16xi32>
    %swap3A_2106 = vector.shape_cast %add3A_2102 : vector<16xi32> to vector<16xi32>
    tpu.vector_store %arg25[%swap3A_2103], %swap3A_2106 {strides = array<i32>} : memref<656xi32, #tpu.memory_space<vmem>>, vector<16xi32>,
    %jit3A_2107 = arith.constant 1 : i32
    %jit3A_2108 = arith.constant 0 : i32
    %broadcast_in_dim3A_2109 = vector.broadcast %jit3A_2107 : i32 to vector<16xi32>
    %broadcast_in_dim3A_2110 = vector.broadcast %jit3A_2108 : i32 to vector<16xi32>
    %select_n3A_2111 = arith.select %gt3A_2020, %broadcast_in_dim3A_2109, %broadcast_in_dim3A_2110 : vector<16xi1>, vector<16xi32>
    %swap3A_2112 = arith.constant 320 : index
    %swap3A_2113 = tpu.vector_load %arg26[%swap3A_2112] {strides = array<i32>} : memref<656xi32, #tpu.memory_space<vmem>>, vector<16xi32>,
    %swap3A_2114 = vector.shape_cast %swap3A_2113 : vector<16xi32> to vector<16xi32>
    %swap3A_2115 = vector.shape_cast %select_n3A_2111 : vector<16xi32> to vector<16xi32>
    tpu.vector_store %arg26[%swap3A_2112], %swap3A_2115 {strides = array<i32>} : memref<656xi32, #tpu.memory_space<vmem>>, vector<16xi32>,
    %get3A_2116 = arith.constant 336 : index
    %get3A_2117 = tpu.vector_load %arg14[%get3A_2116] {strides = array<i32>} : memref<640xf32, #tpu.memory_space<vmem>>, vector<16xf32>,
    %get3A_2118 = vector.shape_cast %get3A_2117 : vector<16xf32> to vector<16xf32>
    %gt3A_2119 = arith.constant -5.000000e+08 : f32
    %gt3A_2120 = vector.broadcast %gt3A_2119 : f32 to vector<16xf32>
    %gt3A_2121 = arith.cmpf ogt, %get3A_2118, %gt3A_2120 : vector<16xf32>
    %get3A_2122 = arith.constant 336 : index
    %get3A_2123 = tpu.vector_load %arg15[%get3A_2122] {strides = array<i32>} : memref<640xf32, #tpu.memory_space<vmem>>, vector<16xf32>,
    %get3A_2124 = vector.shape_cast %get3A_2123 : vector<16xf32> to vector<16xf32>
    %mul3A_2125 = arith.constant 1.024000e+03 : f32
    %mul3A_2126 = vector.broadcast %mul3A_2125 : f32 to vector<16xf32>
    %mul3A_2127 = arith.mulf %get3A_2124, %mul3A_2126 : vector<16xf32>
    %get3A_2128 = arith.constant 336 : index
    %get3A_2129 = tpu.vector_load %arg16[%get3A_2128] {strides = array<i32>} : memref<640xf32, #tpu.memory_space<vmem>>, vector<16xf32>,
    %get3A_2130 = vector.shape_cast %get3A_2129 : vector<16xf32> to vector<16xf32>
    %mul3A_2131 = arith.constant 1.024000e+03 : f32
    %mul3A_2132 = vector.broadcast %mul3A_2131 : f32 to vector<16xf32>
    %mul3A_2133 = arith.mulf %get3A_2130, %mul3A_2132 : vector<16xf32>
    %get3A_2134 = arith.constant 336 : index
    %get3A_2135 = tpu.vector_load %arg17[%get3A_2134] {strides = array<i32>} : memref<640xf32, #tpu.memory_space<vmem>>, vector<16xf32>,
    %get3A_2136 = vector.shape_cast %get3A_2135 : vector<16xf32> to vector<16xf32>
    %mul3A_2137 = arith.constant 2.560000e+02 : f32
    %mul3A_2138 = vector.broadcast %mul3A_2137 : f32 to vector<16xf32>
    %mul3A_2139 = arith.mulf %get3A_2136, %mul3A_2138 : vector<16xf32>
    %add3A_2140 = arith.constant 1.000000e+00 : f32
    %add3A_2141 = vector.broadcast %add3A_2140 : f32 to vector<16xf32>
    %add3A_2142 = arith.addf %mul3A_2139, %add3A_2141 : vector<16xf32>
    %get3A_2143 = arith.constant 336 : index
    %get3A_2144 = tpu.vector_load %arg18[%get3A_2143] {strides = array<i32>} : memref<640xf32, #tpu.memory_space<vmem>>, vector<16xf32>,
    %get3A_2145 = vector.shape_cast %get3A_2144 : vector<16xf32> to vector<16xf32>
    %mul3A_2146 = arith.constant 2.560000e+02 : f32
    %mul3A_2147 = vector.broadcast %mul3A_2146 : f32 to vector<16xf32>
    %mul3A_2148 = arith.mulf %get3A_2145, %mul3A_2147 : vector<16xf32>
    %add3A_2149 = arith.constant 1.000000e+00 : f32
    %add3A_2150 = vector.broadcast %add3A_2149 : f32 to vector<16xf32>
    %add3A_2151 = arith.addf %mul3A_2148, %add3A_2150 : vector<16xf32>
    %mul3A_2152 = arith.constant 5.000000e-01 : f32
    %mul3A_2153 = vector.broadcast %mul3A_2152 : f32 to vector<16xf32>
    %mul3A_2154 = arith.mulf %add3A_2142, %mul3A_2153 : vector<16xf32>
    %sub3A_2155 = arith.subf %mul3A_2127, %mul3A_2154 : vector<16xf32>
    %mul3A_2156 = arith.constant 5.000000e-01 : f32
    %mul3A_2157 = vector.broadcast %mul3A_2156 : f32 to vector<16xf32>
    %mul3A_2158 = arith.mulf %add3A_2151, %mul3A_2157 : vector<16xf32>
    %sub3A_2159 = arith.subf %mul3A_2133, %mul3A_2158 : vector<16xf32>
    %mul3A_2160 = arith.constant 5.000000e-01 : f32
    %mul3A_2161 = vector.broadcast %mul3A_2160 : f32 to vector<16xf32>
    %mul3A_2162 = arith.mulf %add3A_2142, %mul3A_2161 : vector<16xf32>
    %add3A_2163 = arith.addf %mul3A_2127, %mul3A_2162 : vector<16xf32>
    %mul3A_2164 = arith.constant 5.000000e-01 : f32
    %mul3A_2165 = vector.broadcast %mul3A_2164 : f32 to vector<16xf32>
    %mul3A_2166 = arith.mulf %add3A_2151, %mul3A_2165 : vector<16xf32>
    %add3A_2167 = arith.addf %mul3A_2133, %mul3A_2166 : vector<16xf32>
    %swap3A_2168 = arith.constant 336 : index
    %swap3A_2169 = tpu.vector_load %arg19[%swap3A_2168] {strides = array<i32>} : memref<656xf32, #tpu.memory_space<vmem>>, vector<16xf32>,
    %swap3A_2170 = vector.shape_cast %swap3A_2169 : vector<16xf32> to vector<16xf32>
    %swap3A_2171 = vector.shape_cast %sub3A_2155 : vector<16xf32> to vector<16xf32>
    tpu.vector_store %arg19[%swap3A_2168], %swap3A_2171 {strides = array<i32>} : memref<656xf32, #tpu.memory_space<vmem>>, vector<16xf32>,
    %swap3A_2172 = arith.constant 336 : index
    %swap3A_2173 = tpu.vector_load %arg20[%swap3A_2172] {strides = array<i32>} : memref<656xf32, #tpu.memory_space<vmem>>, vector<16xf32>,
    %swap3A_2174 = vector.shape_cast %swap3A_2173 : vector<16xf32> to vector<16xf32>
    %swap3A_2175 = vector.shape_cast %sub3A_2159 : vector<16xf32> to vector<16xf32>
    tpu.vector_store %arg20[%swap3A_2172], %swap3A_2175 {strides = array<i32>} : memref<656xf32, #tpu.memory_space<vmem>>, vector<16xf32>,
    %swap3A_2176 = arith.constant 336 : index
    %swap3A_2177 = tpu.vector_load %arg21[%swap3A_2176] {strides = array<i32>} : memref<656xf32, #tpu.memory_space<vmem>>, vector<16xf32>,
    %swap3A_2178 = vector.shape_cast %swap3A_2177 : vector<16xf32> to vector<16xf32>
    %swap3A_2179 = vector.shape_cast %add3A_2163 : vector<16xf32> to vector<16xf32>
    tpu.vector_store %arg21[%swap3A_2176], %swap3A_2179 {strides = array<i32>} : memref<656xf32, #tpu.memory_space<vmem>>, vector<16xf32>,
    %swap3A_2180 = arith.constant 336 : index
    %swap3A_2181 = tpu.vector_load %arg22[%swap3A_2180] {strides = array<i32>} : memref<656xf32, #tpu.memory_space<vmem>>, vector<16xf32>,
    %swap3A_2182 = vector.shape_cast %swap3A_2181 : vector<16xf32> to vector<16xf32>
    %swap3A_2183 = vector.shape_cast %add3A_2167 : vector<16xf32> to vector<16xf32>
    tpu.vector_store %arg22[%swap3A_2180], %swap3A_2183 {strides = array<i32>} : memref<656xf32, #tpu.memory_space<vmem>>, vector<16xf32>,
    %sub3A_2184 = arith.subf %add3A_2163, %sub3A_2155 : vector<16xf32>
    %max3A_2185 = arith.constant 0.000000e+00 : f32
    %max3A_2186 = vector.broadcast %max3A_2185 : f32 to vector<16xf32>
    %max3A_2187 = arith.maximumf %sub3A_2184, %max3A_2186 : vector<16xf32>
    %sub3A_2188 = arith.subf %add3A_2167, %sub3A_2159 : vector<16xf32>
    %max3A_2189 = arith.constant 0.000000e+00 : f32
    %max3A_2190 = vector.broadcast %max3A_2189 : f32 to vector<16xf32>
    %max3A_2191 = arith.maximumf %sub3A_2188, %max3A_2190 : vector<16xf32>
    %mul3A_2192 = arith.mulf %max3A_2187, %max3A_2191 : vector<16xf32>
    %swap3A_2193 = arith.constant 336 : index
    %swap3A_2194 = tpu.vector_load %arg23[%swap3A_2193] {strides = array<i32>} : memref<656xf32, #tpu.memory_space<vmem>>, vector<16xf32>,
    %swap3A_2195 = vector.shape_cast %swap3A_2194 : vector<16xf32> to vector<16xf32>
    %swap3A_2196 = vector.shape_cast %mul3A_2192 : vector<16xf32> to vector<16xf32>
    tpu.vector_store %arg23[%swap3A_2193], %swap3A_2196 {strides = array<i32>} : memref<656xf32, #tpu.memory_space<vmem>>, vector<16xf32>,
    %swap3A_2197 = arith.constant 336 : index
    %swap3A_2198 = tpu.vector_load %arg24[%swap3A_2197] {strides = array<i32>} : memref<656xf32, #tpu.memory_space<vmem>>, vector<16xf32>,
    %swap3A_2199 = vector.shape_cast %swap3A_2198 : vector<16xf32> to vector<16xf32>
    %swap3A_2200 = vector.shape_cast %get3A_2118 : vector<16xf32> to vector<16xf32>
    tpu.vector_store %arg24[%swap3A_2197], %swap3A_2200 {strides = array<i32>} : memref<656xf32, #tpu.memory_space<vmem>>, vector<16xf32>,
    %add3A_2201 = arith.constant 336 : i32
    %add3A_2202 = vector.broadcast %add3A_2201 : i32 to vector<16xi32>
    %add3A_2203 = arith.addi %iota3A, %add3A_2202 : vector<16xi32>
    %swap3A_2204 = arith.constant 336 : index
    %swap3A_2205 = tpu.vector_load %arg25[%swap3A_2204] {strides = array<i32>} : memref<656xi32, #tpu.memory_space<vmem>>, vector<16xi32>,
    %swap3A_2206 = vector.shape_cast %swap3A_2205 : vector<16xi32> to vector<16xi32>
    %swap3A_2207 = vector.shape_cast %add3A_2203 : vector<16xi32> to vector<16xi32>
    tpu.vector_store %arg25[%swap3A_2204], %swap3A_2207 {strides = array<i32>} : memref<656xi32, #tpu.memory_space<vmem>>, vector<16xi32>,
    %jit3A_2208 = arith.constant 1 : i32
    %jit3A_2209 = arith.constant 0 : i32
    %broadcast_in_dim3A_2210 = vector.broadcast %jit3A_2208 : i32 to vector<16xi32>
    %broadcast_in_dim3A_2211 = vector.broadcast %jit3A_2209 : i32 to vector<16xi32>
    %select_n3A_2212 = arith.select %gt3A_2121, %broadcast_in_dim3A_2210, %broadcast_in_dim3A_2211 : vector<16xi1>, vector<16xi32>
    %swap3A_2213 = arith.constant 336 : index
    %swap3A_2214 = tpu.vector_load %arg26[%swap3A_2213] {strides = array<i32>} : memref<656xi32, #tpu.memory_space<vmem>>, vector<16xi32>,
    %swap3A_2215 = vector.shape_cast %swap3A_2214 : vector<16xi32> to vector<16xi32>
    %swap3A_2216 = vector.shape_cast %select_n3A_2212 : vector<16xi32> to vector<16xi32>
    tpu.vector_store %arg26[%swap3A_2213], %swap3A_2216 {strides = array<i32>} : memref<656xi32, #tpu.memory_space<vmem>>, vector<16xi32>,
    %get3A_2217 = arith.constant 352 : index
    %get3A_2218 = tpu.vector_load %arg14[%get3A_2217] {strides = array<i32>} : memref<640xf32, #tpu.memory_space<vmem>>, vector<16xf32>,
    %get3A_2219 = vector.shape_cast %get3A_2218 : vector<16xf32> to vector<16xf32>
    %gt3A_2220 = arith.constant -5.000000e+08 : f32
    %gt3A_2221 = vector.broadcast %gt3A_2220 : f32 to vector<16xf32>
    %gt3A_2222 = arith.cmpf ogt, %get3A_2219, %gt3A_2221 : vector<16xf32>
    %get3A_2223 = arith.constant 352 : index
    %get3A_2224 = tpu.vector_load %arg15[%get3A_2223] {strides = array<i32>} : memref<640xf32, #tpu.memory_space<vmem>>, vector<16xf32>,
    %get3A_2225 = vector.shape_cast %get3A_2224 : vector<16xf32> to vector<16xf32>
    %mul3A_2226 = arith.constant 1.024000e+03 : f32
    %mul3A_2227 = vector.broadcast %mul3A_2226 : f32 to vector<16xf32>
    %mul3A_2228 = arith.mulf %get3A_2225, %mul3A_2227 : vector<16xf32>
    %get3A_2229 = arith.constant 352 : index
    %get3A_2230 = tpu.vector_load %arg16[%get3A_2229] {strides = array<i32>} : memref<640xf32, #tpu.memory_space<vmem>>, vector<16xf32>,
    %get3A_2231 = vector.shape_cast %get3A_2230 : vector<16xf32> to vector<16xf32>
    %mul3A_2232 = arith.constant 1.024000e+03 : f32
    %mul3A_2233 = vector.broadcast %mul3A_2232 : f32 to vector<16xf32>
    %mul3A_2234 = arith.mulf %get3A_2231, %mul3A_2233 : vector<16xf32>
    %get3A_2235 = arith.constant 352 : index
    %get3A_2236 = tpu.vector_load %arg17[%get3A_2235] {strides = array<i32>} : memref<640xf32, #tpu.memory_space<vmem>>, vector<16xf32>,
    %get3A_2237 = vector.shape_cast %get3A_2236 : vector<16xf32> to vector<16xf32>
    %mul3A_2238 = arith.constant 2.560000e+02 : f32
    %mul3A_2239 = vector.broadcast %mul3A_2238 : f32 to vector<16xf32>
    %mul3A_2240 = arith.mulf %get3A_2237, %mul3A_2239 : vector<16xf32>
    %add3A_2241 = arith.constant 1.000000e+00 : f32
    %add3A_2242 = vector.broadcast %add3A_2241 : f32 to vector<16xf32>
    %add3A_2243 = arith.addf %mul3A_2240, %add3A_2242 : vector<16xf32>
    %get3A_2244 = arith.constant 352 : index
    %get3A_2245 = tpu.vector_load %arg18[%get3A_2244] {strides = array<i32>} : memref<640xf32, #tpu.memory_space<vmem>>, vector<16xf32>,
    %get3A_2246 = vector.shape_cast %get3A_2245 : vector<16xf32> to vector<16xf32>
    %mul3A_2247 = arith.constant 2.560000e+02 : f32
    %mul3A_2248 = vector.broadcast %mul3A_2247 : f32 to vector<16xf32>
    %mul3A_2249 = arith.mulf %get3A_2246, %mul3A_2248 : vector<16xf32>
    %add3A_2250 = arith.constant 1.000000e+00 : f32
    %add3A_2251 = vector.broadcast %add3A_2250 : f32 to vector<16xf32>
    %add3A_2252 = arith.addf %mul3A_2249, %add3A_2251 : vector<16xf32>
    %mul3A_2253 = arith.constant 5.000000e-01 : f32
    %mul3A_2254 = vector.broadcast %mul3A_2253 : f32 to vector<16xf32>
    %mul3A_2255 = arith.mulf %add3A_2243, %mul3A_2254 : vector<16xf32>
    %sub3A_2256 = arith.subf %mul3A_2228, %mul3A_2255 : vector<16xf32>
    %mul3A_2257 = arith.constant 5.000000e-01 : f32
    %mul3A_2258 = vector.broadcast %mul3A_2257 : f32 to vector<16xf32>
    %mul3A_2259 = arith.mulf %add3A_2252, %mul3A_2258 : vector<16xf32>
    %sub3A_2260 = arith.subf %mul3A_2234, %mul3A_2259 : vector<16xf32>
    %mul3A_2261 = arith.constant 5.000000e-01 : f32
    %mul3A_2262 = vector.broadcast %mul3A_2261 : f32 to vector<16xf32>
    %mul3A_2263 = arith.mulf %add3A_2243, %mul3A_2262 : vector<16xf32>
    %add3A_2264 = arith.addf %mul3A_2228, %mul3A_2263 : vector<16xf32>
    %mul3A_2265 = arith.constant 5.000000e-01 : f32
    %mul3A_2266 = vector.broadcast %mul3A_2265 : f32 to vector<16xf32>
    %mul3A_2267 = arith.mulf %add3A_2252, %mul3A_2266 : vector<16xf32>
    %add3A_2268 = arith.addf %mul3A_2234, %mul3A_2267 : vector<16xf32>
    %swap3A_2269 = arith.constant 352 : index
    %swap3A_2270 = tpu.vector_load %arg19[%swap3A_2269] {strides = array<i32>} : memref<656xf32, #tpu.memory_space<vmem>>, vector<16xf32>,
    %swap3A_2271 = vector.shape_cast %swap3A_2270 : vector<16xf32> to vector<16xf32>
    %swap3A_2272 = vector.shape_cast %sub3A_2256 : vector<16xf32> to vector<16xf32>
    tpu.vector_store %arg19[%swap3A_2269], %swap3A_2272 {strides = array<i32>} : memref<656xf32, #tpu.memory_space<vmem>>, vector<16xf32>,
    %swap3A_2273 = arith.constant 352 : index
    %swap3A_2274 = tpu.vector_load %arg20[%swap3A_2273] {strides = array<i32>} : memref<656xf32, #tpu.memory_space<vmem>>, vector<16xf32>,
    %swap3A_2275 = vector.shape_cast %swap3A_2274 : vector<16xf32> to vector<16xf32>
    %swap3A_2276 = vector.shape_cast %sub3A_2260 : vector<16xf32> to vector<16xf32>
    tpu.vector_store %arg20[%swap3A_2273], %swap3A_2276 {strides = array<i32>} : memref<656xf32, #tpu.memory_space<vmem>>, vector<16xf32>,
    %swap3A_2277 = arith.constant 352 : index
    %swap3A_2278 = tpu.vector_load %arg21[%swap3A_2277] {strides = array<i32>} : memref<656xf32, #tpu.memory_space<vmem>>, vector<16xf32>,
    %swap3A_2279 = vector.shape_cast %swap3A_2278 : vector<16xf32> to vector<16xf32>
    %swap3A_2280 = vector.shape_cast %add3A_2264 : vector<16xf32> to vector<16xf32>
    tpu.vector_store %arg21[%swap3A_2277], %swap3A_2280 {strides = array<i32>} : memref<656xf32, #tpu.memory_space<vmem>>, vector<16xf32>,
    %swap3A_2281 = arith.constant 352 : index
    %swap3A_2282 = tpu.vector_load %arg22[%swap3A_2281] {strides = array<i32>} : memref<656xf32, #tpu.memory_space<vmem>>, vector<16xf32>,
    %swap3A_2283 = vector.shape_cast %swap3A_2282 : vector<16xf32> to vector<16xf32>
    %swap3A_2284 = vector.shape_cast %add3A_2268 : vector<16xf32> to vector<16xf32>
    tpu.vector_store %arg22[%swap3A_2281], %swap3A_2284 {strides = array<i32>} : memref<656xf32, #tpu.memory_space<vmem>>, vector<16xf32>,
    %sub3A_2285 = arith.subf %add3A_2264, %sub3A_2256 : vector<16xf32>
    %max3A_2286 = arith.constant 0.000000e+00 : f32
    %max3A_2287 = vector.broadcast %max3A_2286 : f32 to vector<16xf32>
    %max3A_2288 = arith.maximumf %sub3A_2285, %max3A_2287 : vector<16xf32>
    %sub3A_2289 = arith.subf %add3A_2268, %sub3A_2260 : vector<16xf32>
    %max3A_2290 = arith.constant 0.000000e+00 : f32
    %max3A_2291 = vector.broadcast %max3A_2290 : f32 to vector<16xf32>
    %max3A_2292 = arith.maximumf %sub3A_2289, %max3A_2291 : vector<16xf32>
    %mul3A_2293 = arith.mulf %max3A_2288, %max3A_2292 : vector<16xf32>
    %swap3A_2294 = arith.constant 352 : index
    %swap3A_2295 = tpu.vector_load %arg23[%swap3A_2294] {strides = array<i32>} : memref<656xf32, #tpu.memory_space<vmem>>, vector<16xf32>,
    %swap3A_2296 = vector.shape_cast %swap3A_2295 : vector<16xf32> to vector<16xf32>
    %swap3A_2297 = vector.shape_cast %mul3A_2293 : vector<16xf32> to vector<16xf32>
    tpu.vector_store %arg23[%swap3A_2294], %swap3A_2297 {strides = array<i32>} : memref<656xf32, #tpu.memory_space<vmem>>, vector<16xf32>,
    %swap3A_2298 = arith.constant 352 : index
    %swap3A_2299 = tpu.vector_load %arg24[%swap3A_2298] {strides = array<i32>} : memref<656xf32, #tpu.memory_space<vmem>>, vector<16xf32>,
    %swap3A_2300 = vector.shape_cast %swap3A_2299 : vector<16xf32> to vector<16xf32>
    %swap3A_2301 = vector.shape_cast %get3A_2219 : vector<16xf32> to vector<16xf32>
    tpu.vector_store %arg24[%swap3A_2298], %swap3A_2301 {strides = array<i32>} : memref<656xf32, #tpu.memory_space<vmem>>, vector<16xf32>,
    %add3A_2302 = arith.constant 352 : i32
    %add3A_2303 = vector.broadcast %add3A_2302 : i32 to vector<16xi32>
    %add3A_2304 = arith.addi %iota3A, %add3A_2303 : vector<16xi32>
    %swap3A_2305 = arith.constant 352 : index
    %swap3A_2306 = tpu.vector_load %arg25[%swap3A_2305] {strides = array<i32>} : memref<656xi32, #tpu.memory_space<vmem>>, vector<16xi32>,
    %swap3A_2307 = vector.shape_cast %swap3A_2306 : vector<16xi32> to vector<16xi32>
    %swap3A_2308 = vector.shape_cast %add3A_2304 : vector<16xi32> to vector<16xi32>
    tpu.vector_store %arg25[%swap3A_2305], %swap3A_2308 {strides = array<i32>} : memref<656xi32, #tpu.memory_space<vmem>>, vector<16xi32>,
    %jit3A_2309 = arith.constant 1 : i32
    %jit3A_2310 = arith.constant 0 : i32
    %broadcast_in_dim3A_2311 = vector.broadcast %jit3A_2309 : i32 to vector<16xi32>
    %broadcast_in_dim3A_2312 = vector.broadcast %jit3A_2310 : i32 to vector<16xi32>
    %select_n3A_2313 = arith.select %gt3A_2222, %broadcast_in_dim3A_2311, %broadcast_in_dim3A_2312 : vector<16xi1>, vector<16xi32>
    %swap3A_2314 = arith.constant 352 : index
    %swap3A_2315 = tpu.vector_load %arg26[%swap3A_2314] {strides = array<i32>} : memref<656xi32, #tpu.memory_space<vmem>>, vector<16xi32>,
    %swap3A_2316 = vector.shape_cast %swap3A_2315 : vector<16xi32> to vector<16xi32>
    %swap3A_2317 = vector.shape_cast %select_n3A_2313 : vector<16xi32> to vector<16xi32>
    tpu.vector_store %arg26[%swap3A_2314], %swap3A_2317 {strides = array<i32>} : memref<656xi32, #tpu.memory_space<vmem>>, vector<16xi32>,
    %get3A_2318 = arith.constant 368 : index
    %get3A_2319 = tpu.vector_load %arg14[%get3A_2318] {strides = array<i32>} : memref<640xf32, #tpu.memory_space<vmem>>, vector<16xf32>,
    %get3A_2320 = vector.shape_cast %get3A_2319 : vector<16xf32> to vector<16xf32>
    %gt3A_2321 = arith.constant -5.000000e+08 : f32
    %gt3A_2322 = vector.broadcast %gt3A_2321 : f32 to vector<16xf32>
    %gt3A_2323 = arith.cmpf ogt, %get3A_2320, %gt3A_2322 : vector<16xf32>
    %get3A_2324 = arith.constant 368 : index
    %get3A_2325 = tpu.vector_load %arg15[%get3A_2324] {strides = array<i32>} : memref<640xf32, #tpu.memory_space<vmem>>, vector<16xf32>,
    %get3A_2326 = vector.shape_cast %get3A_2325 : vector<16xf32> to vector<16xf32>
    %mul3A_2327 = arith.constant 1.024000e+03 : f32
    %mul3A_2328 = vector.broadcast %mul3A_2327 : f32 to vector<16xf32>
    %mul3A_2329 = arith.mulf %get3A_2326, %mul3A_2328 : vector<16xf32>
    %get3A_2330 = arith.constant 368 : index
    %get3A_2331 = tpu.vector_load %arg16[%get3A_2330] {strides = array<i32>} : memref<640xf32, #tpu.memory_space<vmem>>, vector<16xf32>,
    %get3A_2332 = vector.shape_cast %get3A_2331 : vector<16xf32> to vector<16xf32>
    %mul3A_2333 = arith.constant 1.024000e+03 : f32
    %mul3A_2334 = vector.broadcast %mul3A_2333 : f32 to vector<16xf32>
    %mul3A_2335 = arith.mulf %get3A_2332, %mul3A_2334 : vector<16xf32>
    %get3A_2336 = arith.constant 368 : index
    %get3A_2337 = tpu.vector_load %arg17[%get3A_2336] {strides = array<i32>} : memref<640xf32, #tpu.memory_space<vmem>>, vector<16xf32>,
    %get3A_2338 = vector.shape_cast %get3A_2337 : vector<16xf32> to vector<16xf32>
    %mul3A_2339 = arith.constant 2.560000e+02 : f32
    %mul3A_2340 = vector.broadcast %mul3A_2339 : f32 to vector<16xf32>
    %mul3A_2341 = arith.mulf %get3A_2338, %mul3A_2340 : vector<16xf32>
    %add3A_2342 = arith.constant 1.000000e+00 : f32
    %add3A_2343 = vector.broadcast %add3A_2342 : f32 to vector<16xf32>
    %add3A_2344 = arith.addf %mul3A_2341, %add3A_2343 : vector<16xf32>
    %get3A_2345 = arith.constant 368 : index
    %get3A_2346 = tpu.vector_load %arg18[%get3A_2345] {strides = array<i32>} : memref<640xf32, #tpu.memory_space<vmem>>, vector<16xf32>,
    %get3A_2347 = vector.shape_cast %get3A_2346 : vector<16xf32> to vector<16xf32>
    %mul3A_2348 = arith.constant 2.560000e+02 : f32
    %mul3A_2349 = vector.broadcast %mul3A_2348 : f32 to vector<16xf32>
    %mul3A_2350 = arith.mulf %get3A_2347, %mul3A_2349 : vector<16xf32>
    %add3A_2351 = arith.constant 1.000000e+00 : f32
    %add3A_2352 = vector.broadcast %add3A_2351 : f32 to vector<16xf32>
    %add3A_2353 = arith.addf %mul3A_2350, %add3A_2352 : vector<16xf32>
    %mul3A_2354 = arith.constant 5.000000e-01 : f32
    %mul3A_2355 = vector.broadcast %mul3A_2354 : f32 to vector<16xf32>
    %mul3A_2356 = arith.mulf %add3A_2344, %mul3A_2355 : vector<16xf32>
    %sub3A_2357 = arith.subf %mul3A_2329, %mul3A_2356 : vector<16xf32>
    %mul3A_2358 = arith.constant 5.000000e-01 : f32
    %mul3A_2359 = vector.broadcast %mul3A_2358 : f32 to vector<16xf32>
    %mul3A_2360 = arith.mulf %add3A_2353, %mul3A_2359 : vector<16xf32>
    %sub3A_2361 = arith.subf %mul3A_2335, %mul3A_2360 : vector<16xf32>
    %mul3A_2362 = arith.constant 5.000000e-01 : f32
    %mul3A_2363 = vector.broadcast %mul3A_2362 : f32 to vector<16xf32>
    %mul3A_2364 = arith.mulf %add3A_2344, %mul3A_2363 : vector<16xf32>
    %add3A_2365 = arith.addf %mul3A_2329, %mul3A_2364 : vector<16xf32>
    %mul3A_2366 = arith.constant 5.000000e-01 : f32
    %mul3A_2367 = vector.broadcast %mul3A_2366 : f32 to vector<16xf32>
    %mul3A_2368 = arith.mulf %add3A_2353, %mul3A_2367 : vector<16xf32>
    %add3A_2369 = arith.addf %mul3A_2335, %mul3A_2368 : vector<16xf32>
    %swap3A_2370 = arith.constant 368 : index
    %swap3A_2371 = tpu.vector_load %arg19[%swap3A_2370] {strides = array<i32>} : memref<656xf32, #tpu.memory_space<vmem>>, vector<16xf32>,
    %swap3A_2372 = vector.shape_cast %swap3A_2371 : vector<16xf32> to vector<16xf32>
    %swap3A_2373 = vector.shape_cast %sub3A_2357 : vector<16xf32> to vector<16xf32>
    tpu.vector_store %arg19[%swap3A_2370], %swap3A_2373 {strides = array<i32>} : memref<656xf32, #tpu.memory_space<vmem>>, vector<16xf32>,
    %swap3A_2374 = arith.constant 368 : index
    %swap3A_2375 = tpu.vector_load %arg20[%swap3A_2374] {strides = array<i32>} : memref<656xf32, #tpu.memory_space<vmem>>, vector<16xf32>,
    %swap3A_2376 = vector.shape_cast %swap3A_2375 : vector<16xf32> to vector<16xf32>
    %swap3A_2377 = vector.shape_cast %sub3A_2361 : vector<16xf32> to vector<16xf32>
    tpu.vector_store %arg20[%swap3A_2374], %swap3A_2377 {strides = array<i32>} : memref<656xf32, #tpu.memory_space<vmem>>, vector<16xf32>,
    %swap3A_2378 = arith.constant 368 : index
    %swap3A_2379 = tpu.vector_load %arg21[%swap3A_2378] {strides = array<i32>} : memref<656xf32, #tpu.memory_space<vmem>>, vector<16xf32>,
    %swap3A_2380 = vector.shape_cast %swap3A_2379 : vector<16xf32> to vector<16xf32>
    %swap3A_2381 = vector.shape_cast %add3A_2365 : vector<16xf32> to vector<16xf32>
    tpu.vector_store %arg21[%swap3A_2378], %swap3A_2381 {strides = array<i32>} : memref<656xf32, #tpu.memory_space<vmem>>, vector<16xf32>,
    %swap3A_2382 = arith.constant 368 : index
    %swap3A_2383 = tpu.vector_load %arg22[%swap3A_2382] {strides = array<i32>} : memref<656xf32, #tpu.memory_space<vmem>>, vector<16xf32>,
    %swap3A_2384 = vector.shape_cast %swap3A_2383 : vector<16xf32> to vector<16xf32>
    %swap3A_2385 = vector.shape_cast %add3A_2369 : vector<16xf32> to vector<16xf32>
    tpu.vector_store %arg22[%swap3A_2382], %swap3A_2385 {strides = array<i32>} : memref<656xf32, #tpu.memory_space<vmem>>, vector<16xf32>,
    %sub3A_2386 = arith.subf %add3A_2365, %sub3A_2357 : vector<16xf32>
    %max3A_2387 = arith.constant 0.000000e+00 : f32
    %max3A_2388 = vector.broadcast %max3A_2387 : f32 to vector<16xf32>
    %max3A_2389 = arith.maximumf %sub3A_2386, %max3A_2388 : vector<16xf32>
    %sub3A_2390 = arith.subf %add3A_2369, %sub3A_2361 : vector<16xf32>
    %max3A_2391 = arith.constant 0.000000e+00 : f32
    %max3A_2392 = vector.broadcast %max3A_2391 : f32 to vector<16xf32>
    %max3A_2393 = arith.maximumf %sub3A_2390, %max3A_2392 : vector<16xf32>
    %mul3A_2394 = arith.mulf %max3A_2389, %max3A_2393 : vector<16xf32>
    %swap3A_2395 = arith.constant 368 : index
    %swap3A_2396 = tpu.vector_load %arg23[%swap3A_2395] {strides = array<i32>} : memref<656xf32, #tpu.memory_space<vmem>>, vector<16xf32>,
    %swap3A_2397 = vector.shape_cast %swap3A_2396 : vector<16xf32> to vector<16xf32>
    %swap3A_2398 = vector.shape_cast %mul3A_2394 : vector<16xf32> to vector<16xf32>
    tpu.vector_store %arg23[%swap3A_2395], %swap3A_2398 {strides = array<i32>} : memref<656xf32, #tpu.memory_space<vmem>>, vector<16xf32>,
    %swap3A_2399 = arith.constant 368 : index
    %swap3A_2400 = tpu.vector_load %arg24[%swap3A_2399] {strides = array<i32>} : memref<656xf32, #tpu.memory_space<vmem>>, vector<16xf32>,
    %swap3A_2401 = vector.shape_cast %swap3A_2400 : vector<16xf32> to vector<16xf32>
    %swap3A_2402 = vector.shape_cast %get3A_2320 : vector<16xf32> to vector<16xf32>
    tpu.vector_store %arg24[%swap3A_2399], %swap3A_2402 {strides = array<i32>} : memref<656xf32, #tpu.memory_space<vmem>>, vector<16xf32>,
    %add3A_2403 = arith.constant 368 : i32
    %add3A_2404 = vector.broadcast %add3A_2403 : i32 to vector<16xi32>
    %add3A_2405 = arith.addi %iota3A, %add3A_2404 : vector<16xi32>
    %swap3A_2406 = arith.constant 368 : index
    %swap3A_2407 = tpu.vector_load %arg25[%swap3A_2406] {strides = array<i32>} : memref<656xi32, #tpu.memory_space<vmem>>, vector<16xi32>,
    %swap3A_2408 = vector.shape_cast %swap3A_2407 : vector<16xi32> to vector<16xi32>
    %swap3A_2409 = vector.shape_cast %add3A_2405 : vector<16xi32> to vector<16xi32>
    tpu.vector_store %arg25[%swap3A_2406], %swap3A_2409 {strides = array<i32>} : memref<656xi32, #tpu.memory_space<vmem>>, vector<16xi32>,
    %jit3A_2410 = arith.constant 1 : i32
    %jit3A_2411 = arith.constant 0 : i32
    %broadcast_in_dim3A_2412 = vector.broadcast %jit3A_2410 : i32 to vector<16xi32>
    %broadcast_in_dim3A_2413 = vector.broadcast %jit3A_2411 : i32 to vector<16xi32>
    %select_n3A_2414 = arith.select %gt3A_2323, %broadcast_in_dim3A_2412, %broadcast_in_dim3A_2413 : vector<16xi1>, vector<16xi32>
    %swap3A_2415 = arith.constant 368 : index
    %swap3A_2416 = tpu.vector_load %arg26[%swap3A_2415] {strides = array<i32>} : memref<656xi32, #tpu.memory_space<vmem>>, vector<16xi32>,
    %swap3A_2417 = vector.shape_cast %swap3A_2416 : vector<16xi32> to vector<16xi32>
    %swap3A_2418 = vector.shape_cast %select_n3A_2414 : vector<16xi32> to vector<16xi32>
    tpu.vector_store %arg26[%swap3A_2415], %swap3A_2418 {strides = array<i32>} : memref<656xi32, #tpu.memory_space<vmem>>, vector<16xi32>,
    %get3A_2419 = arith.constant 384 : index
    %get3A_2420 = tpu.vector_load %arg14[%get3A_2419] {strides = array<i32>} : memref<640xf32, #tpu.memory_space<vmem>>, vector<16xf32>,
    %get3A_2421 = vector.shape_cast %get3A_2420 : vector<16xf32> to vector<16xf32>
    %gt3A_2422 = arith.constant -5.000000e+08 : f32
    %gt3A_2423 = vector.broadcast %gt3A_2422 : f32 to vector<16xf32>
    %gt3A_2424 = arith.cmpf ogt, %get3A_2421, %gt3A_2423 : vector<16xf32>
    %get3A_2425 = arith.constant 384 : index
    %get3A_2426 = tpu.vector_load %arg15[%get3A_2425] {strides = array<i32>} : memref<640xf32, #tpu.memory_space<vmem>>, vector<16xf32>,
    %get3A_2427 = vector.shape_cast %get3A_2426 : vector<16xf32> to vector<16xf32>
    %mul3A_2428 = arith.constant 1.024000e+03 : f32
    %mul3A_2429 = vector.broadcast %mul3A_2428 : f32 to vector<16xf32>
    %mul3A_2430 = arith.mulf %get3A_2427, %mul3A_2429 : vector<16xf32>
    %get3A_2431 = arith.constant 384 : index
    %get3A_2432 = tpu.vector_load %arg16[%get3A_2431] {strides = array<i32>} : memref<640xf32, #tpu.memory_space<vmem>>, vector<16xf32>,
    %get3A_2433 = vector.shape_cast %get3A_2432 : vector<16xf32> to vector<16xf32>
    %mul3A_2434 = arith.constant 1.024000e+03 : f32
    %mul3A_2435 = vector.broadcast %mul3A_2434 : f32 to vector<16xf32>
    %mul3A_2436 = arith.mulf %get3A_2433, %mul3A_2435 : vector<16xf32>
    %get3A_2437 = arith.constant 384 : index
    %get3A_2438 = tpu.vector_load %arg17[%get3A_2437] {strides = array<i32>} : memref<640xf32, #tpu.memory_space<vmem>>, vector<16xf32>,
    %get3A_2439 = vector.shape_cast %get3A_2438 : vector<16xf32> to vector<16xf32>
    %mul3A_2440 = arith.constant 2.560000e+02 : f32
    %mul3A_2441 = vector.broadcast %mul3A_2440 : f32 to vector<16xf32>
    %mul3A_2442 = arith.mulf %get3A_2439, %mul3A_2441 : vector<16xf32>
    %add3A_2443 = arith.constant 1.000000e+00 : f32
    %add3A_2444 = vector.broadcast %add3A_2443 : f32 to vector<16xf32>
    %add3A_2445 = arith.addf %mul3A_2442, %add3A_2444 : vector<16xf32>
    %get3A_2446 = arith.constant 384 : index
    %get3A_2447 = tpu.vector_load %arg18[%get3A_2446] {strides = array<i32>} : memref<640xf32, #tpu.memory_space<vmem>>, vector<16xf32>,
    %get3A_2448 = vector.shape_cast %get3A_2447 : vector<16xf32> to vector<16xf32>
    %mul3A_2449 = arith.constant 2.560000e+02 : f32
    %mul3A_2450 = vector.broadcast %mul3A_2449 : f32 to vector<16xf32>
    %mul3A_2451 = arith.mulf %get3A_2448, %mul3A_2450 : vector<16xf32>
    %add3A_2452 = arith.constant 1.000000e+00 : f32
    %add3A_2453 = vector.broadcast %add3A_2452 : f32 to vector<16xf32>
    %add3A_2454 = arith.addf %mul3A_2451, %add3A_2453 : vector<16xf32>
    %mul3A_2455 = arith.constant 5.000000e-01 : f32
    %mul3A_2456 = vector.broadcast %mul3A_2455 : f32 to vector<16xf32>
    %mul3A_2457 = arith.mulf %add3A_2445, %mul3A_2456 : vector<16xf32>
    %sub3A_2458 = arith.subf %mul3A_2430, %mul3A_2457 : vector<16xf32>
    %mul3A_2459 = arith.constant 5.000000e-01 : f32
    %mul3A_2460 = vector.broadcast %mul3A_2459 : f32 to vector<16xf32>
    %mul3A_2461 = arith.mulf %add3A_2454, %mul3A_2460 : vector<16xf32>
    %sub3A_2462 = arith.subf %mul3A_2436, %mul3A_2461 : vector<16xf32>
    %mul3A_2463 = arith.constant 5.000000e-01 : f32
    %mul3A_2464 = vector.broadcast %mul3A_2463 : f32 to vector<16xf32>
    %mul3A_2465 = arith.mulf %add3A_2445, %mul3A_2464 : vector<16xf32>
    %add3A_2466 = arith.addf %mul3A_2430, %mul3A_2465 : vector<16xf32>
    %mul3A_2467 = arith.constant 5.000000e-01 : f32
    %mul3A_2468 = vector.broadcast %mul3A_2467 : f32 to vector<16xf32>
    %mul3A_2469 = arith.mulf %add3A_2454, %mul3A_2468 : vector<16xf32>
    %add3A_2470 = arith.addf %mul3A_2436, %mul3A_2469 : vector<16xf32>
    %swap3A_2471 = arith.constant 384 : index
    %swap3A_2472 = tpu.vector_load %arg19[%swap3A_2471] {strides = array<i32>} : memref<656xf32, #tpu.memory_space<vmem>>, vector<16xf32>,
    %swap3A_2473 = vector.shape_cast %swap3A_2472 : vector<16xf32> to vector<16xf32>
    %swap3A_2474 = vector.shape_cast %sub3A_2458 : vector<16xf32> to vector<16xf32>
    tpu.vector_store %arg19[%swap3A_2471], %swap3A_2474 {strides = array<i32>} : memref<656xf32, #tpu.memory_space<vmem>>, vector<16xf32>,
    %swap3A_2475 = arith.constant 384 : index
    %swap3A_2476 = tpu.vector_load %arg20[%swap3A_2475] {strides = array<i32>} : memref<656xf32, #tpu.memory_space<vmem>>, vector<16xf32>,
    %swap3A_2477 = vector.shape_cast %swap3A_2476 : vector<16xf32> to vector<16xf32>
    %swap3A_2478 = vector.shape_cast %sub3A_2462 : vector<16xf32> to vector<16xf32>
    tpu.vector_store %arg20[%swap3A_2475], %swap3A_2478 {strides = array<i32>} : memref<656xf32, #tpu.memory_space<vmem>>, vector<16xf32>,
    %swap3A_2479 = arith.constant 384 : index
    %swap3A_2480 = tpu.vector_load %arg21[%swap3A_2479] {strides = array<i32>} : memref<656xf32, #tpu.memory_space<vmem>>, vector<16xf32>,
    %swap3A_2481 = vector.shape_cast %swap3A_2480 : vector<16xf32> to vector<16xf32>
    %swap3A_2482 = vector.shape_cast %add3A_2466 : vector<16xf32> to vector<16xf32>
    tpu.vector_store %arg21[%swap3A_2479], %swap3A_2482 {strides = array<i32>} : memref<656xf32, #tpu.memory_space<vmem>>, vector<16xf32>,
    %swap3A_2483 = arith.constant 384 : index
    %swap3A_2484 = tpu.vector_load %arg22[%swap3A_2483] {strides = array<i32>} : memref<656xf32, #tpu.memory_space<vmem>>, vector<16xf32>,
    %swap3A_2485 = vector.shape_cast %swap3A_2484 : vector<16xf32> to vector<16xf32>
    %swap3A_2486 = vector.shape_cast %add3A_2470 : vector<16xf32> to vector<16xf32>
    tpu.vector_store %arg22[%swap3A_2483], %swap3A_2486 {strides = array<i32>} : memref<656xf32, #tpu.memory_space<vmem>>, vector<16xf32>,
    %sub3A_2487 = arith.subf %add3A_2466, %sub3A_2458 : vector<16xf32>
    %max3A_2488 = arith.constant 0.000000e+00 : f32
    %max3A_2489 = vector.broadcast %max3A_2488 : f32 to vector<16xf32>
    %max3A_2490 = arith.maximumf %sub3A_2487, %max3A_2489 : vector<16xf32>
    %sub3A_2491 = arith.subf %add3A_2470, %sub3A_2462 : vector<16xf32>
    %max3A_2492 = arith.constant 0.000000e+00 : f32
    %max3A_2493 = vector.broadcast %max3A_2492 : f32 to vector<16xf32>
    %max3A_2494 = arith.maximumf %sub3A_2491, %max3A_2493 : vector<16xf32>
    %mul3A_2495 = arith.mulf %max3A_2490, %max3A_2494 : vector<16xf32>
    %swap3A_2496 = arith.constant 384 : index
    %swap3A_2497 = tpu.vector_load %arg23[%swap3A_2496] {strides = array<i32>} : memref<656xf32, #tpu.memory_space<vmem>>, vector<16xf32>,
    %swap3A_2498 = vector.shape_cast %swap3A_2497 : vector<16xf32> to vector<16xf32>
    %swap3A_2499 = vector.shape_cast %mul3A_2495 : vector<16xf32> to vector<16xf32>
    tpu.vector_store %arg23[%swap3A_2496], %swap3A_2499 {strides = array<i32>} : memref<656xf32, #tpu.memory_space<vmem>>, vector<16xf32>,
    %swap3A_2500 = arith.constant 384 : index
    %swap3A_2501 = tpu.vector_load %arg24[%swap3A_2500] {strides = array<i32>} : memref<656xf32, #tpu.memory_space<vmem>>, vector<16xf32>,
    %swap3A_2502 = vector.shape_cast %swap3A_2501 : vector<16xf32> to vector<16xf32>
    %swap3A_2503 = vector.shape_cast %get3A_2421 : vector<16xf32> to vector<16xf32>
    tpu.vector_store %arg24[%swap3A_2500], %swap3A_2503 {strides = array<i32>} : memref<656xf32, #tpu.memory_space<vmem>>, vector<16xf32>,
    %add3A_2504 = arith.constant 384 : i32
    %add3A_2505 = vector.broadcast %add3A_2504 : i32 to vector<16xi32>
    %add3A_2506 = arith.addi %iota3A, %add3A_2505 : vector<16xi32>
    %swap3A_2507 = arith.constant 384 : index
    %swap3A_2508 = tpu.vector_load %arg25[%swap3A_2507] {strides = array<i32>} : memref<656xi32, #tpu.memory_space<vmem>>, vector<16xi32>,
    %swap3A_2509 = vector.shape_cast %swap3A_2508 : vector<16xi32> to vector<16xi32>
    %swap3A_2510 = vector.shape_cast %add3A_2506 : vector<16xi32> to vector<16xi32>
    tpu.vector_store %arg25[%swap3A_2507], %swap3A_2510 {strides = array<i32>} : memref<656xi32, #tpu.memory_space<vmem>>, vector<16xi32>,
    %jit3A_2511 = arith.constant 1 : i32
    %jit3A_2512 = arith.constant 0 : i32
    %broadcast_in_dim3A_2513 = vector.broadcast %jit3A_2511 : i32 to vector<16xi32>
    %broadcast_in_dim3A_2514 = vector.broadcast %jit3A_2512 : i32 to vector<16xi32>
    %select_n3A_2515 = arith.select %gt3A_2424, %broadcast_in_dim3A_2513, %broadcast_in_dim3A_2514 : vector<16xi1>, vector<16xi32>
    %swap3A_2516 = arith.constant 384 : index
    %swap3A_2517 = tpu.vector_load %arg26[%swap3A_2516] {strides = array<i32>} : memref<656xi32, #tpu.memory_space<vmem>>, vector<16xi32>,
    %swap3A_2518 = vector.shape_cast %swap3A_2517 : vector<16xi32> to vector<16xi32>
    %swap3A_2519 = vector.shape_cast %select_n3A_2515 : vector<16xi32> to vector<16xi32>
    tpu.vector_store %arg26[%swap3A_2516], %swap3A_2519 {strides = array<i32>} : memref<656xi32, #tpu.memory_space<vmem>>, vector<16xi32>,
    %get3A_2520 = arith.constant 400 : index
    %get3A_2521 = tpu.vector_load %arg14[%get3A_2520] {strides = array<i32>} : memref<640xf32, #tpu.memory_space<vmem>>, vector<16xf32>,
    %get3A_2522 = vector.shape_cast %get3A_2521 : vector<16xf32> to vector<16xf32>
    %gt3A_2523 = arith.constant -5.000000e+08 : f32
    %gt3A_2524 = vector.broadcast %gt3A_2523 : f32 to vector<16xf32>
    %gt3A_2525 = arith.cmpf ogt, %get3A_2522, %gt3A_2524 : vector<16xf32>
    %get3A_2526 = arith.constant 400 : index
    %get3A_2527 = tpu.vector_load %arg15[%get3A_2526] {strides = array<i32>} : memref<640xf32, #tpu.memory_space<vmem>>, vector<16xf32>,
    %get3A_2528 = vector.shape_cast %get3A_2527 : vector<16xf32> to vector<16xf32>
    %mul3A_2529 = arith.constant 1.024000e+03 : f32
    %mul3A_2530 = vector.broadcast %mul3A_2529 : f32 to vector<16xf32>
    %mul3A_2531 = arith.mulf %get3A_2528, %mul3A_2530 : vector<16xf32>
    %get3A_2532 = arith.constant 400 : index
    %get3A_2533 = tpu.vector_load %arg16[%get3A_2532] {strides = array<i32>} : memref<640xf32, #tpu.memory_space<vmem>>, vector<16xf32>,
    %get3A_2534 = vector.shape_cast %get3A_2533 : vector<16xf32> to vector<16xf32>
    %mul3A_2535 = arith.constant 1.024000e+03 : f32
    %mul3A_2536 = vector.broadcast %mul3A_2535 : f32 to vector<16xf32>
    %mul3A_2537 = arith.mulf %get3A_2534, %mul3A_2536 : vector<16xf32>
    %get3A_2538 = arith.constant 400 : index
    %get3A_2539 = tpu.vector_load %arg17[%get3A_2538] {strides = array<i32>} : memref<640xf32, #tpu.memory_space<vmem>>, vector<16xf32>,
    %get3A_2540 = vector.shape_cast %get3A_2539 : vector<16xf32> to vector<16xf32>
    %mul3A_2541 = arith.constant 2.560000e+02 : f32
    %mul3A_2542 = vector.broadcast %mul3A_2541 : f32 to vector<16xf32>
    %mul3A_2543 = arith.mulf %get3A_2540, %mul3A_2542 : vector<16xf32>
    %add3A_2544 = arith.constant 1.000000e+00 : f32
    %add3A_2545 = vector.broadcast %add3A_2544 : f32 to vector<16xf32>
    %add3A_2546 = arith.addf %mul3A_2543, %add3A_2545 : vector<16xf32>
    %get3A_2547 = arith.constant 400 : index
    %get3A_2548 = tpu.vector_load %arg18[%get3A_2547] {strides = array<i32>} : memref<640xf32, #tpu.memory_space<vmem>>, vector<16xf32>,
    %get3A_2549 = vector.shape_cast %get3A_2548 : vector<16xf32> to vector<16xf32>
    %mul3A_2550 = arith.constant 2.560000e+02 : f32
    %mul3A_2551 = vector.broadcast %mul3A_2550 : f32 to vector<16xf32>
    %mul3A_2552 = arith.mulf %get3A_2549, %mul3A_2551 : vector<16xf32>
    %add3A_2553 = arith.constant 1.000000e+00 : f32
    %add3A_2554 = vector.broadcast %add3A_2553 : f32 to vector<16xf32>
    %add3A_2555 = arith.addf %mul3A_2552, %add3A_2554 : vector<16xf32>
    %mul3A_2556 = arith.constant 5.000000e-01 : f32
    %mul3A_2557 = vector.broadcast %mul3A_2556 : f32 to vector<16xf32>
    %mul3A_2558 = arith.mulf %add3A_2546, %mul3A_2557 : vector<16xf32>
    %sub3A_2559 = arith.subf %mul3A_2531, %mul3A_2558 : vector<16xf32>
    %mul3A_2560 = arith.constant 5.000000e-01 : f32
    %mul3A_2561 = vector.broadcast %mul3A_2560 : f32 to vector<16xf32>
    %mul3A_2562 = arith.mulf %add3A_2555, %mul3A_2561 : vector<16xf32>
    %sub3A_2563 = arith.subf %mul3A_2537, %mul3A_2562 : vector<16xf32>
    %mul3A_2564 = arith.constant 5.000000e-01 : f32
    %mul3A_2565 = vector.broadcast %mul3A_2564 : f32 to vector<16xf32>
    %mul3A_2566 = arith.mulf %add3A_2546, %mul3A_2565 : vector<16xf32>
    %add3A_2567 = arith.addf %mul3A_2531, %mul3A_2566 : vector<16xf32>
    %mul3A_2568 = arith.constant 5.000000e-01 : f32
    %mul3A_2569 = vector.broadcast %mul3A_2568 : f32 to vector<16xf32>
    %mul3A_2570 = arith.mulf %add3A_2555, %mul3A_2569 : vector<16xf32>
    %add3A_2571 = arith.addf %mul3A_2537, %mul3A_2570 : vector<16xf32>
    %swap3A_2572 = arith.constant 400 : index
    %swap3A_2573 = tpu.vector_load %arg19[%swap3A_2572] {strides = array<i32>} : memref<656xf32, #tpu.memory_space<vmem>>, vector<16xf32>,
    %swap3A_2574 = vector.shape_cast %swap3A_2573 : vector<16xf32> to vector<16xf32>
    %swap3A_2575 = vector.shape_cast %sub3A_2559 : vector<16xf32> to vector<16xf32>
    tpu.vector_store %arg19[%swap3A_2572], %swap3A_2575 {strides = array<i32>} : memref<656xf32, #tpu.memory_space<vmem>>, vector<16xf32>,
    %swap3A_2576 = arith.constant 400 : index
    %swap3A_2577 = tpu.vector_load %arg20[%swap3A_2576] {strides = array<i32>} : memref<656xf32, #tpu.memory_space<vmem>>, vector<16xf32>,
    %swap3A_2578 = vector.shape_cast %swap3A_2577 : vector<16xf32> to vector<16xf32>
    %swap3A_2579 = vector.shape_cast %sub3A_2563 : vector<16xf32> to vector<16xf32>
    tpu.vector_store %arg20[%swap3A_2576], %swap3A_2579 {strides = array<i32>} : memref<656xf32, #tpu.memory_space<vmem>>, vector<16xf32>,
    %swap3A_2580 = arith.constant 400 : index
    %swap3A_2581 = tpu.vector_load %arg21[%swap3A_2580] {strides = array<i32>} : memref<656xf32, #tpu.memory_space<vmem>>, vector<16xf32>,
    %swap3A_2582 = vector.shape_cast %swap3A_2581 : vector<16xf32> to vector<16xf32>
    %swap3A_2583 = vector.shape_cast %add3A_2567 : vector<16xf32> to vector<16xf32>
    tpu.vector_store %arg21[%swap3A_2580], %swap3A_2583 {strides = array<i32>} : memref<656xf32, #tpu.memory_space<vmem>>, vector<16xf32>,
    %swap3A_2584 = arith.constant 400 : index
    %swap3A_2585 = tpu.vector_load %arg22[%swap3A_2584] {strides = array<i32>} : memref<656xf32, #tpu.memory_space<vmem>>, vector<16xf32>,
    %swap3A_2586 = vector.shape_cast %swap3A_2585 : vector<16xf32> to vector<16xf32>
    %swap3A_2587 = vector.shape_cast %add3A_2571 : vector<16xf32> to vector<16xf32>
    tpu.vector_store %arg22[%swap3A_2584], %swap3A_2587 {strides = array<i32>} : memref<656xf32, #tpu.memory_space<vmem>>, vector<16xf32>,
    %sub3A_2588 = arith.subf %add3A_2567, %sub3A_2559 : vector<16xf32>
    %max3A_2589 = arith.constant 0.000000e+00 : f32
    %max3A_2590 = vector.broadcast %max3A_2589 : f32 to vector<16xf32>
    %max3A_2591 = arith.maximumf %sub3A_2588, %max3A_2590 : vector<16xf32>
    %sub3A_2592 = arith.subf %add3A_2571, %sub3A_2563 : vector<16xf32>
    %max3A_2593 = arith.constant 0.000000e+00 : f32
    %max3A_2594 = vector.broadcast %max3A_2593 : f32 to vector<16xf32>
    %max3A_2595 = arith.maximumf %sub3A_2592, %max3A_2594 : vector<16xf32>
    %mul3A_2596 = arith.mulf %max3A_2591, %max3A_2595 : vector<16xf32>
    %swap3A_2597 = arith.constant 400 : index
    %swap3A_2598 = tpu.vector_load %arg23[%swap3A_2597] {strides = array<i32>} : memref<656xf32, #tpu.memory_space<vmem>>, vector<16xf32>,
    %swap3A_2599 = vector.shape_cast %swap3A_2598 : vector<16xf32> to vector<16xf32>
    %swap3A_2600 = vector.shape_cast %mul3A_2596 : vector<16xf32> to vector<16xf32>
    tpu.vector_store %arg23[%swap3A_2597], %swap3A_2600 {strides = array<i32>} : memref<656xf32, #tpu.memory_space<vmem>>, vector<16xf32>,
    %swap3A_2601 = arith.constant 400 : index
    %swap3A_2602 = tpu.vector_load %arg24[%swap3A_2601] {strides = array<i32>} : memref<656xf32, #tpu.memory_space<vmem>>, vector<16xf32>,
    %swap3A_2603 = vector.shape_cast %swap3A_2602 : vector<16xf32> to vector<16xf32>
    %swap3A_2604 = vector.shape_cast %get3A_2522 : vector<16xf32> to vector<16xf32>
    tpu.vector_store %arg24[%swap3A_2601], %swap3A_2604 {strides = array<i32>} : memref<656xf32, #tpu.memory_space<vmem>>, vector<16xf32>,
    %add3A_2605 = arith.constant 400 : i32
    %add3A_2606 = vector.broadcast %add3A_2605 : i32 to vector<16xi32>
    %add3A_2607 = arith.addi %iota3A, %add3A_2606 : vector<16xi32>
    %swap3A_2608 = arith.constant 400 : index
    %swap3A_2609 = tpu.vector_load %arg25[%swap3A_2608] {strides = array<i32>} : memref<656xi32, #tpu.memory_space<vmem>>, vector<16xi32>,
    %swap3A_2610 = vector.shape_cast %swap3A_2609 : vector<16xi32> to vector<16xi32>
    %swap3A_2611 = vector.shape_cast %add3A_2607 : vector<16xi32> to vector<16xi32>
    tpu.vector_store %arg25[%swap3A_2608], %swap3A_2611 {strides = array<i32>} : memref<656xi32, #tpu.memory_space<vmem>>, vector<16xi32>,
    %jit3A_2612 = arith.constant 1 : i32
    %jit3A_2613 = arith.constant 0 : i32
    %broadcast_in_dim3A_2614 = vector.broadcast %jit3A_2612 : i32 to vector<16xi32>
    %broadcast_in_dim3A_2615 = vector.broadcast %jit3A_2613 : i32 to vector<16xi32>
    %select_n3A_2616 = arith.select %gt3A_2525, %broadcast_in_dim3A_2614, %broadcast_in_dim3A_2615 : vector<16xi1>, vector<16xi32>
    %swap3A_2617 = arith.constant 400 : index
    %swap3A_2618 = tpu.vector_load %arg26[%swap3A_2617] {strides = array<i32>} : memref<656xi32, #tpu.memory_space<vmem>>, vector<16xi32>,
    %swap3A_2619 = vector.shape_cast %swap3A_2618 : vector<16xi32> to vector<16xi32>
    %swap3A_2620 = vector.shape_cast %select_n3A_2616 : vector<16xi32> to vector<16xi32>
    tpu.vector_store %arg26[%swap3A_2617], %swap3A_2620 {strides = array<i32>} : memref<656xi32, #tpu.memory_space<vmem>>, vector<16xi32>,
    %get3A_2621 = arith.constant 416 : index
    %get3A_2622 = tpu.vector_load %arg14[%get3A_2621] {strides = array<i32>} : memref<640xf32, #tpu.memory_space<vmem>>, vector<16xf32>,
    %get3A_2623 = vector.shape_cast %get3A_2622 : vector<16xf32> to vector<16xf32>
    %gt3A_2624 = arith.constant -5.000000e+08 : f32
    %gt3A_2625 = vector.broadcast %gt3A_2624 : f32 to vector<16xf32>
    %gt3A_2626 = arith.cmpf ogt, %get3A_2623, %gt3A_2625 : vector<16xf32>
    %get3A_2627 = arith.constant 416 : index
    %get3A_2628 = tpu.vector_load %arg15[%get3A_2627] {strides = array<i32>} : memref<640xf32, #tpu.memory_space<vmem>>, vector<16xf32>,
    %get3A_2629 = vector.shape_cast %get3A_2628 : vector<16xf32> to vector<16xf32>
    %mul3A_2630 = arith.constant 1.024000e+03 : f32
    %mul3A_2631 = vector.broadcast %mul3A_2630 : f32 to vector<16xf32>
    %mul3A_2632 = arith.mulf %get3A_2629, %mul3A_2631 : vector<16xf32>
    %get3A_2633 = arith.constant 416 : index
    %get3A_2634 = tpu.vector_load %arg16[%get3A_2633] {strides = array<i32>} : memref<640xf32, #tpu.memory_space<vmem>>, vector<16xf32>,
    %get3A_2635 = vector.shape_cast %get3A_2634 : vector<16xf32> to vector<16xf32>
    %mul3A_2636 = arith.constant 1.024000e+03 : f32
    %mul3A_2637 = vector.broadcast %mul3A_2636 : f32 to vector<16xf32>
    %mul3A_2638 = arith.mulf %get3A_2635, %mul3A_2637 : vector<16xf32>
    %get3A_2639 = arith.constant 416 : index
    %get3A_2640 = tpu.vector_load %arg17[%get3A_2639] {strides = array<i32>} : memref<640xf32, #tpu.memory_space<vmem>>, vector<16xf32>,
    %get3A_2641 = vector.shape_cast %get3A_2640 : vector<16xf32> to vector<16xf32>
    %mul3A_2642 = arith.constant 2.560000e+02 : f32
    %mul3A_2643 = vector.broadcast %mul3A_2642 : f32 to vector<16xf32>
    %mul3A_2644 = arith.mulf %get3A_2641, %mul3A_2643 : vector<16xf32>
    %add3A_2645 = arith.constant 1.000000e+00 : f32
    %add3A_2646 = vector.broadcast %add3A_2645 : f32 to vector<16xf32>
    %add3A_2647 = arith.addf %mul3A_2644, %add3A_2646 : vector<16xf32>
    %get3A_2648 = arith.constant 416 : index
    %get3A_2649 = tpu.vector_load %arg18[%get3A_2648] {strides = array<i32>} : memref<640xf32, #tpu.memory_space<vmem>>, vector<16xf32>,
    %get3A_2650 = vector.shape_cast %get3A_2649 : vector<16xf32> to vector<16xf32>
    %mul3A_2651 = arith.constant 2.560000e+02 : f32
    %mul3A_2652 = vector.broadcast %mul3A_2651 : f32 to vector<16xf32>
    %mul3A_2653 = arith.mulf %get3A_2650, %mul3A_2652 : vector<16xf32>
    %add3A_2654 = arith.constant 1.000000e+00 : f32
    %add3A_2655 = vector.broadcast %add3A_2654 : f32 to vector<16xf32>
    %add3A_2656 = arith.addf %mul3A_2653, %add3A_2655 : vector<16xf32>
    %mul3A_2657 = arith.constant 5.000000e-01 : f32
    %mul3A_2658 = vector.broadcast %mul3A_2657 : f32 to vector<16xf32>
    %mul3A_2659 = arith.mulf %add3A_2647, %mul3A_2658 : vector<16xf32>
    %sub3A_2660 = arith.subf %mul3A_2632, %mul3A_2659 : vector<16xf32>
    %mul3A_2661 = arith.constant 5.000000e-01 : f32
    %mul3A_2662 = vector.broadcast %mul3A_2661 : f32 to vector<16xf32>
    %mul3A_2663 = arith.mulf %add3A_2656, %mul3A_2662 : vector<16xf32>
    %sub3A_2664 = arith.subf %mul3A_2638, %mul3A_2663 : vector<16xf32>
    %mul3A_2665 = arith.constant 5.000000e-01 : f32
    %mul3A_2666 = vector.broadcast %mul3A_2665 : f32 to vector<16xf32>
    %mul3A_2667 = arith.mulf %add3A_2647, %mul3A_2666 : vector<16xf32>
    %add3A_2668 = arith.addf %mul3A_2632, %mul3A_2667 : vector<16xf32>
    %mul3A_2669 = arith.constant 5.000000e-01 : f32
    %mul3A_2670 = vector.broadcast %mul3A_2669 : f32 to vector<16xf32>
    %mul3A_2671 = arith.mulf %add3A_2656, %mul3A_2670 : vector<16xf32>
    %add3A_2672 = arith.addf %mul3A_2638, %mul3A_2671 : vector<16xf32>
    %swap3A_2673 = arith.constant 416 : index
    %swap3A_2674 = tpu.vector_load %arg19[%swap3A_2673] {strides = array<i32>} : memref<656xf32, #tpu.memory_space<vmem>>, vector<16xf32>,
    %swap3A_2675 = vector.shape_cast %swap3A_2674 : vector<16xf32> to vector<16xf32>
    %swap3A_2676 = vector.shape_cast %sub3A_2660 : vector<16xf32> to vector<16xf32>
    tpu.vector_store %arg19[%swap3A_2673], %swap3A_2676 {strides = array<i32>} : memref<656xf32, #tpu.memory_space<vmem>>, vector<16xf32>,
    %swap3A_2677 = arith.constant 416 : index
    %swap3A_2678 = tpu.vector_load %arg20[%swap3A_2677] {strides = array<i32>} : memref<656xf32, #tpu.memory_space<vmem>>, vector<16xf32>,
    %swap3A_2679 = vector.shape_cast %swap3A_2678 : vector<16xf32> to vector<16xf32>
    %swap3A_2680 = vector.shape_cast %sub3A_2664 : vector<16xf32> to vector<16xf32>
    tpu.vector_store %arg20[%swap3A_2677], %swap3A_2680 {strides = array<i32>} : memref<656xf32, #tpu.memory_space<vmem>>, vector<16xf32>,
    %swap3A_2681 = arith.constant 416 : index
    %swap3A_2682 = tpu.vector_load %arg21[%swap3A_2681] {strides = array<i32>} : memref<656xf32, #tpu.memory_space<vmem>>, vector<16xf32>,
    %swap3A_2683 = vector.shape_cast %swap3A_2682 : vector<16xf32> to vector<16xf32>
    %swap3A_2684 = vector.shape_cast %add3A_2668 : vector<16xf32> to vector<16xf32>
    tpu.vector_store %arg21[%swap3A_2681], %swap3A_2684 {strides = array<i32>} : memref<656xf32, #tpu.memory_space<vmem>>, vector<16xf32>,
    %swap3A_2685 = arith.constant 416 : index
    %swap3A_2686 = tpu.vector_load %arg22[%swap3A_2685] {strides = array<i32>} : memref<656xf32, #tpu.memory_space<vmem>>, vector<16xf32>,
    %swap3A_2687 = vector.shape_cast %swap3A_2686 : vector<16xf32> to vector<16xf32>
    %swap3A_2688 = vector.shape_cast %add3A_2672 : vector<16xf32> to vector<16xf32>
    tpu.vector_store %arg22[%swap3A_2685], %swap3A_2688 {strides = array<i32>} : memref<656xf32, #tpu.memory_space<vmem>>, vector<16xf32>,
    %sub3A_2689 = arith.subf %add3A_2668, %sub3A_2660 : vector<16xf32>
    %max3A_2690 = arith.constant 0.000000e+00 : f32
    %max3A_2691 = vector.broadcast %max3A_2690 : f32 to vector<16xf32>
    %max3A_2692 = arith.maximumf %sub3A_2689, %max3A_2691 : vector<16xf32>
    %sub3A_2693 = arith.subf %add3A_2672, %sub3A_2664 : vector<16xf32>
    %max3A_2694 = arith.constant 0.000000e+00 : f32
    %max3A_2695 = vector.broadcast %max3A_2694 : f32 to vector<16xf32>
    %max3A_2696 = arith.maximumf %sub3A_2693, %max3A_2695 : vector<16xf32>
    %mul3A_2697 = arith.mulf %max3A_2692, %max3A_2696 : vector<16xf32>
    %swap3A_2698 = arith.constant 416 : index
    %swap3A_2699 = tpu.vector_load %arg23[%swap3A_2698] {strides = array<i32>} : memref<656xf32, #tpu.memory_space<vmem>>, vector<16xf32>,
    %swap3A_2700 = vector.shape_cast %swap3A_2699 : vector<16xf32> to vector<16xf32>
    %swap3A_2701 = vector.shape_cast %mul3A_2697 : vector<16xf32> to vector<16xf32>
    tpu.vector_store %arg23[%swap3A_2698], %swap3A_2701 {strides = array<i32>} : memref<656xf32, #tpu.memory_space<vmem>>, vector<16xf32>,
    %swap3A_2702 = arith.constant 416 : index
    %swap3A_2703 = tpu.vector_load %arg24[%swap3A_2702] {strides = array<i32>} : memref<656xf32, #tpu.memory_space<vmem>>, vector<16xf32>,
    %swap3A_2704 = vector.shape_cast %swap3A_2703 : vector<16xf32> to vector<16xf32>
    %swap3A_2705 = vector.shape_cast %get3A_2623 : vector<16xf32> to vector<16xf32>
    tpu.vector_store %arg24[%swap3A_2702], %swap3A_2705 {strides = array<i32>} : memref<656xf32, #tpu.memory_space<vmem>>, vector<16xf32>,
    %add3A_2706 = arith.constant 416 : i32
    %add3A_2707 = vector.broadcast %add3A_2706 : i32 to vector<16xi32>
    %add3A_2708 = arith.addi %iota3A, %add3A_2707 : vector<16xi32>
    %swap3A_2709 = arith.constant 416 : index
    %swap3A_2710 = tpu.vector_load %arg25[%swap3A_2709] {strides = array<i32>} : memref<656xi32, #tpu.memory_space<vmem>>, vector<16xi32>,
    %swap3A_2711 = vector.shape_cast %swap3A_2710 : vector<16xi32> to vector<16xi32>
    %swap3A_2712 = vector.shape_cast %add3A_2708 : vector<16xi32> to vector<16xi32>
    tpu.vector_store %arg25[%swap3A_2709], %swap3A_2712 {strides = array<i32>} : memref<656xi32, #tpu.memory_space<vmem>>, vector<16xi32>,
    %jit3A_2713 = arith.constant 1 : i32
    %jit3A_2714 = arith.constant 0 : i32
    %broadcast_in_dim3A_2715 = vector.broadcast %jit3A_2713 : i32 to vector<16xi32>
    %broadcast_in_dim3A_2716 = vector.broadcast %jit3A_2714 : i32 to vector<16xi32>
    %select_n3A_2717 = arith.select %gt3A_2626, %broadcast_in_dim3A_2715, %broadcast_in_dim3A_2716 : vector<16xi1>, vector<16xi32>
    %swap3A_2718 = arith.constant 416 : index
    %swap3A_2719 = tpu.vector_load %arg26[%swap3A_2718] {strides = array<i32>} : memref<656xi32, #tpu.memory_space<vmem>>, vector<16xi32>,
    %swap3A_2720 = vector.shape_cast %swap3A_2719 : vector<16xi32> to vector<16xi32>
    %swap3A_2721 = vector.shape_cast %select_n3A_2717 : vector<16xi32> to vector<16xi32>
    tpu.vector_store %arg26[%swap3A_2718], %swap3A_2721 {strides = array<i32>} : memref<656xi32, #tpu.memory_space<vmem>>, vector<16xi32>,
    %get3A_2722 = arith.constant 432 : index
    %get3A_2723 = tpu.vector_load %arg14[%get3A_2722] {strides = array<i32>} : memref<640xf32, #tpu.memory_space<vmem>>, vector<16xf32>,
    %get3A_2724 = vector.shape_cast %get3A_2723 : vector<16xf32> to vector<16xf32>
    %gt3A_2725 = arith.constant -5.000000e+08 : f32
    %gt3A_2726 = vector.broadcast %gt3A_2725 : f32 to vector<16xf32>
    %gt3A_2727 = arith.cmpf ogt, %get3A_2724, %gt3A_2726 : vector<16xf32>
    %get3A_2728 = arith.constant 432 : index
    %get3A_2729 = tpu.vector_load %arg15[%get3A_2728] {strides = array<i32>} : memref<640xf32, #tpu.memory_space<vmem>>, vector<16xf32>,
    %get3A_2730 = vector.shape_cast %get3A_2729 : vector<16xf32> to vector<16xf32>
    %mul3A_2731 = arith.constant 1.024000e+03 : f32
    %mul3A_2732 = vector.broadcast %mul3A_2731 : f32 to vector<16xf32>
    %mul3A_2733 = arith.mulf %get3A_2730, %mul3A_2732 : vector<16xf32>
    %get3A_2734 = arith.constant 432 : index
    %get3A_2735 = tpu.vector_load %arg16[%get3A_2734] {strides = array<i32>} : memref<640xf32, #tpu.memory_space<vmem>>, vector<16xf32>,
    %get3A_2736 = vector.shape_cast %get3A_2735 : vector<16xf32> to vector<16xf32>
    %mul3A_2737 = arith.constant 1.024000e+03 : f32
    %mul3A_2738 = vector.broadcast %mul3A_2737 : f32 to vector<16xf32>
    %mul3A_2739 = arith.mulf %get3A_2736, %mul3A_2738 : vector<16xf32>
    %get3A_2740 = arith.constant 432 : index
    %get3A_2741 = tpu.vector_load %arg17[%get3A_2740] {strides = array<i32>} : memref<640xf32, #tpu.memory_space<vmem>>, vector<16xf32>,
    %get3A_2742 = vector.shape_cast %get3A_2741 : vector<16xf32> to vector<16xf32>
    %mul3A_2743 = arith.constant 2.560000e+02 : f32
    %mul3A_2744 = vector.broadcast %mul3A_2743 : f32 to vector<16xf32>
    %mul3A_2745 = arith.mulf %get3A_2742, %mul3A_2744 : vector<16xf32>
    %add3A_2746 = arith.constant 1.000000e+00 : f32
    %add3A_2747 = vector.broadcast %add3A_2746 : f32 to vector<16xf32>
    %add3A_2748 = arith.addf %mul3A_2745, %add3A_2747 : vector<16xf32>
    %get3A_2749 = arith.constant 432 : index
    %get3A_2750 = tpu.vector_load %arg18[%get3A_2749] {strides = array<i32>} : memref<640xf32, #tpu.memory_space<vmem>>, vector<16xf32>,
    %get3A_2751 = vector.shape_cast %get3A_2750 : vector<16xf32> to vector<16xf32>
    %mul3A_2752 = arith.constant 2.560000e+02 : f32
    %mul3A_2753 = vector.broadcast %mul3A_2752 : f32 to vector<16xf32>
    %mul3A_2754 = arith.mulf %get3A_2751, %mul3A_2753 : vector<16xf32>
    %add3A_2755 = arith.constant 1.000000e+00 : f32
    %add3A_2756 = vector.broadcast %add3A_2755 : f32 to vector<16xf32>
    %add3A_2757 = arith.addf %mul3A_2754, %add3A_2756 : vector<16xf32>
    %mul3A_2758 = arith.constant 5.000000e-01 : f32
    %mul3A_2759 = vector.broadcast %mul3A_2758 : f32 to vector<16xf32>
    %mul3A_2760 = arith.mulf %add3A_2748, %mul3A_2759 : vector<16xf32>
    %sub3A_2761 = arith.subf %mul3A_2733, %mul3A_2760 : vector<16xf32>
    %mul3A_2762 = arith.constant 5.000000e-01 : f32
    %mul3A_2763 = vector.broadcast %mul3A_2762 : f32 to vector<16xf32>
    %mul3A_2764 = arith.mulf %add3A_2757, %mul3A_2763 : vector<16xf32>
    %sub3A_2765 = arith.subf %mul3A_2739, %mul3A_2764 : vector<16xf32>
    %mul3A_2766 = arith.constant 5.000000e-01 : f32
    %mul3A_2767 = vector.broadcast %mul3A_2766 : f32 to vector<16xf32>
    %mul3A_2768 = arith.mulf %add3A_2748, %mul3A_2767 : vector<16xf32>
    %add3A_2769 = arith.addf %mul3A_2733, %mul3A_2768 : vector<16xf32>
    %mul3A_2770 = arith.constant 5.000000e-01 : f32
    %mul3A_2771 = vector.broadcast %mul3A_2770 : f32 to vector<16xf32>
    %mul3A_2772 = arith.mulf %add3A_2757, %mul3A_2771 : vector<16xf32>
    %add3A_2773 = arith.addf %mul3A_2739, %mul3A_2772 : vector<16xf32>
    %swap3A_2774 = arith.constant 432 : index
    %swap3A_2775 = tpu.vector_load %arg19[%swap3A_2774] {strides = array<i32>} : memref<656xf32, #tpu.memory_space<vmem>>, vector<16xf32>,
    %swap3A_2776 = vector.shape_cast %swap3A_2775 : vector<16xf32> to vector<16xf32>
    %swap3A_2777 = vector.shape_cast %sub3A_2761 : vector<16xf32> to vector<16xf32>
    tpu.vector_store %arg19[%swap3A_2774], %swap3A_2777 {strides = array<i32>} : memref<656xf32, #tpu.memory_space<vmem>>, vector<16xf32>,
    %swap3A_2778 = arith.constant 432 : index
    %swap3A_2779 = tpu.vector_load %arg20[%swap3A_2778] {strides = array<i32>} : memref<656xf32, #tpu.memory_space<vmem>>, vector<16xf32>,
    %swap3A_2780 = vector.shape_cast %swap3A_2779 : vector<16xf32> to vector<16xf32>
    %swap3A_2781 = vector.shape_cast %sub3A_2765 : vector<16xf32> to vector<16xf32>
    tpu.vector_store %arg20[%swap3A_2778], %swap3A_2781 {strides = array<i32>} : memref<656xf32, #tpu.memory_space<vmem>>, vector<16xf32>,
    %swap3A_2782 = arith.constant 432 : index
    %swap3A_2783 = tpu.vector_load %arg21[%swap3A_2782] {strides = array<i32>} : memref<656xf32, #tpu.memory_space<vmem>>, vector<16xf32>,
    %swap3A_2784 = vector.shape_cast %swap3A_2783 : vector<16xf32> to vector<16xf32>
    %swap3A_2785 = vector.shape_cast %add3A_2769 : vector<16xf32> to vector<16xf32>
    tpu.vector_store %arg21[%swap3A_2782], %swap3A_2785 {strides = array<i32>} : memref<656xf32, #tpu.memory_space<vmem>>, vector<16xf32>,
    %swap3A_2786 = arith.constant 432 : index
    %swap3A_2787 = tpu.vector_load %arg22[%swap3A_2786] {strides = array<i32>} : memref<656xf32, #tpu.memory_space<vmem>>, vector<16xf32>,
    %swap3A_2788 = vector.shape_cast %swap3A_2787 : vector<16xf32> to vector<16xf32>
    %swap3A_2789 = vector.shape_cast %add3A_2773 : vector<16xf32> to vector<16xf32>
    tpu.vector_store %arg22[%swap3A_2786], %swap3A_2789 {strides = array<i32>} : memref<656xf32, #tpu.memory_space<vmem>>, vector<16xf32>,
    %sub3A_2790 = arith.subf %add3A_2769, %sub3A_2761 : vector<16xf32>
    %max3A_2791 = arith.constant 0.000000e+00 : f32
    %max3A_2792 = vector.broadcast %max3A_2791 : f32 to vector<16xf32>
    %max3A_2793 = arith.maximumf %sub3A_2790, %max3A_2792 : vector<16xf32>
    %sub3A_2794 = arith.subf %add3A_2773, %sub3A_2765 : vector<16xf32>
    %max3A_2795 = arith.constant 0.000000e+00 : f32
    %max3A_2796 = vector.broadcast %max3A_2795 : f32 to vector<16xf32>
    %max3A_2797 = arith.maximumf %sub3A_2794, %max3A_2796 : vector<16xf32>
    %mul3A_2798 = arith.mulf %max3A_2793, %max3A_2797 : vector<16xf32>
    %swap3A_2799 = arith.constant 432 : index
    %swap3A_2800 = tpu.vector_load %arg23[%swap3A_2799] {strides = array<i32>} : memref<656xf32, #tpu.memory_space<vmem>>, vector<16xf32>,
    %swap3A_2801 = vector.shape_cast %swap3A_2800 : vector<16xf32> to vector<16xf32>
    %swap3A_2802 = vector.shape_cast %mul3A_2798 : vector<16xf32> to vector<16xf32>
    tpu.vector_store %arg23[%swap3A_2799], %swap3A_2802 {strides = array<i32>} : memref<656xf32, #tpu.memory_space<vmem>>, vector<16xf32>,
    %swap3A_2803 = arith.constant 432 : index
    %swap3A_2804 = tpu.vector_load %arg24[%swap3A_2803] {strides = array<i32>} : memref<656xf32, #tpu.memory_space<vmem>>, vector<16xf32>,
    %swap3A_2805 = vector.shape_cast %swap3A_2804 : vector<16xf32> to vector<16xf32>
    %swap3A_2806 = vector.shape_cast %get3A_2724 : vector<16xf32> to vector<16xf32>
    tpu.vector_store %arg24[%swap3A_2803], %swap3A_2806 {strides = array<i32>} : memref<656xf32, #tpu.memory_space<vmem>>, vector<16xf32>,
    %add3A_2807 = arith.constant 432 : i32
    %add3A_2808 = vector.broadcast %add3A_2807 : i32 to vector<16xi32>
    %add3A_2809 = arith.addi %iota3A, %add3A_2808 : vector<16xi32>
    %swap3A_2810 = arith.constant 432 : index
    %swap3A_2811 = tpu.vector_load %arg25[%swap3A_2810] {strides = array<i32>} : memref<656xi32, #tpu.memory_space<vmem>>, vector<16xi32>,
    %swap3A_2812 = vector.shape_cast %swap3A_2811 : vector<16xi32> to vector<16xi32>
    %swap3A_2813 = vector.shape_cast %add3A_2809 : vector<16xi32> to vector<16xi32>
    tpu.vector_store %arg25[%swap3A_2810], %swap3A_2813 {strides = array<i32>} : memref<656xi32, #tpu.memory_space<vmem>>, vector<16xi32>,
    %jit3A_2814 = arith.constant 1 : i32
    %jit3A_2815 = arith.constant 0 : i32
    %broadcast_in_dim3A_2816 = vector.broadcast %jit3A_2814 : i32 to vector<16xi32>
    %broadcast_in_dim3A_2817 = vector.broadcast %jit3A_2815 : i32 to vector<16xi32>
    %select_n3A_2818 = arith.select %gt3A_2727, %broadcast_in_dim3A_2816, %broadcast_in_dim3A_2817 : vector<16xi1>, vector<16xi32>
    %swap3A_2819 = arith.constant 432 : index
    %swap3A_2820 = tpu.vector_load %arg26[%swap3A_2819] {strides = array<i32>} : memref<656xi32, #tpu.memory_space<vmem>>, vector<16xi32>,
    %swap3A_2821 = vector.shape_cast %swap3A_2820 : vector<16xi32> to vector<16xi32>
    %swap3A_2822 = vector.shape_cast %select_n3A_2818 : vector<16xi32> to vector<16xi32>
    tpu.vector_store %arg26[%swap3A_2819], %swap3A_2822 {strides = array<i32>} : memref<656xi32, #tpu.memory_space<vmem>>, vector<16xi32>,
    %get3A_2823 = arith.constant 448 : index
    %get3A_2824 = tpu.vector_load %arg14[%get3A_2823] {strides = array<i32>} : memref<640xf32, #tpu.memory_space<vmem>>, vector<16xf32>,
    %get3A_2825 = vector.shape_cast %get3A_2824 : vector<16xf32> to vector<16xf32>
    %gt3A_2826 = arith.constant -5.000000e+08 : f32
    %gt3A_2827 = vector.broadcast %gt3A_2826 : f32 to vector<16xf32>
    %gt3A_2828 = arith.cmpf ogt, %get3A_2825, %gt3A_2827 : vector<16xf32>
    %get3A_2829 = arith.constant 448 : index
    %get3A_2830 = tpu.vector_load %arg15[%get3A_2829] {strides = array<i32>} : memref<640xf32, #tpu.memory_space<vmem>>, vector<16xf32>,
    %get3A_2831 = vector.shape_cast %get3A_2830 : vector<16xf32> to vector<16xf32>
    %mul3A_2832 = arith.constant 1.024000e+03 : f32
    %mul3A_2833 = vector.broadcast %mul3A_2832 : f32 to vector<16xf32>
    %mul3A_2834 = arith.mulf %get3A_2831, %mul3A_2833 : vector<16xf32>
    %get3A_2835 = arith.constant 448 : index
    %get3A_2836 = tpu.vector_load %arg16[%get3A_2835] {strides = array<i32>} : memref<640xf32, #tpu.memory_space<vmem>>, vector<16xf32>,
    %get3A_2837 = vector.shape_cast %get3A_2836 : vector<16xf32> to vector<16xf32>
    %mul3A_2838 = arith.constant 1.024000e+03 : f32
    %mul3A_2839 = vector.broadcast %mul3A_2838 : f32 to vector<16xf32>
    %mul3A_2840 = arith.mulf %get3A_2837, %mul3A_2839 : vector<16xf32>
    %get3A_2841 = arith.constant 448 : index
    %get3A_2842 = tpu.vector_load %arg17[%get3A_2841] {strides = array<i32>} : memref<640xf32, #tpu.memory_space<vmem>>, vector<16xf32>,
    %get3A_2843 = vector.shape_cast %get3A_2842 : vector<16xf32> to vector<16xf32>
    %mul3A_2844 = arith.constant 2.560000e+02 : f32
    %mul3A_2845 = vector.broadcast %mul3A_2844 : f32 to vector<16xf32>
    %mul3A_2846 = arith.mulf %get3A_2843, %mul3A_2845 : vector<16xf32>
    %add3A_2847 = arith.constant 1.000000e+00 : f32
    %add3A_2848 = vector.broadcast %add3A_2847 : f32 to vector<16xf32>
    %add3A_2849 = arith.addf %mul3A_2846, %add3A_2848 : vector<16xf32>
    %get3A_2850 = arith.constant 448 : index
    %get3A_2851 = tpu.vector_load %arg18[%get3A_2850] {strides = array<i32>} : memref<640xf32, #tpu.memory_space<vmem>>, vector<16xf32>,
    %get3A_2852 = vector.shape_cast %get3A_2851 : vector<16xf32> to vector<16xf32>
    %mul3A_2853 = arith.constant 2.560000e+02 : f32
    %mul3A_2854 = vector.broadcast %mul3A_2853 : f32 to vector<16xf32>
    %mul3A_2855 = arith.mulf %get3A_2852, %mul3A_2854 : vector<16xf32>
    %add3A_2856 = arith.constant 1.000000e+00 : f32
    %add3A_2857 = vector.broadcast %add3A_2856 : f32 to vector<16xf32>
    %add3A_2858 = arith.addf %mul3A_2855, %add3A_2857 : vector<16xf32>
    %mul3A_2859 = arith.constant 5.000000e-01 : f32
    %mul3A_2860 = vector.broadcast %mul3A_2859 : f32 to vector<16xf32>
    %mul3A_2861 = arith.mulf %add3A_2849, %mul3A_2860 : vector<16xf32>
    %sub3A_2862 = arith.subf %mul3A_2834, %mul3A_2861 : vector<16xf32>
    %mul3A_2863 = arith.constant 5.000000e-01 : f32
    %mul3A_2864 = vector.broadcast %mul3A_2863 : f32 to vector<16xf32>
    %mul3A_2865 = arith.mulf %add3A_2858, %mul3A_2864 : vector<16xf32>
    %sub3A_2866 = arith.subf %mul3A_2840, %mul3A_2865 : vector<16xf32>
    %mul3A_2867 = arith.constant 5.000000e-01 : f32
    %mul3A_2868 = vector.broadcast %mul3A_2867 : f32 to vector<16xf32>
    %mul3A_2869 = arith.mulf %add3A_2849, %mul3A_2868 : vector<16xf32>
    %add3A_2870 = arith.addf %mul3A_2834, %mul3A_2869 : vector<16xf32>
    %mul3A_2871 = arith.constant 5.000000e-01 : f32
    %mul3A_2872 = vector.broadcast %mul3A_2871 : f32 to vector<16xf32>
    %mul3A_2873 = arith.mulf %add3A_2858, %mul3A_2872 : vector<16xf32>
    %add3A_2874 = arith.addf %mul3A_2840, %mul3A_2873 : vector<16xf32>
    %swap3A_2875 = arith.constant 448 : index
    %swap3A_2876 = tpu.vector_load %arg19[%swap3A_2875] {strides = array<i32>} : memref<656xf32, #tpu.memory_space<vmem>>, vector<16xf32>,
    %swap3A_2877 = vector.shape_cast %swap3A_2876 : vector<16xf32> to vector<16xf32>
    %swap3A_2878 = vector.shape_cast %sub3A_2862 : vector<16xf32> to vector<16xf32>
    tpu.vector_store %arg19[%swap3A_2875], %swap3A_2878 {strides = array<i32>} : memref<656xf32, #tpu.memory_space<vmem>>, vector<16xf32>,
    %swap3A_2879 = arith.constant 448 : index
    %swap3A_2880 = tpu.vector_load %arg20[%swap3A_2879] {strides = array<i32>} : memref<656xf32, #tpu.memory_space<vmem>>, vector<16xf32>,
    %swap3A_2881 = vector.shape_cast %swap3A_2880 : vector<16xf32> to vector<16xf32>
    %swap3A_2882 = vector.shape_cast %sub3A_2866 : vector<16xf32> to vector<16xf32>
    tpu.vector_store %arg20[%swap3A_2879], %swap3A_2882 {strides = array<i32>} : memref<656xf32, #tpu.memory_space<vmem>>, vector<16xf32>,
    %swap3A_2883 = arith.constant 448 : index
    %swap3A_2884 = tpu.vector_load %arg21[%swap3A_2883] {strides = array<i32>} : memref<656xf32, #tpu.memory_space<vmem>>, vector<16xf32>,
    %swap3A_2885 = vector.shape_cast %swap3A_2884 : vector<16xf32> to vector<16xf32>
    %swap3A_2886 = vector.shape_cast %add3A_2870 : vector<16xf32> to vector<16xf32>
    tpu.vector_store %arg21[%swap3A_2883], %swap3A_2886 {strides = array<i32>} : memref<656xf32, #tpu.memory_space<vmem>>, vector<16xf32>,
    %swap3A_2887 = arith.constant 448 : index
    %swap3A_2888 = tpu.vector_load %arg22[%swap3A_2887] {strides = array<i32>} : memref<656xf32, #tpu.memory_space<vmem>>, vector<16xf32>,
    %swap3A_2889 = vector.shape_cast %swap3A_2888 : vector<16xf32> to vector<16xf32>
    %swap3A_2890 = vector.shape_cast %add3A_2874 : vector<16xf32> to vector<16xf32>
    tpu.vector_store %arg22[%swap3A_2887], %swap3A_2890 {strides = array<i32>} : memref<656xf32, #tpu.memory_space<vmem>>, vector<16xf32>,
    %sub3A_2891 = arith.subf %add3A_2870, %sub3A_2862 : vector<16xf32>
    %max3A_2892 = arith.constant 0.000000e+00 : f32
    %max3A_2893 = vector.broadcast %max3A_2892 : f32 to vector<16xf32>
    %max3A_2894 = arith.maximumf %sub3A_2891, %max3A_2893 : vector<16xf32>
    %sub3A_2895 = arith.subf %add3A_2874, %sub3A_2866 : vector<16xf32>
    %max3A_2896 = arith.constant 0.000000e+00 : f32
    %max3A_2897 = vector.broadcast %max3A_2896 : f32 to vector<16xf32>
    %max3A_2898 = arith.maximumf %sub3A_2895, %max3A_2897 : vector<16xf32>
    %mul3A_2899 = arith.mulf %max3A_2894, %max3A_2898 : vector<16xf32>
    %swap3A_2900 = arith.constant 448 : index
    %swap3A_2901 = tpu.vector_load %arg23[%swap3A_2900] {strides = array<i32>} : memref<656xf32, #tpu.memory_space<vmem>>, vector<16xf32>,
    %swap3A_2902 = vector.shape_cast %swap3A_2901 : vector<16xf32> to vector<16xf32>
    %swap3A_2903 = vector.shape_cast %mul3A_2899 : vector<16xf32> to vector<16xf32>
    tpu.vector_store %arg23[%swap3A_2900], %swap3A_2903 {strides = array<i32>} : memref<656xf32, #tpu.memory_space<vmem>>, vector<16xf32>,
    %swap3A_2904 = arith.constant 448 : index
    %swap3A_2905 = tpu.vector_load %arg24[%swap3A_2904] {strides = array<i32>} : memref<656xf32, #tpu.memory_space<vmem>>, vector<16xf32>,
    %swap3A_2906 = vector.shape_cast %swap3A_2905 : vector<16xf32> to vector<16xf32>
    %swap3A_2907 = vector.shape_cast %get3A_2825 : vector<16xf32> to vector<16xf32>
    tpu.vector_store %arg24[%swap3A_2904], %swap3A_2907 {strides = array<i32>} : memref<656xf32, #tpu.memory_space<vmem>>, vector<16xf32>,
    %add3A_2908 = arith.constant 448 : i32
    %add3A_2909 = vector.broadcast %add3A_2908 : i32 to vector<16xi32>
    %add3A_2910 = arith.addi %iota3A, %add3A_2909 : vector<16xi32>
    %swap3A_2911 = arith.constant 448 : index
    %swap3A_2912 = tpu.vector_load %arg25[%swap3A_2911] {strides = array<i32>} : memref<656xi32, #tpu.memory_space<vmem>>, vector<16xi32>,
    %swap3A_2913 = vector.shape_cast %swap3A_2912 : vector<16xi32> to vector<16xi32>
    %swap3A_2914 = vector.shape_cast %add3A_2910 : vector<16xi32> to vector<16xi32>
    tpu.vector_store %arg25[%swap3A_2911], %swap3A_2914 {strides = array<i32>} : memref<656xi32, #tpu.memory_space<vmem>>, vector<16xi32>,
    %jit3A_2915 = arith.constant 1 : i32
    %jit3A_2916 = arith.constant 0 : i32
    %broadcast_in_dim3A_2917 = vector.broadcast %jit3A_2915 : i32 to vector<16xi32>
    %broadcast_in_dim3A_2918 = vector.broadcast %jit3A_2916 : i32 to vector<16xi32>
    %select_n3A_2919 = arith.select %gt3A_2828, %broadcast_in_dim3A_2917, %broadcast_in_dim3A_2918 : vector<16xi1>, vector<16xi32>
    %swap3A_2920 = arith.constant 448 : index
    %swap3A_2921 = tpu.vector_load %arg26[%swap3A_2920] {strides = array<i32>} : memref<656xi32, #tpu.memory_space<vmem>>, vector<16xi32>,
    %swap3A_2922 = vector.shape_cast %swap3A_2921 : vector<16xi32> to vector<16xi32>
    %swap3A_2923 = vector.shape_cast %select_n3A_2919 : vector<16xi32> to vector<16xi32>
    tpu.vector_store %arg26[%swap3A_2920], %swap3A_2923 {strides = array<i32>} : memref<656xi32, #tpu.memory_space<vmem>>, vector<16xi32>,
    %get3A_2924 = arith.constant 464 : index
    %get3A_2925 = tpu.vector_load %arg14[%get3A_2924] {strides = array<i32>} : memref<640xf32, #tpu.memory_space<vmem>>, vector<16xf32>,
    %get3A_2926 = vector.shape_cast %get3A_2925 : vector<16xf32> to vector<16xf32>
    %gt3A_2927 = arith.constant -5.000000e+08 : f32
    %gt3A_2928 = vector.broadcast %gt3A_2927 : f32 to vector<16xf32>
    %gt3A_2929 = arith.cmpf ogt, %get3A_2926, %gt3A_2928 : vector<16xf32>
    %get3A_2930 = arith.constant 464 : index
    %get3A_2931 = tpu.vector_load %arg15[%get3A_2930] {strides = array<i32>} : memref<640xf32, #tpu.memory_space<vmem>>, vector<16xf32>,
    %get3A_2932 = vector.shape_cast %get3A_2931 : vector<16xf32> to vector<16xf32>
    %mul3A_2933 = arith.constant 1.024000e+03 : f32
    %mul3A_2934 = vector.broadcast %mul3A_2933 : f32 to vector<16xf32>
    %mul3A_2935 = arith.mulf %get3A_2932, %mul3A_2934 : vector<16xf32>
    %get3A_2936 = arith.constant 464 : index
    %get3A_2937 = tpu.vector_load %arg16[%get3A_2936] {strides = array<i32>} : memref<640xf32, #tpu.memory_space<vmem>>, vector<16xf32>,
    %get3A_2938 = vector.shape_cast %get3A_2937 : vector<16xf32> to vector<16xf32>
    %mul3A_2939 = arith.constant 1.024000e+03 : f32
    %mul3A_2940 = vector.broadcast %mul3A_2939 : f32 to vector<16xf32>
    %mul3A_2941 = arith.mulf %get3A_2938, %mul3A_2940 : vector<16xf32>
    %get3A_2942 = arith.constant 464 : index
    %get3A_2943 = tpu.vector_load %arg17[%get3A_2942] {strides = array<i32>} : memref<640xf32, #tpu.memory_space<vmem>>, vector<16xf32>,
    %get3A_2944 = vector.shape_cast %get3A_2943 : vector<16xf32> to vector<16xf32>
    %mul3A_2945 = arith.constant 2.560000e+02 : f32
    %mul3A_2946 = vector.broadcast %mul3A_2945 : f32 to vector<16xf32>
    %mul3A_2947 = arith.mulf %get3A_2944, %mul3A_2946 : vector<16xf32>
    %add3A_2948 = arith.constant 1.000000e+00 : f32
    %add3A_2949 = vector.broadcast %add3A_2948 : f32 to vector<16xf32>
    %add3A_2950 = arith.addf %mul3A_2947, %add3A_2949 : vector<16xf32>
    %get3A_2951 = arith.constant 464 : index
    %get3A_2952 = tpu.vector_load %arg18[%get3A_2951] {strides = array<i32>} : memref<640xf32, #tpu.memory_space<vmem>>, vector<16xf32>,
    %get3A_2953 = vector.shape_cast %get3A_2952 : vector<16xf32> to vector<16xf32>
    %mul3A_2954 = arith.constant 2.560000e+02 : f32
    %mul3A_2955 = vector.broadcast %mul3A_2954 : f32 to vector<16xf32>
    %mul3A_2956 = arith.mulf %get3A_2953, %mul3A_2955 : vector<16xf32>
    %add3A_2957 = arith.constant 1.000000e+00 : f32
    %add3A_2958 = vector.broadcast %add3A_2957 : f32 to vector<16xf32>
    %add3A_2959 = arith.addf %mul3A_2956, %add3A_2958 : vector<16xf32>
    %mul3A_2960 = arith.constant 5.000000e-01 : f32
    %mul3A_2961 = vector.broadcast %mul3A_2960 : f32 to vector<16xf32>
    %mul3A_2962 = arith.mulf %add3A_2950, %mul3A_2961 : vector<16xf32>
    %sub3A_2963 = arith.subf %mul3A_2935, %mul3A_2962 : vector<16xf32>
    %mul3A_2964 = arith.constant 5.000000e-01 : f32
    %mul3A_2965 = vector.broadcast %mul3A_2964 : f32 to vector<16xf32>
    %mul3A_2966 = arith.mulf %add3A_2959, %mul3A_2965 : vector<16xf32>
    %sub3A_2967 = arith.subf %mul3A_2941, %mul3A_2966 : vector<16xf32>
    %mul3A_2968 = arith.constant 5.000000e-01 : f32
    %mul3A_2969 = vector.broadcast %mul3A_2968 : f32 to vector<16xf32>
    %mul3A_2970 = arith.mulf %add3A_2950, %mul3A_2969 : vector<16xf32>
    %add3A_2971 = arith.addf %mul3A_2935, %mul3A_2970 : vector<16xf32>
    %mul3A_2972 = arith.constant 5.000000e-01 : f32
    %mul3A_2973 = vector.broadcast %mul3A_2972 : f32 to vector<16xf32>
    %mul3A_2974 = arith.mulf %add3A_2959, %mul3A_2973 : vector<16xf32>
    %add3A_2975 = arith.addf %mul3A_2941, %mul3A_2974 : vector<16xf32>
    %swap3A_2976 = arith.constant 464 : index
    %swap3A_2977 = tpu.vector_load %arg19[%swap3A_2976] {strides = array<i32>} : memref<656xf32, #tpu.memory_space<vmem>>, vector<16xf32>,
    %swap3A_2978 = vector.shape_cast %swap3A_2977 : vector<16xf32> to vector<16xf32>
    %swap3A_2979 = vector.shape_cast %sub3A_2963 : vector<16xf32> to vector<16xf32>
    tpu.vector_store %arg19[%swap3A_2976], %swap3A_2979 {strides = array<i32>} : memref<656xf32, #tpu.memory_space<vmem>>, vector<16xf32>,
    %swap3A_2980 = arith.constant 464 : index
    %swap3A_2981 = tpu.vector_load %arg20[%swap3A_2980] {strides = array<i32>} : memref<656xf32, #tpu.memory_space<vmem>>, vector<16xf32>,
    %swap3A_2982 = vector.shape_cast %swap3A_2981 : vector<16xf32> to vector<16xf32>
    %swap3A_2983 = vector.shape_cast %sub3A_2967 : vector<16xf32> to vector<16xf32>
    tpu.vector_store %arg20[%swap3A_2980], %swap3A_2983 {strides = array<i32>} : memref<656xf32, #tpu.memory_space<vmem>>, vector<16xf32>,
    %swap3A_2984 = arith.constant 464 : index
    %swap3A_2985 = tpu.vector_load %arg21[%swap3A_2984] {strides = array<i32>} : memref<656xf32, #tpu.memory_space<vmem>>, vector<16xf32>,
    %swap3A_2986 = vector.shape_cast %swap3A_2985 : vector<16xf32> to vector<16xf32>
    %swap3A_2987 = vector.shape_cast %add3A_2971 : vector<16xf32> to vector<16xf32>
    tpu.vector_store %arg21[%swap3A_2984], %swap3A_2987 {strides = array<i32>} : memref<656xf32, #tpu.memory_space<vmem>>, vector<16xf32>,
    %swap3A_2988 = arith.constant 464 : index
    %swap3A_2989 = tpu.vector_load %arg22[%swap3A_2988] {strides = array<i32>} : memref<656xf32, #tpu.memory_space<vmem>>, vector<16xf32>,
    %swap3A_2990 = vector.shape_cast %swap3A_2989 : vector<16xf32> to vector<16xf32>
    %swap3A_2991 = vector.shape_cast %add3A_2975 : vector<16xf32> to vector<16xf32>
    tpu.vector_store %arg22[%swap3A_2988], %swap3A_2991 {strides = array<i32>} : memref<656xf32, #tpu.memory_space<vmem>>, vector<16xf32>,
    %sub3A_2992 = arith.subf %add3A_2971, %sub3A_2963 : vector<16xf32>
    %max3A_2993 = arith.constant 0.000000e+00 : f32
    %max3A_2994 = vector.broadcast %max3A_2993 : f32 to vector<16xf32>
    %max3A_2995 = arith.maximumf %sub3A_2992, %max3A_2994 : vector<16xf32>
    %sub3A_2996 = arith.subf %add3A_2975, %sub3A_2967 : vector<16xf32>
    %max3A_2997 = arith.constant 0.000000e+00 : f32
    %max3A_2998 = vector.broadcast %max3A_2997 : f32 to vector<16xf32>
    %max3A_2999 = arith.maximumf %sub3A_2996, %max3A_2998 : vector<16xf32>
    %mul3A_3000 = arith.mulf %max3A_2995, %max3A_2999 : vector<16xf32>
    %swap3A_3001 = arith.constant 464 : index
    %swap3A_3002 = tpu.vector_load %arg23[%swap3A_3001] {strides = array<i32>} : memref<656xf32, #tpu.memory_space<vmem>>, vector<16xf32>,
    %swap3A_3003 = vector.shape_cast %swap3A_3002 : vector<16xf32> to vector<16xf32>
    %swap3A_3004 = vector.shape_cast %mul3A_3000 : vector<16xf32> to vector<16xf32>
    tpu.vector_store %arg23[%swap3A_3001], %swap3A_3004 {strides = array<i32>} : memref<656xf32, #tpu.memory_space<vmem>>, vector<16xf32>,
    %swap3A_3005 = arith.constant 464 : index
    %swap3A_3006 = tpu.vector_load %arg24[%swap3A_3005] {strides = array<i32>} : memref<656xf32, #tpu.memory_space<vmem>>, vector<16xf32>,
    %swap3A_3007 = vector.shape_cast %swap3A_3006 : vector<16xf32> to vector<16xf32>
    %swap3A_3008 = vector.shape_cast %get3A_2926 : vector<16xf32> to vector<16xf32>
    tpu.vector_store %arg24[%swap3A_3005], %swap3A_3008 {strides = array<i32>} : memref<656xf32, #tpu.memory_space<vmem>>, vector<16xf32>,
    %add3A_3009 = arith.constant 464 : i32
    %add3A_3010 = vector.broadcast %add3A_3009 : i32 to vector<16xi32>
    %add3A_3011 = arith.addi %iota3A, %add3A_3010 : vector<16xi32>
    %swap3A_3012 = arith.constant 464 : index
    %swap3A_3013 = tpu.vector_load %arg25[%swap3A_3012] {strides = array<i32>} : memref<656xi32, #tpu.memory_space<vmem>>, vector<16xi32>,
    %swap3A_3014 = vector.shape_cast %swap3A_3013 : vector<16xi32> to vector<16xi32>
    %swap3A_3015 = vector.shape_cast %add3A_3011 : vector<16xi32> to vector<16xi32>
    tpu.vector_store %arg25[%swap3A_3012], %swap3A_3015 {strides = array<i32>} : memref<656xi32, #tpu.memory_space<vmem>>, vector<16xi32>,
    %jit3A_3016 = arith.constant 1 : i32
    %jit3A_3017 = arith.constant 0 : i32
    %broadcast_in_dim3A_3018 = vector.broadcast %jit3A_3016 : i32 to vector<16xi32>
    %broadcast_in_dim3A_3019 = vector.broadcast %jit3A_3017 : i32 to vector<16xi32>
    %select_n3A_3020 = arith.select %gt3A_2929, %broadcast_in_dim3A_3018, %broadcast_in_dim3A_3019 : vector<16xi1>, vector<16xi32>
    %swap3A_3021 = arith.constant 464 : index
    %swap3A_3022 = tpu.vector_load %arg26[%swap3A_3021] {strides = array<i32>} : memref<656xi32, #tpu.memory_space<vmem>>, vector<16xi32>,
    %swap3A_3023 = vector.shape_cast %swap3A_3022 : vector<16xi32> to vector<16xi32>
    %swap3A_3024 = vector.shape_cast %select_n3A_3020 : vector<16xi32> to vector<16xi32>
    tpu.vector_store %arg26[%swap3A_3021], %swap3A_3024 {strides = array<i32>} : memref<656xi32, #tpu.memory_space<vmem>>, vector<16xi32>,
    %get3A_3025 = arith.constant 480 : index
    %get3A_3026 = tpu.vector_load %arg14[%get3A_3025] {strides = array<i32>} : memref<640xf32, #tpu.memory_space<vmem>>, vector<16xf32>,
    %get3A_3027 = vector.shape_cast %get3A_3026 : vector<16xf32> to vector<16xf32>
    %gt3A_3028 = arith.constant -5.000000e+08 : f32
    %gt3A_3029 = vector.broadcast %gt3A_3028 : f32 to vector<16xf32>
    %gt3A_3030 = arith.cmpf ogt, %get3A_3027, %gt3A_3029 : vector<16xf32>
    %get3A_3031 = arith.constant 480 : index
    %get3A_3032 = tpu.vector_load %arg15[%get3A_3031] {strides = array<i32>} : memref<640xf32, #tpu.memory_space<vmem>>, vector<16xf32>,
    %get3A_3033 = vector.shape_cast %get3A_3032 : vector<16xf32> to vector<16xf32>
    %mul3A_3034 = arith.constant 1.024000e+03 : f32
    %mul3A_3035 = vector.broadcast %mul3A_3034 : f32 to vector<16xf32>
    %mul3A_3036 = arith.mulf %get3A_3033, %mul3A_3035 : vector<16xf32>
    %get3A_3037 = arith.constant 480 : index
    %get3A_3038 = tpu.vector_load %arg16[%get3A_3037] {strides = array<i32>} : memref<640xf32, #tpu.memory_space<vmem>>, vector<16xf32>,
    %get3A_3039 = vector.shape_cast %get3A_3038 : vector<16xf32> to vector<16xf32>
    %mul3A_3040 = arith.constant 1.024000e+03 : f32
    %mul3A_3041 = vector.broadcast %mul3A_3040 : f32 to vector<16xf32>
    %mul3A_3042 = arith.mulf %get3A_3039, %mul3A_3041 : vector<16xf32>
    %get3A_3043 = arith.constant 480 : index
    %get3A_3044 = tpu.vector_load %arg17[%get3A_3043] {strides = array<i32>} : memref<640xf32, #tpu.memory_space<vmem>>, vector<16xf32>,
    %get3A_3045 = vector.shape_cast %get3A_3044 : vector<16xf32> to vector<16xf32>
    %mul3A_3046 = arith.constant 2.560000e+02 : f32
    %mul3A_3047 = vector.broadcast %mul3A_3046 : f32 to vector<16xf32>
    %mul3A_3048 = arith.mulf %get3A_3045, %mul3A_3047 : vector<16xf32>
    %add3A_3049 = arith.constant 1.000000e+00 : f32
    %add3A_3050 = vector.broadcast %add3A_3049 : f32 to vector<16xf32>
    %add3A_3051 = arith.addf %mul3A_3048, %add3A_3050 : vector<16xf32>
    %get3A_3052 = arith.constant 480 : index
    %get3A_3053 = tpu.vector_load %arg18[%get3A_3052] {strides = array<i32>} : memref<640xf32, #tpu.memory_space<vmem>>, vector<16xf32>,
    %get3A_3054 = vector.shape_cast %get3A_3053 : vector<16xf32> to vector<16xf32>
    %mul3A_3055 = arith.constant 2.560000e+02 : f32
    %mul3A_3056 = vector.broadcast %mul3A_3055 : f32 to vector<16xf32>
    %mul3A_3057 = arith.mulf %get3A_3054, %mul3A_3056 : vector<16xf32>
    %add3A_3058 = arith.constant 1.000000e+00 : f32
    %add3A_3059 = vector.broadcast %add3A_3058 : f32 to vector<16xf32>
    %add3A_3060 = arith.addf %mul3A_3057, %add3A_3059 : vector<16xf32>
    %mul3A_3061 = arith.constant 5.000000e-01 : f32
    %mul3A_3062 = vector.broadcast %mul3A_3061 : f32 to vector<16xf32>
    %mul3A_3063 = arith.mulf %add3A_3051, %mul3A_3062 : vector<16xf32>
    %sub3A_3064 = arith.subf %mul3A_3036, %mul3A_3063 : vector<16xf32>
    %mul3A_3065 = arith.constant 5.000000e-01 : f32
    %mul3A_3066 = vector.broadcast %mul3A_3065 : f32 to vector<16xf32>
    %mul3A_3067 = arith.mulf %add3A_3060, %mul3A_3066 : vector<16xf32>
    %sub3A_3068 = arith.subf %mul3A_3042, %mul3A_3067 : vector<16xf32>
    %mul3A_3069 = arith.constant 5.000000e-01 : f32
    %mul3A_3070 = vector.broadcast %mul3A_3069 : f32 to vector<16xf32>
    %mul3A_3071 = arith.mulf %add3A_3051, %mul3A_3070 : vector<16xf32>
    %add3A_3072 = arith.addf %mul3A_3036, %mul3A_3071 : vector<16xf32>
    %mul3A_3073 = arith.constant 5.000000e-01 : f32
    %mul3A_3074 = vector.broadcast %mul3A_3073 : f32 to vector<16xf32>
    %mul3A_3075 = arith.mulf %add3A_3060, %mul3A_3074 : vector<16xf32>
    %add3A_3076 = arith.addf %mul3A_3042, %mul3A_3075 : vector<16xf32>
    %swap3A_3077 = arith.constant 480 : index
    %swap3A_3078 = tpu.vector_load %arg19[%swap3A_3077] {strides = array<i32>} : memref<656xf32, #tpu.memory_space<vmem>>, vector<16xf32>,
    %swap3A_3079 = vector.shape_cast %swap3A_3078 : vector<16xf32> to vector<16xf32>
    %swap3A_3080 = vector.shape_cast %sub3A_3064 : vector<16xf32> to vector<16xf32>
    tpu.vector_store %arg19[%swap3A_3077], %swap3A_3080 {strides = array<i32>} : memref<656xf32, #tpu.memory_space<vmem>>, vector<16xf32>,
    %swap3A_3081 = arith.constant 480 : index
    %swap3A_3082 = tpu.vector_load %arg20[%swap3A_3081] {strides = array<i32>} : memref<656xf32, #tpu.memory_space<vmem>>, vector<16xf32>,
    %swap3A_3083 = vector.shape_cast %swap3A_3082 : vector<16xf32> to vector<16xf32>
    %swap3A_3084 = vector.shape_cast %sub3A_3068 : vector<16xf32> to vector<16xf32>
    tpu.vector_store %arg20[%swap3A_3081], %swap3A_3084 {strides = array<i32>} : memref<656xf32, #tpu.memory_space<vmem>>, vector<16xf32>,
    %swap3A_3085 = arith.constant 480 : index
    %swap3A_3086 = tpu.vector_load %arg21[%swap3A_3085] {strides = array<i32>} : memref<656xf32, #tpu.memory_space<vmem>>, vector<16xf32>,
    %swap3A_3087 = vector.shape_cast %swap3A_3086 : vector<16xf32> to vector<16xf32>
    %swap3A_3088 = vector.shape_cast %add3A_3072 : vector<16xf32> to vector<16xf32>
    tpu.vector_store %arg21[%swap3A_3085], %swap3A_3088 {strides = array<i32>} : memref<656xf32, #tpu.memory_space<vmem>>, vector<16xf32>,
    %swap3A_3089 = arith.constant 480 : index
    %swap3A_3090 = tpu.vector_load %arg22[%swap3A_3089] {strides = array<i32>} : memref<656xf32, #tpu.memory_space<vmem>>, vector<16xf32>,
    %swap3A_3091 = vector.shape_cast %swap3A_3090 : vector<16xf32> to vector<16xf32>
    %swap3A_3092 = vector.shape_cast %add3A_3076 : vector<16xf32> to vector<16xf32>
    tpu.vector_store %arg22[%swap3A_3089], %swap3A_3092 {strides = array<i32>} : memref<656xf32, #tpu.memory_space<vmem>>, vector<16xf32>,
    %sub3A_3093 = arith.subf %add3A_3072, %sub3A_3064 : vector<16xf32>
    %max3A_3094 = arith.constant 0.000000e+00 : f32
    %max3A_3095 = vector.broadcast %max3A_3094 : f32 to vector<16xf32>
    %max3A_3096 = arith.maximumf %sub3A_3093, %max3A_3095 : vector<16xf32>
    %sub3A_3097 = arith.subf %add3A_3076, %sub3A_3068 : vector<16xf32>
    %max3A_3098 = arith.constant 0.000000e+00 : f32
    %max3A_3099 = vector.broadcast %max3A_3098 : f32 to vector<16xf32>
    %max3A_3100 = arith.maximumf %sub3A_3097, %max3A_3099 : vector<16xf32>
    %mul3A_3101 = arith.mulf %max3A_3096, %max3A_3100 : vector<16xf32>
    %swap3A_3102 = arith.constant 480 : index
    %swap3A_3103 = tpu.vector_load %arg23[%swap3A_3102] {strides = array<i32>} : memref<656xf32, #tpu.memory_space<vmem>>, vector<16xf32>,
    %swap3A_3104 = vector.shape_cast %swap3A_3103 : vector<16xf32> to vector<16xf32>
    %swap3A_3105 = vector.shape_cast %mul3A_3101 : vector<16xf32> to vector<16xf32>
    tpu.vector_store %arg23[%swap3A_3102], %swap3A_3105 {strides = array<i32>} : memref<656xf32, #tpu.memory_space<vmem>>, vector<16xf32>,
    %swap3A_3106 = arith.constant 480 : index
    %swap3A_3107 = tpu.vector_load %arg24[%swap3A_3106] {strides = array<i32>} : memref<656xf32, #tpu.memory_space<vmem>>, vector<16xf32>,
    %swap3A_3108 = vector.shape_cast %swap3A_3107 : vector<16xf32> to vector<16xf32>
    %swap3A_3109 = vector.shape_cast %get3A_3027 : vector<16xf32> to vector<16xf32>
    tpu.vector_store %arg24[%swap3A_3106], %swap3A_3109 {strides = array<i32>} : memref<656xf32, #tpu.memory_space<vmem>>, vector<16xf32>,
    %add3A_3110 = arith.constant 480 : i32
    %add3A_3111 = vector.broadcast %add3A_3110 : i32 to vector<16xi32>
    %add3A_3112 = arith.addi %iota3A, %add3A_3111 : vector<16xi32>
    %swap3A_3113 = arith.constant 480 : index
    %swap3A_3114 = tpu.vector_load %arg25[%swap3A_3113] {strides = array<i32>} : memref<656xi32, #tpu.memory_space<vmem>>, vector<16xi32>,
    %swap3A_3115 = vector.shape_cast %swap3A_3114 : vector<16xi32> to vector<16xi32>
    %swap3A_3116 = vector.shape_cast %add3A_3112 : vector<16xi32> to vector<16xi32>
    tpu.vector_store %arg25[%swap3A_3113], %swap3A_3116 {strides = array<i32>} : memref<656xi32, #tpu.memory_space<vmem>>, vector<16xi32>,
    %jit3A_3117 = arith.constant 1 : i32
    %jit3A_3118 = arith.constant 0 : i32
    %broadcast_in_dim3A_3119 = vector.broadcast %jit3A_3117 : i32 to vector<16xi32>
    %broadcast_in_dim3A_3120 = vector.broadcast %jit3A_3118 : i32 to vector<16xi32>
    %select_n3A_3121 = arith.select %gt3A_3030, %broadcast_in_dim3A_3119, %broadcast_in_dim3A_3120 : vector<16xi1>, vector<16xi32>
    %swap3A_3122 = arith.constant 480 : index
    %swap3A_3123 = tpu.vector_load %arg26[%swap3A_3122] {strides = array<i32>} : memref<656xi32, #tpu.memory_space<vmem>>, vector<16xi32>,
    %swap3A_3124 = vector.shape_cast %swap3A_3123 : vector<16xi32> to vector<16xi32>
    %swap3A_3125 = vector.shape_cast %select_n3A_3121 : vector<16xi32> to vector<16xi32>
    tpu.vector_store %arg26[%swap3A_3122], %swap3A_3125 {strides = array<i32>} : memref<656xi32, #tpu.memory_space<vmem>>, vector<16xi32>,
    %get3A_3126 = arith.constant 496 : index
    %get3A_3127 = tpu.vector_load %arg14[%get3A_3126] {strides = array<i32>} : memref<640xf32, #tpu.memory_space<vmem>>, vector<16xf32>,
    %get3A_3128 = vector.shape_cast %get3A_3127 : vector<16xf32> to vector<16xf32>
    %gt3A_3129 = arith.constant -5.000000e+08 : f32
    %gt3A_3130 = vector.broadcast %gt3A_3129 : f32 to vector<16xf32>
    %gt3A_3131 = arith.cmpf ogt, %get3A_3128, %gt3A_3130 : vector<16xf32>
    %get3A_3132 = arith.constant 496 : index
    %get3A_3133 = tpu.vector_load %arg15[%get3A_3132] {strides = array<i32>} : memref<640xf32, #tpu.memory_space<vmem>>, vector<16xf32>,
    %get3A_3134 = vector.shape_cast %get3A_3133 : vector<16xf32> to vector<16xf32>
    %mul3A_3135 = arith.constant 1.024000e+03 : f32
    %mul3A_3136 = vector.broadcast %mul3A_3135 : f32 to vector<16xf32>
    %mul3A_3137 = arith.mulf %get3A_3134, %mul3A_3136 : vector<16xf32>
    %get3A_3138 = arith.constant 496 : index
    %get3A_3139 = tpu.vector_load %arg16[%get3A_3138] {strides = array<i32>} : memref<640xf32, #tpu.memory_space<vmem>>, vector<16xf32>,
    %get3A_3140 = vector.shape_cast %get3A_3139 : vector<16xf32> to vector<16xf32>
    %mul3A_3141 = arith.constant 1.024000e+03 : f32
    %mul3A_3142 = vector.broadcast %mul3A_3141 : f32 to vector<16xf32>
    %mul3A_3143 = arith.mulf %get3A_3140, %mul3A_3142 : vector<16xf32>
    %get3A_3144 = arith.constant 496 : index
    %get3A_3145 = tpu.vector_load %arg17[%get3A_3144] {strides = array<i32>} : memref<640xf32, #tpu.memory_space<vmem>>, vector<16xf32>,
    %get3A_3146 = vector.shape_cast %get3A_3145 : vector<16xf32> to vector<16xf32>
    %mul3A_3147 = arith.constant 2.560000e+02 : f32
    %mul3A_3148 = vector.broadcast %mul3A_3147 : f32 to vector<16xf32>
    %mul3A_3149 = arith.mulf %get3A_3146, %mul3A_3148 : vector<16xf32>
    %add3A_3150 = arith.constant 1.000000e+00 : f32
    %add3A_3151 = vector.broadcast %add3A_3150 : f32 to vector<16xf32>
    %add3A_3152 = arith.addf %mul3A_3149, %add3A_3151 : vector<16xf32>
    %get3A_3153 = arith.constant 496 : index
    %get3A_3154 = tpu.vector_load %arg18[%get3A_3153] {strides = array<i32>} : memref<640xf32, #tpu.memory_space<vmem>>, vector<16xf32>,
    %get3A_3155 = vector.shape_cast %get3A_3154 : vector<16xf32> to vector<16xf32>
    %mul3A_3156 = arith.constant 2.560000e+02 : f32
    %mul3A_3157 = vector.broadcast %mul3A_3156 : f32 to vector<16xf32>
    %mul3A_3158 = arith.mulf %get3A_3155, %mul3A_3157 : vector<16xf32>
    %add3A_3159 = arith.constant 1.000000e+00 : f32
    %add3A_3160 = vector.broadcast %add3A_3159 : f32 to vector<16xf32>
    %add3A_3161 = arith.addf %mul3A_3158, %add3A_3160 : vector<16xf32>
    %mul3A_3162 = arith.constant 5.000000e-01 : f32
    %mul3A_3163 = vector.broadcast %mul3A_3162 : f32 to vector<16xf32>
    %mul3A_3164 = arith.mulf %add3A_3152, %mul3A_3163 : vector<16xf32>
    %sub3A_3165 = arith.subf %mul3A_3137, %mul3A_3164 : vector<16xf32>
    %mul3A_3166 = arith.constant 5.000000e-01 : f32
    %mul3A_3167 = vector.broadcast %mul3A_3166 : f32 to vector<16xf32>
    %mul3A_3168 = arith.mulf %add3A_3161, %mul3A_3167 : vector<16xf32>
    %sub3A_3169 = arith.subf %mul3A_3143, %mul3A_3168 : vector<16xf32>
    %mul3A_3170 = arith.constant 5.000000e-01 : f32
    %mul3A_3171 = vector.broadcast %mul3A_3170 : f32 to vector<16xf32>
    %mul3A_3172 = arith.mulf %add3A_3152, %mul3A_3171 : vector<16xf32>
    %add3A_3173 = arith.addf %mul3A_3137, %mul3A_3172 : vector<16xf32>
    %mul3A_3174 = arith.constant 5.000000e-01 : f32
    %mul3A_3175 = vector.broadcast %mul3A_3174 : f32 to vector<16xf32>
    %mul3A_3176 = arith.mulf %add3A_3161, %mul3A_3175 : vector<16xf32>
    %add3A_3177 = arith.addf %mul3A_3143, %mul3A_3176 : vector<16xf32>
    %swap3A_3178 = arith.constant 496 : index
    %swap3A_3179 = tpu.vector_load %arg19[%swap3A_3178] {strides = array<i32>} : memref<656xf32, #tpu.memory_space<vmem>>, vector<16xf32>,
    %swap3A_3180 = vector.shape_cast %swap3A_3179 : vector<16xf32> to vector<16xf32>
    %swap3A_3181 = vector.shape_cast %sub3A_3165 : vector<16xf32> to vector<16xf32>
    tpu.vector_store %arg19[%swap3A_3178], %swap3A_3181 {strides = array<i32>} : memref<656xf32, #tpu.memory_space<vmem>>, vector<16xf32>,
    %swap3A_3182 = arith.constant 496 : index
    %swap3A_3183 = tpu.vector_load %arg20[%swap3A_3182] {strides = array<i32>} : memref<656xf32, #tpu.memory_space<vmem>>, vector<16xf32>,
    %swap3A_3184 = vector.shape_cast %swap3A_3183 : vector<16xf32> to vector<16xf32>
    %swap3A_3185 = vector.shape_cast %sub3A_3169 : vector<16xf32> to vector<16xf32>
    tpu.vector_store %arg20[%swap3A_3182], %swap3A_3185 {strides = array<i32>} : memref<656xf32, #tpu.memory_space<vmem>>, vector<16xf32>,
    %swap3A_3186 = arith.constant 496 : index
    %swap3A_3187 = tpu.vector_load %arg21[%swap3A_3186] {strides = array<i32>} : memref<656xf32, #tpu.memory_space<vmem>>, vector<16xf32>,
    %swap3A_3188 = vector.shape_cast %swap3A_3187 : vector<16xf32> to vector<16xf32>
    %swap3A_3189 = vector.shape_cast %add3A_3173 : vector<16xf32> to vector<16xf32>
    tpu.vector_store %arg21[%swap3A_3186], %swap3A_3189 {strides = array<i32>} : memref<656xf32, #tpu.memory_space<vmem>>, vector<16xf32>,
    %swap3A_3190 = arith.constant 496 : index
    %swap3A_3191 = tpu.vector_load %arg22[%swap3A_3190] {strides = array<i32>} : memref<656xf32, #tpu.memory_space<vmem>>, vector<16xf32>,
    %swap3A_3192 = vector.shape_cast %swap3A_3191 : vector<16xf32> to vector<16xf32>
    %swap3A_3193 = vector.shape_cast %add3A_3177 : vector<16xf32> to vector<16xf32>
    tpu.vector_store %arg22[%swap3A_3190], %swap3A_3193 {strides = array<i32>} : memref<656xf32, #tpu.memory_space<vmem>>, vector<16xf32>,
    %sub3A_3194 = arith.subf %add3A_3173, %sub3A_3165 : vector<16xf32>
    %max3A_3195 = arith.constant 0.000000e+00 : f32
    %max3A_3196 = vector.broadcast %max3A_3195 : f32 to vector<16xf32>
    %max3A_3197 = arith.maximumf %sub3A_3194, %max3A_3196 : vector<16xf32>
    %sub3A_3198 = arith.subf %add3A_3177, %sub3A_3169 : vector<16xf32>
    %max3A_3199 = arith.constant 0.000000e+00 : f32
    %max3A_3200 = vector.broadcast %max3A_3199 : f32 to vector<16xf32>
    %max3A_3201 = arith.maximumf %sub3A_3198, %max3A_3200 : vector<16xf32>
    %mul3A_3202 = arith.mulf %max3A_3197, %max3A_3201 : vector<16xf32>
    %swap3A_3203 = arith.constant 496 : index
    %swap3A_3204 = tpu.vector_load %arg23[%swap3A_3203] {strides = array<i32>} : memref<656xf32, #tpu.memory_space<vmem>>, vector<16xf32>,
    %swap3A_3205 = vector.shape_cast %swap3A_3204 : vector<16xf32> to vector<16xf32>
    %swap3A_3206 = vector.shape_cast %mul3A_3202 : vector<16xf32> to vector<16xf32>
    tpu.vector_store %arg23[%swap3A_3203], %swap3A_3206 {strides = array<i32>} : memref<656xf32, #tpu.memory_space<vmem>>, vector<16xf32>,
    %swap3A_3207 = arith.constant 496 : index
    %swap3A_3208 = tpu.vector_load %arg24[%swap3A_3207] {strides = array<i32>} : memref<656xf32, #tpu.memory_space<vmem>>, vector<16xf32>,
    %swap3A_3209 = vector.shape_cast %swap3A_3208 : vector<16xf32> to vector<16xf32>
    %swap3A_3210 = vector.shape_cast %get3A_3128 : vector<16xf32> to vector<16xf32>
    tpu.vector_store %arg24[%swap3A_3207], %swap3A_3210 {strides = array<i32>} : memref<656xf32, #tpu.memory_space<vmem>>, vector<16xf32>,
    %add3A_3211 = arith.constant 496 : i32
    %add3A_3212 = vector.broadcast %add3A_3211 : i32 to vector<16xi32>
    %add3A_3213 = arith.addi %iota3A, %add3A_3212 : vector<16xi32>
    %swap3A_3214 = arith.constant 496 : index
    %swap3A_3215 = tpu.vector_load %arg25[%swap3A_3214] {strides = array<i32>} : memref<656xi32, #tpu.memory_space<vmem>>, vector<16xi32>,
    %swap3A_3216 = vector.shape_cast %swap3A_3215 : vector<16xi32> to vector<16xi32>
    %swap3A_3217 = vector.shape_cast %add3A_3213 : vector<16xi32> to vector<16xi32>
    tpu.vector_store %arg25[%swap3A_3214], %swap3A_3217 {strides = array<i32>} : memref<656xi32, #tpu.memory_space<vmem>>, vector<16xi32>,
    %jit3A_3218 = arith.constant 1 : i32
    %jit3A_3219 = arith.constant 0 : i32
    %broadcast_in_dim3A_3220 = vector.broadcast %jit3A_3218 : i32 to vector<16xi32>
    %broadcast_in_dim3A_3221 = vector.broadcast %jit3A_3219 : i32 to vector<16xi32>
    %select_n3A_3222 = arith.select %gt3A_3131, %broadcast_in_dim3A_3220, %broadcast_in_dim3A_3221 : vector<16xi1>, vector<16xi32>
    %swap3A_3223 = arith.constant 496 : index
    %swap3A_3224 = tpu.vector_load %arg26[%swap3A_3223] {strides = array<i32>} : memref<656xi32, #tpu.memory_space<vmem>>, vector<16xi32>,
    %swap3A_3225 = vector.shape_cast %swap3A_3224 : vector<16xi32> to vector<16xi32>
    %swap3A_3226 = vector.shape_cast %select_n3A_3222 : vector<16xi32> to vector<16xi32>
    tpu.vector_store %arg26[%swap3A_3223], %swap3A_3226 {strides = array<i32>} : memref<656xi32, #tpu.memory_space<vmem>>, vector<16xi32>,
    %get3A_3227 = arith.constant 512 : index
    %get3A_3228 = tpu.vector_load %arg14[%get3A_3227] {strides = array<i32>} : memref<640xf32, #tpu.memory_space<vmem>>, vector<16xf32>,
    %get3A_3229 = vector.shape_cast %get3A_3228 : vector<16xf32> to vector<16xf32>
    %gt3A_3230 = arith.constant -5.000000e+08 : f32
    %gt3A_3231 = vector.broadcast %gt3A_3230 : f32 to vector<16xf32>
    %gt3A_3232 = arith.cmpf ogt, %get3A_3229, %gt3A_3231 : vector<16xf32>
    %get3A_3233 = arith.constant 512 : index
    %get3A_3234 = tpu.vector_load %arg15[%get3A_3233] {strides = array<i32>} : memref<640xf32, #tpu.memory_space<vmem>>, vector<16xf32>,
    %get3A_3235 = vector.shape_cast %get3A_3234 : vector<16xf32> to vector<16xf32>
    %mul3A_3236 = arith.constant 1.024000e+03 : f32
    %mul3A_3237 = vector.broadcast %mul3A_3236 : f32 to vector<16xf32>
    %mul3A_3238 = arith.mulf %get3A_3235, %mul3A_3237 : vector<16xf32>
    %get3A_3239 = arith.constant 512 : index
    %get3A_3240 = tpu.vector_load %arg16[%get3A_3239] {strides = array<i32>} : memref<640xf32, #tpu.memory_space<vmem>>, vector<16xf32>,
    %get3A_3241 = vector.shape_cast %get3A_3240 : vector<16xf32> to vector<16xf32>
    %mul3A_3242 = arith.constant 1.024000e+03 : f32
    %mul3A_3243 = vector.broadcast %mul3A_3242 : f32 to vector<16xf32>
    %mul3A_3244 = arith.mulf %get3A_3241, %mul3A_3243 : vector<16xf32>
    %get3A_3245 = arith.constant 512 : index
    %get3A_3246 = tpu.vector_load %arg17[%get3A_3245] {strides = array<i32>} : memref<640xf32, #tpu.memory_space<vmem>>, vector<16xf32>,
    %get3A_3247 = vector.shape_cast %get3A_3246 : vector<16xf32> to vector<16xf32>
    %mul3A_3248 = arith.constant 2.560000e+02 : f32
    %mul3A_3249 = vector.broadcast %mul3A_3248 : f32 to vector<16xf32>
    %mul3A_3250 = arith.mulf %get3A_3247, %mul3A_3249 : vector<16xf32>
    %add3A_3251 = arith.constant 1.000000e+00 : f32
    %add3A_3252 = vector.broadcast %add3A_3251 : f32 to vector<16xf32>
    %add3A_3253 = arith.addf %mul3A_3250, %add3A_3252 : vector<16xf32>
    %get3A_3254 = arith.constant 512 : index
    %get3A_3255 = tpu.vector_load %arg18[%get3A_3254] {strides = array<i32>} : memref<640xf32, #tpu.memory_space<vmem>>, vector<16xf32>,
    %get3A_3256 = vector.shape_cast %get3A_3255 : vector<16xf32> to vector<16xf32>
    %mul3A_3257 = arith.constant 2.560000e+02 : f32
    %mul3A_3258 = vector.broadcast %mul3A_3257 : f32 to vector<16xf32>
    %mul3A_3259 = arith.mulf %get3A_3256, %mul3A_3258 : vector<16xf32>
    %add3A_3260 = arith.constant 1.000000e+00 : f32
    %add3A_3261 = vector.broadcast %add3A_3260 : f32 to vector<16xf32>
    %add3A_3262 = arith.addf %mul3A_3259, %add3A_3261 : vector<16xf32>
    %mul3A_3263 = arith.constant 5.000000e-01 : f32
    %mul3A_3264 = vector.broadcast %mul3A_3263 : f32 to vector<16xf32>
    %mul3A_3265 = arith.mulf %add3A_3253, %mul3A_3264 : vector<16xf32>
    %sub3A_3266 = arith.subf %mul3A_3238, %mul3A_3265 : vector<16xf32>
    %mul3A_3267 = arith.constant 5.000000e-01 : f32
    %mul3A_3268 = vector.broadcast %mul3A_3267 : f32 to vector<16xf32>
    %mul3A_3269 = arith.mulf %add3A_3262, %mul3A_3268 : vector<16xf32>
    %sub3A_3270 = arith.subf %mul3A_3244, %mul3A_3269 : vector<16xf32>
    %mul3A_3271 = arith.constant 5.000000e-01 : f32
    %mul3A_3272 = vector.broadcast %mul3A_3271 : f32 to vector<16xf32>
    %mul3A_3273 = arith.mulf %add3A_3253, %mul3A_3272 : vector<16xf32>
    %add3A_3274 = arith.addf %mul3A_3238, %mul3A_3273 : vector<16xf32>
    %mul3A_3275 = arith.constant 5.000000e-01 : f32
    %mul3A_3276 = vector.broadcast %mul3A_3275 : f32 to vector<16xf32>
    %mul3A_3277 = arith.mulf %add3A_3262, %mul3A_3276 : vector<16xf32>
    %add3A_3278 = arith.addf %mul3A_3244, %mul3A_3277 : vector<16xf32>
    %swap3A_3279 = arith.constant 512 : index
    %swap3A_3280 = tpu.vector_load %arg19[%swap3A_3279] {strides = array<i32>} : memref<656xf32, #tpu.memory_space<vmem>>, vector<16xf32>,
    %swap3A_3281 = vector.shape_cast %swap3A_3280 : vector<16xf32> to vector<16xf32>
    %swap3A_3282 = vector.shape_cast %sub3A_3266 : vector<16xf32> to vector<16xf32>
    tpu.vector_store %arg19[%swap3A_3279], %swap3A_3282 {strides = array<i32>} : memref<656xf32, #tpu.memory_space<vmem>>, vector<16xf32>,
    %swap3A_3283 = arith.constant 512 : index
    %swap3A_3284 = tpu.vector_load %arg20[%swap3A_3283] {strides = array<i32>} : memref<656xf32, #tpu.memory_space<vmem>>, vector<16xf32>,
    %swap3A_3285 = vector.shape_cast %swap3A_3284 : vector<16xf32> to vector<16xf32>
    %swap3A_3286 = vector.shape_cast %sub3A_3270 : vector<16xf32> to vector<16xf32>
    tpu.vector_store %arg20[%swap3A_3283], %swap3A_3286 {strides = array<i32>} : memref<656xf32, #tpu.memory_space<vmem>>, vector<16xf32>,
    %swap3A_3287 = arith.constant 512 : index
    %swap3A_3288 = tpu.vector_load %arg21[%swap3A_3287] {strides = array<i32>} : memref<656xf32, #tpu.memory_space<vmem>>, vector<16xf32>,
    %swap3A_3289 = vector.shape_cast %swap3A_3288 : vector<16xf32> to vector<16xf32>
    %swap3A_3290 = vector.shape_cast %add3A_3274 : vector<16xf32> to vector<16xf32>
    tpu.vector_store %arg21[%swap3A_3287], %swap3A_3290 {strides = array<i32>} : memref<656xf32, #tpu.memory_space<vmem>>, vector<16xf32>,
    %swap3A_3291 = arith.constant 512 : index
    %swap3A_3292 = tpu.vector_load %arg22[%swap3A_3291] {strides = array<i32>} : memref<656xf32, #tpu.memory_space<vmem>>, vector<16xf32>,
    %swap3A_3293 = vector.shape_cast %swap3A_3292 : vector<16xf32> to vector<16xf32>
    %swap3A_3294 = vector.shape_cast %add3A_3278 : vector<16xf32> to vector<16xf32>
    tpu.vector_store %arg22[%swap3A_3291], %swap3A_3294 {strides = array<i32>} : memref<656xf32, #tpu.memory_space<vmem>>, vector<16xf32>,
    %sub3A_3295 = arith.subf %add3A_3274, %sub3A_3266 : vector<16xf32>
    %max3A_3296 = arith.constant 0.000000e+00 : f32
    %max3A_3297 = vector.broadcast %max3A_3296 : f32 to vector<16xf32>
    %max3A_3298 = arith.maximumf %sub3A_3295, %max3A_3297 : vector<16xf32>
    %sub3A_3299 = arith.subf %add3A_3278, %sub3A_3270 : vector<16xf32>
    %max3A_3300 = arith.constant 0.000000e+00 : f32
    %max3A_3301 = vector.broadcast %max3A_3300 : f32 to vector<16xf32>
    %max3A_3302 = arith.maximumf %sub3A_3299, %max3A_3301 : vector<16xf32>
    %mul3A_3303 = arith.mulf %max3A_3298, %max3A_3302 : vector<16xf32>
    %swap3A_3304 = arith.constant 512 : index
    %swap3A_3305 = tpu.vector_load %arg23[%swap3A_3304] {strides = array<i32>} : memref<656xf32, #tpu.memory_space<vmem>>, vector<16xf32>,
    %swap3A_3306 = vector.shape_cast %swap3A_3305 : vector<16xf32> to vector<16xf32>
    %swap3A_3307 = vector.shape_cast %mul3A_3303 : vector<16xf32> to vector<16xf32>
    tpu.vector_store %arg23[%swap3A_3304], %swap3A_3307 {strides = array<i32>} : memref<656xf32, #tpu.memory_space<vmem>>, vector<16xf32>,
    %swap3A_3308 = arith.constant 512 : index
    %swap3A_3309 = tpu.vector_load %arg24[%swap3A_3308] {strides = array<i32>} : memref<656xf32, #tpu.memory_space<vmem>>, vector<16xf32>,
    %swap3A_3310 = vector.shape_cast %swap3A_3309 : vector<16xf32> to vector<16xf32>
    %swap3A_3311 = vector.shape_cast %get3A_3229 : vector<16xf32> to vector<16xf32>
    tpu.vector_store %arg24[%swap3A_3308], %swap3A_3311 {strides = array<i32>} : memref<656xf32, #tpu.memory_space<vmem>>, vector<16xf32>,
    %add3A_3312 = arith.constant 512 : i32
    %add3A_3313 = vector.broadcast %add3A_3312 : i32 to vector<16xi32>
    %add3A_3314 = arith.addi %iota3A, %add3A_3313 : vector<16xi32>
    %swap3A_3315 = arith.constant 512 : index
    %swap3A_3316 = tpu.vector_load %arg25[%swap3A_3315] {strides = array<i32>} : memref<656xi32, #tpu.memory_space<vmem>>, vector<16xi32>,
    %swap3A_3317 = vector.shape_cast %swap3A_3316 : vector<16xi32> to vector<16xi32>
    %swap3A_3318 = vector.shape_cast %add3A_3314 : vector<16xi32> to vector<16xi32>
    tpu.vector_store %arg25[%swap3A_3315], %swap3A_3318 {strides = array<i32>} : memref<656xi32, #tpu.memory_space<vmem>>, vector<16xi32>,
    %jit3A_3319 = arith.constant 1 : i32
    %jit3A_3320 = arith.constant 0 : i32
    %broadcast_in_dim3A_3321 = vector.broadcast %jit3A_3319 : i32 to vector<16xi32>
    %broadcast_in_dim3A_3322 = vector.broadcast %jit3A_3320 : i32 to vector<16xi32>
    %select_n3A_3323 = arith.select %gt3A_3232, %broadcast_in_dim3A_3321, %broadcast_in_dim3A_3322 : vector<16xi1>, vector<16xi32>
    %swap3A_3324 = arith.constant 512 : index
    %swap3A_3325 = tpu.vector_load %arg26[%swap3A_3324] {strides = array<i32>} : memref<656xi32, #tpu.memory_space<vmem>>, vector<16xi32>,
    %swap3A_3326 = vector.shape_cast %swap3A_3325 : vector<16xi32> to vector<16xi32>
    %swap3A_3327 = vector.shape_cast %select_n3A_3323 : vector<16xi32> to vector<16xi32>
    tpu.vector_store %arg26[%swap3A_3324], %swap3A_3327 {strides = array<i32>} : memref<656xi32, #tpu.memory_space<vmem>>, vector<16xi32>,
    %get3A_3328 = arith.constant 528 : index
    %get3A_3329 = tpu.vector_load %arg14[%get3A_3328] {strides = array<i32>} : memref<640xf32, #tpu.memory_space<vmem>>, vector<16xf32>,
    %get3A_3330 = vector.shape_cast %get3A_3329 : vector<16xf32> to vector<16xf32>
    %gt3A_3331 = arith.constant -5.000000e+08 : f32
    %gt3A_3332 = vector.broadcast %gt3A_3331 : f32 to vector<16xf32>
    %gt3A_3333 = arith.cmpf ogt, %get3A_3330, %gt3A_3332 : vector<16xf32>
    %get3A_3334 = arith.constant 528 : index
    %get3A_3335 = tpu.vector_load %arg15[%get3A_3334] {strides = array<i32>} : memref<640xf32, #tpu.memory_space<vmem>>, vector<16xf32>,
    %get3A_3336 = vector.shape_cast %get3A_3335 : vector<16xf32> to vector<16xf32>
    %mul3A_3337 = arith.constant 1.024000e+03 : f32
    %mul3A_3338 = vector.broadcast %mul3A_3337 : f32 to vector<16xf32>
    %mul3A_3339 = arith.mulf %get3A_3336, %mul3A_3338 : vector<16xf32>
    %get3A_3340 = arith.constant 528 : index
    %get3A_3341 = tpu.vector_load %arg16[%get3A_3340] {strides = array<i32>} : memref<640xf32, #tpu.memory_space<vmem>>, vector<16xf32>,
    %get3A_3342 = vector.shape_cast %get3A_3341 : vector<16xf32> to vector<16xf32>
    %mul3A_3343 = arith.constant 1.024000e+03 : f32
    %mul3A_3344 = vector.broadcast %mul3A_3343 : f32 to vector<16xf32>
    %mul3A_3345 = arith.mulf %get3A_3342, %mul3A_3344 : vector<16xf32>
    %get3A_3346 = arith.constant 528 : index
    %get3A_3347 = tpu.vector_load %arg17[%get3A_3346] {strides = array<i32>} : memref<640xf32, #tpu.memory_space<vmem>>, vector<16xf32>,
    %get3A_3348 = vector.shape_cast %get3A_3347 : vector<16xf32> to vector<16xf32>
    %mul3A_3349 = arith.constant 2.560000e+02 : f32
    %mul3A_3350 = vector.broadcast %mul3A_3349 : f32 to vector<16xf32>
    %mul3A_3351 = arith.mulf %get3A_3348, %mul3A_3350 : vector<16xf32>
    %add3A_3352 = arith.constant 1.000000e+00 : f32
    %add3A_3353 = vector.broadcast %add3A_3352 : f32 to vector<16xf32>
    %add3A_3354 = arith.addf %mul3A_3351, %add3A_3353 : vector<16xf32>
    %get3A_3355 = arith.constant 528 : index
    %get3A_3356 = tpu.vector_load %arg18[%get3A_3355] {strides = array<i32>} : memref<640xf32, #tpu.memory_space<vmem>>, vector<16xf32>,
    %get3A_3357 = vector.shape_cast %get3A_3356 : vector<16xf32> to vector<16xf32>
    %mul3A_3358 = arith.constant 2.560000e+02 : f32
    %mul3A_3359 = vector.broadcast %mul3A_3358 : f32 to vector<16xf32>
    %mul3A_3360 = arith.mulf %get3A_3357, %mul3A_3359 : vector<16xf32>
    %add3A_3361 = arith.constant 1.000000e+00 : f32
    %add3A_3362 = vector.broadcast %add3A_3361 : f32 to vector<16xf32>
    %add3A_3363 = arith.addf %mul3A_3360, %add3A_3362 : vector<16xf32>
    %mul3A_3364 = arith.constant 5.000000e-01 : f32
    %mul3A_3365 = vector.broadcast %mul3A_3364 : f32 to vector<16xf32>
    %mul3A_3366 = arith.mulf %add3A_3354, %mul3A_3365 : vector<16xf32>
    %sub3A_3367 = arith.subf %mul3A_3339, %mul3A_3366 : vector<16xf32>
    %mul3A_3368 = arith.constant 5.000000e-01 : f32
    %mul3A_3369 = vector.broadcast %mul3A_3368 : f32 to vector<16xf32>
    %mul3A_3370 = arith.mulf %add3A_3363, %mul3A_3369 : vector<16xf32>
    %sub3A_3371 = arith.subf %mul3A_3345, %mul3A_3370 : vector<16xf32>
    %mul3A_3372 = arith.constant 5.000000e-01 : f32
    %mul3A_3373 = vector.broadcast %mul3A_3372 : f32 to vector<16xf32>
    %mul3A_3374 = arith.mulf %add3A_3354, %mul3A_3373 : vector<16xf32>
    %add3A_3375 = arith.addf %mul3A_3339, %mul3A_3374 : vector<16xf32>
    %mul3A_3376 = arith.constant 5.000000e-01 : f32
    %mul3A_3377 = vector.broadcast %mul3A_3376 : f32 to vector<16xf32>
    %mul3A_3378 = arith.mulf %add3A_3363, %mul3A_3377 : vector<16xf32>
    %add3A_3379 = arith.addf %mul3A_3345, %mul3A_3378 : vector<16xf32>
    %swap3A_3380 = arith.constant 528 : index
    %swap3A_3381 = tpu.vector_load %arg19[%swap3A_3380] {strides = array<i32>} : memref<656xf32, #tpu.memory_space<vmem>>, vector<16xf32>,
    %swap3A_3382 = vector.shape_cast %swap3A_3381 : vector<16xf32> to vector<16xf32>
    %swap3A_3383 = vector.shape_cast %sub3A_3367 : vector<16xf32> to vector<16xf32>
    tpu.vector_store %arg19[%swap3A_3380], %swap3A_3383 {strides = array<i32>} : memref<656xf32, #tpu.memory_space<vmem>>, vector<16xf32>,
    %swap3A_3384 = arith.constant 528 : index
    %swap3A_3385 = tpu.vector_load %arg20[%swap3A_3384] {strides = array<i32>} : memref<656xf32, #tpu.memory_space<vmem>>, vector<16xf32>,
    %swap3A_3386 = vector.shape_cast %swap3A_3385 : vector<16xf32> to vector<16xf32>
    %swap3A_3387 = vector.shape_cast %sub3A_3371 : vector<16xf32> to vector<16xf32>
    tpu.vector_store %arg20[%swap3A_3384], %swap3A_3387 {strides = array<i32>} : memref<656xf32, #tpu.memory_space<vmem>>, vector<16xf32>,
    %swap3A_3388 = arith.constant 528 : index
    %swap3A_3389 = tpu.vector_load %arg21[%swap3A_3388] {strides = array<i32>} : memref<656xf32, #tpu.memory_space<vmem>>, vector<16xf32>,
    %swap3A_3390 = vector.shape_cast %swap3A_3389 : vector<16xf32> to vector<16xf32>
    %swap3A_3391 = vector.shape_cast %add3A_3375 : vector<16xf32> to vector<16xf32>
    tpu.vector_store %arg21[%swap3A_3388], %swap3A_3391 {strides = array<i32>} : memref<656xf32, #tpu.memory_space<vmem>>, vector<16xf32>,
    %swap3A_3392 = arith.constant 528 : index
    %swap3A_3393 = tpu.vector_load %arg22[%swap3A_3392] {strides = array<i32>} : memref<656xf32, #tpu.memory_space<vmem>>, vector<16xf32>,
    %swap3A_3394 = vector.shape_cast %swap3A_3393 : vector<16xf32> to vector<16xf32>
    %swap3A_3395 = vector.shape_cast %add3A_3379 : vector<16xf32> to vector<16xf32>
    tpu.vector_store %arg22[%swap3A_3392], %swap3A_3395 {strides = array<i32>} : memref<656xf32, #tpu.memory_space<vmem>>, vector<16xf32>,
    %sub3A_3396 = arith.subf %add3A_3375, %sub3A_3367 : vector<16xf32>
    %max3A_3397 = arith.constant 0.000000e+00 : f32
    %max3A_3398 = vector.broadcast %max3A_3397 : f32 to vector<16xf32>
    %max3A_3399 = arith.maximumf %sub3A_3396, %max3A_3398 : vector<16xf32>
    %sub3A_3400 = arith.subf %add3A_3379, %sub3A_3371 : vector<16xf32>
    %max3A_3401 = arith.constant 0.000000e+00 : f32
    %max3A_3402 = vector.broadcast %max3A_3401 : f32 to vector<16xf32>
    %max3A_3403 = arith.maximumf %sub3A_3400, %max3A_3402 : vector<16xf32>
    %mul3A_3404 = arith.mulf %max3A_3399, %max3A_3403 : vector<16xf32>
    %swap3A_3405 = arith.constant 528 : index
    %swap3A_3406 = tpu.vector_load %arg23[%swap3A_3405] {strides = array<i32>} : memref<656xf32, #tpu.memory_space<vmem>>, vector<16xf32>,
    %swap3A_3407 = vector.shape_cast %swap3A_3406 : vector<16xf32> to vector<16xf32>
    %swap3A_3408 = vector.shape_cast %mul3A_3404 : vector<16xf32> to vector<16xf32>
    tpu.vector_store %arg23[%swap3A_3405], %swap3A_3408 {strides = array<i32>} : memref<656xf32, #tpu.memory_space<vmem>>, vector<16xf32>,
    %swap3A_3409 = arith.constant 528 : index
    %swap3A_3410 = tpu.vector_load %arg24[%swap3A_3409] {strides = array<i32>} : memref<656xf32, #tpu.memory_space<vmem>>, vector<16xf32>,
    %swap3A_3411 = vector.shape_cast %swap3A_3410 : vector<16xf32> to vector<16xf32>
    %swap3A_3412 = vector.shape_cast %get3A_3330 : vector<16xf32> to vector<16xf32>
    tpu.vector_store %arg24[%swap3A_3409], %swap3A_3412 {strides = array<i32>} : memref<656xf32, #tpu.memory_space<vmem>>, vector<16xf32>,
    %add3A_3413 = arith.constant 528 : i32
    %add3A_3414 = vector.broadcast %add3A_3413 : i32 to vector<16xi32>
    %add3A_3415 = arith.addi %iota3A, %add3A_3414 : vector<16xi32>
    %swap3A_3416 = arith.constant 528 : index
    %swap3A_3417 = tpu.vector_load %arg25[%swap3A_3416] {strides = array<i32>} : memref<656xi32, #tpu.memory_space<vmem>>, vector<16xi32>,
    %swap3A_3418 = vector.shape_cast %swap3A_3417 : vector<16xi32> to vector<16xi32>
    %swap3A_3419 = vector.shape_cast %add3A_3415 : vector<16xi32> to vector<16xi32>
    tpu.vector_store %arg25[%swap3A_3416], %swap3A_3419 {strides = array<i32>} : memref<656xi32, #tpu.memory_space<vmem>>, vector<16xi32>,
    %jit3A_3420 = arith.constant 1 : i32
    %jit3A_3421 = arith.constant 0 : i32
    %broadcast_in_dim3A_3422 = vector.broadcast %jit3A_3420 : i32 to vector<16xi32>
    %broadcast_in_dim3A_3423 = vector.broadcast %jit3A_3421 : i32 to vector<16xi32>
    %select_n3A_3424 = arith.select %gt3A_3333, %broadcast_in_dim3A_3422, %broadcast_in_dim3A_3423 : vector<16xi1>, vector<16xi32>
    %swap3A_3425 = arith.constant 528 : index
    %swap3A_3426 = tpu.vector_load %arg26[%swap3A_3425] {strides = array<i32>} : memref<656xi32, #tpu.memory_space<vmem>>, vector<16xi32>,
    %swap3A_3427 = vector.shape_cast %swap3A_3426 : vector<16xi32> to vector<16xi32>
    %swap3A_3428 = vector.shape_cast %select_n3A_3424 : vector<16xi32> to vector<16xi32>
    tpu.vector_store %arg26[%swap3A_3425], %swap3A_3428 {strides = array<i32>} : memref<656xi32, #tpu.memory_space<vmem>>, vector<16xi32>,
    %get3A_3429 = arith.constant 544 : index
    %get3A_3430 = tpu.vector_load %arg14[%get3A_3429] {strides = array<i32>} : memref<640xf32, #tpu.memory_space<vmem>>, vector<16xf32>,
    %get3A_3431 = vector.shape_cast %get3A_3430 : vector<16xf32> to vector<16xf32>
    %gt3A_3432 = arith.constant -5.000000e+08 : f32
    %gt3A_3433 = vector.broadcast %gt3A_3432 : f32 to vector<16xf32>
    %gt3A_3434 = arith.cmpf ogt, %get3A_3431, %gt3A_3433 : vector<16xf32>
    %get3A_3435 = arith.constant 544 : index
    %get3A_3436 = tpu.vector_load %arg15[%get3A_3435] {strides = array<i32>} : memref<640xf32, #tpu.memory_space<vmem>>, vector<16xf32>,
    %get3A_3437 = vector.shape_cast %get3A_3436 : vector<16xf32> to vector<16xf32>
    %mul3A_3438 = arith.constant 1.024000e+03 : f32
    %mul3A_3439 = vector.broadcast %mul3A_3438 : f32 to vector<16xf32>
    %mul3A_3440 = arith.mulf %get3A_3437, %mul3A_3439 : vector<16xf32>
    %get3A_3441 = arith.constant 544 : index
    %get3A_3442 = tpu.vector_load %arg16[%get3A_3441] {strides = array<i32>} : memref<640xf32, #tpu.memory_space<vmem>>, vector<16xf32>,
    %get3A_3443 = vector.shape_cast %get3A_3442 : vector<16xf32> to vector<16xf32>
    %mul3A_3444 = arith.constant 1.024000e+03 : f32
    %mul3A_3445 = vector.broadcast %mul3A_3444 : f32 to vector<16xf32>
    %mul3A_3446 = arith.mulf %get3A_3443, %mul3A_3445 : vector<16xf32>
    %get3A_3447 = arith.constant 544 : index
    %get3A_3448 = tpu.vector_load %arg17[%get3A_3447] {strides = array<i32>} : memref<640xf32, #tpu.memory_space<vmem>>, vector<16xf32>,
    %get3A_3449 = vector.shape_cast %get3A_3448 : vector<16xf32> to vector<16xf32>
    %mul3A_3450 = arith.constant 2.560000e+02 : f32
    %mul3A_3451 = vector.broadcast %mul3A_3450 : f32 to vector<16xf32>
    %mul3A_3452 = arith.mulf %get3A_3449, %mul3A_3451 : vector<16xf32>
    %add3A_3453 = arith.constant 1.000000e+00 : f32
    %add3A_3454 = vector.broadcast %add3A_3453 : f32 to vector<16xf32>
    %add3A_3455 = arith.addf %mul3A_3452, %add3A_3454 : vector<16xf32>
    %get3A_3456 = arith.constant 544 : index
    %get3A_3457 = tpu.vector_load %arg18[%get3A_3456] {strides = array<i32>} : memref<640xf32, #tpu.memory_space<vmem>>, vector<16xf32>,
    %get3A_3458 = vector.shape_cast %get3A_3457 : vector<16xf32> to vector<16xf32>
    %mul3A_3459 = arith.constant 2.560000e+02 : f32
    %mul3A_3460 = vector.broadcast %mul3A_3459 : f32 to vector<16xf32>
    %mul3A_3461 = arith.mulf %get3A_3458, %mul3A_3460 : vector<16xf32>
    %add3A_3462 = arith.constant 1.000000e+00 : f32
    %add3A_3463 = vector.broadcast %add3A_3462 : f32 to vector<16xf32>
    %add3A_3464 = arith.addf %mul3A_3461, %add3A_3463 : vector<16xf32>
    %mul3A_3465 = arith.constant 5.000000e-01 : f32
    %mul3A_3466 = vector.broadcast %mul3A_3465 : f32 to vector<16xf32>
    %mul3A_3467 = arith.mulf %add3A_3455, %mul3A_3466 : vector<16xf32>
    %sub3A_3468 = arith.subf %mul3A_3440, %mul3A_3467 : vector<16xf32>
    %mul3A_3469 = arith.constant 5.000000e-01 : f32
    %mul3A_3470 = vector.broadcast %mul3A_3469 : f32 to vector<16xf32>
    %mul3A_3471 = arith.mulf %add3A_3464, %mul3A_3470 : vector<16xf32>
    %sub3A_3472 = arith.subf %mul3A_3446, %mul3A_3471 : vector<16xf32>
    %mul3A_3473 = arith.constant 5.000000e-01 : f32
    %mul3A_3474 = vector.broadcast %mul3A_3473 : f32 to vector<16xf32>
    %mul3A_3475 = arith.mulf %add3A_3455, %mul3A_3474 : vector<16xf32>
    %add3A_3476 = arith.addf %mul3A_3440, %mul3A_3475 : vector<16xf32>
    %mul3A_3477 = arith.constant 5.000000e-01 : f32
    %mul3A_3478 = vector.broadcast %mul3A_3477 : f32 to vector<16xf32>
    %mul3A_3479 = arith.mulf %add3A_3464, %mul3A_3478 : vector<16xf32>
    %add3A_3480 = arith.addf %mul3A_3446, %mul3A_3479 : vector<16xf32>
    %swap3A_3481 = arith.constant 544 : index
    %swap3A_3482 = tpu.vector_load %arg19[%swap3A_3481] {strides = array<i32>} : memref<656xf32, #tpu.memory_space<vmem>>, vector<16xf32>,
    %swap3A_3483 = vector.shape_cast %swap3A_3482 : vector<16xf32> to vector<16xf32>
    %swap3A_3484 = vector.shape_cast %sub3A_3468 : vector<16xf32> to vector<16xf32>
    tpu.vector_store %arg19[%swap3A_3481], %swap3A_3484 {strides = array<i32>} : memref<656xf32, #tpu.memory_space<vmem>>, vector<16xf32>,
    %swap3A_3485 = arith.constant 544 : index
    %swap3A_3486 = tpu.vector_load %arg20[%swap3A_3485] {strides = array<i32>} : memref<656xf32, #tpu.memory_space<vmem>>, vector<16xf32>,
    %swap3A_3487 = vector.shape_cast %swap3A_3486 : vector<16xf32> to vector<16xf32>
    %swap3A_3488 = vector.shape_cast %sub3A_3472 : vector<16xf32> to vector<16xf32>
    tpu.vector_store %arg20[%swap3A_3485], %swap3A_3488 {strides = array<i32>} : memref<656xf32, #tpu.memory_space<vmem>>, vector<16xf32>,
    %swap3A_3489 = arith.constant 544 : index
    %swap3A_3490 = tpu.vector_load %arg21[%swap3A_3489] {strides = array<i32>} : memref<656xf32, #tpu.memory_space<vmem>>, vector<16xf32>,
    %swap3A_3491 = vector.shape_cast %swap3A_3490 : vector<16xf32> to vector<16xf32>
    %swap3A_3492 = vector.shape_cast %add3A_3476 : vector<16xf32> to vector<16xf32>
    tpu.vector_store %arg21[%swap3A_3489], %swap3A_3492 {strides = array<i32>} : memref<656xf32, #tpu.memory_space<vmem>>, vector<16xf32>,
    %swap3A_3493 = arith.constant 544 : index
    %swap3A_3494 = tpu.vector_load %arg22[%swap3A_3493] {strides = array<i32>} : memref<656xf32, #tpu.memory_space<vmem>>, vector<16xf32>,
    %swap3A_3495 = vector.shape_cast %swap3A_3494 : vector<16xf32> to vector<16xf32>
    %swap3A_3496 = vector.shape_cast %add3A_3480 : vector<16xf32> to vector<16xf32>
    tpu.vector_store %arg22[%swap3A_3493], %swap3A_3496 {strides = array<i32>} : memref<656xf32, #tpu.memory_space<vmem>>, vector<16xf32>,
    %sub3A_3497 = arith.subf %add3A_3476, %sub3A_3468 : vector<16xf32>
    %max3A_3498 = arith.constant 0.000000e+00 : f32
    %max3A_3499 = vector.broadcast %max3A_3498 : f32 to vector<16xf32>
    %max3A_3500 = arith.maximumf %sub3A_3497, %max3A_3499 : vector<16xf32>
    %sub3A_3501 = arith.subf %add3A_3480, %sub3A_3472 : vector<16xf32>
    %max3A_3502 = arith.constant 0.000000e+00 : f32
    %max3A_3503 = vector.broadcast %max3A_3502 : f32 to vector<16xf32>
    %max3A_3504 = arith.maximumf %sub3A_3501, %max3A_3503 : vector<16xf32>
    %mul3A_3505 = arith.mulf %max3A_3500, %max3A_3504 : vector<16xf32>
    %swap3A_3506 = arith.constant 544 : index
    %swap3A_3507 = tpu.vector_load %arg23[%swap3A_3506] {strides = array<i32>} : memref<656xf32, #tpu.memory_space<vmem>>, vector<16xf32>,
    %swap3A_3508 = vector.shape_cast %swap3A_3507 : vector<16xf32> to vector<16xf32>
    %swap3A_3509 = vector.shape_cast %mul3A_3505 : vector<16xf32> to vector<16xf32>
    tpu.vector_store %arg23[%swap3A_3506], %swap3A_3509 {strides = array<i32>} : memref<656xf32, #tpu.memory_space<vmem>>, vector<16xf32>,
    %swap3A_3510 = arith.constant 544 : index
    %swap3A_3511 = tpu.vector_load %arg24[%swap3A_3510] {strides = array<i32>} : memref<656xf32, #tpu.memory_space<vmem>>, vector<16xf32>,
    %swap3A_3512 = vector.shape_cast %swap3A_3511 : vector<16xf32> to vector<16xf32>
    %swap3A_3513 = vector.shape_cast %get3A_3431 : vector<16xf32> to vector<16xf32>
    tpu.vector_store %arg24[%swap3A_3510], %swap3A_3513 {strides = array<i32>} : memref<656xf32, #tpu.memory_space<vmem>>, vector<16xf32>,
    %add3A_3514 = arith.constant 544 : i32
    %add3A_3515 = vector.broadcast %add3A_3514 : i32 to vector<16xi32>
    %add3A_3516 = arith.addi %iota3A, %add3A_3515 : vector<16xi32>
    %swap3A_3517 = arith.constant 544 : index
    %swap3A_3518 = tpu.vector_load %arg25[%swap3A_3517] {strides = array<i32>} : memref<656xi32, #tpu.memory_space<vmem>>, vector<16xi32>,
    %swap3A_3519 = vector.shape_cast %swap3A_3518 : vector<16xi32> to vector<16xi32>
    %swap3A_3520 = vector.shape_cast %add3A_3516 : vector<16xi32> to vector<16xi32>
    tpu.vector_store %arg25[%swap3A_3517], %swap3A_3520 {strides = array<i32>} : memref<656xi32, #tpu.memory_space<vmem>>, vector<16xi32>,
    %jit3A_3521 = arith.constant 1 : i32
    %jit3A_3522 = arith.constant 0 : i32
    %broadcast_in_dim3A_3523 = vector.broadcast %jit3A_3521 : i32 to vector<16xi32>
    %broadcast_in_dim3A_3524 = vector.broadcast %jit3A_3522 : i32 to vector<16xi32>
    %select_n3A_3525 = arith.select %gt3A_3434, %broadcast_in_dim3A_3523, %broadcast_in_dim3A_3524 : vector<16xi1>, vector<16xi32>
    %swap3A_3526 = arith.constant 544 : index
    %swap3A_3527 = tpu.vector_load %arg26[%swap3A_3526] {strides = array<i32>} : memref<656xi32, #tpu.memory_space<vmem>>, vector<16xi32>,
    %swap3A_3528 = vector.shape_cast %swap3A_3527 : vector<16xi32> to vector<16xi32>
    %swap3A_3529 = vector.shape_cast %select_n3A_3525 : vector<16xi32> to vector<16xi32>
    tpu.vector_store %arg26[%swap3A_3526], %swap3A_3529 {strides = array<i32>} : memref<656xi32, #tpu.memory_space<vmem>>, vector<16xi32>,
    %get3A_3530 = arith.constant 560 : index
    %get3A_3531 = tpu.vector_load %arg14[%get3A_3530] {strides = array<i32>} : memref<640xf32, #tpu.memory_space<vmem>>, vector<16xf32>,
    %get3A_3532 = vector.shape_cast %get3A_3531 : vector<16xf32> to vector<16xf32>
    %gt3A_3533 = arith.constant -5.000000e+08 : f32
    %gt3A_3534 = vector.broadcast %gt3A_3533 : f32 to vector<16xf32>
    %gt3A_3535 = arith.cmpf ogt, %get3A_3532, %gt3A_3534 : vector<16xf32>
    %get3A_3536 = arith.constant 560 : index
    %get3A_3537 = tpu.vector_load %arg15[%get3A_3536] {strides = array<i32>} : memref<640xf32, #tpu.memory_space<vmem>>, vector<16xf32>,
    %get3A_3538 = vector.shape_cast %get3A_3537 : vector<16xf32> to vector<16xf32>
    %mul3A_3539 = arith.constant 1.024000e+03 : f32
    %mul3A_3540 = vector.broadcast %mul3A_3539 : f32 to vector<16xf32>
    %mul3A_3541 = arith.mulf %get3A_3538, %mul3A_3540 : vector<16xf32>
    %get3A_3542 = arith.constant 560 : index
    %get3A_3543 = tpu.vector_load %arg16[%get3A_3542] {strides = array<i32>} : memref<640xf32, #tpu.memory_space<vmem>>, vector<16xf32>,
    %get3A_3544 = vector.shape_cast %get3A_3543 : vector<16xf32> to vector<16xf32>
    %mul3A_3545 = arith.constant 1.024000e+03 : f32
    %mul3A_3546 = vector.broadcast %mul3A_3545 : f32 to vector<16xf32>
    %mul3A_3547 = arith.mulf %get3A_3544, %mul3A_3546 : vector<16xf32>
    %get3A_3548 = arith.constant 560 : index
    %get3A_3549 = tpu.vector_load %arg17[%get3A_3548] {strides = array<i32>} : memref<640xf32, #tpu.memory_space<vmem>>, vector<16xf32>,
    %get3A_3550 = vector.shape_cast %get3A_3549 : vector<16xf32> to vector<16xf32>
    %mul3A_3551 = arith.constant 2.560000e+02 : f32
    %mul3A_3552 = vector.broadcast %mul3A_3551 : f32 to vector<16xf32>
    %mul3A_3553 = arith.mulf %get3A_3550, %mul3A_3552 : vector<16xf32>
    %add3A_3554 = arith.constant 1.000000e+00 : f32
    %add3A_3555 = vector.broadcast %add3A_3554 : f32 to vector<16xf32>
    %add3A_3556 = arith.addf %mul3A_3553, %add3A_3555 : vector<16xf32>
    %get3A_3557 = arith.constant 560 : index
    %get3A_3558 = tpu.vector_load %arg18[%get3A_3557] {strides = array<i32>} : memref<640xf32, #tpu.memory_space<vmem>>, vector<16xf32>,
    %get3A_3559 = vector.shape_cast %get3A_3558 : vector<16xf32> to vector<16xf32>
    %mul3A_3560 = arith.constant 2.560000e+02 : f32
    %mul3A_3561 = vector.broadcast %mul3A_3560 : f32 to vector<16xf32>
    %mul3A_3562 = arith.mulf %get3A_3559, %mul3A_3561 : vector<16xf32>
    %add3A_3563 = arith.constant 1.000000e+00 : f32
    %add3A_3564 = vector.broadcast %add3A_3563 : f32 to vector<16xf32>
    %add3A_3565 = arith.addf %mul3A_3562, %add3A_3564 : vector<16xf32>
    %mul3A_3566 = arith.constant 5.000000e-01 : f32
    %mul3A_3567 = vector.broadcast %mul3A_3566 : f32 to vector<16xf32>
    %mul3A_3568 = arith.mulf %add3A_3556, %mul3A_3567 : vector<16xf32>
    %sub3A_3569 = arith.subf %mul3A_3541, %mul3A_3568 : vector<16xf32>
    %mul3A_3570 = arith.constant 5.000000e-01 : f32
    %mul3A_3571 = vector.broadcast %mul3A_3570 : f32 to vector<16xf32>
    %mul3A_3572 = arith.mulf %add3A_3565, %mul3A_3571 : vector<16xf32>
    %sub3A_3573 = arith.subf %mul3A_3547, %mul3A_3572 : vector<16xf32>
    %mul3A_3574 = arith.constant 5.000000e-01 : f32
    %mul3A_3575 = vector.broadcast %mul3A_3574 : f32 to vector<16xf32>
    %mul3A_3576 = arith.mulf %add3A_3556, %mul3A_3575 : vector<16xf32>
    %add3A_3577 = arith.addf %mul3A_3541, %mul3A_3576 : vector<16xf32>
    %mul3A_3578 = arith.constant 5.000000e-01 : f32
    %mul3A_3579 = vector.broadcast %mul3A_3578 : f32 to vector<16xf32>
    %mul3A_3580 = arith.mulf %add3A_3565, %mul3A_3579 : vector<16xf32>
    %add3A_3581 = arith.addf %mul3A_3547, %mul3A_3580 : vector<16xf32>
    %swap3A_3582 = arith.constant 560 : index
    %swap3A_3583 = tpu.vector_load %arg19[%swap3A_3582] {strides = array<i32>} : memref<656xf32, #tpu.memory_space<vmem>>, vector<16xf32>,
    %swap3A_3584 = vector.shape_cast %swap3A_3583 : vector<16xf32> to vector<16xf32>
    %swap3A_3585 = vector.shape_cast %sub3A_3569 : vector<16xf32> to vector<16xf32>
    tpu.vector_store %arg19[%swap3A_3582], %swap3A_3585 {strides = array<i32>} : memref<656xf32, #tpu.memory_space<vmem>>, vector<16xf32>,
    %swap3A_3586 = arith.constant 560 : index
    %swap3A_3587 = tpu.vector_load %arg20[%swap3A_3586] {strides = array<i32>} : memref<656xf32, #tpu.memory_space<vmem>>, vector<16xf32>,
    %swap3A_3588 = vector.shape_cast %swap3A_3587 : vector<16xf32> to vector<16xf32>
    %swap3A_3589 = vector.shape_cast %sub3A_3573 : vector<16xf32> to vector<16xf32>
    tpu.vector_store %arg20[%swap3A_3586], %swap3A_3589 {strides = array<i32>} : memref<656xf32, #tpu.memory_space<vmem>>, vector<16xf32>,
    %swap3A_3590 = arith.constant 560 : index
    %swap3A_3591 = tpu.vector_load %arg21[%swap3A_3590] {strides = array<i32>} : memref<656xf32, #tpu.memory_space<vmem>>, vector<16xf32>,
    %swap3A_3592 = vector.shape_cast %swap3A_3591 : vector<16xf32> to vector<16xf32>
    %swap3A_3593 = vector.shape_cast %add3A_3577 : vector<16xf32> to vector<16xf32>
    tpu.vector_store %arg21[%swap3A_3590], %swap3A_3593 {strides = array<i32>} : memref<656xf32, #tpu.memory_space<vmem>>, vector<16xf32>,
    %swap3A_3594 = arith.constant 560 : index
    %swap3A_3595 = tpu.vector_load %arg22[%swap3A_3594] {strides = array<i32>} : memref<656xf32, #tpu.memory_space<vmem>>, vector<16xf32>,
    %swap3A_3596 = vector.shape_cast %swap3A_3595 : vector<16xf32> to vector<16xf32>
    %swap3A_3597 = vector.shape_cast %add3A_3581 : vector<16xf32> to vector<16xf32>
    tpu.vector_store %arg22[%swap3A_3594], %swap3A_3597 {strides = array<i32>} : memref<656xf32, #tpu.memory_space<vmem>>, vector<16xf32>,
    %sub3A_3598 = arith.subf %add3A_3577, %sub3A_3569 : vector<16xf32>
    %max3A_3599 = arith.constant 0.000000e+00 : f32
    %max3A_3600 = vector.broadcast %max3A_3599 : f32 to vector<16xf32>
    %max3A_3601 = arith.maximumf %sub3A_3598, %max3A_3600 : vector<16xf32>
    %sub3A_3602 = arith.subf %add3A_3581, %sub3A_3573 : vector<16xf32>
    %max3A_3603 = arith.constant 0.000000e+00 : f32
    %max3A_3604 = vector.broadcast %max3A_3603 : f32 to vector<16xf32>
    %max3A_3605 = arith.maximumf %sub3A_3602, %max3A_3604 : vector<16xf32>
    %mul3A_3606 = arith.mulf %max3A_3601, %max3A_3605 : vector<16xf32>
    %swap3A_3607 = arith.constant 560 : index
    %swap3A_3608 = tpu.vector_load %arg23[%swap3A_3607] {strides = array<i32>} : memref<656xf32, #tpu.memory_space<vmem>>, vector<16xf32>,
    %swap3A_3609 = vector.shape_cast %swap3A_3608 : vector<16xf32> to vector<16xf32>
    %swap3A_3610 = vector.shape_cast %mul3A_3606 : vector<16xf32> to vector<16xf32>
    tpu.vector_store %arg23[%swap3A_3607], %swap3A_3610 {strides = array<i32>} : memref<656xf32, #tpu.memory_space<vmem>>, vector<16xf32>,
    %swap3A_3611 = arith.constant 560 : index
    %swap3A_3612 = tpu.vector_load %arg24[%swap3A_3611] {strides = array<i32>} : memref<656xf32, #tpu.memory_space<vmem>>, vector<16xf32>,
    %swap3A_3613 = vector.shape_cast %swap3A_3612 : vector<16xf32> to vector<16xf32>
    %swap3A_3614 = vector.shape_cast %get3A_3532 : vector<16xf32> to vector<16xf32>
    tpu.vector_store %arg24[%swap3A_3611], %swap3A_3614 {strides = array<i32>} : memref<656xf32, #tpu.memory_space<vmem>>, vector<16xf32>,
    %add3A_3615 = arith.constant 560 : i32
    %add3A_3616 = vector.broadcast %add3A_3615 : i32 to vector<16xi32>
    %add3A_3617 = arith.addi %iota3A, %add3A_3616 : vector<16xi32>
    %swap3A_3618 = arith.constant 560 : index
    %swap3A_3619 = tpu.vector_load %arg25[%swap3A_3618] {strides = array<i32>} : memref<656xi32, #tpu.memory_space<vmem>>, vector<16xi32>,
    %swap3A_3620 = vector.shape_cast %swap3A_3619 : vector<16xi32> to vector<16xi32>
    %swap3A_3621 = vector.shape_cast %add3A_3617 : vector<16xi32> to vector<16xi32>
    tpu.vector_store %arg25[%swap3A_3618], %swap3A_3621 {strides = array<i32>} : memref<656xi32, #tpu.memory_space<vmem>>, vector<16xi32>,
    %jit3A_3622 = arith.constant 1 : i32
    %jit3A_3623 = arith.constant 0 : i32
    %broadcast_in_dim3A_3624 = vector.broadcast %jit3A_3622 : i32 to vector<16xi32>
    %broadcast_in_dim3A_3625 = vector.broadcast %jit3A_3623 : i32 to vector<16xi32>
    %select_n3A_3626 = arith.select %gt3A_3535, %broadcast_in_dim3A_3624, %broadcast_in_dim3A_3625 : vector<16xi1>, vector<16xi32>
    %swap3A_3627 = arith.constant 560 : index
    %swap3A_3628 = tpu.vector_load %arg26[%swap3A_3627] {strides = array<i32>} : memref<656xi32, #tpu.memory_space<vmem>>, vector<16xi32>,
    %swap3A_3629 = vector.shape_cast %swap3A_3628 : vector<16xi32> to vector<16xi32>
    %swap3A_3630 = vector.shape_cast %select_n3A_3626 : vector<16xi32> to vector<16xi32>
    tpu.vector_store %arg26[%swap3A_3627], %swap3A_3630 {strides = array<i32>} : memref<656xi32, #tpu.memory_space<vmem>>, vector<16xi32>,
    %get3A_3631 = arith.constant 576 : index
    %get3A_3632 = tpu.vector_load %arg14[%get3A_3631] {strides = array<i32>} : memref<640xf32, #tpu.memory_space<vmem>>, vector<16xf32>,
    %get3A_3633 = vector.shape_cast %get3A_3632 : vector<16xf32> to vector<16xf32>
    %gt3A_3634 = arith.constant -5.000000e+08 : f32
    %gt3A_3635 = vector.broadcast %gt3A_3634 : f32 to vector<16xf32>
    %gt3A_3636 = arith.cmpf ogt, %get3A_3633, %gt3A_3635 : vector<16xf32>
    %get3A_3637 = arith.constant 576 : index
    %get3A_3638 = tpu.vector_load %arg15[%get3A_3637] {strides = array<i32>} : memref<640xf32, #tpu.memory_space<vmem>>, vector<16xf32>,
    %get3A_3639 = vector.shape_cast %get3A_3638 : vector<16xf32> to vector<16xf32>
    %mul3A_3640 = arith.constant 1.024000e+03 : f32
    %mul3A_3641 = vector.broadcast %mul3A_3640 : f32 to vector<16xf32>
    %mul3A_3642 = arith.mulf %get3A_3639, %mul3A_3641 : vector<16xf32>
    %get3A_3643 = arith.constant 576 : index
    %get3A_3644 = tpu.vector_load %arg16[%get3A_3643] {strides = array<i32>} : memref<640xf32, #tpu.memory_space<vmem>>, vector<16xf32>,
    %get3A_3645 = vector.shape_cast %get3A_3644 : vector<16xf32> to vector<16xf32>
    %mul3A_3646 = arith.constant 1.024000e+03 : f32
    %mul3A_3647 = vector.broadcast %mul3A_3646 : f32 to vector<16xf32>
    %mul3A_3648 = arith.mulf %get3A_3645, %mul3A_3647 : vector<16xf32>
    %get3A_3649 = arith.constant 576 : index
    %get3A_3650 = tpu.vector_load %arg17[%get3A_3649] {strides = array<i32>} : memref<640xf32, #tpu.memory_space<vmem>>, vector<16xf32>,
    %get3A_3651 = vector.shape_cast %get3A_3650 : vector<16xf32> to vector<16xf32>
    %mul3A_3652 = arith.constant 2.560000e+02 : f32
    %mul3A_3653 = vector.broadcast %mul3A_3652 : f32 to vector<16xf32>
    %mul3A_3654 = arith.mulf %get3A_3651, %mul3A_3653 : vector<16xf32>
    %add3A_3655 = arith.constant 1.000000e+00 : f32
    %add3A_3656 = vector.broadcast %add3A_3655 : f32 to vector<16xf32>
    %add3A_3657 = arith.addf %mul3A_3654, %add3A_3656 : vector<16xf32>
    %get3A_3658 = arith.constant 576 : index
    %get3A_3659 = tpu.vector_load %arg18[%get3A_3658] {strides = array<i32>} : memref<640xf32, #tpu.memory_space<vmem>>, vector<16xf32>,
    %get3A_3660 = vector.shape_cast %get3A_3659 : vector<16xf32> to vector<16xf32>
    %mul3A_3661 = arith.constant 2.560000e+02 : f32
    %mul3A_3662 = vector.broadcast %mul3A_3661 : f32 to vector<16xf32>
    %mul3A_3663 = arith.mulf %get3A_3660, %mul3A_3662 : vector<16xf32>
    %add3A_3664 = arith.constant 1.000000e+00 : f32
    %add3A_3665 = vector.broadcast %add3A_3664 : f32 to vector<16xf32>
    %add3A_3666 = arith.addf %mul3A_3663, %add3A_3665 : vector<16xf32>
    %mul3A_3667 = arith.constant 5.000000e-01 : f32
    %mul3A_3668 = vector.broadcast %mul3A_3667 : f32 to vector<16xf32>
    %mul3A_3669 = arith.mulf %add3A_3657, %mul3A_3668 : vector<16xf32>
    %sub3A_3670 = arith.subf %mul3A_3642, %mul3A_3669 : vector<16xf32>
    %mul3A_3671 = arith.constant 5.000000e-01 : f32
    %mul3A_3672 = vector.broadcast %mul3A_3671 : f32 to vector<16xf32>
    %mul3A_3673 = arith.mulf %add3A_3666, %mul3A_3672 : vector<16xf32>
    %sub3A_3674 = arith.subf %mul3A_3648, %mul3A_3673 : vector<16xf32>
    %mul3A_3675 = arith.constant 5.000000e-01 : f32
    %mul3A_3676 = vector.broadcast %mul3A_3675 : f32 to vector<16xf32>
    %mul3A_3677 = arith.mulf %add3A_3657, %mul3A_3676 : vector<16xf32>
    %add3A_3678 = arith.addf %mul3A_3642, %mul3A_3677 : vector<16xf32>
    %mul3A_3679 = arith.constant 5.000000e-01 : f32
    %mul3A_3680 = vector.broadcast %mul3A_3679 : f32 to vector<16xf32>
    %mul3A_3681 = arith.mulf %add3A_3666, %mul3A_3680 : vector<16xf32>
    %add3A_3682 = arith.addf %mul3A_3648, %mul3A_3681 : vector<16xf32>
    %swap3A_3683 = arith.constant 576 : index
    %swap3A_3684 = tpu.vector_load %arg19[%swap3A_3683] {strides = array<i32>} : memref<656xf32, #tpu.memory_space<vmem>>, vector<16xf32>,
    %swap3A_3685 = vector.shape_cast %swap3A_3684 : vector<16xf32> to vector<16xf32>
    %swap3A_3686 = vector.shape_cast %sub3A_3670 : vector<16xf32> to vector<16xf32>
    tpu.vector_store %arg19[%swap3A_3683], %swap3A_3686 {strides = array<i32>} : memref<656xf32, #tpu.memory_space<vmem>>, vector<16xf32>,
    %swap3A_3687 = arith.constant 576 : index
    %swap3A_3688 = tpu.vector_load %arg20[%swap3A_3687] {strides = array<i32>} : memref<656xf32, #tpu.memory_space<vmem>>, vector<16xf32>,
    %swap3A_3689 = vector.shape_cast %swap3A_3688 : vector<16xf32> to vector<16xf32>
    %swap3A_3690 = vector.shape_cast %sub3A_3674 : vector<16xf32> to vector<16xf32>
    tpu.vector_store %arg20[%swap3A_3687], %swap3A_3690 {strides = array<i32>} : memref<656xf32, #tpu.memory_space<vmem>>, vector<16xf32>,
    %swap3A_3691 = arith.constant 576 : index
    %swap3A_3692 = tpu.vector_load %arg21[%swap3A_3691] {strides = array<i32>} : memref<656xf32, #tpu.memory_space<vmem>>, vector<16xf32>,
    %swap3A_3693 = vector.shape_cast %swap3A_3692 : vector<16xf32> to vector<16xf32>
    %swap3A_3694 = vector.shape_cast %add3A_3678 : vector<16xf32> to vector<16xf32>
    tpu.vector_store %arg21[%swap3A_3691], %swap3A_3694 {strides = array<i32>} : memref<656xf32, #tpu.memory_space<vmem>>, vector<16xf32>,
    %swap3A_3695 = arith.constant 576 : index
    %swap3A_3696 = tpu.vector_load %arg22[%swap3A_3695] {strides = array<i32>} : memref<656xf32, #tpu.memory_space<vmem>>, vector<16xf32>,
    %swap3A_3697 = vector.shape_cast %swap3A_3696 : vector<16xf32> to vector<16xf32>
    %swap3A_3698 = vector.shape_cast %add3A_3682 : vector<16xf32> to vector<16xf32>
    tpu.vector_store %arg22[%swap3A_3695], %swap3A_3698 {strides = array<i32>} : memref<656xf32, #tpu.memory_space<vmem>>, vector<16xf32>,
    %sub3A_3699 = arith.subf %add3A_3678, %sub3A_3670 : vector<16xf32>
    %max3A_3700 = arith.constant 0.000000e+00 : f32
    %max3A_3701 = vector.broadcast %max3A_3700 : f32 to vector<16xf32>
    %max3A_3702 = arith.maximumf %sub3A_3699, %max3A_3701 : vector<16xf32>
    %sub3A_3703 = arith.subf %add3A_3682, %sub3A_3674 : vector<16xf32>
    %max3A_3704 = arith.constant 0.000000e+00 : f32
    %max3A_3705 = vector.broadcast %max3A_3704 : f32 to vector<16xf32>
    %max3A_3706 = arith.maximumf %sub3A_3703, %max3A_3705 : vector<16xf32>
    %mul3A_3707 = arith.mulf %max3A_3702, %max3A_3706 : vector<16xf32>
    %swap3A_3708 = arith.constant 576 : index
    %swap3A_3709 = tpu.vector_load %arg23[%swap3A_3708] {strides = array<i32>} : memref<656xf32, #tpu.memory_space<vmem>>, vector<16xf32>,
    %swap3A_3710 = vector.shape_cast %swap3A_3709 : vector<16xf32> to vector<16xf32>
    %swap3A_3711 = vector.shape_cast %mul3A_3707 : vector<16xf32> to vector<16xf32>
    tpu.vector_store %arg23[%swap3A_3708], %swap3A_3711 {strides = array<i32>} : memref<656xf32, #tpu.memory_space<vmem>>, vector<16xf32>,
    %swap3A_3712 = arith.constant 576 : index
    %swap3A_3713 = tpu.vector_load %arg24[%swap3A_3712] {strides = array<i32>} : memref<656xf32, #tpu.memory_space<vmem>>, vector<16xf32>,
    %swap3A_3714 = vector.shape_cast %swap3A_3713 : vector<16xf32> to vector<16xf32>
    %swap3A_3715 = vector.shape_cast %get3A_3633 : vector<16xf32> to vector<16xf32>
    tpu.vector_store %arg24[%swap3A_3712], %swap3A_3715 {strides = array<i32>} : memref<656xf32, #tpu.memory_space<vmem>>, vector<16xf32>,
    %add3A_3716 = arith.constant 576 : i32
    %add3A_3717 = vector.broadcast %add3A_3716 : i32 to vector<16xi32>
    %add3A_3718 = arith.addi %iota3A, %add3A_3717 : vector<16xi32>
    %swap3A_3719 = arith.constant 576 : index
    %swap3A_3720 = tpu.vector_load %arg25[%swap3A_3719] {strides = array<i32>} : memref<656xi32, #tpu.memory_space<vmem>>, vector<16xi32>,
    %swap3A_3721 = vector.shape_cast %swap3A_3720 : vector<16xi32> to vector<16xi32>
    %swap3A_3722 = vector.shape_cast %add3A_3718 : vector<16xi32> to vector<16xi32>
    tpu.vector_store %arg25[%swap3A_3719], %swap3A_3722 {strides = array<i32>} : memref<656xi32, #tpu.memory_space<vmem>>, vector<16xi32>,
    %jit3A_3723 = arith.constant 1 : i32
    %jit3A_3724 = arith.constant 0 : i32
    %broadcast_in_dim3A_3725 = vector.broadcast %jit3A_3723 : i32 to vector<16xi32>
    %broadcast_in_dim3A_3726 = vector.broadcast %jit3A_3724 : i32 to vector<16xi32>
    %select_n3A_3727 = arith.select %gt3A_3636, %broadcast_in_dim3A_3725, %broadcast_in_dim3A_3726 : vector<16xi1>, vector<16xi32>
    %swap3A_3728 = arith.constant 576 : index
    %swap3A_3729 = tpu.vector_load %arg26[%swap3A_3728] {strides = array<i32>} : memref<656xi32, #tpu.memory_space<vmem>>, vector<16xi32>,
    %swap3A_3730 = vector.shape_cast %swap3A_3729 : vector<16xi32> to vector<16xi32>
    %swap3A_3731 = vector.shape_cast %select_n3A_3727 : vector<16xi32> to vector<16xi32>
    tpu.vector_store %arg26[%swap3A_3728], %swap3A_3731 {strides = array<i32>} : memref<656xi32, #tpu.memory_space<vmem>>, vector<16xi32>,
    %get3A_3732 = arith.constant 592 : index
    %get3A_3733 = tpu.vector_load %arg14[%get3A_3732] {strides = array<i32>} : memref<640xf32, #tpu.memory_space<vmem>>, vector<16xf32>,
    %get3A_3734 = vector.shape_cast %get3A_3733 : vector<16xf32> to vector<16xf32>
    %gt3A_3735 = arith.constant -5.000000e+08 : f32
    %gt3A_3736 = vector.broadcast %gt3A_3735 : f32 to vector<16xf32>
    %gt3A_3737 = arith.cmpf ogt, %get3A_3734, %gt3A_3736 : vector<16xf32>
    %get3A_3738 = arith.constant 592 : index
    %get3A_3739 = tpu.vector_load %arg15[%get3A_3738] {strides = array<i32>} : memref<640xf32, #tpu.memory_space<vmem>>, vector<16xf32>,
    %get3A_3740 = vector.shape_cast %get3A_3739 : vector<16xf32> to vector<16xf32>
    %mul3A_3741 = arith.constant 1.024000e+03 : f32
    %mul3A_3742 = vector.broadcast %mul3A_3741 : f32 to vector<16xf32>
    %mul3A_3743 = arith.mulf %get3A_3740, %mul3A_3742 : vector<16xf32>
    %get3A_3744 = arith.constant 592 : index
    %get3A_3745 = tpu.vector_load %arg16[%get3A_3744] {strides = array<i32>} : memref<640xf32, #tpu.memory_space<vmem>>, vector<16xf32>,
    %get3A_3746 = vector.shape_cast %get3A_3745 : vector<16xf32> to vector<16xf32>
    %mul3A_3747 = arith.constant 1.024000e+03 : f32
    %mul3A_3748 = vector.broadcast %mul3A_3747 : f32 to vector<16xf32>
    %mul3A_3749 = arith.mulf %get3A_3746, %mul3A_3748 : vector<16xf32>
    %get3A_3750 = arith.constant 592 : index
    %get3A_3751 = tpu.vector_load %arg17[%get3A_3750] {strides = array<i32>} : memref<640xf32, #tpu.memory_space<vmem>>, vector<16xf32>,
    %get3A_3752 = vector.shape_cast %get3A_3751 : vector<16xf32> to vector<16xf32>
    %mul3A_3753 = arith.constant 2.560000e+02 : f32
    %mul3A_3754 = vector.broadcast %mul3A_3753 : f32 to vector<16xf32>
    %mul3A_3755 = arith.mulf %get3A_3752, %mul3A_3754 : vector<16xf32>
    %add3A_3756 = arith.constant 1.000000e+00 : f32
    %add3A_3757 = vector.broadcast %add3A_3756 : f32 to vector<16xf32>
    %add3A_3758 = arith.addf %mul3A_3755, %add3A_3757 : vector<16xf32>
    %get3A_3759 = arith.constant 592 : index
    %get3A_3760 = tpu.vector_load %arg18[%get3A_3759] {strides = array<i32>} : memref<640xf32, #tpu.memory_space<vmem>>, vector<16xf32>,
    %get3A_3761 = vector.shape_cast %get3A_3760 : vector<16xf32> to vector<16xf32>
    %mul3A_3762 = arith.constant 2.560000e+02 : f32
    %mul3A_3763 = vector.broadcast %mul3A_3762 : f32 to vector<16xf32>
    %mul3A_3764 = arith.mulf %get3A_3761, %mul3A_3763 : vector<16xf32>
    %add3A_3765 = arith.constant 1.000000e+00 : f32
    %add3A_3766 = vector.broadcast %add3A_3765 : f32 to vector<16xf32>
    %add3A_3767 = arith.addf %mul3A_3764, %add3A_3766 : vector<16xf32>
    %mul3A_3768 = arith.constant 5.000000e-01 : f32
    %mul3A_3769 = vector.broadcast %mul3A_3768 : f32 to vector<16xf32>
    %mul3A_3770 = arith.mulf %add3A_3758, %mul3A_3769 : vector<16xf32>
    %sub3A_3771 = arith.subf %mul3A_3743, %mul3A_3770 : vector<16xf32>
    %mul3A_3772 = arith.constant 5.000000e-01 : f32
    %mul3A_3773 = vector.broadcast %mul3A_3772 : f32 to vector<16xf32>
    %mul3A_3774 = arith.mulf %add3A_3767, %mul3A_3773 : vector<16xf32>
    %sub3A_3775 = arith.subf %mul3A_3749, %mul3A_3774 : vector<16xf32>
    %mul3A_3776 = arith.constant 5.000000e-01 : f32
    %mul3A_3777 = vector.broadcast %mul3A_3776 : f32 to vector<16xf32>
    %mul3A_3778 = arith.mulf %add3A_3758, %mul3A_3777 : vector<16xf32>
    %add3A_3779 = arith.addf %mul3A_3743, %mul3A_3778 : vector<16xf32>
    %mul3A_3780 = arith.constant 5.000000e-01 : f32
    %mul3A_3781 = vector.broadcast %mul3A_3780 : f32 to vector<16xf32>
    %mul3A_3782 = arith.mulf %add3A_3767, %mul3A_3781 : vector<16xf32>
    %add3A_3783 = arith.addf %mul3A_3749, %mul3A_3782 : vector<16xf32>
    %swap3A_3784 = arith.constant 592 : index
    %swap3A_3785 = tpu.vector_load %arg19[%swap3A_3784] {strides = array<i32>} : memref<656xf32, #tpu.memory_space<vmem>>, vector<16xf32>,
    %swap3A_3786 = vector.shape_cast %swap3A_3785 : vector<16xf32> to vector<16xf32>
    %swap3A_3787 = vector.shape_cast %sub3A_3771 : vector<16xf32> to vector<16xf32>
    tpu.vector_store %arg19[%swap3A_3784], %swap3A_3787 {strides = array<i32>} : memref<656xf32, #tpu.memory_space<vmem>>, vector<16xf32>,
    %swap3A_3788 = arith.constant 592 : index
    %swap3A_3789 = tpu.vector_load %arg20[%swap3A_3788] {strides = array<i32>} : memref<656xf32, #tpu.memory_space<vmem>>, vector<16xf32>,
    %swap3A_3790 = vector.shape_cast %swap3A_3789 : vector<16xf32> to vector<16xf32>
    %swap3A_3791 = vector.shape_cast %sub3A_3775 : vector<16xf32> to vector<16xf32>
    tpu.vector_store %arg20[%swap3A_3788], %swap3A_3791 {strides = array<i32>} : memref<656xf32, #tpu.memory_space<vmem>>, vector<16xf32>,
    %swap3A_3792 = arith.constant 592 : index
    %swap3A_3793 = tpu.vector_load %arg21[%swap3A_3792] {strides = array<i32>} : memref<656xf32, #tpu.memory_space<vmem>>, vector<16xf32>,
    %swap3A_3794 = vector.shape_cast %swap3A_3793 : vector<16xf32> to vector<16xf32>
    %swap3A_3795 = vector.shape_cast %add3A_3779 : vector<16xf32> to vector<16xf32>
    tpu.vector_store %arg21[%swap3A_3792], %swap3A_3795 {strides = array<i32>} : memref<656xf32, #tpu.memory_space<vmem>>, vector<16xf32>,
    %swap3A_3796 = arith.constant 592 : index
    %swap3A_3797 = tpu.vector_load %arg22[%swap3A_3796] {strides = array<i32>} : memref<656xf32, #tpu.memory_space<vmem>>, vector<16xf32>,
    %swap3A_3798 = vector.shape_cast %swap3A_3797 : vector<16xf32> to vector<16xf32>
    %swap3A_3799 = vector.shape_cast %add3A_3783 : vector<16xf32> to vector<16xf32>
    tpu.vector_store %arg22[%swap3A_3796], %swap3A_3799 {strides = array<i32>} : memref<656xf32, #tpu.memory_space<vmem>>, vector<16xf32>,
    %sub3A_3800 = arith.subf %add3A_3779, %sub3A_3771 : vector<16xf32>
    %max3A_3801 = arith.constant 0.000000e+00 : f32
    %max3A_3802 = vector.broadcast %max3A_3801 : f32 to vector<16xf32>
    %max3A_3803 = arith.maximumf %sub3A_3800, %max3A_3802 : vector<16xf32>
    %sub3A_3804 = arith.subf %add3A_3783, %sub3A_3775 : vector<16xf32>
    %max3A_3805 = arith.constant 0.000000e+00 : f32
    %max3A_3806 = vector.broadcast %max3A_3805 : f32 to vector<16xf32>
    %max3A_3807 = arith.maximumf %sub3A_3804, %max3A_3806 : vector<16xf32>
    %mul3A_3808 = arith.mulf %max3A_3803, %max3A_3807 : vector<16xf32>
    %swap3A_3809 = arith.constant 592 : index
    %swap3A_3810 = tpu.vector_load %arg23[%swap3A_3809] {strides = array<i32>} : memref<656xf32, #tpu.memory_space<vmem>>, vector<16xf32>,
    %swap3A_3811 = vector.shape_cast %swap3A_3810 : vector<16xf32> to vector<16xf32>
    %swap3A_3812 = vector.shape_cast %mul3A_3808 : vector<16xf32> to vector<16xf32>
    tpu.vector_store %arg23[%swap3A_3809], %swap3A_3812 {strides = array<i32>} : memref<656xf32, #tpu.memory_space<vmem>>, vector<16xf32>,
    %swap3A_3813 = arith.constant 592 : index
    %swap3A_3814 = tpu.vector_load %arg24[%swap3A_3813] {strides = array<i32>} : memref<656xf32, #tpu.memory_space<vmem>>, vector<16xf32>,
    %swap3A_3815 = vector.shape_cast %swap3A_3814 : vector<16xf32> to vector<16xf32>
    %swap3A_3816 = vector.shape_cast %get3A_3734 : vector<16xf32> to vector<16xf32>
    tpu.vector_store %arg24[%swap3A_3813], %swap3A_3816 {strides = array<i32>} : memref<656xf32, #tpu.memory_space<vmem>>, vector<16xf32>,
    %add3A_3817 = arith.constant 592 : i32
    %add3A_3818 = vector.broadcast %add3A_3817 : i32 to vector<16xi32>
    %add3A_3819 = arith.addi %iota3A, %add3A_3818 : vector<16xi32>
    %swap3A_3820 = arith.constant 592 : index
    %swap3A_3821 = tpu.vector_load %arg25[%swap3A_3820] {strides = array<i32>} : memref<656xi32, #tpu.memory_space<vmem>>, vector<16xi32>,
    %swap3A_3822 = vector.shape_cast %swap3A_3821 : vector<16xi32> to vector<16xi32>
    %swap3A_3823 = vector.shape_cast %add3A_3819 : vector<16xi32> to vector<16xi32>
    tpu.vector_store %arg25[%swap3A_3820], %swap3A_3823 {strides = array<i32>} : memref<656xi32, #tpu.memory_space<vmem>>, vector<16xi32>,
    %jit3A_3824 = arith.constant 1 : i32
    %jit3A_3825 = arith.constant 0 : i32
    %broadcast_in_dim3A_3826 = vector.broadcast %jit3A_3824 : i32 to vector<16xi32>
    %broadcast_in_dim3A_3827 = vector.broadcast %jit3A_3825 : i32 to vector<16xi32>
    %select_n3A_3828 = arith.select %gt3A_3737, %broadcast_in_dim3A_3826, %broadcast_in_dim3A_3827 : vector<16xi1>, vector<16xi32>
    %swap3A_3829 = arith.constant 592 : index
    %swap3A_3830 = tpu.vector_load %arg26[%swap3A_3829] {strides = array<i32>} : memref<656xi32, #tpu.memory_space<vmem>>, vector<16xi32>,
    %swap3A_3831 = vector.shape_cast %swap3A_3830 : vector<16xi32> to vector<16xi32>
    %swap3A_3832 = vector.shape_cast %select_n3A_3828 : vector<16xi32> to vector<16xi32>
    tpu.vector_store %arg26[%swap3A_3829], %swap3A_3832 {strides = array<i32>} : memref<656xi32, #tpu.memory_space<vmem>>, vector<16xi32>,
    %get3A_3833 = arith.constant 608 : index
    %get3A_3834 = tpu.vector_load %arg14[%get3A_3833] {strides = array<i32>} : memref<640xf32, #tpu.memory_space<vmem>>, vector<16xf32>,
    %get3A_3835 = vector.shape_cast %get3A_3834 : vector<16xf32> to vector<16xf32>
    %gt3A_3836 = arith.constant -5.000000e+08 : f32
    %gt3A_3837 = vector.broadcast %gt3A_3836 : f32 to vector<16xf32>
    %gt3A_3838 = arith.cmpf ogt, %get3A_3835, %gt3A_3837 : vector<16xf32>
    %get3A_3839 = arith.constant 608 : index
    %get3A_3840 = tpu.vector_load %arg15[%get3A_3839] {strides = array<i32>} : memref<640xf32, #tpu.memory_space<vmem>>, vector<16xf32>,
    %get3A_3841 = vector.shape_cast %get3A_3840 : vector<16xf32> to vector<16xf32>
    %mul3A_3842 = arith.constant 1.024000e+03 : f32
    %mul3A_3843 = vector.broadcast %mul3A_3842 : f32 to vector<16xf32>
    %mul3A_3844 = arith.mulf %get3A_3841, %mul3A_3843 : vector<16xf32>
    %get3A_3845 = arith.constant 608 : index
    %get3A_3846 = tpu.vector_load %arg16[%get3A_3845] {strides = array<i32>} : memref<640xf32, #tpu.memory_space<vmem>>, vector<16xf32>,
    %get3A_3847 = vector.shape_cast %get3A_3846 : vector<16xf32> to vector<16xf32>
    %mul3A_3848 = arith.constant 1.024000e+03 : f32
    %mul3A_3849 = vector.broadcast %mul3A_3848 : f32 to vector<16xf32>
    %mul3A_3850 = arith.mulf %get3A_3847, %mul3A_3849 : vector<16xf32>
    %get3A_3851 = arith.constant 608 : index
    %get3A_3852 = tpu.vector_load %arg17[%get3A_3851] {strides = array<i32>} : memref<640xf32, #tpu.memory_space<vmem>>, vector<16xf32>,
    %get3A_3853 = vector.shape_cast %get3A_3852 : vector<16xf32> to vector<16xf32>
    %mul3A_3854 = arith.constant 2.560000e+02 : f32
    %mul3A_3855 = vector.broadcast %mul3A_3854 : f32 to vector<16xf32>
    %mul3A_3856 = arith.mulf %get3A_3853, %mul3A_3855 : vector<16xf32>
    %add3A_3857 = arith.constant 1.000000e+00 : f32
    %add3A_3858 = vector.broadcast %add3A_3857 : f32 to vector<16xf32>
    %add3A_3859 = arith.addf %mul3A_3856, %add3A_3858 : vector<16xf32>
    %get3A_3860 = arith.constant 608 : index
    %get3A_3861 = tpu.vector_load %arg18[%get3A_3860] {strides = array<i32>} : memref<640xf32, #tpu.memory_space<vmem>>, vector<16xf32>,
    %get3A_3862 = vector.shape_cast %get3A_3861 : vector<16xf32> to vector<16xf32>
    %mul3A_3863 = arith.constant 2.560000e+02 : f32
    %mul3A_3864 = vector.broadcast %mul3A_3863 : f32 to vector<16xf32>
    %mul3A_3865 = arith.mulf %get3A_3862, %mul3A_3864 : vector<16xf32>
    %add3A_3866 = arith.constant 1.000000e+00 : f32
    %add3A_3867 = vector.broadcast %add3A_3866 : f32 to vector<16xf32>
    %add3A_3868 = arith.addf %mul3A_3865, %add3A_3867 : vector<16xf32>
    %mul3A_3869 = arith.constant 5.000000e-01 : f32
    %mul3A_3870 = vector.broadcast %mul3A_3869 : f32 to vector<16xf32>
    %mul3A_3871 = arith.mulf %add3A_3859, %mul3A_3870 : vector<16xf32>
    %sub3A_3872 = arith.subf %mul3A_3844, %mul3A_3871 : vector<16xf32>
    %mul3A_3873 = arith.constant 5.000000e-01 : f32
    %mul3A_3874 = vector.broadcast %mul3A_3873 : f32 to vector<16xf32>
    %mul3A_3875 = arith.mulf %add3A_3868, %mul3A_3874 : vector<16xf32>
    %sub3A_3876 = arith.subf %mul3A_3850, %mul3A_3875 : vector<16xf32>
    %mul3A_3877 = arith.constant 5.000000e-01 : f32
    %mul3A_3878 = vector.broadcast %mul3A_3877 : f32 to vector<16xf32>
    %mul3A_3879 = arith.mulf %add3A_3859, %mul3A_3878 : vector<16xf32>
    %add3A_3880 = arith.addf %mul3A_3844, %mul3A_3879 : vector<16xf32>
    %mul3A_3881 = arith.constant 5.000000e-01 : f32
    %mul3A_3882 = vector.broadcast %mul3A_3881 : f32 to vector<16xf32>
    %mul3A_3883 = arith.mulf %add3A_3868, %mul3A_3882 : vector<16xf32>
    %add3A_3884 = arith.addf %mul3A_3850, %mul3A_3883 : vector<16xf32>
    %swap3A_3885 = arith.constant 608 : index
    %swap3A_3886 = tpu.vector_load %arg19[%swap3A_3885] {strides = array<i32>} : memref<656xf32, #tpu.memory_space<vmem>>, vector<16xf32>,
    %swap3A_3887 = vector.shape_cast %swap3A_3886 : vector<16xf32> to vector<16xf32>
    %swap3A_3888 = vector.shape_cast %sub3A_3872 : vector<16xf32> to vector<16xf32>
    tpu.vector_store %arg19[%swap3A_3885], %swap3A_3888 {strides = array<i32>} : memref<656xf32, #tpu.memory_space<vmem>>, vector<16xf32>,
    %swap3A_3889 = arith.constant 608 : index
    %swap3A_3890 = tpu.vector_load %arg20[%swap3A_3889] {strides = array<i32>} : memref<656xf32, #tpu.memory_space<vmem>>, vector<16xf32>,
    %swap3A_3891 = vector.shape_cast %swap3A_3890 : vector<16xf32> to vector<16xf32>
    %swap3A_3892 = vector.shape_cast %sub3A_3876 : vector<16xf32> to vector<16xf32>
    tpu.vector_store %arg20[%swap3A_3889], %swap3A_3892 {strides = array<i32>} : memref<656xf32, #tpu.memory_space<vmem>>, vector<16xf32>,
    %swap3A_3893 = arith.constant 608 : index
    %swap3A_3894 = tpu.vector_load %arg21[%swap3A_3893] {strides = array<i32>} : memref<656xf32, #tpu.memory_space<vmem>>, vector<16xf32>,
    %swap3A_3895 = vector.shape_cast %swap3A_3894 : vector<16xf32> to vector<16xf32>
    %swap3A_3896 = vector.shape_cast %add3A_3880 : vector<16xf32> to vector<16xf32>
    tpu.vector_store %arg21[%swap3A_3893], %swap3A_3896 {strides = array<i32>} : memref<656xf32, #tpu.memory_space<vmem>>, vector<16xf32>,
    %swap3A_3897 = arith.constant 608 : index
    %swap3A_3898 = tpu.vector_load %arg22[%swap3A_3897] {strides = array<i32>} : memref<656xf32, #tpu.memory_space<vmem>>, vector<16xf32>,
    %swap3A_3899 = vector.shape_cast %swap3A_3898 : vector<16xf32> to vector<16xf32>
    %swap3A_3900 = vector.shape_cast %add3A_3884 : vector<16xf32> to vector<16xf32>
    tpu.vector_store %arg22[%swap3A_3897], %swap3A_3900 {strides = array<i32>} : memref<656xf32, #tpu.memory_space<vmem>>, vector<16xf32>,
    %sub3A_3901 = arith.subf %add3A_3880, %sub3A_3872 : vector<16xf32>
    %max3A_3902 = arith.constant 0.000000e+00 : f32
    %max3A_3903 = vector.broadcast %max3A_3902 : f32 to vector<16xf32>
    %max3A_3904 = arith.maximumf %sub3A_3901, %max3A_3903 : vector<16xf32>
    %sub3A_3905 = arith.subf %add3A_3884, %sub3A_3876 : vector<16xf32>
    %max3A_3906 = arith.constant 0.000000e+00 : f32
    %max3A_3907 = vector.broadcast %max3A_3906 : f32 to vector<16xf32>
    %max3A_3908 = arith.maximumf %sub3A_3905, %max3A_3907 : vector<16xf32>
    %mul3A_3909 = arith.mulf %max3A_3904, %max3A_3908 : vector<16xf32>
    %swap3A_3910 = arith.constant 608 : index
    %swap3A_3911 = tpu.vector_load %arg23[%swap3A_3910] {strides = array<i32>} : memref<656xf32, #tpu.memory_space<vmem>>, vector<16xf32>,
    %swap3A_3912 = vector.shape_cast %swap3A_3911 : vector<16xf32> to vector<16xf32>
    %swap3A_3913 = vector.shape_cast %mul3A_3909 : vector<16xf32> to vector<16xf32>
    tpu.vector_store %arg23[%swap3A_3910], %swap3A_3913 {strides = array<i32>} : memref<656xf32, #tpu.memory_space<vmem>>, vector<16xf32>,
    %swap3A_3914 = arith.constant 608 : index
    %swap3A_3915 = tpu.vector_load %arg24[%swap3A_3914] {strides = array<i32>} : memref<656xf32, #tpu.memory_space<vmem>>, vector<16xf32>,
    %swap3A_3916 = vector.shape_cast %swap3A_3915 : vector<16xf32> to vector<16xf32>
    %swap3A_3917 = vector.shape_cast %get3A_3835 : vector<16xf32> to vector<16xf32>
    tpu.vector_store %arg24[%swap3A_3914], %swap3A_3917 {strides = array<i32>} : memref<656xf32, #tpu.memory_space<vmem>>, vector<16xf32>,
    %add3A_3918 = arith.constant 608 : i32
    %add3A_3919 = vector.broadcast %add3A_3918 : i32 to vector<16xi32>
    %add3A_3920 = arith.addi %iota3A, %add3A_3919 : vector<16xi32>
    %swap3A_3921 = arith.constant 608 : index
    %swap3A_3922 = tpu.vector_load %arg25[%swap3A_3921] {strides = array<i32>} : memref<656xi32, #tpu.memory_space<vmem>>, vector<16xi32>,
    %swap3A_3923 = vector.shape_cast %swap3A_3922 : vector<16xi32> to vector<16xi32>
    %swap3A_3924 = vector.shape_cast %add3A_3920 : vector<16xi32> to vector<16xi32>
    tpu.vector_store %arg25[%swap3A_3921], %swap3A_3924 {strides = array<i32>} : memref<656xi32, #tpu.memory_space<vmem>>, vector<16xi32>,
    %jit3A_3925 = arith.constant 1 : i32
    %jit3A_3926 = arith.constant 0 : i32
    %broadcast_in_dim3A_3927 = vector.broadcast %jit3A_3925 : i32 to vector<16xi32>
    %broadcast_in_dim3A_3928 = vector.broadcast %jit3A_3926 : i32 to vector<16xi32>
    %select_n3A_3929 = arith.select %gt3A_3838, %broadcast_in_dim3A_3927, %broadcast_in_dim3A_3928 : vector<16xi1>, vector<16xi32>
    %swap3A_3930 = arith.constant 608 : index
    %swap3A_3931 = tpu.vector_load %arg26[%swap3A_3930] {strides = array<i32>} : memref<656xi32, #tpu.memory_space<vmem>>, vector<16xi32>,
    %swap3A_3932 = vector.shape_cast %swap3A_3931 : vector<16xi32> to vector<16xi32>
    %swap3A_3933 = vector.shape_cast %select_n3A_3929 : vector<16xi32> to vector<16xi32>
    tpu.vector_store %arg26[%swap3A_3930], %swap3A_3933 {strides = array<i32>} : memref<656xi32, #tpu.memory_space<vmem>>, vector<16xi32>,
    %get3A_3934 = arith.constant 624 : index
    %get3A_3935 = tpu.vector_load %arg14[%get3A_3934] {strides = array<i32>} : memref<640xf32, #tpu.memory_space<vmem>>, vector<16xf32>,
    %get3A_3936 = vector.shape_cast %get3A_3935 : vector<16xf32> to vector<16xf32>
    %gt3A_3937 = arith.constant -5.000000e+08 : f32
    %gt3A_3938 = vector.broadcast %gt3A_3937 : f32 to vector<16xf32>
    %gt3A_3939 = arith.cmpf ogt, %get3A_3936, %gt3A_3938 : vector<16xf32>
    %get3A_3940 = arith.constant 624 : index
    %get3A_3941 = tpu.vector_load %arg15[%get3A_3940] {strides = array<i32>} : memref<640xf32, #tpu.memory_space<vmem>>, vector<16xf32>,
    %get3A_3942 = vector.shape_cast %get3A_3941 : vector<16xf32> to vector<16xf32>
    %mul3A_3943 = arith.constant 1.024000e+03 : f32
    %mul3A_3944 = vector.broadcast %mul3A_3943 : f32 to vector<16xf32>
    %mul3A_3945 = arith.mulf %get3A_3942, %mul3A_3944 : vector<16xf32>
    %get3A_3946 = arith.constant 624 : index
    %get3A_3947 = tpu.vector_load %arg16[%get3A_3946] {strides = array<i32>} : memref<640xf32, #tpu.memory_space<vmem>>, vector<16xf32>,
    %get3A_3948 = vector.shape_cast %get3A_3947 : vector<16xf32> to vector<16xf32>
    %mul3A_3949 = arith.constant 1.024000e+03 : f32
    %mul3A_3950 = vector.broadcast %mul3A_3949 : f32 to vector<16xf32>
    %mul3A_3951 = arith.mulf %get3A_3948, %mul3A_3950 : vector<16xf32>
    %get3A_3952 = arith.constant 624 : index
    %get3A_3953 = tpu.vector_load %arg17[%get3A_3952] {strides = array<i32>} : memref<640xf32, #tpu.memory_space<vmem>>, vector<16xf32>,
    %get3A_3954 = vector.shape_cast %get3A_3953 : vector<16xf32> to vector<16xf32>
    %mul3A_3955 = arith.constant 2.560000e+02 : f32
    %mul3A_3956 = vector.broadcast %mul3A_3955 : f32 to vector<16xf32>
    %mul3A_3957 = arith.mulf %get3A_3954, %mul3A_3956 : vector<16xf32>
    %add3A_3958 = arith.constant 1.000000e+00 : f32
    %add3A_3959 = vector.broadcast %add3A_3958 : f32 to vector<16xf32>
    %add3A_3960 = arith.addf %mul3A_3957, %add3A_3959 : vector<16xf32>
    %get3A_3961 = arith.constant 624 : index
    %get3A_3962 = tpu.vector_load %arg18[%get3A_3961] {strides = array<i32>} : memref<640xf32, #tpu.memory_space<vmem>>, vector<16xf32>,
    %get3A_3963 = vector.shape_cast %get3A_3962 : vector<16xf32> to vector<16xf32>
    %mul3A_3964 = arith.constant 2.560000e+02 : f32
    %mul3A_3965 = vector.broadcast %mul3A_3964 : f32 to vector<16xf32>
    %mul3A_3966 = arith.mulf %get3A_3963, %mul3A_3965 : vector<16xf32>
    %add3A_3967 = arith.constant 1.000000e+00 : f32
    %add3A_3968 = vector.broadcast %add3A_3967 : f32 to vector<16xf32>
    %add3A_3969 = arith.addf %mul3A_3966, %add3A_3968 : vector<16xf32>
    %mul3A_3970 = arith.constant 5.000000e-01 : f32
    %mul3A_3971 = vector.broadcast %mul3A_3970 : f32 to vector<16xf32>
    %mul3A_3972 = arith.mulf %add3A_3960, %mul3A_3971 : vector<16xf32>
    %sub3A_3973 = arith.subf %mul3A_3945, %mul3A_3972 : vector<16xf32>
    %mul3A_3974 = arith.constant 5.000000e-01 : f32
    %mul3A_3975 = vector.broadcast %mul3A_3974 : f32 to vector<16xf32>
    %mul3A_3976 = arith.mulf %add3A_3969, %mul3A_3975 : vector<16xf32>
    %sub3A_3977 = arith.subf %mul3A_3951, %mul3A_3976 : vector<16xf32>
    %mul3A_3978 = arith.constant 5.000000e-01 : f32
    %mul3A_3979 = vector.broadcast %mul3A_3978 : f32 to vector<16xf32>
    %mul3A_3980 = arith.mulf %add3A_3960, %mul3A_3979 : vector<16xf32>
    %add3A_3981 = arith.addf %mul3A_3945, %mul3A_3980 : vector<16xf32>
    %mul3A_3982 = arith.constant 5.000000e-01 : f32
    %mul3A_3983 = vector.broadcast %mul3A_3982 : f32 to vector<16xf32>
    %mul3A_3984 = arith.mulf %add3A_3969, %mul3A_3983 : vector<16xf32>
    %add3A_3985 = arith.addf %mul3A_3951, %mul3A_3984 : vector<16xf32>
    %swap3A_3986 = arith.constant 624 : index
    %swap3A_3987 = tpu.vector_load %arg19[%swap3A_3986] {strides = array<i32>} : memref<656xf32, #tpu.memory_space<vmem>>, vector<16xf32>,
    %swap3A_3988 = vector.shape_cast %swap3A_3987 : vector<16xf32> to vector<16xf32>
    %swap3A_3989 = vector.shape_cast %sub3A_3973 : vector<16xf32> to vector<16xf32>
    tpu.vector_store %arg19[%swap3A_3986], %swap3A_3989 {strides = array<i32>} : memref<656xf32, #tpu.memory_space<vmem>>, vector<16xf32>,
    %swap3A_3990 = arith.constant 624 : index
    %swap3A_3991 = tpu.vector_load %arg20[%swap3A_3990] {strides = array<i32>} : memref<656xf32, #tpu.memory_space<vmem>>, vector<16xf32>,
    %swap3A_3992 = vector.shape_cast %swap3A_3991 : vector<16xf32> to vector<16xf32>
    %swap3A_3993 = vector.shape_cast %sub3A_3977 : vector<16xf32> to vector<16xf32>
    tpu.vector_store %arg20[%swap3A_3990], %swap3A_3993 {strides = array<i32>} : memref<656xf32, #tpu.memory_space<vmem>>, vector<16xf32>,
    %swap3A_3994 = arith.constant 624 : index
    %swap3A_3995 = tpu.vector_load %arg21[%swap3A_3994] {strides = array<i32>} : memref<656xf32, #tpu.memory_space<vmem>>, vector<16xf32>,
    %swap3A_3996 = vector.shape_cast %swap3A_3995 : vector<16xf32> to vector<16xf32>
    %swap3A_3997 = vector.shape_cast %add3A_3981 : vector<16xf32> to vector<16xf32>
    tpu.vector_store %arg21[%swap3A_3994], %swap3A_3997 {strides = array<i32>} : memref<656xf32, #tpu.memory_space<vmem>>, vector<16xf32>,
    %swap3A_3998 = arith.constant 624 : index
    %swap3A_3999 = tpu.vector_load %arg22[%swap3A_3998] {strides = array<i32>} : memref<656xf32, #tpu.memory_space<vmem>>, vector<16xf32>,
    %swap3A_4000 = vector.shape_cast %swap3A_3999 : vector<16xf32> to vector<16xf32>
    %swap3A_4001 = vector.shape_cast %add3A_3985 : vector<16xf32> to vector<16xf32>
    tpu.vector_store %arg22[%swap3A_3998], %swap3A_4001 {strides = array<i32>} : memref<656xf32, #tpu.memory_space<vmem>>, vector<16xf32>,
    %sub3A_4002 = arith.subf %add3A_3981, %sub3A_3973 : vector<16xf32>
    %max3A_4003 = arith.constant 0.000000e+00 : f32
    %max3A_4004 = vector.broadcast %max3A_4003 : f32 to vector<16xf32>
    %max3A_4005 = arith.maximumf %sub3A_4002, %max3A_4004 : vector<16xf32>
    %sub3A_4006 = arith.subf %add3A_3985, %sub3A_3977 : vector<16xf32>
    %max3A_4007 = arith.constant 0.000000e+00 : f32
    %max3A_4008 = vector.broadcast %max3A_4007 : f32 to vector<16xf32>
    %max3A_4009 = arith.maximumf %sub3A_4006, %max3A_4008 : vector<16xf32>
    %mul3A_4010 = arith.mulf %max3A_4005, %max3A_4009 : vector<16xf32>
    %swap3A_4011 = arith.constant 624 : index
    %swap3A_4012 = tpu.vector_load %arg23[%swap3A_4011] {strides = array<i32>} : memref<656xf32, #tpu.memory_space<vmem>>, vector<16xf32>,
    %swap3A_4013 = vector.shape_cast %swap3A_4012 : vector<16xf32> to vector<16xf32>
    %swap3A_4014 = vector.shape_cast %mul3A_4010 : vector<16xf32> to vector<16xf32>
    tpu.vector_store %arg23[%swap3A_4011], %swap3A_4014 {strides = array<i32>} : memref<656xf32, #tpu.memory_space<vmem>>, vector<16xf32>,
    %swap3A_4015 = arith.constant 624 : index
    %swap3A_4016 = tpu.vector_load %arg24[%swap3A_4015] {strides = array<i32>} : memref<656xf32, #tpu.memory_space<vmem>>, vector<16xf32>,
    %swap3A_4017 = vector.shape_cast %swap3A_4016 : vector<16xf32> to vector<16xf32>
    %swap3A_4018 = vector.shape_cast %get3A_3936 : vector<16xf32> to vector<16xf32>
    tpu.vector_store %arg24[%swap3A_4015], %swap3A_4018 {strides = array<i32>} : memref<656xf32, #tpu.memory_space<vmem>>, vector<16xf32>,
    %add3A_4019 = arith.constant 624 : i32
    %add3A_4020 = vector.broadcast %add3A_4019 : i32 to vector<16xi32>
    %add3A_4021 = arith.addi %iota3A, %add3A_4020 : vector<16xi32>
    %swap3A_4022 = arith.constant 624 : index
    %swap3A_4023 = tpu.vector_load %arg25[%swap3A_4022] {strides = array<i32>} : memref<656xi32, #tpu.memory_space<vmem>>, vector<16xi32>,
    %swap3A_4024 = vector.shape_cast %swap3A_4023 : vector<16xi32> to vector<16xi32>
    %swap3A_4025 = vector.shape_cast %add3A_4021 : vector<16xi32> to vector<16xi32>
    tpu.vector_store %arg25[%swap3A_4022], %swap3A_4025 {strides = array<i32>} : memref<656xi32, #tpu.memory_space<vmem>>, vector<16xi32>,
    %jit3A_4026 = arith.constant 1 : i32
    %jit3A_4027 = arith.constant 0 : i32
    %broadcast_in_dim3A_4028 = vector.broadcast %jit3A_4026 : i32 to vector<16xi32>
    %broadcast_in_dim3A_4029 = vector.broadcast %jit3A_4027 : i32 to vector<16xi32>
    %select_n3A_4030 = arith.select %gt3A_3939, %broadcast_in_dim3A_4028, %broadcast_in_dim3A_4029 : vector<16xi1>, vector<16xi32>
    %swap3A_4031 = arith.constant 624 : index
    %swap3A_4032 = tpu.vector_load %arg26[%swap3A_4031] {strides = array<i32>} : memref<656xi32, #tpu.memory_space<vmem>>, vector<16xi32>,
    %swap3A_4033 = vector.shape_cast %swap3A_4032 : vector<16xi32> to vector<16xi32>
    %swap3A_4034 = vector.shape_cast %select_n3A_4030 : vector<16xi32> to vector<16xi32>
    tpu.vector_store %arg26[%swap3A_4031], %swap3A_4034 {strides = array<i32>} : memref<656xi32, #tpu.memory_space<vmem>>, vector<16xi32>,
    %broadcast_in_dim3A_4035 = arith.constant -1.000000e+09 : f32
    %broadcast_in_dim3A_4036 = vector.broadcast %broadcast_in_dim3A_4035 : f32 to vector<16xf32>
    %broadcast_in_dim3A_4037 = arith.constant 2147483647 : i32
    %broadcast_in_dim3A_4038 = vector.broadcast %broadcast_in_dim3A_4037 : i32 to vector<16xi32>
    %broadcast_in_dim3A_4039 = arith.constant 0.000000e+00 : f32
    %broadcast_in_dim3A_4040 = vector.broadcast %broadcast_in_dim3A_4039 : f32 to vector<16xf32>
    %swap3A_4041 = arith.constant 0 : index
    %swap3A_4042 = tpu.vector_load %arg32[%swap3A_4041] {strides = array<i32>} : memref<656xf32, #tpu.memory_space<vmem>>, vector<16xf32>,
    %swap3A_4043 = vector.shape_cast %swap3A_4042 : vector<16xf32> to vector<16xf32>
    %swap3A_4044 = vector.shape_cast %broadcast_in_dim3A_4036 : vector<16xf32> to vector<16xf32>
    tpu.vector_store %arg32[%swap3A_4041], %swap3A_4044 {strides = array<i32>} : memref<656xf32, #tpu.memory_space<vmem>>, vector<16xf32>,
    %swap3A_4045 = arith.constant 0 : index
    %swap3A_4046 = tpu.vector_load %arg33[%swap3A_4045] {strides = array<i32>} : memref<656xi32, #tpu.memory_space<vmem>>, vector<16xi32>,
    %swap3A_4047 = vector.shape_cast %swap3A_4046 : vector<16xi32> to vector<16xi32>
    %swap3A_4048 = vector.shape_cast %broadcast_in_dim3A_4038 : vector<16xi32> to vector<16xi32>
    tpu.vector_store %arg33[%swap3A_4045], %swap3A_4048 {strides = array<i32>} : memref<656xi32, #tpu.memory_space<vmem>>, vector<16xi32>,
    %swap3A_4049 = arith.constant 0 : index
    %swap3A_4050 = tpu.vector_load %arg27[%swap3A_4049] {strides = array<i32>} : memref<656xf32, #tpu.memory_space<vmem>>, vector<16xf32>,
    %swap3A_4051 = vector.shape_cast %swap3A_4050 : vector<16xf32> to vector<16xf32>
    %swap3A_4052 = vector.shape_cast %broadcast_in_dim3A_4040 : vector<16xf32> to vector<16xf32>
    tpu.vector_store %arg27[%swap3A_4049], %swap3A_4052 {strides = array<i32>} : memref<656xf32, #tpu.memory_space<vmem>>, vector<16xf32>,
    %swap3A_4053 = arith.constant 0 : index
    %swap3A_4054 = tpu.vector_load %arg28[%swap3A_4053] {strides = array<i32>} : memref<656xf32, #tpu.memory_space<vmem>>, vector<16xf32>,
    %swap3A_4055 = vector.shape_cast %swap3A_4054 : vector<16xf32> to vector<16xf32>
    %swap3A_4056 = vector.shape_cast %broadcast_in_dim3A_4040 : vector<16xf32> to vector<16xf32>
    tpu.vector_store %arg28[%swap3A_4053], %swap3A_4056 {strides = array<i32>} : memref<656xf32, #tpu.memory_space<vmem>>, vector<16xf32>,
    %swap3A_4057 = arith.constant 0 : index
    %swap3A_4058 = tpu.vector_load %arg29[%swap3A_4057] {strides = array<i32>} : memref<656xf32, #tpu.memory_space<vmem>>, vector<16xf32>,
    %swap3A_4059 = vector.shape_cast %swap3A_4058 : vector<16xf32> to vector<16xf32>
    %swap3A_4060 = vector.shape_cast %broadcast_in_dim3A_4040 : vector<16xf32> to vector<16xf32>
    tpu.vector_store %arg29[%swap3A_4057], %swap3A_4060 {strides = array<i32>} : memref<656xf32, #tpu.memory_space<vmem>>, vector<16xf32>,
    %swap3A_4061 = arith.constant 0 : index
    %swap3A_4062 = tpu.vector_load %arg30[%swap3A_4061] {strides = array<i32>} : memref<656xf32, #tpu.memory_space<vmem>>, vector<16xf32>,
    %swap3A_4063 = vector.shape_cast %swap3A_4062 : vector<16xf32> to vector<16xf32>
    %swap3A_4064 = vector.shape_cast %broadcast_in_dim3A_4040 : vector<16xf32> to vector<16xf32>
    tpu.vector_store %arg30[%swap3A_4061], %swap3A_4064 {strides = array<i32>} : memref<656xf32, #tpu.memory_space<vmem>>, vector<16xf32>,
    %swap3A_4065 = arith.constant 0 : index
    %swap3A_4066 = tpu.vector_load %arg31[%swap3A_4065] {strides = array<i32>} : memref<656xf32, #tpu.memory_space<vmem>>, vector<16xf32>,
    %swap3A_4067 = vector.shape_cast %swap3A_4066 : vector<16xf32> to vector<16xf32>
    %swap3A_4068 = vector.shape_cast %broadcast_in_dim3A_4040 : vector<16xf32> to vector<16xf32>
    tpu.vector_store %arg31[%swap3A_4065], %swap3A_4068 {strides = array<i32>} : memref<656xf32, #tpu.memory_space<vmem>>, vector<16xf32>,
    %swap3A_4069 = arith.constant 16 : index
    %swap3A_4070 = tpu.vector_load %arg32[%swap3A_4069] {strides = array<i32>} : memref<656xf32, #tpu.memory_space<vmem>>, vector<16xf32>,
    %swap3A_4071 = vector.shape_cast %swap3A_4070 : vector<16xf32> to vector<16xf32>
    %swap3A_4072 = vector.shape_cast %broadcast_in_dim3A_4036 : vector<16xf32> to vector<16xf32>
    tpu.vector_store %arg32[%swap3A_4069], %swap3A_4072 {strides = array<i32>} : memref<656xf32, #tpu.memory_space<vmem>>, vector<16xf32>,
    %swap3A_4073 = arith.constant 16 : index
    %swap3A_4074 = tpu.vector_load %arg33[%swap3A_4073] {strides = array<i32>} : memref<656xi32, #tpu.memory_space<vmem>>, vector<16xi32>,
    %swap3A_4075 = vector.shape_cast %swap3A_4074 : vector<16xi32> to vector<16xi32>
    %swap3A_4076 = vector.shape_cast %broadcast_in_dim3A_4038 : vector<16xi32> to vector<16xi32>
    tpu.vector_store %arg33[%swap3A_4073], %swap3A_4076 {strides = array<i32>} : memref<656xi32, #tpu.memory_space<vmem>>, vector<16xi32>,
    %swap3A_4077 = arith.constant 16 : index
    %swap3A_4078 = tpu.vector_load %arg27[%swap3A_4077] {strides = array<i32>} : memref<656xf32, #tpu.memory_space<vmem>>, vector<16xf32>,
    %swap3A_4079 = vector.shape_cast %swap3A_4078 : vector<16xf32> to vector<16xf32>
    %swap3A_4080 = vector.shape_cast %broadcast_in_dim3A_4040 : vector<16xf32> to vector<16xf32>
    tpu.vector_store %arg27[%swap3A_4077], %swap3A_4080 {strides = array<i32>} : memref<656xf32, #tpu.memory_space<vmem>>, vector<16xf32>,
    %swap3A_4081 = arith.constant 16 : index
    %swap3A_4082 = tpu.vector_load %arg28[%swap3A_4081] {strides = array<i32>} : memref<656xf32, #tpu.memory_space<vmem>>, vector<16xf32>,
    %swap3A_4083 = vector.shape_cast %swap3A_4082 : vector<16xf32> to vector<16xf32>
    %swap3A_4084 = vector.shape_cast %broadcast_in_dim3A_4040 : vector<16xf32> to vector<16xf32>
    tpu.vector_store %arg28[%swap3A_4081], %swap3A_4084 {strides = array<i32>} : memref<656xf32, #tpu.memory_space<vmem>>, vector<16xf32>,
    %swap3A_4085 = arith.constant 16 : index
    %swap3A_4086 = tpu.vector_load %arg29[%swap3A_4085] {strides = array<i32>} : memref<656xf32, #tpu.memory_space<vmem>>, vector<16xf32>,
    %swap3A_4087 = vector.shape_cast %swap3A_4086 : vector<16xf32> to vector<16xf32>
    %swap3A_4088 = vector.shape_cast %broadcast_in_dim3A_4040 : vector<16xf32> to vector<16xf32>
    tpu.vector_store %arg29[%swap3A_4085], %swap3A_4088 {strides = array<i32>} : memref<656xf32, #tpu.memory_space<vmem>>, vector<16xf32>,
    %swap3A_4089 = arith.constant 16 : index
    %swap3A_4090 = tpu.vector_load %arg30[%swap3A_4089] {strides = array<i32>} : memref<656xf32, #tpu.memory_space<vmem>>, vector<16xf32>,
    %swap3A_4091 = vector.shape_cast %swap3A_4090 : vector<16xf32> to vector<16xf32>
    %swap3A_4092 = vector.shape_cast %broadcast_in_dim3A_4040 : vector<16xf32> to vector<16xf32>
    tpu.vector_store %arg30[%swap3A_4089], %swap3A_4092 {strides = array<i32>} : memref<656xf32, #tpu.memory_space<vmem>>, vector<16xf32>,
    %swap3A_4093 = arith.constant 16 : index
    %swap3A_4094 = tpu.vector_load %arg31[%swap3A_4093] {strides = array<i32>} : memref<656xf32, #tpu.memory_space<vmem>>, vector<16xf32>,
    %swap3A_4095 = vector.shape_cast %swap3A_4094 : vector<16xf32> to vector<16xf32>
    %swap3A_4096 = vector.shape_cast %broadcast_in_dim3A_4040 : vector<16xf32> to vector<16xf32>
    tpu.vector_store %arg31[%swap3A_4093], %swap3A_4096 {strides = array<i32>} : memref<656xf32, #tpu.memory_space<vmem>>, vector<16xf32>,
    %swap3A_4097 = arith.constant 32 : index
    %swap3A_4098 = tpu.vector_load %arg32[%swap3A_4097] {strides = array<i32>} : memref<656xf32, #tpu.memory_space<vmem>>, vector<16xf32>,
    %swap3A_4099 = vector.shape_cast %swap3A_4098 : vector<16xf32> to vector<16xf32>
    %swap3A_4100 = vector.shape_cast %broadcast_in_dim3A_4036 : vector<16xf32> to vector<16xf32>
    tpu.vector_store %arg32[%swap3A_4097], %swap3A_4100 {strides = array<i32>} : memref<656xf32, #tpu.memory_space<vmem>>, vector<16xf32>,
    %swap3A_4101 = arith.constant 32 : index
    %swap3A_4102 = tpu.vector_load %arg33[%swap3A_4101] {strides = array<i32>} : memref<656xi32, #tpu.memory_space<vmem>>, vector<16xi32>,
    %swap3A_4103 = vector.shape_cast %swap3A_4102 : vector<16xi32> to vector<16xi32>
    %swap3A_4104 = vector.shape_cast %broadcast_in_dim3A_4038 : vector<16xi32> to vector<16xi32>
    tpu.vector_store %arg33[%swap3A_4101], %swap3A_4104 {strides = array<i32>} : memref<656xi32, #tpu.memory_space<vmem>>, vector<16xi32>,
    %swap3A_4105 = arith.constant 32 : index
    %swap3A_4106 = tpu.vector_load %arg27[%swap3A_4105] {strides = array<i32>} : memref<656xf32, #tpu.memory_space<vmem>>, vector<16xf32>,
    %swap3A_4107 = vector.shape_cast %swap3A_4106 : vector<16xf32> to vector<16xf32>
    %swap3A_4108 = vector.shape_cast %broadcast_in_dim3A_4040 : vector<16xf32> to vector<16xf32>
    tpu.vector_store %arg27[%swap3A_4105], %swap3A_4108 {strides = array<i32>} : memref<656xf32, #tpu.memory_space<vmem>>, vector<16xf32>,
    %swap3A_4109 = arith.constant 32 : index
    %swap3A_4110 = tpu.vector_load %arg28[%swap3A_4109] {strides = array<i32>} : memref<656xf32, #tpu.memory_space<vmem>>, vector<16xf32>,
    %swap3A_4111 = vector.shape_cast %swap3A_4110 : vector<16xf32> to vector<16xf32>
    %swap3A_4112 = vector.shape_cast %broadcast_in_dim3A_4040 : vector<16xf32> to vector<16xf32>
    tpu.vector_store %arg28[%swap3A_4109], %swap3A_4112 {strides = array<i32>} : memref<656xf32, #tpu.memory_space<vmem>>, vector<16xf32>,
    %swap3A_4113 = arith.constant 32 : index
    %swap3A_4114 = tpu.vector_load %arg29[%swap3A_4113] {strides = array<i32>} : memref<656xf32, #tpu.memory_space<vmem>>, vector<16xf32>,
    %swap3A_4115 = vector.shape_cast %swap3A_4114 : vector<16xf32> to vector<16xf32>
    %swap3A_4116 = vector.shape_cast %broadcast_in_dim3A_4040 : vector<16xf32> to vector<16xf32>
    tpu.vector_store %arg29[%swap3A_4113], %swap3A_4116 {strides = array<i32>} : memref<656xf32, #tpu.memory_space<vmem>>, vector<16xf32>,
    %swap3A_4117 = arith.constant 32 : index
    %swap3A_4118 = tpu.vector_load %arg30[%swap3A_4117] {strides = array<i32>} : memref<656xf32, #tpu.memory_space<vmem>>, vector<16xf32>,
    %swap3A_4119 = vector.shape_cast %swap3A_4118 : vector<16xf32> to vector<16xf32>
    %swap3A_4120 = vector.shape_cast %broadcast_in_dim3A_4040 : vector<16xf32> to vector<16xf32>
    tpu.vector_store %arg30[%swap3A_4117], %swap3A_4120 {strides = array<i32>} : memref<656xf32, #tpu.memory_space<vmem>>, vector<16xf32>,
    %swap3A_4121 = arith.constant 32 : index
    %swap3A_4122 = tpu.vector_load %arg31[%swap3A_4121] {strides = array<i32>} : memref<656xf32, #tpu.memory_space<vmem>>, vector<16xf32>,
    %swap3A_4123 = vector.shape_cast %swap3A_4122 : vector<16xf32> to vector<16xf32>
    %swap3A_4124 = vector.shape_cast %broadcast_in_dim3A_4040 : vector<16xf32> to vector<16xf32>
    tpu.vector_store %arg31[%swap3A_4121], %swap3A_4124 {strides = array<i32>} : memref<656xf32, #tpu.memory_space<vmem>>, vector<16xf32>,
    %swap3A_4125 = arith.constant 48 : index
    %swap3A_4126 = tpu.vector_load %arg32[%swap3A_4125] {strides = array<i32>} : memref<656xf32, #tpu.memory_space<vmem>>, vector<16xf32>,
    %swap3A_4127 = vector.shape_cast %swap3A_4126 : vector<16xf32> to vector<16xf32>
    %swap3A_4128 = vector.shape_cast %broadcast_in_dim3A_4036 : vector<16xf32> to vector<16xf32>
    tpu.vector_store %arg32[%swap3A_4125], %swap3A_4128 {strides = array<i32>} : memref<656xf32, #tpu.memory_space<vmem>>, vector<16xf32>,
    %swap3A_4129 = arith.constant 48 : index
    %swap3A_4130 = tpu.vector_load %arg33[%swap3A_4129] {strides = array<i32>} : memref<656xi32, #tpu.memory_space<vmem>>, vector<16xi32>,
    %swap3A_4131 = vector.shape_cast %swap3A_4130 : vector<16xi32> to vector<16xi32>
    %swap3A_4132 = vector.shape_cast %broadcast_in_dim3A_4038 : vector<16xi32> to vector<16xi32>
    tpu.vector_store %arg33[%swap3A_4129], %swap3A_4132 {strides = array<i32>} : memref<656xi32, #tpu.memory_space<vmem>>, vector<16xi32>,
    %swap3A_4133 = arith.constant 48 : index
    %swap3A_4134 = tpu.vector_load %arg27[%swap3A_4133] {strides = array<i32>} : memref<656xf32, #tpu.memory_space<vmem>>, vector<16xf32>,
    %swap3A_4135 = vector.shape_cast %swap3A_4134 : vector<16xf32> to vector<16xf32>
    %swap3A_4136 = vector.shape_cast %broadcast_in_dim3A_4040 : vector<16xf32> to vector<16xf32>
    tpu.vector_store %arg27[%swap3A_4133], %swap3A_4136 {strides = array<i32>} : memref<656xf32, #tpu.memory_space<vmem>>, vector<16xf32>,
    %swap3A_4137 = arith.constant 48 : index
    %swap3A_4138 = tpu.vector_load %arg28[%swap3A_4137] {strides = array<i32>} : memref<656xf32, #tpu.memory_space<vmem>>, vector<16xf32>,
    %swap3A_4139 = vector.shape_cast %swap3A_4138 : vector<16xf32> to vector<16xf32>
    %swap3A_4140 = vector.shape_cast %broadcast_in_dim3A_4040 : vector<16xf32> to vector<16xf32>
    tpu.vector_store %arg28[%swap3A_4137], %swap3A_4140 {strides = array<i32>} : memref<656xf32, #tpu.memory_space<vmem>>, vector<16xf32>,
    %swap3A_4141 = arith.constant 48 : index
    %swap3A_4142 = tpu.vector_load %arg29[%swap3A_4141] {strides = array<i32>} : memref<656xf32, #tpu.memory_space<vmem>>, vector<16xf32>,
    %swap3A_4143 = vector.shape_cast %swap3A_4142 : vector<16xf32> to vector<16xf32>
    %swap3A_4144 = vector.shape_cast %broadcast_in_dim3A_4040 : vector<16xf32> to vector<16xf32>
    tpu.vector_store %arg29[%swap3A_4141], %swap3A_4144 {strides = array<i32>} : memref<656xf32, #tpu.memory_space<vmem>>, vector<16xf32>,
    %swap3A_4145 = arith.constant 48 : index
    %swap3A_4146 = tpu.vector_load %arg30[%swap3A_4145] {strides = array<i32>} : memref<656xf32, #tpu.memory_space<vmem>>, vector<16xf32>,
    %swap3A_4147 = vector.shape_cast %swap3A_4146 : vector<16xf32> to vector<16xf32>
    %swap3A_4148 = vector.shape_cast %broadcast_in_dim3A_4040 : vector<16xf32> to vector<16xf32>
    tpu.vector_store %arg30[%swap3A_4145], %swap3A_4148 {strides = array<i32>} : memref<656xf32, #tpu.memory_space<vmem>>, vector<16xf32>,
    %swap3A_4149 = arith.constant 48 : index
    %swap3A_4150 = tpu.vector_load %arg31[%swap3A_4149] {strides = array<i32>} : memref<656xf32, #tpu.memory_space<vmem>>, vector<16xf32>,
    %swap3A_4151 = vector.shape_cast %swap3A_4150 : vector<16xf32> to vector<16xf32>
    %swap3A_4152 = vector.shape_cast %broadcast_in_dim3A_4040 : vector<16xf32> to vector<16xf32>
    tpu.vector_store %arg31[%swap3A_4149], %swap3A_4152 {strides = array<i32>} : memref<656xf32, #tpu.memory_space<vmem>>, vector<16xf32>,
    %swap3A_4153 = arith.constant 64 : index
    %swap3A_4154 = tpu.vector_load %arg32[%swap3A_4153] {strides = array<i32>} : memref<656xf32, #tpu.memory_space<vmem>>, vector<16xf32>,
    %swap3A_4155 = vector.shape_cast %swap3A_4154 : vector<16xf32> to vector<16xf32>
    %swap3A_4156 = vector.shape_cast %broadcast_in_dim3A_4036 : vector<16xf32> to vector<16xf32>
    tpu.vector_store %arg32[%swap3A_4153], %swap3A_4156 {strides = array<i32>} : memref<656xf32, #tpu.memory_space<vmem>>, vector<16xf32>,
    %swap3A_4157 = arith.constant 64 : index
    %swap3A_4158 = tpu.vector_load %arg33[%swap3A_4157] {strides = array<i32>} : memref<656xi32, #tpu.memory_space<vmem>>, vector<16xi32>,
    %swap3A_4159 = vector.shape_cast %swap3A_4158 : vector<16xi32> to vector<16xi32>
    %swap3A_4160 = vector.shape_cast %broadcast_in_dim3A_4038 : vector<16xi32> to vector<16xi32>
    tpu.vector_store %arg33[%swap3A_4157], %swap3A_4160 {strides = array<i32>} : memref<656xi32, #tpu.memory_space<vmem>>, vector<16xi32>,
    %swap3A_4161 = arith.constant 64 : index
    %swap3A_4162 = tpu.vector_load %arg27[%swap3A_4161] {strides = array<i32>} : memref<656xf32, #tpu.memory_space<vmem>>, vector<16xf32>,
    %swap3A_4163 = vector.shape_cast %swap3A_4162 : vector<16xf32> to vector<16xf32>
    %swap3A_4164 = vector.shape_cast %broadcast_in_dim3A_4040 : vector<16xf32> to vector<16xf32>
    tpu.vector_store %arg27[%swap3A_4161], %swap3A_4164 {strides = array<i32>} : memref<656xf32, #tpu.memory_space<vmem>>, vector<16xf32>,
    %swap3A_4165 = arith.constant 64 : index
    %swap3A_4166 = tpu.vector_load %arg28[%swap3A_4165] {strides = array<i32>} : memref<656xf32, #tpu.memory_space<vmem>>, vector<16xf32>,
    %swap3A_4167 = vector.shape_cast %swap3A_4166 : vector<16xf32> to vector<16xf32>
    %swap3A_4168 = vector.shape_cast %broadcast_in_dim3A_4040 : vector<16xf32> to vector<16xf32>
    tpu.vector_store %arg28[%swap3A_4165], %swap3A_4168 {strides = array<i32>} : memref<656xf32, #tpu.memory_space<vmem>>, vector<16xf32>,
    %swap3A_4169 = arith.constant 64 : index
    %swap3A_4170 = tpu.vector_load %arg29[%swap3A_4169] {strides = array<i32>} : memref<656xf32, #tpu.memory_space<vmem>>, vector<16xf32>,
    %swap3A_4171 = vector.shape_cast %swap3A_4170 : vector<16xf32> to vector<16xf32>
    %swap3A_4172 = vector.shape_cast %broadcast_in_dim3A_4040 : vector<16xf32> to vector<16xf32>
    tpu.vector_store %arg29[%swap3A_4169], %swap3A_4172 {strides = array<i32>} : memref<656xf32, #tpu.memory_space<vmem>>, vector<16xf32>,
    %swap3A_4173 = arith.constant 64 : index
    %swap3A_4174 = tpu.vector_load %arg30[%swap3A_4173] {strides = array<i32>} : memref<656xf32, #tpu.memory_space<vmem>>, vector<16xf32>,
    %swap3A_4175 = vector.shape_cast %swap3A_4174 : vector<16xf32> to vector<16xf32>
    %swap3A_4176 = vector.shape_cast %broadcast_in_dim3A_4040 : vector<16xf32> to vector<16xf32>
    tpu.vector_store %arg30[%swap3A_4173], %swap3A_4176 {strides = array<i32>} : memref<656xf32, #tpu.memory_space<vmem>>, vector<16xf32>,
    %swap3A_4177 = arith.constant 64 : index
    %swap3A_4178 = tpu.vector_load %arg31[%swap3A_4177] {strides = array<i32>} : memref<656xf32, #tpu.memory_space<vmem>>, vector<16xf32>,
    %swap3A_4179 = vector.shape_cast %swap3A_4178 : vector<16xf32> to vector<16xf32>
    %swap3A_4180 = vector.shape_cast %broadcast_in_dim3A_4040 : vector<16xf32> to vector<16xf32>
    tpu.vector_store %arg31[%swap3A_4177], %swap3A_4180 {strides = array<i32>} : memref<656xf32, #tpu.memory_space<vmem>>, vector<16xf32>,
    %swap3A_4181 = arith.constant 80 : index
    %swap3A_4182 = tpu.vector_load %arg32[%swap3A_4181] {strides = array<i32>} : memref<656xf32, #tpu.memory_space<vmem>>, vector<16xf32>,
    %swap3A_4183 = vector.shape_cast %swap3A_4182 : vector<16xf32> to vector<16xf32>
    %swap3A_4184 = vector.shape_cast %broadcast_in_dim3A_4036 : vector<16xf32> to vector<16xf32>
    tpu.vector_store %arg32[%swap3A_4181], %swap3A_4184 {strides = array<i32>} : memref<656xf32, #tpu.memory_space<vmem>>, vector<16xf32>,
    %swap3A_4185 = arith.constant 80 : index
    %swap3A_4186 = tpu.vector_load %arg33[%swap3A_4185] {strides = array<i32>} : memref<656xi32, #tpu.memory_space<vmem>>, vector<16xi32>,
    %swap3A_4187 = vector.shape_cast %swap3A_4186 : vector<16xi32> to vector<16xi32>
    %swap3A_4188 = vector.shape_cast %broadcast_in_dim3A_4038 : vector<16xi32> to vector<16xi32>
    tpu.vector_store %arg33[%swap3A_4185], %swap3A_4188 {strides = array<i32>} : memref<656xi32, #tpu.memory_space<vmem>>, vector<16xi32>,
    %swap3A_4189 = arith.constant 80 : index
    %swap3A_4190 = tpu.vector_load %arg27[%swap3A_4189] {strides = array<i32>} : memref<656xf32, #tpu.memory_space<vmem>>, vector<16xf32>,
    %swap3A_4191 = vector.shape_cast %swap3A_4190 : vector<16xf32> to vector<16xf32>
    %swap3A_4192 = vector.shape_cast %broadcast_in_dim3A_4040 : vector<16xf32> to vector<16xf32>
    tpu.vector_store %arg27[%swap3A_4189], %swap3A_4192 {strides = array<i32>} : memref<656xf32, #tpu.memory_space<vmem>>, vector<16xf32>,
    %swap3A_4193 = arith.constant 80 : index
    %swap3A_4194 = tpu.vector_load %arg28[%swap3A_4193] {strides = array<i32>} : memref<656xf32, #tpu.memory_space<vmem>>, vector<16xf32>,
    %swap3A_4195 = vector.shape_cast %swap3A_4194 : vector<16xf32> to vector<16xf32>
    %swap3A_4196 = vector.shape_cast %broadcast_in_dim3A_4040 : vector<16xf32> to vector<16xf32>
    tpu.vector_store %arg28[%swap3A_4193], %swap3A_4196 {strides = array<i32>} : memref<656xf32, #tpu.memory_space<vmem>>, vector<16xf32>,
    %swap3A_4197 = arith.constant 80 : index
    %swap3A_4198 = tpu.vector_load %arg29[%swap3A_4197] {strides = array<i32>} : memref<656xf32, #tpu.memory_space<vmem>>, vector<16xf32>,
    %swap3A_4199 = vector.shape_cast %swap3A_4198 : vector<16xf32> to vector<16xf32>
    %swap3A_4200 = vector.shape_cast %broadcast_in_dim3A_4040 : vector<16xf32> to vector<16xf32>
    tpu.vector_store %arg29[%swap3A_4197], %swap3A_4200 {strides = array<i32>} : memref<656xf32, #tpu.memory_space<vmem>>, vector<16xf32>,
    %swap3A_4201 = arith.constant 80 : index
    %swap3A_4202 = tpu.vector_load %arg30[%swap3A_4201] {strides = array<i32>} : memref<656xf32, #tpu.memory_space<vmem>>, vector<16xf32>,
    %swap3A_4203 = vector.shape_cast %swap3A_4202 : vector<16xf32> to vector<16xf32>
    %swap3A_4204 = vector.shape_cast %broadcast_in_dim3A_4040 : vector<16xf32> to vector<16xf32>
    tpu.vector_store %arg30[%swap3A_4201], %swap3A_4204 {strides = array<i32>} : memref<656xf32, #tpu.memory_space<vmem>>, vector<16xf32>,
    %swap3A_4205 = arith.constant 80 : index
    %swap3A_4206 = tpu.vector_load %arg31[%swap3A_4205] {strides = array<i32>} : memref<656xf32, #tpu.memory_space<vmem>>, vector<16xf32>,
    %swap3A_4207 = vector.shape_cast %swap3A_4206 : vector<16xf32> to vector<16xf32>
    %swap3A_4208 = vector.shape_cast %broadcast_in_dim3A_4040 : vector<16xf32> to vector<16xf32>
    tpu.vector_store %arg31[%swap3A_4205], %swap3A_4208 {strides = array<i32>} : memref<656xf32, #tpu.memory_space<vmem>>, vector<16xf32>,
    %swap3A_4209 = arith.constant 96 : index
    %swap3A_4210 = tpu.vector_load %arg32[%swap3A_4209] {strides = array<i32>} : memref<656xf32, #tpu.memory_space<vmem>>, vector<16xf32>,
    %swap3A_4211 = vector.shape_cast %swap3A_4210 : vector<16xf32> to vector<16xf32>
    %swap3A_4212 = vector.shape_cast %broadcast_in_dim3A_4036 : vector<16xf32> to vector<16xf32>
    tpu.vector_store %arg32[%swap3A_4209], %swap3A_4212 {strides = array<i32>} : memref<656xf32, #tpu.memory_space<vmem>>, vector<16xf32>,
    %swap3A_4213 = arith.constant 96 : index
    %swap3A_4214 = tpu.vector_load %arg33[%swap3A_4213] {strides = array<i32>} : memref<656xi32, #tpu.memory_space<vmem>>, vector<16xi32>,
    %swap3A_4215 = vector.shape_cast %swap3A_4214 : vector<16xi32> to vector<16xi32>
    %swap3A_4216 = vector.shape_cast %broadcast_in_dim3A_4038 : vector<16xi32> to vector<16xi32>
    tpu.vector_store %arg33[%swap3A_4213], %swap3A_4216 {strides = array<i32>} : memref<656xi32, #tpu.memory_space<vmem>>, vector<16xi32>,
    %swap3A_4217 = arith.constant 96 : index
    %swap3A_4218 = tpu.vector_load %arg27[%swap3A_4217] {strides = array<i32>} : memref<656xf32, #tpu.memory_space<vmem>>, vector<16xf32>,
    %swap3A_4219 = vector.shape_cast %swap3A_4218 : vector<16xf32> to vector<16xf32>
    %swap3A_4220 = vector.shape_cast %broadcast_in_dim3A_4040 : vector<16xf32> to vector<16xf32>
    tpu.vector_store %arg27[%swap3A_4217], %swap3A_4220 {strides = array<i32>} : memref<656xf32, #tpu.memory_space<vmem>>, vector<16xf32>,
    %swap3A_4221 = arith.constant 96 : index
    %swap3A_4222 = tpu.vector_load %arg28[%swap3A_4221] {strides = array<i32>} : memref<656xf32, #tpu.memory_space<vmem>>, vector<16xf32>,
    %swap3A_4223 = vector.shape_cast %swap3A_4222 : vector<16xf32> to vector<16xf32>
    %swap3A_4224 = vector.shape_cast %broadcast_in_dim3A_4040 : vector<16xf32> to vector<16xf32>
    tpu.vector_store %arg28[%swap3A_4221], %swap3A_4224 {strides = array<i32>} : memref<656xf32, #tpu.memory_space<vmem>>, vector<16xf32>,
    %swap3A_4225 = arith.constant 96 : index
    %swap3A_4226 = tpu.vector_load %arg29[%swap3A_4225] {strides = array<i32>} : memref<656xf32, #tpu.memory_space<vmem>>, vector<16xf32>,
    %swap3A_4227 = vector.shape_cast %swap3A_4226 : vector<16xf32> to vector<16xf32>
    %swap3A_4228 = vector.shape_cast %broadcast_in_dim3A_4040 : vector<16xf32> to vector<16xf32>
    tpu.vector_store %arg29[%swap3A_4225], %swap3A_4228 {strides = array<i32>} : memref<656xf32, #tpu.memory_space<vmem>>, vector<16xf32>,
    %swap3A_4229 = arith.constant 96 : index
    %swap3A_4230 = tpu.vector_load %arg30[%swap3A_4229] {strides = array<i32>} : memref<656xf32, #tpu.memory_space<vmem>>, vector<16xf32>,
    %swap3A_4231 = vector.shape_cast %swap3A_4230 : vector<16xf32> to vector<16xf32>
    %swap3A_4232 = vector.shape_cast %broadcast_in_dim3A_4040 : vector<16xf32> to vector<16xf32>
    tpu.vector_store %arg30[%swap3A_4229], %swap3A_4232 {strides = array<i32>} : memref<656xf32, #tpu.memory_space<vmem>>, vector<16xf32>,
    %swap3A_4233 = arith.constant 96 : index
    %swap3A_4234 = tpu.vector_load %arg31[%swap3A_4233] {strides = array<i32>} : memref<656xf32, #tpu.memory_space<vmem>>, vector<16xf32>,
    %swap3A_4235 = vector.shape_cast %swap3A_4234 : vector<16xf32> to vector<16xf32>
    %swap3A_4236 = vector.shape_cast %broadcast_in_dim3A_4040 : vector<16xf32> to vector<16xf32>
    tpu.vector_store %arg31[%swap3A_4233], %swap3A_4236 {strides = array<i32>} : memref<656xf32, #tpu.memory_space<vmem>>, vector<16xf32>,
    %swap3A_4237 = arith.constant 112 : index
    %swap3A_4238 = tpu.vector_load %arg32[%swap3A_4237] {strides = array<i32>} : memref<656xf32, #tpu.memory_space<vmem>>, vector<16xf32>,
    %swap3A_4239 = vector.shape_cast %swap3A_4238 : vector<16xf32> to vector<16xf32>
    %swap3A_4240 = vector.shape_cast %broadcast_in_dim3A_4036 : vector<16xf32> to vector<16xf32>
    tpu.vector_store %arg32[%swap3A_4237], %swap3A_4240 {strides = array<i32>} : memref<656xf32, #tpu.memory_space<vmem>>, vector<16xf32>,
    %swap3A_4241 = arith.constant 112 : index
    %swap3A_4242 = tpu.vector_load %arg33[%swap3A_4241] {strides = array<i32>} : memref<656xi32, #tpu.memory_space<vmem>>, vector<16xi32>,
    %swap3A_4243 = vector.shape_cast %swap3A_4242 : vector<16xi32> to vector<16xi32>
    %swap3A_4244 = vector.shape_cast %broadcast_in_dim3A_4038 : vector<16xi32> to vector<16xi32>
    tpu.vector_store %arg33[%swap3A_4241], %swap3A_4244 {strides = array<i32>} : memref<656xi32, #tpu.memory_space<vmem>>, vector<16xi32>,
    %swap3A_4245 = arith.constant 112 : index
    %swap3A_4246 = tpu.vector_load %arg27[%swap3A_4245] {strides = array<i32>} : memref<656xf32, #tpu.memory_space<vmem>>, vector<16xf32>,
    %swap3A_4247 = vector.shape_cast %swap3A_4246 : vector<16xf32> to vector<16xf32>
    %swap3A_4248 = vector.shape_cast %broadcast_in_dim3A_4040 : vector<16xf32> to vector<16xf32>
    tpu.vector_store %arg27[%swap3A_4245], %swap3A_4248 {strides = array<i32>} : memref<656xf32, #tpu.memory_space<vmem>>, vector<16xf32>,
    %swap3A_4249 = arith.constant 112 : index
    %swap3A_4250 = tpu.vector_load %arg28[%swap3A_4249] {strides = array<i32>} : memref<656xf32, #tpu.memory_space<vmem>>, vector<16xf32>,
    %swap3A_4251 = vector.shape_cast %swap3A_4250 : vector<16xf32> to vector<16xf32>
    %swap3A_4252 = vector.shape_cast %broadcast_in_dim3A_4040 : vector<16xf32> to vector<16xf32>
    tpu.vector_store %arg28[%swap3A_4249], %swap3A_4252 {strides = array<i32>} : memref<656xf32, #tpu.memory_space<vmem>>, vector<16xf32>,
    %swap3A_4253 = arith.constant 112 : index
    %swap3A_4254 = tpu.vector_load %arg29[%swap3A_4253] {strides = array<i32>} : memref<656xf32, #tpu.memory_space<vmem>>, vector<16xf32>,
    %swap3A_4255 = vector.shape_cast %swap3A_4254 : vector<16xf32> to vector<16xf32>
    %swap3A_4256 = vector.shape_cast %broadcast_in_dim3A_4040 : vector<16xf32> to vector<16xf32>
    tpu.vector_store %arg29[%swap3A_4253], %swap3A_4256 {strides = array<i32>} : memref<656xf32, #tpu.memory_space<vmem>>, vector<16xf32>,
    %swap3A_4257 = arith.constant 112 : index
    %swap3A_4258 = tpu.vector_load %arg30[%swap3A_4257] {strides = array<i32>} : memref<656xf32, #tpu.memory_space<vmem>>, vector<16xf32>,
    %swap3A_4259 = vector.shape_cast %swap3A_4258 : vector<16xf32> to vector<16xf32>
    %swap3A_4260 = vector.shape_cast %broadcast_in_dim3A_4040 : vector<16xf32> to vector<16xf32>
    tpu.vector_store %arg30[%swap3A_4257], %swap3A_4260 {strides = array<i32>} : memref<656xf32, #tpu.memory_space<vmem>>, vector<16xf32>,
    %swap3A_4261 = arith.constant 112 : index
    %swap3A_4262 = tpu.vector_load %arg31[%swap3A_4261] {strides = array<i32>} : memref<656xf32, #tpu.memory_space<vmem>>, vector<16xf32>,
    %swap3A_4263 = vector.shape_cast %swap3A_4262 : vector<16xf32> to vector<16xf32>
    %swap3A_4264 = vector.shape_cast %broadcast_in_dim3A_4040 : vector<16xf32> to vector<16xf32>
    tpu.vector_store %arg31[%swap3A_4261], %swap3A_4264 {strides = array<i32>} : memref<656xf32, #tpu.memory_space<vmem>>, vector<16xf32>,
    %swap3A_4265 = arith.constant 128 : index
    %swap3A_4266 = tpu.vector_load %arg32[%swap3A_4265] {strides = array<i32>} : memref<656xf32, #tpu.memory_space<vmem>>, vector<16xf32>,
    %swap3A_4267 = vector.shape_cast %swap3A_4266 : vector<16xf32> to vector<16xf32>
    %swap3A_4268 = vector.shape_cast %broadcast_in_dim3A_4036 : vector<16xf32> to vector<16xf32>
    tpu.vector_store %arg32[%swap3A_4265], %swap3A_4268 {strides = array<i32>} : memref<656xf32, #tpu.memory_space<vmem>>, vector<16xf32>,
    %swap3A_4269 = arith.constant 128 : index
    %swap3A_4270 = tpu.vector_load %arg33[%swap3A_4269] {strides = array<i32>} : memref<656xi32, #tpu.memory_space<vmem>>, vector<16xi32>,
    %swap3A_4271 = vector.shape_cast %swap3A_4270 : vector<16xi32> to vector<16xi32>
    %swap3A_4272 = vector.shape_cast %broadcast_in_dim3A_4038 : vector<16xi32> to vector<16xi32>
    tpu.vector_store %arg33[%swap3A_4269], %swap3A_4272 {strides = array<i32>} : memref<656xi32, #tpu.memory_space<vmem>>, vector<16xi32>,
    %swap3A_4273 = arith.constant 128 : index
    %swap3A_4274 = tpu.vector_load %arg27[%swap3A_4273] {strides = array<i32>} : memref<656xf32, #tpu.memory_space<vmem>>, vector<16xf32>,
    %swap3A_4275 = vector.shape_cast %swap3A_4274 : vector<16xf32> to vector<16xf32>
    %swap3A_4276 = vector.shape_cast %broadcast_in_dim3A_4040 : vector<16xf32> to vector<16xf32>
    tpu.vector_store %arg27[%swap3A_4273], %swap3A_4276 {strides = array<i32>} : memref<656xf32, #tpu.memory_space<vmem>>, vector<16xf32>,
    %swap3A_4277 = arith.constant 128 : index
    %swap3A_4278 = tpu.vector_load %arg28[%swap3A_4277] {strides = array<i32>} : memref<656xf32, #tpu.memory_space<vmem>>, vector<16xf32>,
    %swap3A_4279 = vector.shape_cast %swap3A_4278 : vector<16xf32> to vector<16xf32>
    %swap3A_4280 = vector.shape_cast %broadcast_in_dim3A_4040 : vector<16xf32> to vector<16xf32>
    tpu.vector_store %arg28[%swap3A_4277], %swap3A_4280 {strides = array<i32>} : memref<656xf32, #tpu.memory_space<vmem>>, vector<16xf32>,
    %swap3A_4281 = arith.constant 128 : index
    %swap3A_4282 = tpu.vector_load %arg29[%swap3A_4281] {strides = array<i32>} : memref<656xf32, #tpu.memory_space<vmem>>, vector<16xf32>,
    %swap3A_4283 = vector.shape_cast %swap3A_4282 : vector<16xf32> to vector<16xf32>
    %swap3A_4284 = vector.shape_cast %broadcast_in_dim3A_4040 : vector<16xf32> to vector<16xf32>
    tpu.vector_store %arg29[%swap3A_4281], %swap3A_4284 {strides = array<i32>} : memref<656xf32, #tpu.memory_space<vmem>>, vector<16xf32>,
    %swap3A_4285 = arith.constant 128 : index
    %swap3A_4286 = tpu.vector_load %arg30[%swap3A_4285] {strides = array<i32>} : memref<656xf32, #tpu.memory_space<vmem>>, vector<16xf32>,
    %swap3A_4287 = vector.shape_cast %swap3A_4286 : vector<16xf32> to vector<16xf32>
    %swap3A_4288 = vector.shape_cast %broadcast_in_dim3A_4040 : vector<16xf32> to vector<16xf32>
    tpu.vector_store %arg30[%swap3A_4285], %swap3A_4288 {strides = array<i32>} : memref<656xf32, #tpu.memory_space<vmem>>, vector<16xf32>,
    %swap3A_4289 = arith.constant 128 : index
    %swap3A_4290 = tpu.vector_load %arg31[%swap3A_4289] {strides = array<i32>} : memref<656xf32, #tpu.memory_space<vmem>>, vector<16xf32>,
    %swap3A_4291 = vector.shape_cast %swap3A_4290 : vector<16xf32> to vector<16xf32>
    %swap3A_4292 = vector.shape_cast %broadcast_in_dim3A_4040 : vector<16xf32> to vector<16xf32>
    tpu.vector_store %arg31[%swap3A_4289], %swap3A_4292 {strides = array<i32>} : memref<656xf32, #tpu.memory_space<vmem>>, vector<16xf32>,
    %scan3A = arith.constant 0 : i32
    %scan3A_4293 = arith.constant 0 : i32
    %scan3A_4294 = arith.constant 640 : i32
    %scan3A_4295 = arith.addi %scan3A_4293, %scan3A_4294 : i32
    %scan3A_4296 = arith.constant 1 : i32
    %scan3A_4297 = scf.for %scan3A_4329 = %scan3A_4293 to %scan3A_4295 step %scan3A_4296 iter_args(%scan3A_4330 = %scan3A) -> (i32)  : i32 {
      %get3A_4331 = arith.index_cast %scan3A_4329 : i32 to index
      %get3A_4332 = tpu.vector_load %arg26[%get3A_4331] {strides = array<i32>} : memref<656xi32, #tpu.memory_space<vmem>>, vector<16xi32>,
      %get3A_4333 = vector.shape_cast %get3A_4332 : vector<16xi32> to vector<16xi32>
      %slice3A = vector.extract_strided_slice %get3A_4333 {offsets = [0], sizes = [1], strides = [1]} : vector<16xi32> to vector<1xi32>
      %squeeze3A = vector.extract %slice3A[0] : i32 from vector<1xi32>
      %eq3A = arith.constant 1 : i32
      %eq3A_4334 = arith.cmpi eq, %squeeze3A, %eq3A : i32
      %convert_element_type3A = arith.extui %eq3A_4334 : i1 to i32
      %cond3A = arith.constant 0 : i32
      %cond3A_4335 = arith.cmpi ne, %convert_element_type3A, %cond3A : i32
      scf.if %cond3A_4335 {
        %get3A_4344 = arith.index_cast %scan3A_4329 : i32 to index
        %get3A_4345 = tpu.vector_load %arg19[%get3A_4344] {strides = array<i32>} : memref<656xf32, #tpu.memory_space<vmem>>, vector<16xf32>,
        %get3A_4346 = vector.shape_cast %get3A_4345 : vector<16xf32> to vector<16xf32>
        %swap3A_4347 = arith.index_cast %scan3A_4330 : i32 to index
        %swap3A_4348 = tpu.vector_load %arg27[%swap3A_4347] {strides = array<i32>} : memref<656xf32, #tpu.memory_space<vmem>>, vector<16xf32>,
        %swap3A_4349 = vector.shape_cast %swap3A_4348 : vector<16xf32> to vector<16xf32>
        %swap3A_4350 = vector.shape_cast %get3A_4346 : vector<16xf32> to vector<16xf32>
        tpu.vector_store %arg27[%swap3A_4347], %swap3A_4350 {strides = array<i32>} : memref<656xf32, #tpu.memory_space<vmem>>, vector<16xf32>,
        %get3A_4351 = arith.index_cast %scan3A_4329 : i32 to index
        %get3A_4352 = tpu.vector_load %arg20[%get3A_4351] {strides = array<i32>} : memref<656xf32, #tpu.memory_space<vmem>>, vector<16xf32>,
        %get3A_4353 = vector.shape_cast %get3A_4352 : vector<16xf32> to vector<16xf32>
        %swap3A_4354 = arith.index_cast %scan3A_4330 : i32 to index
        %swap3A_4355 = tpu.vector_load %arg28[%swap3A_4354] {strides = array<i32>} : memref<656xf32, #tpu.memory_space<vmem>>, vector<16xf32>,
        %swap3A_4356 = vector.shape_cast %swap3A_4355 : vector<16xf32> to vector<16xf32>
        %swap3A_4357 = vector.shape_cast %get3A_4353 : vector<16xf32> to vector<16xf32>
        tpu.vector_store %arg28[%swap3A_4354], %swap3A_4357 {strides = array<i32>} : memref<656xf32, #tpu.memory_space<vmem>>, vector<16xf32>,
        %get3A_4358 = arith.index_cast %scan3A_4329 : i32 to index
        %get3A_4359 = tpu.vector_load %arg21[%get3A_4358] {strides = array<i32>} : memref<656xf32, #tpu.memory_space<vmem>>, vector<16xf32>,
        %get3A_4360 = vector.shape_cast %get3A_4359 : vector<16xf32> to vector<16xf32>
        %swap3A_4361 = arith.index_cast %scan3A_4330 : i32 to index
        %swap3A_4362 = tpu.vector_load %arg29[%swap3A_4361] {strides = array<i32>} : memref<656xf32, #tpu.memory_space<vmem>>, vector<16xf32>,
        %swap3A_4363 = vector.shape_cast %swap3A_4362 : vector<16xf32> to vector<16xf32>
        %swap3A_4364 = vector.shape_cast %get3A_4360 : vector<16xf32> to vector<16xf32>
        tpu.vector_store %arg29[%swap3A_4361], %swap3A_4364 {strides = array<i32>} : memref<656xf32, #tpu.memory_space<vmem>>, vector<16xf32>,
        %get3A_4365 = arith.index_cast %scan3A_4329 : i32 to index
        %get3A_4366 = tpu.vector_load %arg22[%get3A_4365] {strides = array<i32>} : memref<656xf32, #tpu.memory_space<vmem>>, vector<16xf32>,
        %get3A_4367 = vector.shape_cast %get3A_4366 : vector<16xf32> to vector<16xf32>
        %swap3A_4368 = arith.index_cast %scan3A_4330 : i32 to index
        %swap3A_4369 = tpu.vector_load %arg30[%swap3A_4368] {strides = array<i32>} : memref<656xf32, #tpu.memory_space<vmem>>, vector<16xf32>,
        %swap3A_4370 = vector.shape_cast %swap3A_4369 : vector<16xf32> to vector<16xf32>
        %swap3A_4371 = vector.shape_cast %get3A_4367 : vector<16xf32> to vector<16xf32>
        tpu.vector_store %arg30[%swap3A_4368], %swap3A_4371 {strides = array<i32>} : memref<656xf32, #tpu.memory_space<vmem>>, vector<16xf32>,
        %get3A_4372 = arith.index_cast %scan3A_4329 : i32 to index
        %get3A_4373 = tpu.vector_load %arg23[%get3A_4372] {strides = array<i32>} : memref<656xf32, #tpu.memory_space<vmem>>, vector<16xf32>,
        %get3A_4374 = vector.shape_cast %get3A_4373 : vector<16xf32> to vector<16xf32>
        %swap3A_4375 = arith.index_cast %scan3A_4330 : i32 to index
        %swap3A_4376 = tpu.vector_load %arg31[%swap3A_4375] {strides = array<i32>} : memref<656xf32, #tpu.memory_space<vmem>>, vector<16xf32>,
        %swap3A_4377 = vector.shape_cast %swap3A_4376 : vector<16xf32> to vector<16xf32>
        %swap3A_4378 = vector.shape_cast %get3A_4374 : vector<16xf32> to vector<16xf32>
        tpu.vector_store %arg31[%swap3A_4375], %swap3A_4378 {strides = array<i32>} : memref<656xf32, #tpu.memory_space<vmem>>, vector<16xf32>,
        %get3A_4379 = arith.index_cast %scan3A_4329 : i32 to index
        %get3A_4380 = tpu.vector_load %arg24[%get3A_4379] {strides = array<i32>} : memref<656xf32, #tpu.memory_space<vmem>>, vector<16xf32>,
        %get3A_4381 = vector.shape_cast %get3A_4380 : vector<16xf32> to vector<16xf32>
        %swap3A_4382 = arith.index_cast %scan3A_4330 : i32 to index
        %swap3A_4383 = tpu.vector_load %arg32[%swap3A_4382] {strides = array<i32>} : memref<656xf32, #tpu.memory_space<vmem>>, vector<16xf32>,
        %swap3A_4384 = vector.shape_cast %swap3A_4383 : vector<16xf32> to vector<16xf32>
        %swap3A_4385 = vector.shape_cast %get3A_4381 : vector<16xf32> to vector<16xf32>
        tpu.vector_store %arg32[%swap3A_4382], %swap3A_4385 {strides = array<i32>} : memref<656xf32, #tpu.memory_space<vmem>>, vector<16xf32>,
        %get3A_4386 = arith.index_cast %scan3A_4329 : i32 to index
        %get3A_4387 = tpu.vector_load %arg25[%get3A_4386] {strides = array<i32>} : memref<656xi32, #tpu.memory_space<vmem>>, vector<16xi32>,
        %get3A_4388 = vector.shape_cast %get3A_4387 : vector<16xi32> to vector<16xi32>
        %swap3A_4389 = arith.index_cast %scan3A_4330 : i32 to index
        %swap3A_4390 = tpu.vector_load %arg33[%swap3A_4389] {strides = array<i32>} : memref<656xi32, #tpu.memory_space<vmem>>, vector<16xi32>,
        %swap3A_4391 = vector.shape_cast %swap3A_4390 : vector<16xi32> to vector<16xi32>
        %swap3A_4392 = vector.shape_cast %get3A_4388 : vector<16xi32> to vector<16xi32>
        tpu.vector_store %arg33[%swap3A_4389], %swap3A_4392 {strides = array<i32>} : memref<656xi32, #tpu.memory_space<vmem>>, vector<16xi32>,
      } else {
      }
      %slice3A_4336 = vector.extract_strided_slice %get3A_4333 {offsets = [0], sizes = [1], strides = [1]} : vector<16xi32> to vector<1xi32>
      %squeeze3A_4337 = vector.extract %slice3A_4336[0] : i32 from vector<1xi32>
      %eq3A_4338 = arith.constant 1 : i32
      %eq3A_4339 = arith.cmpi eq, %squeeze3A_4337, %eq3A_4338 : i32
      %jit3A_4340 = arith.constant 1 : i32
      %jit3A_4341 = arith.constant 0 : i32
      %select_n3A_4342 = arith.select %eq3A_4339, %jit3A_4340, %jit3A_4341 : i32
      %add3A_4343 = arith.addi %scan3A_4330, %select_n3A_4342 : i32
      scf.yield %add3A_4343 : i32
    }
    %scan3A_4298 = arith.constant 640 : i32
    %swap3A_4299 = arith.index_cast %scan3A_4297 : i32 to index
    %swap3A_4300 = tpu.vector_load %arg32[%swap3A_4299] {strides = array<i32>} : memref<656xf32, #tpu.memory_space<vmem>>, vector<16xf32>,
    %swap3A_4301 = vector.shape_cast %swap3A_4300 : vector<16xf32> to vector<16xf32>
    %swap3A_4302 = vector.shape_cast %broadcast_in_dim3A_4036 : vector<16xf32> to vector<16xf32>
    tpu.vector_store %arg32[%swap3A_4299], %swap3A_4302 {strides = array<i32>} : memref<656xf32, #tpu.memory_space<vmem>>, vector<16xf32>,
    %swap3A_4303 = arith.index_cast %scan3A_4297 : i32 to index
    %swap3A_4304 = tpu.vector_load %arg33[%swap3A_4303] {strides = array<i32>} : memref<656xi32, #tpu.memory_space<vmem>>, vector<16xi32>,
    %swap3A_4305 = vector.shape_cast %swap3A_4304 : vector<16xi32> to vector<16xi32>
    %swap3A_4306 = vector.shape_cast %broadcast_in_dim3A_4038 : vector<16xi32> to vector<16xi32>
    tpu.vector_store %arg33[%swap3A_4303], %swap3A_4306 {strides = array<i32>} : memref<656xi32, #tpu.memory_space<vmem>>, vector<16xi32>,
    %swap3A_4307 = arith.index_cast %scan3A_4297 : i32 to index
    %swap3A_4308 = tpu.vector_load %arg27[%swap3A_4307] {strides = array<i32>} : memref<656xf32, #tpu.memory_space<vmem>>, vector<16xf32>,
    %swap3A_4309 = vector.shape_cast %swap3A_4308 : vector<16xf32> to vector<16xf32>
    %swap3A_4310 = vector.shape_cast %broadcast_in_dim3A_4040 : vector<16xf32> to vector<16xf32>
    tpu.vector_store %arg27[%swap3A_4307], %swap3A_4310 {strides = array<i32>} : memref<656xf32, #tpu.memory_space<vmem>>, vector<16xf32>,
    %swap3A_4311 = arith.index_cast %scan3A_4297 : i32 to index
    %swap3A_4312 = tpu.vector_load %arg28[%swap3A_4311] {strides = array<i32>} : memref<656xf32, #tpu.memory_space<vmem>>, vector<16xf32>,
    %swap3A_4313 = vector.shape_cast %swap3A_4312 : vector<16xf32> to vector<16xf32>
    %swap3A_4314 = vector.shape_cast %broadcast_in_dim3A_4040 : vector<16xf32> to vector<16xf32>
    tpu.vector_store %arg28[%swap3A_4311], %swap3A_4314 {strides = array<i32>} : memref<656xf32, #tpu.memory_space<vmem>>, vector<16xf32>,
    %swap3A_4315 = arith.index_cast %scan3A_4297 : i32 to index
    %swap3A_4316 = tpu.vector_load %arg29[%swap3A_4315] {strides = array<i32>} : memref<656xf32, #tpu.memory_space<vmem>>, vector<16xf32>,
    %swap3A_4317 = vector.shape_cast %swap3A_4316 : vector<16xf32> to vector<16xf32>
    %swap3A_4318 = vector.shape_cast %broadcast_in_dim3A_4040 : vector<16xf32> to vector<16xf32>
    tpu.vector_store %arg29[%swap3A_4315], %swap3A_4318 {strides = array<i32>} : memref<656xf32, #tpu.memory_space<vmem>>, vector<16xf32>,
    %swap3A_4319 = arith.index_cast %scan3A_4297 : i32 to index
    %swap3A_4320 = tpu.vector_load %arg30[%swap3A_4319] {strides = array<i32>} : memref<656xf32, #tpu.memory_space<vmem>>, vector<16xf32>,
    %swap3A_4321 = vector.shape_cast %swap3A_4320 : vector<16xf32> to vector<16xf32>
    %swap3A_4322 = vector.shape_cast %broadcast_in_dim3A_4040 : vector<16xf32> to vector<16xf32>
    tpu.vector_store %arg30[%swap3A_4319], %swap3A_4322 {strides = array<i32>} : memref<656xf32, #tpu.memory_space<vmem>>, vector<16xf32>,
    %swap3A_4323 = arith.index_cast %scan3A_4297 : i32 to index
    %swap3A_4324 = tpu.vector_load %arg31[%swap3A_4323] {strides = array<i32>} : memref<656xf32, #tpu.memory_space<vmem>>, vector<16xf32>,
    %swap3A_4325 = vector.shape_cast %swap3A_4324 : vector<16xf32> to vector<16xf32>
    %swap3A_4326 = vector.shape_cast %broadcast_in_dim3A_4040 : vector<16xf32> to vector<16xf32>
    tpu.vector_store %arg31[%swap3A_4323], %swap3A_4326 {strides = array<i32>} : memref<656xf32, #tpu.memory_space<vmem>>, vector<16xf32>,
    %mul3A_4327 = arith.constant 128 : i32
    %mul3A_4328 = arith.muli %add3A, %mul3A_4327 : i32
    "tpu.region"() ({
      %run_scoped3A = tpu.sem_alloc : memref<!tpu.dma_semaphore, #tpu.memory_space<semaphore_mem>>
      %dma_start3A = arith.constant 0 : i32
      %dma_start3A_4329 = tpu.memref_slice %arg27[%dma_start3A] : memref<656xf32, #tpu.memory_space<vmem>> -> memref<128xf32, #tpu.memory_space<vmem>>
      %dma_start3A_4330 = tpu.memref_slice %arg7[%mul3A_4328] : memref<4096xf32, #tpu.memory_space<hbm>> -> memref<128xf32, #tpu.memory_space<hbm>>
      %dma_start3A_4331 = tpu.memref_slice %arg7[%mul3A_4328] : memref<4096xf32, #tpu.memory_space<hbm>> -> memref<128xf32, #tpu.memory_space<hbm>>
      %dma_start3A_4332 = arith.constant 0 : i32
      %dma_start3A_4333 = tpu.memref_slice %arg27[%dma_start3A_4332] : memref<656xf32, #tpu.memory_space<vmem>> -> memref<128xf32, #tpu.memory_space<vmem>>
      tpu.enqueue_dma source(%dma_start3A_4333 : memref<128xf32, #tpu.memory_space<vmem>>) target(%dma_start3A_4331 : memref<128xf32, #tpu.memory_space<hbm>>) target_semaphore(%run_scoped3A : memref<!tpu.dma_semaphore, #tpu.memory_space<semaphore_mem>>)
      %dma_wait3A = arith.constant 0 : i32
      %dma_wait3A_4334 = tpu.memref_slice %arg27[%dma_wait3A] : memref<656xf32, #tpu.memory_space<vmem>> -> memref<128xf32, #tpu.memory_space<vmem>>
      %dma_wait3A_4335 = tpu.memref_slice %arg7[%mul3A_4328] : memref<4096xf32, #tpu.memory_space<hbm>> -> memref<128xf32, #tpu.memory_space<hbm>>
      %dma_wait3A_4336 = tpu.memref_slice %arg7[%mul3A_4328] : memref<4096xf32, #tpu.memory_space<hbm>> -> memref<128xf32, #tpu.memory_space<hbm>>
      %dma_wait3A_4337 = arith.constant 0 : i32
      %dma_wait3A_4338 = tpu.memref_slice %arg27[%dma_wait3A_4337] : memref<656xf32, #tpu.memory_space<vmem>> -> memref<128xf32, #tpu.memory_space<vmem>>
      tpu.wait_dma2 semaphore(%run_scoped3A : memref<!tpu.dma_semaphore, #tpu.memory_space<semaphore_mem>>) src(%dma_wait3A_4338 : memref<128xf32, #tpu.memory_space<vmem>>) dst(%dma_wait3A_4336 : memref<128xf32, #tpu.memory_space<hbm>>)
      tpu.yield
    }) : () -> ()
    "tpu.region"() ({
      %run_scoped3A = tpu.sem_alloc : memref<!tpu.dma_semaphore, #tpu.memory_space<semaphore_mem>>
      %dma_start3A = arith.constant 0 : i32
      %dma_start3A_4329 = tpu.memref_slice %arg28[%dma_start3A] : memref<656xf32, #tpu.memory_space<vmem>> -> memref<128xf32, #tpu.memory_space<vmem>>
      %dma_start3A_4330 = tpu.memref_slice %arg8[%mul3A_4328] : memref<4096xf32, #tpu.memory_space<hbm>> -> memref<128xf32, #tpu.memory_space<hbm>>
      %dma_start3A_4331 = tpu.memref_slice %arg8[%mul3A_4328] : memref<4096xf32, #tpu.memory_space<hbm>> -> memref<128xf32, #tpu.memory_space<hbm>>
      %dma_start3A_4332 = arith.constant 0 : i32
      %dma_start3A_4333 = tpu.memref_slice %arg28[%dma_start3A_4332] : memref<656xf32, #tpu.memory_space<vmem>> -> memref<128xf32, #tpu.memory_space<vmem>>
      tpu.enqueue_dma source(%dma_start3A_4333 : memref<128xf32, #tpu.memory_space<vmem>>) target(%dma_start3A_4331 : memref<128xf32, #tpu.memory_space<hbm>>) target_semaphore(%run_scoped3A : memref<!tpu.dma_semaphore, #tpu.memory_space<semaphore_mem>>)
      %dma_wait3A = arith.constant 0 : i32
      %dma_wait3A_4334 = tpu.memref_slice %arg28[%dma_wait3A] : memref<656xf32, #tpu.memory_space<vmem>> -> memref<128xf32, #tpu.memory_space<vmem>>
      %dma_wait3A_4335 = tpu.memref_slice %arg8[%mul3A_4328] : memref<4096xf32, #tpu.memory_space<hbm>> -> memref<128xf32, #tpu.memory_space<hbm>>
      %dma_wait3A_4336 = tpu.memref_slice %arg8[%mul3A_4328] : memref<4096xf32, #tpu.memory_space<hbm>> -> memref<128xf32, #tpu.memory_space<hbm>>
      %dma_wait3A_4337 = arith.constant 0 : i32
      %dma_wait3A_4338 = tpu.memref_slice %arg28[%dma_wait3A_4337] : memref<656xf32, #tpu.memory_space<vmem>> -> memref<128xf32, #tpu.memory_space<vmem>>
      tpu.wait_dma2 semaphore(%run_scoped3A : memref<!tpu.dma_semaphore, #tpu.memory_space<semaphore_mem>>) src(%dma_wait3A_4338 : memref<128xf32, #tpu.memory_space<vmem>>) dst(%dma_wait3A_4336 : memref<128xf32, #tpu.memory_space<hbm>>)
      tpu.yield
    }) : () -> ()
    "tpu.region"() ({
      %run_scoped3A = tpu.sem_alloc : memref<!tpu.dma_semaphore, #tpu.memory_space<semaphore_mem>>
      %dma_start3A = arith.constant 0 : i32
      %dma_start3A_4329 = tpu.memref_slice %arg29[%dma_start3A] : memref<656xf32, #tpu.memory_space<vmem>> -> memref<128xf32, #tpu.memory_space<vmem>>
      %dma_start3A_4330 = tpu.memref_slice %arg9[%mul3A_4328] : memref<4096xf32, #tpu.memory_space<hbm>> -> memref<128xf32, #tpu.memory_space<hbm>>
      %dma_start3A_4331 = tpu.memref_slice %arg9[%mul3A_4328] : memref<4096xf32, #tpu.memory_space<hbm>> -> memref<128xf32, #tpu.memory_space<hbm>>
      %dma_start3A_4332 = arith.constant 0 : i32
      %dma_start3A_4333 = tpu.memref_slice %arg29[%dma_start3A_4332] : memref<656xf32, #tpu.memory_space<vmem>> -> memref<128xf32, #tpu.memory_space<vmem>>
      tpu.enqueue_dma source(%dma_start3A_4333 : memref<128xf32, #tpu.memory_space<vmem>>) target(%dma_start3A_4331 : memref<128xf32, #tpu.memory_space<hbm>>) target_semaphore(%run_scoped3A : memref<!tpu.dma_semaphore, #tpu.memory_space<semaphore_mem>>)
      %dma_wait3A = arith.constant 0 : i32
      %dma_wait3A_4334 = tpu.memref_slice %arg29[%dma_wait3A] : memref<656xf32, #tpu.memory_space<vmem>> -> memref<128xf32, #tpu.memory_space<vmem>>
      %dma_wait3A_4335 = tpu.memref_slice %arg9[%mul3A_4328] : memref<4096xf32, #tpu.memory_space<hbm>> -> memref<128xf32, #tpu.memory_space<hbm>>
      %dma_wait3A_4336 = tpu.memref_slice %arg9[%mul3A_4328] : memref<4096xf32, #tpu.memory_space<hbm>> -> memref<128xf32, #tpu.memory_space<hbm>>
      %dma_wait3A_4337 = arith.constant 0 : i32
      %dma_wait3A_4338 = tpu.memref_slice %arg29[%dma_wait3A_4337] : memref<656xf32, #tpu.memory_space<vmem>> -> memref<128xf32, #tpu.memory_space<vmem>>
      tpu.wait_dma2 semaphore(%run_scoped3A : memref<!tpu.dma_semaphore, #tpu.memory_space<semaphore_mem>>) src(%dma_wait3A_4338 : memref<128xf32, #tpu.memory_space<vmem>>) dst(%dma_wait3A_4336 : memref<128xf32, #tpu.memory_space<hbm>>)
      tpu.yield
    }) : () -> ()
    "tpu.region"() ({
      %run_scoped3A = tpu.sem_alloc : memref<!tpu.dma_semaphore, #tpu.memory_space<semaphore_mem>>
      %dma_start3A = arith.constant 0 : i32
      %dma_start3A_4329 = tpu.memref_slice %arg30[%dma_start3A] : memref<656xf32, #tpu.memory_space<vmem>> -> memref<128xf32, #tpu.memory_space<vmem>>
      %dma_start3A_4330 = tpu.memref_slice %arg10[%mul3A_4328] : memref<4096xf32, #tpu.memory_space<hbm>> -> memref<128xf32, #tpu.memory_space<hbm>>
      %dma_start3A_4331 = tpu.memref_slice %arg10[%mul3A_4328] : memref<4096xf32, #tpu.memory_space<hbm>> -> memref<128xf32, #tpu.memory_space<hbm>>
      %dma_start3A_4332 = arith.constant 0 : i32
      %dma_start3A_4333 = tpu.memref_slice %arg30[%dma_start3A_4332] : memref<656xf32, #tpu.memory_space<vmem>> -> memref<128xf32, #tpu.memory_space<vmem>>
      tpu.enqueue_dma source(%dma_start3A_4333 : memref<128xf32, #tpu.memory_space<vmem>>) target(%dma_start3A_4331 : memref<128xf32, #tpu.memory_space<hbm>>) target_semaphore(%run_scoped3A : memref<!tpu.dma_semaphore, #tpu.memory_space<semaphore_mem>>)
      %dma_wait3A = arith.constant 0 : i32
      %dma_wait3A_4334 = tpu.memref_slice %arg30[%dma_wait3A] : memref<656xf32, #tpu.memory_space<vmem>> -> memref<128xf32, #tpu.memory_space<vmem>>
      %dma_wait3A_4335 = tpu.memref_slice %arg10[%mul3A_4328] : memref<4096xf32, #tpu.memory_space<hbm>> -> memref<128xf32, #tpu.memory_space<hbm>>
      %dma_wait3A_4336 = tpu.memref_slice %arg10[%mul3A_4328] : memref<4096xf32, #tpu.memory_space<hbm>> -> memref<128xf32, #tpu.memory_space<hbm>>
      %dma_wait3A_4337 = arith.constant 0 : i32
      %dma_wait3A_4338 = tpu.memref_slice %arg30[%dma_wait3A_4337] : memref<656xf32, #tpu.memory_space<vmem>> -> memref<128xf32, #tpu.memory_space<vmem>>
      tpu.wait_dma2 semaphore(%run_scoped3A : memref<!tpu.dma_semaphore, #tpu.memory_space<semaphore_mem>>) src(%dma_wait3A_4338 : memref<128xf32, #tpu.memory_space<vmem>>) dst(%dma_wait3A_4336 : memref<128xf32, #tpu.memory_space<hbm>>)
      tpu.yield
    }) : () -> ()
    "tpu.region"() ({
      %run_scoped3A = tpu.sem_alloc : memref<!tpu.dma_semaphore, #tpu.memory_space<semaphore_mem>>
      %dma_start3A = arith.constant 0 : i32
      %dma_start3A_4329 = tpu.memref_slice %arg31[%dma_start3A] : memref<656xf32, #tpu.memory_space<vmem>> -> memref<128xf32, #tpu.memory_space<vmem>>
      %dma_start3A_4330 = tpu.memref_slice %arg11[%mul3A_4328] : memref<4096xf32, #tpu.memory_space<hbm>> -> memref<128xf32, #tpu.memory_space<hbm>>
      %dma_start3A_4331 = tpu.memref_slice %arg11[%mul3A_4328] : memref<4096xf32, #tpu.memory_space<hbm>> -> memref<128xf32, #tpu.memory_space<hbm>>
      %dma_start3A_4332 = arith.constant 0 : i32
      %dma_start3A_4333 = tpu.memref_slice %arg31[%dma_start3A_4332] : memref<656xf32, #tpu.memory_space<vmem>> -> memref<128xf32, #tpu.memory_space<vmem>>
      tpu.enqueue_dma source(%dma_start3A_4333 : memref<128xf32, #tpu.memory_space<vmem>>) target(%dma_start3A_4331 : memref<128xf32, #tpu.memory_space<hbm>>) target_semaphore(%run_scoped3A : memref<!tpu.dma_semaphore, #tpu.memory_space<semaphore_mem>>)
      %dma_wait3A = arith.constant 0 : i32
      %dma_wait3A_4334 = tpu.memref_slice %arg31[%dma_wait3A] : memref<656xf32, #tpu.memory_space<vmem>> -> memref<128xf32, #tpu.memory_space<vmem>>
      %dma_wait3A_4335 = tpu.memref_slice %arg11[%mul3A_4328] : memref<4096xf32, #tpu.memory_space<hbm>> -> memref<128xf32, #tpu.memory_space<hbm>>
      %dma_wait3A_4336 = tpu.memref_slice %arg11[%mul3A_4328] : memref<4096xf32, #tpu.memory_space<hbm>> -> memref<128xf32, #tpu.memory_space<hbm>>
      %dma_wait3A_4337 = arith.constant 0 : i32
      %dma_wait3A_4338 = tpu.memref_slice %arg31[%dma_wait3A_4337] : memref<656xf32, #tpu.memory_space<vmem>> -> memref<128xf32, #tpu.memory_space<vmem>>
      tpu.wait_dma2 semaphore(%run_scoped3A : memref<!tpu.dma_semaphore, #tpu.memory_space<semaphore_mem>>) src(%dma_wait3A_4338 : memref<128xf32, #tpu.memory_space<vmem>>) dst(%dma_wait3A_4336 : memref<128xf32, #tpu.memory_space<hbm>>)
      tpu.yield
    }) : () -> ()
    "tpu.region"() ({
      %run_scoped3A = tpu.sem_alloc : memref<!tpu.dma_semaphore, #tpu.memory_space<semaphore_mem>>
      %dma_start3A = arith.constant 0 : i32
      %dma_start3A_4329 = tpu.memref_slice %arg32[%dma_start3A] : memref<656xf32, #tpu.memory_space<vmem>> -> memref<128xf32, #tpu.memory_space<vmem>>
      %dma_start3A_4330 = tpu.memref_slice %arg12[%mul3A_4328] : memref<4096xf32, #tpu.memory_space<hbm>> -> memref<128xf32, #tpu.memory_space<hbm>>
      %dma_start3A_4331 = tpu.memref_slice %arg12[%mul3A_4328] : memref<4096xf32, #tpu.memory_space<hbm>> -> memref<128xf32, #tpu.memory_space<hbm>>
      %dma_start3A_4332 = arith.constant 0 : i32
      %dma_start3A_4333 = tpu.memref_slice %arg32[%dma_start3A_4332] : memref<656xf32, #tpu.memory_space<vmem>> -> memref<128xf32, #tpu.memory_space<vmem>>
      tpu.enqueue_dma source(%dma_start3A_4333 : memref<128xf32, #tpu.memory_space<vmem>>) target(%dma_start3A_4331 : memref<128xf32, #tpu.memory_space<hbm>>) target_semaphore(%run_scoped3A : memref<!tpu.dma_semaphore, #tpu.memory_space<semaphore_mem>>)
      %dma_wait3A = arith.constant 0 : i32
      %dma_wait3A_4334 = tpu.memref_slice %arg32[%dma_wait3A] : memref<656xf32, #tpu.memory_space<vmem>> -> memref<128xf32, #tpu.memory_space<vmem>>
      %dma_wait3A_4335 = tpu.memref_slice %arg12[%mul3A_4328] : memref<4096xf32, #tpu.memory_space<hbm>> -> memref<128xf32, #tpu.memory_space<hbm>>
      %dma_wait3A_4336 = tpu.memref_slice %arg12[%mul3A_4328] : memref<4096xf32, #tpu.memory_space<hbm>> -> memref<128xf32, #tpu.memory_space<hbm>>
      %dma_wait3A_4337 = arith.constant 0 : i32
      %dma_wait3A_4338 = tpu.memref_slice %arg32[%dma_wait3A_4337] : memref<656xf32, #tpu.memory_space<vmem>> -> memref<128xf32, #tpu.memory_space<vmem>>
      tpu.wait_dma2 semaphore(%run_scoped3A : memref<!tpu.dma_semaphore, #tpu.memory_space<semaphore_mem>>) src(%dma_wait3A_4338 : memref<128xf32, #tpu.memory_space<vmem>>) dst(%dma_wait3A_4336 : memref<128xf32, #tpu.memory_space<hbm>>)
      tpu.yield
    }) : () -> ()
    "tpu.region"() ({
      %run_scoped3A = tpu.sem_alloc : memref<!tpu.dma_semaphore, #tpu.memory_space<semaphore_mem>>
      %dma_start3A = arith.constant 0 : i32
      %dma_start3A_4329 = tpu.memref_slice %arg33[%dma_start3A] : memref<656xi32, #tpu.memory_space<vmem>> -> memref<128xi32, #tpu.memory_space<vmem>>
      %dma_start3A_4330 = tpu.memref_slice %arg13[%mul3A_4328] : memref<4096xi32, #tpu.memory_space<hbm>> -> memref<128xi32, #tpu.memory_space<hbm>>
      %dma_start3A_4331 = tpu.memref_slice %arg13[%mul3A_4328] : memref<4096xi32, #tpu.memory_space<hbm>> -> memref<128xi32, #tpu.memory_space<hbm>>
      %dma_start3A_4332 = arith.constant 0 : i32
      %dma_start3A_4333 = tpu.memref_slice %arg33[%dma_start3A_4332] : memref<656xi32, #tpu.memory_space<vmem>> -> memref<128xi32, #tpu.memory_space<vmem>>
      tpu.enqueue_dma source(%dma_start3A_4333 : memref<128xi32, #tpu.memory_space<vmem>>) target(%dma_start3A_4331 : memref<128xi32, #tpu.memory_space<hbm>>) target_semaphore(%run_scoped3A : memref<!tpu.dma_semaphore, #tpu.memory_space<semaphore_mem>>)
      %dma_wait3A = arith.constant 0 : i32
      %dma_wait3A_4334 = tpu.memref_slice %arg33[%dma_wait3A] : memref<656xi32, #tpu.memory_space<vmem>> -> memref<128xi32, #tpu.memory_space<vmem>>
      %dma_wait3A_4335 = tpu.memref_slice %arg13[%mul3A_4328] : memref<4096xi32, #tpu.memory_space<hbm>> -> memref<128xi32, #tpu.memory_space<hbm>>
      %dma_wait3A_4336 = tpu.memref_slice %arg13[%mul3A_4328] : memref<4096xi32, #tpu.memory_space<hbm>> -> memref<128xi32, #tpu.memory_space<hbm>>
      %dma_wait3A_4337 = arith.constant 0 : i32
      %dma_wait3A_4338 = tpu.memref_slice %arg33[%dma_wait3A_4337] : memref<656xi32, #tpu.memory_space<vmem>> -> memref<128xi32, #tpu.memory_space<vmem>>
      tpu.wait_dma2 semaphore(%run_scoped3A : memref<!tpu.dma_semaphore, #tpu.memory_space<semaphore_mem>>) src(%dma_wait3A_4338 : memref<128xi32, #tpu.memory_space<vmem>>) dst(%dma_wait3A_4336 : memref<128xi32, #tpu.memory_space<hbm>>)
      tpu.yield
    }) : () -> ()
    return
  }
}

module attributes {stable_mosaic.version = 14 : i64} {
  func.func @_cutoff_body(%arg0: memref<160x128xf32, #tpu.memory_space<vmem>>, %arg1: memref<160x128xf32, #tpu.memory_space<vmem>>) attributes {dimension_semantics = [], scalar_prefetch = 0 : i64, scratch_operands = 0 : i64, tpu.core_type = #tpu.core_type<tc>} {
    %get3A = arith.constant 0 : index
    %get3A_0 = arith.constant 0 : index
    %get3A_1 = vector.load %arg0[%get3A, %get3A_0] : memref<160x128xf32, #tpu.memory_space<vmem>>, vector<160x128xf32>
    %gt3A = arith.constant 5.000000e-02 : f32
    %gt3A_2 = vector.broadcast %gt3A : f32 to vector<160x128xf32>
    %gt3A_3 = arith.cmpf ogt, %get3A_1, %gt3A_2 : vector<160x128xf32>
    %bitcast_convert_type3A = tpu.bitcast %get3A_1 : vector<160x128xf32> -> vector<160x128xi32>
    %jit3A = arith.constant 0 : i32
    %broadcast_in_dim3A = vector.broadcast %jit3A : i32 to vector<160x128xi32>
    %select_n3A = arith.select %gt3A_3, %bitcast_convert_type3A, %broadcast_in_dim3A : vector<160x128xi1>, vector<160x128xi32>
    %scan3A = arith.constant 1028443341 : i32
    %scan3A_4 = arith.constant 1090519040 : i32
    %scan3A_5 = arith.constant 0 : i32
    %scan3A_6 = arith.constant 28 : i32
    %scan3A_7 = arith.addi %scan3A_5, %scan3A_6 : i32
    %scan3A_8 = arith.constant 1 : i32
    %scan3A_9:2 = scf.for %scan3A_16 = %scan3A_5 to %scan3A_7 step %scan3A_8 iter_args(%scan3A_17 = %scan3A, %scan3A_18 = %scan3A_4) -> (i32, i32)  : i32 {
      %add3A = arith.addi %scan3A_17, %scan3A_18 : i32
      %jit3A_19 = arith.constant 2 : i32
      %div3A = arith.divsi %add3A, %jit3A_19 : i32
      %sign3A = arith.constant 0 : i32
      %sign3A_20 = arith.cmpi sgt, %add3A, %sign3A : i32
      %sign3A_21 = arith.extui %sign3A_20 : i1 to i32
      %sign3A_22 = arith.constant 0 : i32
      %sign3A_23 = arith.cmpi slt, %add3A, %sign3A_22 : i32
      %sign3A_24 = arith.extui %sign3A_23 : i1 to i32
      %sign3A_25 = arith.subi %sign3A_21, %sign3A_24 : i32
      %sign3A_26 = arith.constant 0 : i32
      %sign3A_27 = arith.cmpi sgt, %jit3A_19, %sign3A_26 : i32
      %sign3A_28 = arith.extui %sign3A_27 : i1 to i32
      %sign3A_29 = arith.constant 0 : i32
      %sign3A_30 = arith.cmpi slt, %jit3A_19, %sign3A_29 : i32
      %sign3A_31 = arith.extui %sign3A_30 : i1 to i32
      %sign3A_32 = arith.subi %sign3A_28, %sign3A_31 : i32
      %ne3A = arith.cmpi ne, %sign3A_25, %sign3A_32 : i32
      %rem3A = arith.remsi %add3A, %jit3A_19 : i32
      %ne3A_33 = arith.constant 0 : i32
      %ne3A_34 = arith.cmpi ne, %rem3A, %ne3A_33 : i32
      %and3A = arith.andi %ne3A, %ne3A_34 : i1
      %sub3A = arith.constant 1 : i32
      %sub3A_35 = arith.subi %div3A, %sub3A : i32
      %select_n3A_36 = arith.select %and3A, %sub3A_35, %div3A : i32
      %ge3A_37 = vector.broadcast %select_n3A_36 : i32 to vector<160x128xi32>
      %ge3A_38 = arith.cmpi sge, %select_n3A, %ge3A_37 : vector<160x128xi32>
      %jit3A_39 = arith.constant 1 : i32
      %jit3A_40 = arith.constant 0 : i32
      %broadcast_in_dim3A_41 = vector.broadcast %jit3A_39 : i32 to vector<160x128xi32>
      %broadcast_in_dim3A_42 = vector.broadcast %jit3A_40 : i32 to vector<160x128xi32>
      %select_n3A_43 = arith.select %ge3A_38, %broadcast_in_dim3A_41, %broadcast_in_dim3A_42 : vector<160x128xi1>, vector<160x128xi32>
      %reduce_sum3A = vector.shape_cast %select_n3A_43 : vector<160x128xi32> to vector<1x160x128xi32>
      %reduce_sum3A_44 = arith.constant dense<0> : vector<1xi32>
      %reduce_sum3A_45 = vector.multi_reduction <add>, %reduce_sum3A, %reduce_sum3A_44 [1, 2] : vector<1x160x128xi32> to vector<1xi32>
      %reduce_sum3A_46 = vector.shape_cast %reduce_sum3A_45 : vector<1xi32> to vector<1x1x1xi32>
      %reduce_sum3A_47 = vector.extract %reduce_sum3A_46[0, 0, 0] : i32 from vector<1x1x1xi32>
      %ge3A_48 = arith.constant 1000 : i32
      %ge3A_49 = arith.cmpi sge, %reduce_sum3A_47, %ge3A_48 : i32
      %select_n3A_50 = arith.select %ge3A_49, %select_n3A_36, %scan3A_17 : i32
      %select_n3A_51 = arith.select %ge3A_49, %scan3A_18, %select_n3A_36 : i32
      scf.yield %select_n3A_50, %select_n3A_51 : i32, i32
    }
    %ge3A = vector.broadcast %scan3A_9#0 : i32 to vector<160x128xi32>
    %ge3A_10 = arith.cmpi sge, %select_n3A, %ge3A : vector<160x128xi32>
    %jit3A_11 = arith.constant -1.000000e+09 : f32
    %broadcast_in_dim3A_12 = vector.broadcast %jit3A_11 : f32 to vector<160x128xf32>
    %select_n3A_13 = arith.select %ge3A_10, %get3A_1, %broadcast_in_dim3A_12 : vector<160x128xi1>, vector<160x128xf32>
    %swap3A = arith.constant 0 : index
    %swap3A_14 = arith.constant 0 : index
    %swap3A_15 = vector.load %arg1[%swap3A, %swap3A_14] : memref<160x128xf32, #tpu.memory_space<vmem>>, vector<160x128xf32>
    tpu.vector_store %arg1[%swap3A, %swap3A_14], %select_n3A_13 {strides = array<i32>} : memref<160x128xf32, #tpu.memory_space<vmem>>, vector<160x128xf32>,
    return
  }
}

module attributes {stable_mosaic.version = 14 : i64} {
  func.func @_pick_body(%arg0: memref<32x128xf32, #tpu.memory_space<vmem>>, %arg1: memref<32x128xf32, #tpu.memory_space<vmem>>, %arg2: memref<32x128xf32, #tpu.memory_space<vmem>>, %arg3: memref<32x128xf32, #tpu.memory_space<vmem>>, %arg4: memref<32x128xf32, #tpu.memory_space<vmem>>, %arg5: memref<32x128xf32, #tpu.memory_space<vmem>>, %arg6: memref<32x128xi32, #tpu.memory_space<vmem>>, %arg7: memref<128x128xf32, #tpu.memory_space<vmem>>) attributes {dimension_semantics = [], scalar_prefetch = 0 : i64, scratch_operands = 0 : i64, tpu.core_type = #tpu.core_type<tc>} {
    %get3A = arith.constant 0 : index
    %get3A_0 = arith.constant 0 : index
    %get3A_1 = vector.load %arg0[%get3A, %get3A_0] : memref<32x128xf32, #tpu.memory_space<vmem>>, vector<32x128xf32>
    %get3A_2 = arith.constant 0 : index
    %get3A_3 = arith.constant 0 : index
    %get3A_4 = vector.load %arg1[%get3A_2, %get3A_3] : memref<32x128xf32, #tpu.memory_space<vmem>>, vector<32x128xf32>
    %get3A_5 = arith.constant 0 : index
    %get3A_6 = arith.constant 0 : index
    %get3A_7 = vector.load %arg2[%get3A_5, %get3A_6] : memref<32x128xf32, #tpu.memory_space<vmem>>, vector<32x128xf32>
    %get3A_8 = arith.constant 0 : index
    %get3A_9 = arith.constant 0 : index
    %get3A_10 = vector.load %arg3[%get3A_8, %get3A_9] : memref<32x128xf32, #tpu.memory_space<vmem>>, vector<32x128xf32>
    %get3A_11 = arith.constant 0 : index
    %get3A_12 = arith.constant 0 : index
    %get3A_13 = vector.load %arg4[%get3A_11, %get3A_12] : memref<32x128xf32, #tpu.memory_space<vmem>>, vector<32x128xf32>
    %get3A_14 = arith.constant 0 : index
    %get3A_15 = arith.constant 0 : index
    %get3A_16 = vector.load %arg6[%get3A_14, %get3A_15] : memref<32x128xi32, #tpu.memory_space<vmem>>, vector<32x128xi32>
    %iota3A = tpu.iota {dimensions = array<i32: 0>} : vector<32x128xi32>
    %eq3A = arith.constant 2147483647 : i32
    %eq3A_17 = vector.broadcast %eq3A : i32 to vector<32x128xi32>
    %eq3A_18 = arith.cmpi eq, %get3A_16, %eq3A_17 : vector<32x128xi32>
    %mul3A = arith.constant 640 : i32
    %mul3A_19 = vector.broadcast %mul3A : i32 to vector<32x128xi32>
    %mul3A_20 = arith.muli %iota3A, %mul3A_19 : vector<32x128xi32>
    %add3A = arith.addi %get3A_16, %mul3A_20 : vector<32x128xi32>
    %jit3A = arith.constant 2147483647 : i32
    %broadcast_in_dim3A = vector.broadcast %jit3A : i32 to vector<32x128xi32>
    %select_n3A = arith.select %eq3A_18, %broadcast_in_dim3A, %add3A : vector<32x128xi1>, vector<32x128xi32>
    %iota3A_21 = tpu.iota {dimensions = array<i32: 1>} : vector<1x128xi32>
    %get3A_22 = arith.constant 0 : index
    %get3A_23 = arith.constant 0 : index
    %get3A_24 = vector.load %arg5[%get3A_22, %get3A_23] : memref<32x128xf32, #tpu.memory_space<vmem>>, vector<32x128xf32>
    %scan3A = arith.constant 0 : i32
    %scan3A_25 = arith.constant 100 : i32
    %scan3A_26 = arith.addi %scan3A, %scan3A_25 : i32
    %scan3A_27 = arith.constant 1 : i32
    %scan3A_28 = scf.for %scan3A_30 = %scan3A to %scan3A_26 step %scan3A_27 iter_args(%scan3A_31 = %get3A_24) -> (vector<32x128xf32>)  : i32 {
      %reduce_max3A = vector.shape_cast %scan3A_31 : vector<32x128xf32> to vector<1x32x128xf32>
      %reduce_max3A_32 = arith.constant dense<0xFF800000> : vector<1xf32>
      %reduce_max3A_33 = vector.multi_reduction <maximumf>, %reduce_max3A, %reduce_max3A_32 [1, 2] : vector<1x32x128xf32> to vector<1xf32>
      %reduce_max3A_34 = vector.shape_cast %reduce_max3A_33 : vector<1xf32> to vector<1x1x1xf32>
      %reduce_max3A_35 = vector.extract %reduce_max3A_34[0, 0, 0] : f32 from vector<1x1x1xf32>
      %eq3A_36 = vector.broadcast %reduce_max3A_35 : f32 to vector<32x128xf32>
      %eq3A_37 = arith.cmpf oeq, %scan3A_31, %eq3A_36 : vector<32x128xf32>
      %jit3A_38 = arith.constant 2147483647 : i32
      %broadcast_in_dim3A_39 = vector.broadcast %jit3A_38 : i32 to vector<32x128xi32>
      %select_n3A_40 = arith.select %eq3A_37, %select_n3A, %broadcast_in_dim3A_39 : vector<32x128xi1>, vector<32x128xi32>
      %reduce_min3A = vector.shape_cast %select_n3A_40 : vector<32x128xi32> to vector<1x32x128xi32>
      %reduce_min3A_41 = arith.constant dense<2147483647> : vector<1xi32>
      %reduce_min3A_42 = vector.multi_reduction <minsi>, %reduce_min3A, %reduce_min3A_41 [1, 2] : vector<1x32x128xi32> to vector<1xi32>
      %reduce_min3A_43 = vector.shape_cast %reduce_min3A_42 : vector<1xi32> to vector<1x1x1xi32>
      %reduce_min3A_44 = vector.extract %reduce_min3A_43[0, 0, 0] : i32 from vector<1x1x1xi32>
      %eq3A_45 = vector.broadcast %reduce_min3A_44 : i32 to vector<32x128xi32>
      %eq3A_46 = arith.cmpi eq, %select_n3A, %eq3A_45 : vector<32x128xi32>
      %jit3A_47 = arith.constant 0.000000e+00 : f32
      %broadcast_in_dim3A_48 = vector.broadcast %jit3A_47 : f32 to vector<32x128xf32>
      %select_n3A_49 = arith.select %eq3A_46, %get3A_1, %broadcast_in_dim3A_48 : vector<32x128xi1>, vector<32x128xf32>
      %reduce_sum3A = vector.shape_cast %select_n3A_49 : vector<32x128xf32> to vector<1x32x128xf32>
      %reduce_sum3A_50 = arith.constant dense<0.000000e+00> : vector<1xf32>
      %reduce_sum3A_51 = vector.multi_reduction <add>, %reduce_sum3A, %reduce_sum3A_50 [1, 2] : vector<1x32x128xf32> to vector<1xf32>
      %reduce_sum3A_52 = vector.shape_cast %reduce_sum3A_51 : vector<1xf32> to vector<1x1x1xf32>
      %reduce_sum3A_53 = vector.extract %reduce_sum3A_52[0, 0, 0] : f32 from vector<1x1x1xf32>
      %jit3A_54 = arith.constant 0.000000e+00 : f32
      %broadcast_in_dim3A_55 = vector.broadcast %jit3A_54 : f32 to vector<32x128xf32>
      %select_n3A_56 = arith.select %eq3A_46, %get3A_4, %broadcast_in_dim3A_55 : vector<32x128xi1>, vector<32x128xf32>
      %reduce_sum3A_57 = vector.shape_cast %select_n3A_56 : vector<32x128xf32> to vector<1x32x128xf32>
      %reduce_sum3A_58 = arith.constant dense<0.000000e+00> : vector<1xf32>
      %reduce_sum3A_59 = vector.multi_reduction <add>, %reduce_sum3A_57, %reduce_sum3A_58 [1, 2] : vector<1x32x128xf32> to vector<1xf32>
      %reduce_sum3A_60 = vector.shape_cast %reduce_sum3A_59 : vector<1xf32> to vector<1x1x1xf32>
      %reduce_sum3A_61 = vector.extract %reduce_sum3A_60[0, 0, 0] : f32 from vector<1x1x1xf32>
      %jit3A_62 = arith.constant 0.000000e+00 : f32
      %broadcast_in_dim3A_63 = vector.broadcast %jit3A_62 : f32 to vector<32x128xf32>
      %select_n3A_64 = arith.select %eq3A_46, %get3A_7, %broadcast_in_dim3A_63 : vector<32x128xi1>, vector<32x128xf32>
      %reduce_sum3A_65 = vector.shape_cast %select_n3A_64 : vector<32x128xf32> to vector<1x32x128xf32>
      %reduce_sum3A_66 = arith.constant dense<0.000000e+00> : vector<1xf32>
      %reduce_sum3A_67 = vector.multi_reduction <add>, %reduce_sum3A_65, %reduce_sum3A_66 [1, 2] : vector<1x32x128xf32> to vector<1xf32>
      %reduce_sum3A_68 = vector.shape_cast %reduce_sum3A_67 : vector<1xf32> to vector<1x1x1xf32>
      %reduce_sum3A_69 = vector.extract %reduce_sum3A_68[0, 0, 0] : f32 from vector<1x1x1xf32>
      %jit3A_70 = arith.constant 0.000000e+00 : f32
      %broadcast_in_dim3A_71 = vector.broadcast %jit3A_70 : f32 to vector<32x128xf32>
      %select_n3A_72 = arith.select %eq3A_46, %get3A_10, %broadcast_in_dim3A_71 : vector<32x128xi1>, vector<32x128xf32>
      %reduce_sum3A_73 = vector.shape_cast %select_n3A_72 : vector<32x128xf32> to vector<1x32x128xf32>
      %reduce_sum3A_74 = arith.constant dense<0.000000e+00> : vector<1xf32>
      %reduce_sum3A_75 = vector.multi_reduction <add>, %reduce_sum3A_73, %reduce_sum3A_74 [1, 2] : vector<1x32x128xf32> to vector<1xf32>
      %reduce_sum3A_76 = vector.shape_cast %reduce_sum3A_75 : vector<1xf32> to vector<1x1x1xf32>
      %reduce_sum3A_77 = vector.extract %reduce_sum3A_76[0, 0, 0] : f32 from vector<1x1x1xf32>
      %jit3A_78 = arith.constant 0.000000e+00 : f32
      %broadcast_in_dim3A_79 = vector.broadcast %jit3A_78 : f32 to vector<32x128xf32>
      %select_n3A_80 = arith.select %eq3A_46, %get3A_13, %broadcast_in_dim3A_79 : vector<32x128xi1>, vector<32x128xf32>
      %reduce_sum3A_81 = vector.shape_cast %select_n3A_80 : vector<32x128xf32> to vector<1x32x128xf32>
      %reduce_sum3A_82 = arith.constant dense<0.000000e+00> : vector<1xf32>
      %reduce_sum3A_83 = vector.multi_reduction <add>, %reduce_sum3A_81, %reduce_sum3A_82 [1, 2] : vector<1x32x128xf32> to vector<1xf32>
      %reduce_sum3A_84 = vector.shape_cast %reduce_sum3A_83 : vector<1xf32> to vector<1x1x1xf32>
      %reduce_sum3A_85 = vector.extract %reduce_sum3A_84[0, 0, 0] : f32 from vector<1x1x1xf32>
      %min3A = vector.broadcast %reduce_sum3A_69 : f32 to vector<32x128xf32>
      %min3A_86 = arith.minimumf %min3A, %get3A_7 : vector<32x128xf32>
      %max3A = vector.broadcast %reduce_sum3A_53 : f32 to vector<32x128xf32>
      %max3A_87 = arith.maximumf %max3A, %get3A_1 : vector<32x128xf32>
      %sub3A = arith.subf %min3A_86, %max3A_87 : vector<32x128xf32>
      %max3A_88 = arith.constant 0.000000e+00 : f32
      %max3A_89 = vector.broadcast %max3A_88 : f32 to vector<32x128xf32>
      %max3A_90 = arith.maximumf %sub3A, %max3A_89 : vector<32x128xf32>
      %min3A_91 = vector.broadcast %reduce_sum3A_77 : f32 to vector<32x128xf32>
      %min3A_92 = arith.minimumf %min3A_91, %get3A_10 : vector<32x128xf32>
      %max3A_93 = vector.broadcast %reduce_sum3A_61 : f32 to vector<32x128xf32>
      %max3A_94 = arith.maximumf %max3A_93, %get3A_4 : vector<32x128xf32>
      %sub3A_95 = arith.subf %min3A_92, %max3A_94 : vector<32x128xf32>
      %max3A_96 = arith.constant 0.000000e+00 : f32
      %max3A_97 = vector.broadcast %max3A_96 : f32 to vector<32x128xf32>
      %max3A_98 = arith.maximumf %sub3A_95, %max3A_97 : vector<32x128xf32>
      %mul3A_99 = arith.mulf %max3A_90, %max3A_98 : vector<32x128xf32>
      %add3A_100 = vector.broadcast %reduce_sum3A_85 : f32 to vector<32x128xf32>
      %add3A_101 = arith.addf %add3A_100, %get3A_13 : vector<32x128xf32>
      %sub3A_102 = arith.subf %add3A_101, %mul3A_99 : vector<32x128xf32>
      %max3A_103 = arith.constant 9.99999971E-10 : f32
      %max3A_104 = vector.broadcast %max3A_103 : f32 to vector<32x128xf32>
      %max3A_105 = arith.maximumf %sub3A_102, %max3A_104 : vector<32x128xf32>
      %div3A = arith.divf %mul3A_99, %max3A_105 : vector<32x128xf32>
      %gt3A = arith.constant 5.000000e-01 : f32
      %gt3A_106 = vector.broadcast %gt3A : f32 to vector<32x128xf32>
      %gt3A_107 = arith.cmpf ogt, %div3A, %gt3A_106 : vector<32x128xf32>
      %or3A = arith.ori %gt3A_107, %eq3A_46 : vector<32x128xi1>
      %eq3A_108 = arith.constant 0 : i32
      %eq3A_109 = vector.broadcast %eq3A_108 : i32 to vector<1x128xi32>
      %eq3A_110 = arith.cmpi eq, %iota3A_21, %eq3A_109 : vector<1x128xi32>
      %eq3A_111 = arith.constant 1 : i32
      %eq3A_112 = vector.broadcast %eq3A_111 : i32 to vector<1x128xi32>
      %eq3A_113 = arith.cmpi eq, %iota3A_21, %eq3A_112 : vector<1x128xi32>
      %eq3A_114 = arith.constant 2 : i32
      %eq3A_115 = vector.broadcast %eq3A_114 : i32 to vector<1x128xi32>
      %eq3A_116 = arith.cmpi eq, %iota3A_21, %eq3A_115 : vector<1x128xi32>
      %eq3A_117 = arith.constant 3 : i32
      %eq3A_118 = vector.broadcast %eq3A_117 : i32 to vector<1x128xi32>
      %eq3A_119 = arith.cmpi eq, %iota3A_21, %eq3A_118 : vector<1x128xi32>
      %eq3A_120 = arith.constant 4 : i32
      %eq3A_121 = vector.broadcast %eq3A_120 : i32 to vector<1x128xi32>
      %eq3A_122 = arith.cmpi eq, %iota3A_21, %eq3A_121 : vector<1x128xi32>
      %jit3A_123 = arith.constant 0.000000e+00 : f32
      %broadcast_in_dim3A_124 = vector.broadcast %reduce_max3A_35 : f32 to vector<1x128xf32>
      %broadcast_in_dim3A_125 = vector.broadcast %jit3A_123 : f32 to vector<1x128xf32>
      %select_n3A_126 = arith.select %eq3A_122, %broadcast_in_dim3A_124, %broadcast_in_dim3A_125 : vector<1x128xi1>, vector<1x128xf32>
      %broadcast_in_dim3A_127 = vector.broadcast %reduce_sum3A_77 : f32 to vector<1x128xf32>
      %select_n3A_128 = arith.select %eq3A_119, %broadcast_in_dim3A_127, %select_n3A_126 : vector<1x128xi1>, vector<1x128xf32>
      %broadcast_in_dim3A_129 = vector.broadcast %reduce_sum3A_69 : f32 to vector<1x128xf32>
      %select_n3A_130 = arith.select %eq3A_116, %broadcast_in_dim3A_129, %select_n3A_128 : vector<1x128xi1>, vector<1x128xf32>
      %broadcast_in_dim3A_131 = vector.broadcast %reduce_sum3A_61 : f32 to vector<1x128xf32>
      %select_n3A_132 = arith.select %eq3A_113, %broadcast_in_dim3A_131, %select_n3A_130 : vector<1x128xi1>, vector<1x128xf32>
      %broadcast_in_dim3A_133 = vector.broadcast %reduce_sum3A_53 : f32 to vector<1x128xf32>
      %select_n3A_134 = arith.select %eq3A_110, %broadcast_in_dim3A_133, %select_n3A_132 : vector<1x128xi1>, vector<1x128xf32>
      %swap3A = arith.index_cast %scan3A_30 : i32 to index
      %swap3A_135 = arith.constant 0 : index
      %swap3A_136 = vector.load %arg7[%swap3A, %swap3A_135] : memref<128x128xf32, #tpu.memory_space<vmem>>, vector<1x128xf32>
      tpu.vector_store %arg7[%swap3A, %swap3A_135], %select_n3A_134 {strides = array<i32>} : memref<128x128xf32, #tpu.memory_space<vmem>>, vector<1x128xf32>,
      %jit3A_137 = arith.constant -1.000000e+09 : f32
      %broadcast_in_dim3A_138 = vector.broadcast %jit3A_137 : f32 to vector<32x128xf32>
      %select_n3A_139 = arith.select %or3A, %broadcast_in_dim3A_138, %scan3A_31 : vector<32x128xi1>, vector<32x128xf32>
      scf.yield %select_n3A_139 : vector<32x128xf32>
    }
    %scan3A_29 = arith.constant 100 : i32
    return
  }
}

</mosaic_0001>

<sc_bundles>
// kernel: kernel.5.cloned.1.call-start
scs
__scs_entry_jumppad:
0x0: {  	(pc) =	sbr.rel $0x88, $3  }
0x1: {  	(tag) =	ssettag $0x0;
	lr =	simm.s32 $0x1  }
0x2: {  	[smem:$0x3F9F] =	sst lr;
	_ =	strace $0xD0000000  }
0x3: {  	_ = 	snop  }
0x4: {  	_ = 	snop  }
0x5: {  	_ = 	snop  }
0x6: {  	_ = 	snop  }
0x7: {  	_ = 	snop  }
__scs_overlays_trampoline_lowered:
0x8: {  	[smem:$0x3FAE] =	sst s0  }
0x9: {  	[smem:$0x3FAF] =	sst s1  }
0xa: {  	[smem:$0x3FB0] =	sst s2  }
0xb: {  	[smem:$0x3FB1] =	sst s3  }
0xc: {  	[smem:$0x3FB2] =	sst s4  }
0xd: {  	[smem:$0x3FB3] =	sst s5  }
0xe: {  	[smem:$0x3FB4] =	sst s6  }
0xf: {  	[smem:$0x3FB5] =	sst s7  }
0x10: {  	[smem:$0x3FB6] =	sst s8  }
0x11: {  	[smem:$0x3FB7] =	sst s9;
	s0 =	simm.s32 @!p0 $0x0  }
0x12: {  	s1 =	sld [smem:$0x3F9D];
	s0 =	simm.s32 @p0 $0x1  }
0x13: {  	[smem:$0x3FB8] =	sst s0;
	s0 =	simm.s32 @!p1 $0x0  }
0x14: {  	s2 =	sld [smem:$0x3F9C];
	s0 =	simm.s32 @p1 $0x1  }
0x15: {  	[smem:$0x3FB9] =	sst s0;
	s0 =	simm.s32 @!p2 $0x0  }
0x16: {  	s3 =	sld [smem:$0x3FDB];
	s0 =	simm.s32 @p2 $0x1  }
0x17: {  	s4 =	simm.s32 $0x1BF5;
	[smem:$0x3FBB] =	sst s0  }
0x18: {  	s0 =	sld [smem:$0x3F9E];
	_ =	swait.ge [sflag:s4], $0x0  }
0x19: {  	s7 =	sld [smem:$0x3F9F]  }
0x1a: {  	s8 =	sadd.s32 $0xFFFFE003, lr  }
0x1b: {  	s9 =	sadd.s32 $0xFFFFFEF7, lr;
	s5 =	simm.s32 $0xFFFFFFFF;
	p2 =	slt.u32 s8, $0xFFFFF086  }
0x1c: {  	p1 =	slt.u32 s9, $0xF7A;
	s5 =	simm.s32 @!p2 $0x0  }
0x1d: {  	s5 =	simm.s32 @p1 $0x1;
	p0 =	seq.s32 s7, s2  }
0x1e: {  	s7 =	smul.u32 @!p0 $0xF7A, s2;
	p2 =	seq.s32 @!p0 s5, $0x0  }
0x1f: {  	s9 =	smul.u32 $0xF7A, s1;
	s8 =	simm.s32 @!p0 $0x1BF5;
	p2 =	por !p2, p0  }
0x20: {  	[sflag:s8] =	ssyncset.s32 @!p0 $0xFFFFF086;
	s6 =	sadd.s32 @!p0 s3, s7;
	s7 =	simm.s32 @!p0 $0x108  }
0x21: {  	s3 =	sadd.s32 s3, s9;
	s6 =	sadd.s32 @!p0 $0x88, s6;
	s7 =	simm.s32 @p2 $0x1082  }
0x22: {  	[simem:s7], [sflag:s8] =	dma.local @!p0 [hbm:s6], $0xF7A  }
0x23: {  	s9 =	sor.u32 $0xD0000000, s2;
	s6 =	simm.s32 $0x108;
	_ =	swait.ge @!p0 [sflag:s8], $0x0  }
0x24: {  	s3 =	sadd.s32 $0x88, s3;
	s6 =	simm.s32 @!p1 $0x1082;
	[sflag:s4] =	ssyncset.s32 $0xFFFFF086  }
0x25: {  	[simem:s6], [sflag:s4] =	dma.local [hbm:s3], $0xF7A  }
0x26: {  	[smem:$0x3F9F] =	sst s1;
	(tag) =	ssettag s2;
	_ =	strace s9  }
0x27: {  	s1 =	sld [smem:$0x3FAF]  }
0x28: {  	s2 =	sld [smem:$0x3FB0]  }
0x29: {  	s4 =	sld [smem:$0x3FB2]  }
0x2a: {  	p0 =	seq.s32 s5, $0x0;
	s5 =	sld [smem:$0x3FB3]  }
0x2b: {  	s6 =	sld [smem:$0x3FB4]  }
0x2c: {  	s7 =	sld [smem:$0x3FB5]  }
0x2d: {  	s3 =	simm.s32 $0x108;
	s8 =	sld [smem:$0x3FB6]  }
0x2e: {  	s3 =	simm.s32 @!p0 $0x1082;
	s9 =	sld [smem:$0x3FB7]  }
0x2f: {  	lr =	sadd.s32 s0, s3;
	s0 =	sld [smem:$0x3FAE]  }
0x30: {  	s3 =	sld [smem:$0x3FB1]  }
0x31: {  	[smem:$0x3FBA] =	sst s10  }
0x32: {  	s10 =	sld [smem:$0x3FB8];
	_ =	sdelay $0x3  }
0x33: {  	p0 =	seq.s32 s10, $0x1;
	s10 =	sld [smem:$0x3FBA];
	_ =	sdelay $0x3  }
0x34: {  	[smem:$0x3FBA] =	sst s10  }
0x35: {  	s10 =	sld [smem:$0x3FB9];
	_ =	sdelay $0x3  }
0x36: {  	p1 =	seq.s32 s10, $0x1;
	s10 =	sld [smem:$0x3FBA];
	_ =	sdelay $0x3  }
0x37: {  	[smem:$0x3FBA] =	sst s10  }
0x38: {  	s10 =	sld [smem:$0x3FBB]  }
0x39: {  	_ = 	snop;
	(pc) =	sbr.ind lr, $3  }
0x3a: {  	_ = 	snop  }
0x3b: {  	_ = 	snop  }
0x3c: {  	p2 =	seq.s32 s10, $0x1;
	s10 =	sld [smem:$0x3FBA]  }
0x3d: {  	_ =	shalt  }
0x3e: {  	_ =	shalt  }
0x3f: {  	_ =	shalt  }
0x40: {  	_ =	shalt  }
0x41: {  	_ =	shalt  }
0x42: {  	_ =	shalt  }
0x43: {  	_ =	shalt  }
0x44: {  	_ =	shalt  }
0x45: {  	_ =	shalt  }
0x46: {  	_ =	shalt  }
0x47: {  	_ =	shalt  }
0x48: {  	_ =	shalt  }
0x49: {  	_ =	shalt  }
0x4a: {  	_ =	shalt  }
0x4b: {  	_ =	shalt  }
0x4c: {  	_ =	shalt  }
0x4d: {  	_ =	shalt  }
0x4e: {  	_ =	shalt  }
0x4f: {  	_ =	shalt  }
0x50: {  	_ =	shalt  }
0x51: {  	_ =	shalt  }
0x52: {  	_ =	shalt  }
0x53: {  	_ =	shalt  }
0x54: {  	_ =	shalt  }
0x55: {  	_ =	shalt  }
0x56: {  	_ =	shalt  }
0x57: {  	_ =	shalt  }
0x58: {  	_ =	shalt  }
0x59: {  	_ =	shalt  }
0x5a: {  	_ =	shalt  }
0x5b: {  	_ =	shalt  }
0x5c: {  	_ =	shalt  }
0x5d: {  	_ =	shalt  }
0x5e: {  	_ =	shalt  }
0x5f: {  	_ =	shalt  }
0x60: {  	_ =	shalt  }
0x61: {  	_ =	shalt  }
0x62: {  	_ =	shalt  }
0x63: {  	_ =	shalt  }
0x64: {  	_ =	shalt  }
0x65: {  	_ =	shalt  }
0x66: {  	_ =	shalt  }
0x67: {  	_ =	shalt  }
0x68: {  	_ =	shalt  }
0x69: {  	_ =	shalt  }
0x6a: {  	_ =	shalt  }
0x6b: {  	_ =	shalt  }
0x6c: {  	_ =	shalt  }
0x6d: {  	_ =	shalt  }
0x6e: {  	_ =	shalt  }
0x6f: {  	_ =	shalt  }
0x70: {  	_ =	shalt  }
0x71: {  	_ =	shalt  }
0x72: {  	_ =	shalt  }
0x73: {  	_ =	shalt  }
0x74: {  	_ =	shalt  }
0x75: {  	_ =	shalt  }
0x76: {  	_ =	shalt  }
0x77: {  	_ =	shalt  }
0x78: {  	_ =	shalt  }
0x79: {  	_ =	shalt  }
0x7a: {  	_ =	shalt  }
0x7b: {  	_ =	shalt  }
0x7c: {  	_ =	shalt  }
0x7d: {  	_ =	shalt  }
0x7e: {  	_ =	shalt  }
0x7f: {  	_ =	shalt  }
0x80: {  	_ =	shalt  }
0x81: {  	_ =	shalt  }
0x82: {  	_ =	shalt  }
0x83: {  	_ =	shalt  }
0x84: {  	_ =	shalt  }
0x85: {  	_ =	shalt  }
0x86: {  	_ =	shalt  }
0x87: {  	_ =	shalt  }
.Lfunc_end0:
.L_simem_size_0:
called_computation_lowered:
.L_overlay_start_0:
0x88: {  	s2 =	sld [smem:$0x3FD9]  }
0x89: {  	s3 =	sld [smem:$0x3FFE];
	_ =	sdelay $0x1  }
0x8a: {  	s1 =	srdreg.scid  }
0x8b: {  	s0 =	sand.u32 $0x1, s1  }
0x8c: {  	s16 =	sshll.u32 s0, $0xA;
	s2 =	sadd.s32 s3, s2  }
0x8d: {  	s2 =	sadd.s32 s2, s16  }
0x8e: {  	[smem:$0x3FC6] =	sst s2  }
0x8f: {  	_ = 	snop  }
0x90: {  	(tm) =	ssettm $0x1  }
0x91: {  	s17 =	sld [smem:$0x3FFB];
	_ =	sdelay $0x3  }
0x92: {  	_ =	strace s17  }
0x93: {  	s2 =	sld [smem:$0x3FFC];
	_ =	sdelay $0x3  }
0x94: {  	_ =	strace s2  }
0x95: {  	s2 =	sld [smem:$0x3FFD];
	_ =	sdelay $0x3  }
0x96: {  	_ =	strace s2  }
0x97: {  	_ =	strace $0x8FFFFFFF  }
0x98: {  	s18 =	sld [smem:$0x3FDB];
	_ =	sdelay $0x1  }
0x99: {  	s19 =	simm.s32 $_scs_section_size  }
0x9a: {  	s4 =	simm.s32 $_size__tile_overlayer_lowered;
	s5 =	simm.s32 $_tile_overlayer_lowered  }
0x9b: {  	s22 =	simm.s32 $0x1BFF;
	s21 =	sshll.u32 s5, $0x1;
	s2 =	sadd.s32 s19, s18  }
0x9c: {  	s6 =	simm.s32 $0x0;
	s20 =	sshll.u32 s4, $0x1;
	s4 =	sadd.s32 s21, s2  }
0x9d: {  	[timem:s6], [sflag:s22] =	dma.local [hbm:s4], s20  }
0x9e: {  	_ =	swait.ge [sflag:s22], s20  }
0x9f: {  	s3 =	ssub.s32 $0x0, s20;
	[sflag:s22] =	ssyncset.done $0x0  }
0xa0: {  	[sflag:s22] =	ssyncadd.s32 s3;
	_ =	sdelay $0x1  }
0xa1: {  	s23 =	simm.s32 $0x1B8B  }
0xa2: {  	_ =	swait.ge [sflag:s23], $0x1  }
0xa3: {  	[sflag:s23] =	ssyncset.done $0x0  }
0xa4: {  	s25 =	simm.s32 $0x1B8E;
	s24 =	sld [smem:$0x3FFE];
	[sflag:s23] =	ssyncadd.s32 $0xFFFFFFFF  }
0xa5: {  	s26 =	simm.s32 $execute0_lowered;
	[smem:$0x3FD2] =	sst s25  }
0xa6: {  	s4 =	sshll.u32 s26, $0x1;
	_ =	strace $0x80000046;
	[dreg:$0x1] =	wrdreg $0xFFFFFFFF  }
0xa7: {  	s28 =	simm.s32 $_size_execute0_lowered;
	s2 =	sadd.s32 s2, s4;
	[dreg:$0x0] =	wrdreg $0x0  }
0xa8: {  	s4 =	sshll.u32 s28, $0x1;
	[dreg:$0x2] =	wrdreg s2  }
0xa9: {  	[dreg:$0x3] =	wrdreg s4  }
0xaa: {  	[dreg:$0x4] =	wrdreg $0xC0  }
0xab: {  	_ =	task [dreg:s6], $0x5FFFF  }
0xac: {  	[dreg:$0x1] =	wrdreg $0xFFFFFFFF  }
0xad: {  	[dreg:$0x0] =	wrdreg $0x60  }
0xae: {  	[dreg:$0x2] =	wrdreg s24  }
0xaf: {  	[dreg:$0x3] =	wrdreg $0x9  }
0xb0: {  	_ =	task.clear_ibuf [dreg:s6], $0x4FFFF;
	_ =	strace $0x90000046  }
0xb1: {  	s29 =	simm.s32 $0x9;
	_ =	strace $0x80000048  }
0xb2: {  	_ =	swait.ge [sflag:s29], $0x1  }
0xb3: {  	[sflag:s29] =	ssyncadd.s32 $0xFFFFFFFF  }
0xb4: {  	_ =	strace $0x90000048  }
0xb5: {  	_ =	sfence  }
0xb6: {  	s30 =	sld [smem:$0x0];
	_ =	sdelay $0x2  }
0xb7: {  	s31 =	sshll.u32 s1, $0xD;
	s1 =	sshrl.u32 s1, $0x2  }
0xb8: {  	s3 =	sand.u32 $0x4000, s31;
	s1 =	sadd.s32 s1, s30  }
0xb9: {  	s0 =	sor.u32 s3, s0;
	s1 =	sshll.u32 s1, $0x11  }
0xba: {  	s0 =	sor.u32 s1, s0  }
0xbb: {  	s0 =	sadd.s32 $0x8F2B, s0  }
0xbc: {  	[sflag:s0] =	ssyncadd.remote.s32 $0x1  }
0xbd: {  	_ =	sfence.sel $0xFFFF  }
0xbe: {  	[dreg:$0x0] =	wrdreg $0xFFFFFFFF;
	(pc) =	sbr.abs _section_cstart, $3  }
0xbf: {  	[dreg:$0x1] =	wrdreg $0xFFFFFFFF  }
0xc0: {  	_ =	task.clear_ibuf [dreg:s6], $0x2FFFF;
	_ =	strace $0x9FFFFFFF  }
0xc1: {  	(tm) =	ssettm $0x7FFFFFFF  }
tec
execute0_lowered:
.L_overlay_start_1:
0x0: {  	(tag) =	ssettag $0x1  }
0x1: {  	v0 =	vimm.f32 $0.0e+00;
	v1 =	vlaneseq.u32  }
0x2: {  	s1 =	srdreg.scid;
	s0 =	stileid.u32;
	v41 =	vimm.s32 $0x0;
	v42 =	vimm.f32 $-1.000000000e+09;
	v43 =	vimm.s32 $0x7FFFFFFF  }
0x3: {  	s3 =	rddreg [dreg:$0x0];
	s2 =	simm.s32 $0x0;
	s16 =	simm.s32 $0x1;
	v2 =	vor.u32 $0x10, v1;
	v3 =	vor.u32 $0x20, v1;
	v4 =	vor.u32 $0x30, v1  }
0x4: {  	s18 =	simm.s32 $0x500;
	s19 =	simm.s32 $0x780;
	s20 =	simm.s32 $0xA00;
	v5 =	vor.u32 $0x40, v1;
	v6 =	vor.u32 $0x50, v1;
	v7 =	vor.u32 $0x60, v1  }
0x5: {  	s21 =	simm.s32 $0x2480;
	s22 =	simm.s32 $0x2780;
	s23 =	simm.s32 $0x2A80;
	v8 =	vor.u32 $0x70, v1;
	v9 =	vor.u32 $0x80, v1;
	v10 =	vor.u32 $0x90, v1  }
0x6: {  	s24 =	simm.s32 $0x2D80;
	s25 =	simm.s32 $0x3080;
	s26 =	simm.s32 $0x3380;
	v11 =	vor.u32 $0xA0, v1;
	v12 =	vor.u32 $0xB0, v1;
	v13 =	vor.u32 $0xC0, v1  }
0x7: {  	s28 =	simm.s32 $0x3680;
	s1 =	sand.u32 $0x1, s1;
	s4 =	sshll.u32 s0, $0x1;
	v14 =	vor.u32 $0xD0, v1;
	v15 =	vor.u32 $0xE0, v1;
	v16 =	vor.u32 $0xF0, v1  }
0x8: {  	s29 =	simm.s32 $0x0;
	[smem:$0x7FF] =	sst s2;
	v17 =	vor.u32 $0x100, v1;
	v18 =	vor.u32 $0x110, v1;
	v19 =	vor.u32 $0x120, v1;
	s4 =	sor.u32 s1, s4  }
0x9: {  	v20 =	vor.u32 $0x130, v1;
	v21 =	vor.u32 $0x140, v1;
	v22 =	vor.u32 $0x150, v1;
	s1 =	ssub.s32 $0x2, s1;
	s5 =	smul.u32 $0x50, s4;
	s4 =	sshll.u32 s4, $0x4  }
0xa: {  	v23 =	vor.u32 $0x160, v1;
	v24 =	vor.u32 $0x170, v1;
	v25 =	vor.u32 $0x180, v1;
	_ =	strace $0x80000047;
	s31 =	sshrl.u32 s1, $0x1;
	s14 =	sadd.s32 s4, s3  }
0xb: {  	v26 =	vor.u32 $0x190, v1;
	v27 =	vor.u32 $0x1A0, v1;
	v28 =	vor.u32 $0x1B0, v1;
	s1 =	ssub.s32 s1, s31;
	s7 =	sadd.s32 s5, s3;
	s8 =	sadd.s32 $0x3800, s14  }
0xc: {  	v29 =	vor.u32 $0x1C0, v1;
	v30 =	vor.u32 $0x1D0, v1;
	v31 =	vor.u32 $0x1E0, v1;
	s9 =	sadd.s32 $0x3A00, s14;
	s10 =	sadd.s32 $0x3C00, s14;
	s11 =	sadd.s32 $0x3E00, s14  }
0xd: {  	v32 =	vor.u32 $0x1F0, v1;
	v33 =	vor.u32 $0x200, v1;
	v34 =	vor.u32 $0x210, v1;
	s12 =	sadd.s32 $0x4000, s14;
	s13 =	sadd.s32 $0x4200, s14;
	s14 =	sadd.s32 $0x4400, s14  }
0xe: {  	v35 =	vor.u32 $0x220, v1;
	v36 =	vor.u32 $0x230, v1;
	v37 =	vor.u32 $0x240, v1;
	s15 =	smax.u32 s1, $0x1;
	s3 =	sadd.s32 $0x600, s7;
	s4 =	sadd.s32 $0x2E00, s7  }
0xf: {  	v38 =	vor.u32 $0x250, v1;
	v39 =	vor.u32 $0x260, v1;
	v40 =	vor.u32 $0x270, v1;
	s5 =	sadd.s32 $0x2400, s7;
	s6 =	sadd.s32 $0x1A00, s7;
	s7 =	sadd.s32 $0x1000, s7  }
.LBB2_1:
0x10: {  	[tilespmem:s2], [sflag:$0x1] =	stream.linear.gather [hbm4b:s3+s2], $0x280, $0x38;
	[tilespmem:$0x3980] =	vst v63  }
0x11: {  	_ =	swait.ge [sflag:s16], $0x280  }
0x12: {  	[sflag:s16] =	ssyncset.done $0x0  }
0x13: {  	s0 =	simm.s32 $0x280;
	[sflag:s16] =	ssyncadd.s32 $0xFFFFFD80  }
0x14: {  	[tilespmem:s0], [sflag:$0x1] =	stream.linear.gather [hbm4b:s4+s2], $0x280, $0x38;
	[tilespmem:$0x3980] =	vst v63  }
0x15: {  	_ =	swait.ge [sflag:s16], $0x280  }
0x16: {  	[sflag:s16] =	ssyncset.done $0x0  }
0x17: {  	[sflag:s16] =	ssyncadd.s32 $0xFFFFFD80  }
0x18: {  	[tilespmem:s18], [sflag:$0x1] =	stream.linear.gather [hbm4b:s5+s2], $0x280, $0x38;
	[tilespmem:$0x3980] =	vst v63  }
0x19: {  	_ =	swait.ge [sflag:s16], $0x280  }
0x1a: {  	[sflag:s16] =	ssyncset.done $0x0  }
0x1b: {  	[sflag:s16] =	ssyncadd.s32 $0xFFFFFD80  }
0x1c: {  	[tilespmem:s19], [sflag:$0x1] =	stream.linear.gather [hbm4b:s6+s2], $0x280, $0x38;
	[tilespmem:$0x3980] =	vst v63  }
0x1d: {  	_ =	swait.ge [sflag:s16], $0x280  }
0x1e: {  	[sflag:s16] =	ssyncset.done $0x0  }
0x1f: {  	[sflag:s16] =	ssyncadd.s32 $0xFFFFFD80  }
0x20: {  	[tilespmem:s20], [sflag:$0x1] =	stream.linear.gather [hbm4b:s7+s2], $0x280, $0x38;
	[tilespmem:$0x3980] =	vst v63  }
0x21: {  	_ =	swait.ge [sflag:s16], $0x280  }
0x22: {  	[sflag:s16] =	ssyncset.done $0x0  }
0x23: {  	[sflag:s16] =	ssyncadd.s32 $0xFFFFFD80  }
0x24: {  	v44 =	vld [tilespmem:$0x780]  }
0x25: {  	v45 =	vld [tilespmem:$0xA00]  }
0x26: {  	v46 =	vld [tilespmem:$0x280]  }
0x27: {  	v47 =	vld [tilespmem:$0x500]  }
0x28: {  	v48 =	vld [tilespmem:$0x790]  }
0x29: {  	v49 =	vld [tilespmem:$0xA10]  }
0x2a: {  	v50 =	vld [tilespmem:$0x290]  }
0x2b: {  	v51 =	vld [tilespmem:$0x510]  }
0x2c: {  	v44 =	vmul.f32 $2.560000000e+02, v44;
	v45 =	vmul.f32 $2.560000000e+02, v45  }
0x2d: {  	[tilespmem:$0x1E80] =	vst v1;
	v46 =	vmul.f32 $1.024000000e+03, v46;
	v48 =	vmul.f32 $2.560000000e+02, v48  }
0x2e: {  	[tilespmem:$0x1E90] =	vst v2;
	v47 =	vmul.f32 $1.024000000e+03, v47;
	v49 =	vmul.f32 $2.560000000e+02, v49;
	v44 =	vadd.f32 $1.000000000e+00, v44  }
0x2f: {  	v56 =	vld [tilespmem:$0x10];
	[tilespmem:$0x1EA0] =	vst v3;
	v50 =	vmul.f32 $1.024000000e+03, v50;
	v45 =	vadd.f32 $1.000000000e+00, v45;
	v48 =	vadd.f32 $1.000000000e+00, v48  }
0x30: {  	[tilespmem:$0x1EB0] =	vst v4;
	v51 =	vmul.f32 $1.024000000e+03, v51;
	v49 =	vadd.f32 $1.000000000e+00, v49;
	v44 =	vmul.f32 $5.000000000e-01, v44  }
0x31: {  	[tilespmem:$0x1EC0] =	vst v5;
	v45 =	vmul.f32 $5.000000000e-01, v45;
	v48 =	vmul.f32 $5.000000000e-01, v48  }
0x32: {  	v53 =	vld [tilespmem:$0x0];
	[tilespmem:$0x1ED0] =	vst v6;
	v49 =	vmul.f32 $5.000000000e-01, v49;
	v52 =	vsub.f32 v46, v44;
	v44 =	vadd.f32 v44, v46  }
0x33: {  	v58 =	vld [tilespmem:$0xA20];
	[tilespmem:$0x1EE0] =	vst v7;
	v61 =	vsub.f32 v47, v45;
	v45 =	vadd.f32 v45, v47  }
0x34: {  	vm13 =	vgt.f32 v56, $-5.000000000e+08;
	[tilespmem:$0x1B90] =	vst v56;
	v56 =	vld [tilespmem:$0x30];
	v46 =	vsub.f32 v50, v48;
	v47 =	vsub.f32 v51, v49  }
0x35: {  	v60 =	vld [tilespmem:$0x2A0];
	v62 =	vsub.f32 v44, v52;
	v54 =	vsub.f32 v45, v61;
	[tilespmem:$0xC80] =	vst v52  }
0x36: {  	v52 =	vld [tilespmem:$0x7A0];
	[tilespmem:$0x1580] =	vst v45;
	v45 =	vadd.f32 v48, v50;
	v48 =	vadd.f32 v49, v51  }
0x37: {  	v55 =	vld [tilespmem:$0x7B0];
	vm0 =	vgt.f32 v53, $-5.000000000e+08;
	[tilespmem:$0x1B80] =	vst v53;
	v63 =	vmax.f32 v62, $0.0e+00  }
0x38: {  	v53 =	vld [tilespmem:$0xA30];
	[tilespmem:$0xF80] =	vst v61;
	v57 =	vmax.f32 v54, $0.0e+00;
	v61 =	vsub.f32 v45, v46;
	v62 =	vsub.f32 v48, v47  }
0x39: {  	[tilespmem:$0x1BB0] =	vst v56;
	v54 =	vmul.f32 $2.560000000e+02, v58;
	v59 =	vmul.f32 v57, v63;
	v63 =	vld [tilespmem:$0x520]  }
0x3a: {  	[tilespmem:$0x1280] =	vst v44;
	v57 =	vsel vm0, $0x1, v41;
	v49 =	vmax.f32 v61, $0.0e+00;
	v50 =	vmax.f32 v62, $0.0e+00  }
0x3b: {  	[tilespmem:$0x2180] =	vst v57;
	v52 =	vmul.f32 $2.560000000e+02, v52;
	v58 =	vmul.f32 v50, v49  }
0x3c: {  	v44 =	vmul.f32 $1.024000000e+03, v60;
	[tilespmem:$0x1880] =	vst v59;
	v59 =	vadd.f32 $1.000000000e+00, v54  }
0x3d: {  	v57 =	vmul.f32 $2.560000000e+02, v55;
	v50 =	vld [tilespmem:$0x2B0];
	v52 =	vadd.f32 $1.000000000e+00, v52;
	[tilespmem:$0x1890] =	vst v58;
	v58 =	vmul.f32 $2.560000000e+02, v53  }
0x3e: {  	[tilespmem:$0xC90] =	vst v46;
	v51 =	vld [tilespmem:$0x530];
	v49 =	vmul.f32 $5.000000000e-01, v59;
	v61 =	vmul.f32 $1.024000000e+03, v63  }
0x3f: {  	[tilespmem:$0xF90] =	vst v47;
	v47 =	vadd.f32 $1.000000000e+00, v57;
	v60 =	vmul.f32 $5.000000000e-01, v52;
	v52 =	vadd.f32 $1.000000000e+00, v58  }
0x40: {  	[tilespmem:$0x1290] =	vst v45;
	v63 =	vsub.f32 v61, v49;
	v45 =	vadd.f32 v49, v61  }
0x41: {  	[tilespmem:$0x1590] =	vst v48;
	v53 =	vld [tilespmem:$0x20];
	v62 =	vsub.f32 v44, v60;
	v44 =	vadd.f32 v60, v44;
	v60 =	vsel vm13, $0x1, v41  }
0x42: {  	v47 =	vmul.f32 $5.000000000e-01, v47;
	v58 =	vld [tilespmem:$0xA40];
	v50 =	vmul.f32 $1.024000000e+03, v50;
	[tilespmem:$0x2190] =	vst v60;
	v61 =	vsub.f32 v45, v63  }
0x43: {  	v51 =	vmul.f32 $1.024000000e+03, v51;
	v59 =	vsub.f32 v44, v62;
	[tilespmem:$0xCA0] =	vst v62;
	v62 =	vmul.f32 $5.000000000e-01, v52;
	v52 =	vld [tilespmem:$0x7C0]  }
0x44: {  	v60 =	vsub.f32 v50, v47;
	[tilespmem:$0x15A0] =	vst v45;
	v45 =	vadd.f32 v47, v50;
	v57 =	vmax.f32 v61, $0.0e+00  }
0x45: {  	v55 =	vld [tilespmem:$0x7D0];
	[tilespmem:$0xFA0] =	vst v63;
	v63 =	vmax.f32 v59, $0.0e+00;
	v49 =	vsub.f32 v51, v62;
	v47 =	vadd.f32 v62, v51  }
0x46: {  	[tilespmem:$0x1BA0] =	vst v53;
	v61 =	vsub.f32 v45, v60;
	v59 =	vmul.f32 v57, v63;
	v63 =	vld [tilespmem:$0x540]  }
0x47: {  	[tilespmem:$0x12A0] =	vst v44;
	v44 =	vld [tilespmem:$0x2C0];
	v54 =	vmul.f32 $2.560000000e+02, v58;
	v62 =	vsub.f32 v47, v49  }
0x48: {  	vm14 =	vgt.f32 v53, $-5.000000000e+08;
	v53 =	vld [tilespmem:$0xA50];
	[tilespmem:$0xCB0] =	vst v60;
	v48 =	vmax.f32 v61, $0.0e+00;
	v52 =	vmul.f32 $2.560000000e+02, v52  }
0x49: {  	v61 =	vadd.f32 $1.000000000e+00, v54;
	[tilespmem:$0x18A0] =	vst v59;
	v59 =	vsel vm14, $0x1, v41;
	v50 =	vmax.f32 v62, $0.0e+00  }
0x4a: {  	[tilespmem:$0x21A0] =	vst v59;
	v59 =	vmul.f32 $2.560000000e+02, v55;
	v52 =	vadd.f32 $1.000000000e+00, v52;
	v60 =	vmul.f32 v50, v48  }
0x4b: {  	[tilespmem:$0x12B0] =	vst v45;
	v57 =	vld [tilespmem:$0x550];
	v48 =	vmul.f32 $5.000000000e-01, v61;
	v63 =	vmul.f32 $1.024000000e+03, v63  }
0x4c: {  	vm15 =	vgt.f32 v56, $-5.000000000e+08;
	[tilespmem:$0xFB0] =	vst v49;
	v44 =	vmul.f32 $1.024000000e+03, v44;
	v50 =	vld [tilespmem:$0x2D0];
	v62 =	vmul.f32 $5.000000000e-01, v52  }
0x4d: {  	v49 =	vadd.f32 $1.000000000e+00, v59;
	[tilespmem:$0x18B0] =	vst v60;
	v60 =	vmul.f32 $2.560000000e+02, v53;
	v46 =	vsub.f32 v63, v48  }
0x4e: {  	[tilespmem:$0x15B0] =	vst v47;
	v58 =	vsub.f32 v44, v62;
	v44 =	vadd.f32 v62, v44;
	v62 =	vsel vm15, $0x1, v41  }
0x4f: {  	v53 =	vld [tilespmem:$0x40];
	v45 =	vadd.f32 v48, v63;
	v52 =	vadd.f32 $1.000000000e+00, v60;
	[tilespmem:$0x21B0] =	vst v62  }
0x50: {  	v51 =	vmul.f32 $1.024000000e+03, v57;
	v57 =	vmul.f32 $5.000000000e-01, v49;
	v49 =	vld [tilespmem:$0x60];
	[tilespmem:$0xFC0] =	vst v46;
	v61 =	vsub.f32 v44, v58  }
0x51: {  	v63 =	vsub.f32 v45, v46;
	v50 =	vmul.f32 $1.024000000e+03, v50;
	[tilespmem:$0xCC0] =	vst v58;
	v58 =	vmul.f32 $5.000000000e-01, v52;
	v52 =	vld [tilespmem:$0x7E0]  }
0x52: {  	[tilespmem:$0x15C0] =	vst v45;
	v59 =	vmax.f32 v61, $0.0e+00;
	v61 =	vld [tilespmem:$0xA60]  }
0x53: {  	[tilespmem:$0x12C0] =	vst v44;
	v60 =	vmax.f32 v63, $0.0e+00;
	v63 =	vsub.f32 v50, v57;
	v45 =	vadd.f32 v57, v50  }
0x54: {  	v57 =	vld [tilespmem:$0x2E0];
	[tilespmem:$0x1BC0] =	vst v53;
	v48 =	vsub.f32 v51, v58;
	v47 =	vadd.f32 v58, v51  }
0x55: {  	vm4 =	vgt.f32 v53, $-5.000000000e+08;
	v58 =	vld [tilespmem:$0x560];
	[tilespmem:$0x1BE0] =	vst v49;
	v62 =	vmul.f32 v60, v59  }
0x56: {  	v50 =	vsub.f32 v45, v63;
	v60 =	vld [tilespmem:$0x50];
	[tilespmem:$0xCD0] =	vst v63;
	v51 =	vsub.f32 v47, v48;
	v52 =	vmul.f32 $2.560000000e+02, v52  }
0x57: {  	v59 =	vsel vm4, $0x1, v41;
	[tilespmem:$0x15D0] =	vst v47;
	v47 =	vld [tilespmem:$0x7F0];
	v54 =	vmul.f32 $2.560000000e+02, v61  }
0x58: {  	[tilespmem:$0x18C0] =	vst v62;
	v50 =	vmax.f32 v50, $0.0e+00;
	v51 =	vmax.f32 v51, $0.0e+00;
	v62 =	vadd.f32 $1.000000000e+00, v52  }
0x59: {  	[tilespmem:$0x21C0] =	vst v59;
	v59 =	vld [tilespmem:$0xA70];
	v61 =	vmul.f32 v51, v50;
	v63 =	vadd.f32 $1.000000000e+00, v54  }
0x5a: {  	[tilespmem:$0x12D0] =	vst v45;
	v54 =	vmul.f32 $1.024000000e+03, v57;
	v55 =	vmul.f32 $5.000000000e-01, v62  }
0x5b: {  	[tilespmem:$0xFD0] =	vst v48;
	v44 =	vmul.f32 $1.024000000e+03, v58;
	vm5 =	vgt.f32 v60, $-5.000000000e+08;
	v56 =	vmul.f32 $5.000000000e-01, v63  }
0x5c: {  	[tilespmem:$0x1BD0] =	vst v60;
	v47 =	vmul.f32 $2.560000000e+02, v47;
	v57 =	vsub.f32 v54, v55;
	v45 =	vadd.f32 v55, v54;
	v63 =	vld [tilespmem:$0x2F0]  }
0x5d: {  	[tilespmem:$0x18D0] =	vst v61;
	v60 =	vsel vm5, $0x1, v41;
	v58 =	vsub.f32 v44, v56;
	v44 =	vadd.f32 v56, v44  }
0x5e: {  	v51 =	vmul.f32 $2.560000000e+02, v59;
	[tilespmem:$0x21D0] =	vst v60;
	v47 =	vadd.f32 $1.000000000e+00, v47;
	v56 =	vld [tilespmem:$0x570]  }
0x5f: {  	v61 =	vsub.f32 v45, v57;
	[tilespmem:$0xCE0] =	vst v57;
	v62 =	vsub.f32 v44, v58  }
0x60: {  	vm6 =	vgt.f32 v49, $-5.000000000e+08;
	v59 =	vadd.f32 $1.000000000e+00, v51;
	[tilespmem:$0x12E0] =	vst v45;
	v47 =	vmul.f32 $5.000000000e-01, v47  }
0x61: {  	[tilespmem:$0xFE0] =	vst v58;
	v48 =	vmax.f32 v61, $0.0e+00;
	v60 =	vmul.f32 $1.024000000e+03, v63;
	v57 =	vmax.f32 v62, $0.0e+00  }
0x62: {  	[tilespmem:$0x15E0] =	vst v44;
	v61 =	vsel vm6, $0x1, v41;
	v58 =	vmul.f32 v57, v48  }
0x63: {  	v44 =	vmul.f32 $5.000000000e-01, v59;
	[tilespmem:$0x21E0] =	vst v61;
	v46 =	vmul.f32 $1.024000000e+03, v56;
	v62 =	vsub.f32 v60, v47  }
0x64: {  	v45 =	vadd.f32 v47, v60;
	[tilespmem:$0x18E0] =	vst v58  }
0x65: {  	v63 =	vsub.f32 v46, v44;
	[tilespmem:$0xCF0] =	vst v62  }
0x66: {  	v44 =	vadd.f32 v44, v46;
	[tilespmem:$0x12F0] =	vst v45  }
0x67: {  	[tilespmem:$0xFF0] =	vst v63  }
0x68: {  	v46 =	vld [tilespmem:$0x70];
	[tilespmem:$0x15F0] =	vst v44  }
0x69: {  	[tilespmem:$0x1EF0] =	vst v8  }
0x6a: {  	[tilespmem:$0x1F00] =	vst v9  }
0x6b: {  	[tilespmem:$0x1F10] =	vst v10  }
0x6c: {  	[tilespmem:$0x1F20] =	vst v11  }
0x6d: {  	[tilespmem:$0x1F30] =	vst v12  }
0x6e: {  	[tilespmem:$0x1F40] =	vst v13  }
0x6f: {  	[tilespmem:$0x1F50] =	vst v14  }
0x70: {  	[tilespmem:$0x1F60] =	vst v15  }
0x71: {  	[tilespmem:$0x1F70] =	vst v16  }
0x72: {  	[tilespmem:$0x1F80] =	vst v17  }
0x73: {  	[tilespmem:$0x1F90] =	vst v18  }
0x74: {  	[tilespmem:$0x1FA0] =	vst v19  }
0x75: {  	[tilespmem:$0x1FB0] =	vst v20  }
0x76: {  	[tilespmem:$0x1FC0] =	vst v21  }
0x77: {  	[tilespmem:$0x1FD0] =	vst v22  }
0x78: {  	[tilespmem:$0x1FE0] =	vst v23  }
0x79: {  	[tilespmem:$0x1FF0] =	vst v24  }
0x7a: {  	[tilespmem:$0x2000] =	vst v25  }
0x7b: {  	[tilespmem:$0x2010] =	vst v26  }
0x7c: {  	[tilespmem:$0x2020] =	vst v27  }
0x7d: {  	[tilespmem:$0x2030] =	vst v28  }
0x7e: {  	[tilespmem:$0x2040] =	vst v29  }
0x7f: {  	[tilespmem:$0x2050] =	vst v30  }
0x80: {  	[tilespmem:$0x2060] =	vst v31  }
0x81: {  	[tilespmem:$0x2070] =	vst v32  }
0x82: {  	[tilespmem:$0x2080] =	vst v33  }
0x83: {  	[tilespmem:$0x2090] =	vst v34  }
0x84: {  	[tilespmem:$0x20A0] =	vst v35  }
0x85: {  	[tilespmem:$0x20B0] =	vst v36  }
0x86: {  	[tilespmem:$0x20C0] =	vst v37  }
0x87: {  	[tilespmem:$0x20D0] =	vst v38  }
0x88: {  	[tilespmem:$0x20E0] =	vst v39  }
0x89: {  	[tilespmem:$0x2780] =	vst v0  }
0x8a: {  	[tilespmem:$0x2B00] =	vst v0  }
0x8b: {  	[tilespmem:$0x2800] =	vst v0  }
0x8c: {  	[tilespmem:$0x2500] =	vst v0  }
0x8d: {  	[tilespmem:$0x3700] =	vst v43  }
0x8e: {  	[tilespmem:$0x3400] =	vst v42  }
0x8f: {  	[tilespmem:$0x30F0] =	vst v0  }
0x90: {  	[tilespmem:$0x2DF0] =	vst v0  }
0x91: {  	[tilespmem:$0x2AF0] =	vst v0  }
0x92: {  	[tilespmem:$0x27F0] =	vst v0  }
0x93: {  	[tilespmem:$0x24F0] =	vst v0  }
0x94: {  	[tilespmem:$0x36F0] =	vst v43  }
0x95: {  	[tilespmem:$0x33F0] =	vst v42  }
0x96: {  	[tilespmem:$0x30E0] =	vst v0  }
0x97: {  	[tilespmem:$0x2DE0] =	vst v0  }
0x98: {  	[tilespmem:$0x2AE0] =	vst v0  }
0x99: {  	[tilespmem:$0x27E0] =	vst v0  }
0x9a: {  	[tilespmem:$0x24E0] =	vst v0  }
0x9b: {  	[tilespmem:$0x36E0] =	vst v43  }
0x9c: {  	[tilespmem:$0x33E0] =	vst v42  }
0x9d: {  	[tilespmem:$0x30D0] =	vst v0  }
0x9e: {  	[tilespmem:$0x2DD0] =	vst v0  }
0x9f: {  	[tilespmem:$0x2AD0] =	vst v0  }
0xa0: {  	[tilespmem:$0x27D0] =	vst v0  }
0xa1: {  	[tilespmem:$0x24D0] =	vst v0  }
0xa2: {  	[tilespmem:$0x36D0] =	vst v43  }
0xa3: {  	[tilespmem:$0x33D0] =	vst v42  }
0xa4: {  	[tilespmem:$0x30C0] =	vst v0  }
0xa5: {  	[tilespmem:$0x2DC0] =	vst v0  }
0xa6: {  	[tilespmem:$0x2AC0] =	vst v0  }
0xa7: {  	[tilespmem:$0x27C0] =	vst v0  }
0xa8: {  	[tilespmem:$0x24C0] =	vst v0  }
0xa9: {  	[tilespmem:$0x36C0] =	vst v43  }
0xaa: {  	[tilespmem:$0x33C0] =	vst v42  }
0xab: {  	[tilespmem:$0x30B0] =	vst v0  }
0xac: {  	[tilespmem:$0x2DB0] =	vst v0  }
0xad: {  	[tilespmem:$0x2AB0] =	vst v0  }
0xae: {  	[tilespmem:$0x27B0] =	vst v0  }
0xaf: {  	[tilespmem:$0x24B0] =	vst v0  }
0xb0: {  	[tilespmem:$0x36B0] =	vst v43  }
0xb1: {  	[tilespmem:$0x33B0] =	vst v42  }
0xb2: {  	[tilespmem:$0x30A0] =	vst v0  }
0xb3: {  	[tilespmem:$0x2DA0] =	vst v0  }
0xb4: {  	[tilespmem:$0x2AA0] =	vst v0  }
0xb5: {  	[tilespmem:$0x27A0] =	vst v0  }
0xb6: {  	[tilespmem:$0x24A0] =	vst v0  }
0xb7: {  	[tilespmem:$0x36A0] =	vst v43  }
0xb8: {  	[tilespmem:$0x33A0] =	vst v42  }
0xb9: {  	[tilespmem:$0x3090] =	vst v0  }
0xba: {  	[tilespmem:$0x2D90] =	vst v0  }
0xbb: {  	[tilespmem:$0x2A90] =	vst v0;
	v56 =	vld [tilespmem:$0x800]  }
0xbc: {  	[tilespmem:$0x2790] =	vst v0;
	v57 =	vld [tilespmem:$0xA80]  }
0xbd: {  	[tilespmem:$0x2490] =	vst v0;
	v58 =	vld [tilespmem:$0x300]  }
0xbe: {  	v45 =	vsub.f32 v45, v62;
	v44 =	vsub.f32 v44, v63;
	[tilespmem:$0x3690] =	vst v43;
	v61 =	vld [tilespmem:$0xA90]  }
0xbf: {  	[tilespmem:$0x3390] =	vst v42;
	v59 =	vld [tilespmem:$0x580]  }
0xc0: {  	v45 =	vmax.f32 v45, $0.0e+00;
	[tilespmem:$0x3080] =	vst v0;
	v60 =	vld [tilespmem:$0x810];
	v44 =	vmax.f32 v44, $0.0e+00  }
0xc1: {  	[tilespmem:$0x2D80] =	vst v0;
	v44 =	vmul.f32 v44, v45  }
0xc2: {  	[tilespmem:$0x2A80] =	vst v0;
	v63 =	vld [tilespmem:$0x310];
	v47 =	vmul.f32 $2.560000000e+02, v56;
	v50 =	vmul.f32 $2.560000000e+02, v57  }
0xc3: {  	[tilespmem:$0x3680] =	vst v43;
	v57 =	vmul.f32 $1.024000000e+03, v58;
	v58 =	vld [tilespmem:$0x590];
	v54 =	vmul.f32 $2.560000000e+02, v61  }
0xc4: {  	[tilespmem:$0x18F0] =	vst v44;
	v44 =	vld [tilespmem:$0x80];
	v47 =	vadd.f32 $1.000000000e+00, v47;
	v62 =	vadd.f32 $1.000000000e+00, v50  }
0xc5: {  	[tilespmem:$0x2480] =	vst v0;
	v52 =	vmul.f32 $1.024000000e+03, v59;
	v53 =	vmul.f32 $2.560000000e+02, v60;
	v54 =	vadd.f32 $1.000000000e+00, v54;
	v50 =	vld [tilespmem:$0x90]  }
0xc6: {  	[tilespmem:$0x3380] =	vst v42;
	vm7 =	vgt.f32 v46, $-5.000000000e+08;
	v47 =	vmul.f32 $5.000000000e-01, v47;
	v48 =	vmul.f32 $5.000000000e-01, v62  }
0xc7: {  	[tilespmem:$0x1BF0] =	vst v46;
	v59 =	vsel vm7, $0x1, v41;
	v53 =	vadd.f32 $1.000000000e+00, v53;
	v62 =	vmul.f32 $5.000000000e-01, v54  }
0xc8: {  	v56 =	vld [tilespmem:$0xAA0];
	[tilespmem:$0x21F0] =	vst v59;
	v51 =	vmul.f32 $1.024000000e+03, v58;
	v55 =	vsub.f32 v57, v47;
	v45 =	vsub.f32 v52, v48  }
0xc9: {  	v49 =	vmul.f32 $1.024000000e+03, v63;
	v54 =	vld [tilespmem:$0x820];
	[tilespmem:$0x1C00] =	vst v44;
	v47 =	vadd.f32 v47, v57;
	v48 =	vadd.f32 v48, v52  }
0xca: {  	v61 =	vmul.f32 $5.000000000e-01, v53;
	v57 =	vsub.f32 v51, v62;
	v51 =	vadd.f32 v62, v51;
	[tilespmem:$0x1C10] =	vst v50  }
0xcb: {  	v60 =	vsub.f32 v47, v55;
	v63 =	vsub.f32 v48, v45;
	[tilespmem:$0xD00] =	vst v55  }
0xcc: {  	v55 =	vsub.f32 v49, v61;
	[tilespmem:$0x1000] =	vst v45;
	v49 =	vadd.f32 v61, v49  }
0xcd: {  	v52 =	vld [tilespmem:$0x5A0];
	[tilespmem:$0x1300] =	vst v47;
	v62 =	vsub.f32 v51, v57;
	v46 =	vmax.f32 v60, $0.0e+00;
	v60 =	vmax.f32 v63, $0.0e+00  }
0xce: {  	[tilespmem:$0x1600] =	vst v48;
	v61 =	vsub.f32 v49, v55;
	v63 =	vmul.f32 $2.560000000e+02, v54;
	v54 =	vmul.f32 $2.560000000e+02, v56;
	v56 =	vld [tilespmem:$0x830]  }
0xcf: {  	[tilespmem:$0x1010] =	vst v57;
	v45 =	vmul.f32 v60, v46;
	v46 =	vld [tilespmem:$0x320]  }
0xd0: {  	[tilespmem:$0x1610] =	vst v51;
	v60 =	vmax.f32 v61, $0.0e+00;
	v61 =	vmax.f32 v62, $0.0e+00;
	v62 =	vadd.f32 $1.000000000e+00, v63;
	v63 =	vld [tilespmem:$0xAB0]  }
0xd1: {  	vm8 =	vgt.f32 v44, $-5.000000000e+08;
	v53 =	vld [tilespmem:$0xAC0];
	[tilespmem:$0xD10] =	vst v55;
	v44 =	vmul.f32 v61, v60;
	v60 =	vadd.f32 $1.000000000e+00, v54  }
0xd2: {  	v55 =	vld [tilespmem:$0x5B0];
	[tilespmem:$0x1310] =	vst v49;
	v52 =	vmul.f32 $1.024000000e+03, v52  }
0xd3: {  	[tilespmem:$0x1900] =	vst v45;
	v45 =	vsel vm8, $0x1, v41;
	v54 =	vld [tilespmem:$0x330];
	v48 =	vmul.f32 $5.000000000e-01, v62;
	v47 =	vmul.f32 $5.000000000e-01, v60  }
0xd4: {  	vm9 =	vgt.f32 v50, $-5.000000000e+08;
	[tilespmem:$0x2200] =	vst v45;
	v45 =	vld [tilespmem:$0xA0];
	v61 =	vmul.f32 $2.560000000e+02, v56;
	v46 =	vmul.f32 $1.024000000e+03, v46  }
0xd5: {  	[tilespmem:$0x1910] =	vst v44;
	v51 =	vsub.f32 v52, v47;
	v62 =	vmul.f32 $2.560000000e+02, v63;
	v63 =	vsel vm9, $0x1, v41  }
0xd6: {  	v53 =	vmul.f32 $2.560000000e+02, v53;
	v47 =	vadd.f32 v47, v52;
	v49 =	vsub.f32 v46, v48;
	[tilespmem:$0x2210] =	vst v63  }
0xd7: {  	v56 =	vld [tilespmem:$0x840];
	v46 =	vadd.f32 v48, v46;
	v48 =	vadd.f32 $1.000000000e+00, v61;
	[tilespmem:$0x1020] =	vst v51  }
0xd8: {  	v53 =	vadd.f32 $1.000000000e+00, v53;
	v59 =	vmul.f32 $1.024000000e+03, v55;
	v61 =	vsub.f32 v47, v51;
	[tilespmem:$0x1620] =	vst v47  }
0xd9: {  	v57 =	vld [tilespmem:$0x5C0];
	v54 =	vmul.f32 $1.024000000e+03, v54;
	v52 =	vadd.f32 $1.000000000e+00, v62;
	[tilespmem:$0x1C20] =	vst v45;
	v48 =	vmul.f32 $5.000000000e-01, v48  }
0xda: {  	vm10 =	vgt.f32 v45, $-5.000000000e+08;
	v47 =	vld [tilespmem:$0xC0];
	v60 =	vsub.f32 v46, v49;
	[tilespmem:$0xD20] =	vst v49;
	v63 =	vmax.f32 v61, $0.0e+00  }
0xdb: {  	v58 =	vld [tilespmem:$0x340];
	[tilespmem:$0x1320] =	vst v46;
	v52 =	vmul.f32 $5.000000000e-01, v52;
	v61 =	vsel vm10, $0x1, v41;
	v51 =	vsub.f32 v54, v48  }
0xdc: {  	v55 =	vld [tilespmem:$0x850];
	v62 =	vmax.f32 v60, $0.0e+00;
	v60 =	vmul.f32 $2.560000000e+02, v56;
	v48 =	vadd.f32 v48, v54;
	[tilespmem:$0x2220] =	vst v61  }
0xdd: {  	v53 =	vmul.f32 $5.000000000e-01, v53;
	v61 =	vld [tilespmem:$0xAD0];
	v46 =	vsub.f32 v59, v52;
	v50 =	vadd.f32 v52, v59;
	[tilespmem:$0xD30] =	vst v51  }
0xde: {  	v54 =	vmul.f32 $1.024000000e+03, v57;
	v44 =	vmul.f32 v63, v62;
	v62 =	vadd.f32 $1.000000000e+00, v60;
	[tilespmem:$0x1330] =	vst v48  }
0xdf: {  	v63 =	vsub.f32 v48, v51;
	[tilespmem:$0x1C40] =	vst v47;
	v60 =	vsub.f32 v50, v46  }
0xe0: {  	v52 =	vmul.f32 $1.024000000e+03, v58;
	v57 =	vsub.f32 v54, v53;
	[tilespmem:$0x1920] =	vst v44;
	v44 =	vld [tilespmem:$0xB0];
	v49 =	vmul.f32 $5.000000000e-01, v62  }
0xe1: {  	[tilespmem:$0x1030] =	vst v46;
	v46 =	vld [tilespmem:$0x350];
	v45 =	vmax.f32 v63, $0.0e+00;
	v62 =	vmax.f32 v60, $0.0e+00;
	v60 =	vmul.f32 $2.560000000e+02, v55  }
0xe2: {  	[tilespmem:$0x1630] =	vst v50;
	v61 =	vmul.f32 $2.560000000e+02, v61;
	v51 =	vsub.f32 v52, v49;
	v45 =	vmul.f32 v62, v45  }
0xe3: {  	[tilespmem:$0x1040] =	vst v57;
	v49 =	vadd.f32 v49, v52;
	v52 =	vadd.f32 v53, v54;
	v53 =	vld [tilespmem:$0x5D0]  }
0xe4: {  	v62 =	vld [tilespmem:$0x860];
	v59 =	vadd.f32 $1.000000000e+00, v60;
	v61 =	vadd.f32 $1.000000000e+00, v61;
	[tilespmem:$0x1930] =	vst v45  }
0xe5: {  	v60 =	vld [tilespmem:$0xAE0];
	v63 =	vsub.f32 v49, v51;
	v50 =	vsub.f32 v52, v57;
	[tilespmem:$0x1C30] =	vst v44  }
0xe6: {  	vm11 =	vgt.f32 v44, $-5.000000000e+08;
	[tilespmem:$0xD40] =	vst v51;
	v46 =	vmul.f32 $1.024000000e+03, v46  }
0xe7: {  	v54 =	vld [tilespmem:$0xAF0];
	[tilespmem:$0x1340] =	vst v49;
	v48 =	vmul.f32 $5.000000000e-01, v61;
	v63 =	vmax.f32 v63, $0.0e+00;
	v58 =	vmax.f32 v50, $0.0e+00  }
0xe8: {  	v51 =	vld [tilespmem:$0x360];
	[tilespmem:$0x1640] =	vst v52;
	v45 =	vsel vm11, $0x1, v41;
	v50 =	vmul.f32 $5.000000000e-01, v59;
	v44 =	vmul.f32 v58, v63  }
0xe9: {  	vm12 =	vgt.f32 v47, $-5.000000000e+08;
	v55 =	vld [tilespmem:$0x5E0];
	[tilespmem:$0x2230] =	vst v45;
	v53 =	vmul.f32 $1.024000000e+03, v53;
	v62 =	vmul.f32 $2.560000000e+02, v62  }
0xea: {  	v45 =	vld [tilespmem:$0xD0];
	v49 =	vsub.f32 v46, v50;
	v63 =	vmul.f32 $2.560000000e+02, v60;
	v60 =	vsel vm12, $0x1, v41;
	[tilespmem:$0x1940] =	vst v44  }
0xeb: {  	v46 =	vadd.f32 v50, v46;
	v52 =	vsub.f32 v53, v48;
	[tilespmem:$0x2240] =	vst v60  }
0xec: {  	v56 =	vld [tilespmem:$0x870];
	v54 =	vmul.f32 $2.560000000e+02, v54;
	v48 =	vadd.f32 v48, v53;
	v50 =	vadd.f32 $1.000000000e+00, v62;
	[tilespmem:$0xD50] =	vst v49  }
0xed: {  	v51 =	vmul.f32 $1.024000000e+03, v51;
	v61 =	vsub.f32 v46, v49;
	v53 =	vadd.f32 $1.000000000e+00, v63;
	[tilespmem:$0x1350] =	vst v46  }
0xee: {  	v57 =	vld [tilespmem:$0x5F0];
	v60 =	vmul.f32 $1.024000000e+03, v55;
	v62 =	vsub.f32 v48, v52;
	v50 =	vmul.f32 $5.000000000e-01, v50;
	[tilespmem:$0x1050] =	vst v52  }
0xef: {  	v58 =	vld [tilespmem:$0x370];
	vm13 =	vgt.f32 v45, $-5.000000000e+08;
	[tilespmem:$0x1650] =	vst v48;
	v63 =	vmax.f32 v61, $0.0e+00;
	v53 =	vmul.f32 $5.000000000e-01, v53  }
0xf0: {  	[tilespmem:$0x1C50] =	vst v45;
	v47 =	vmax.f32 v62, $0.0e+00;
	v52 =	vsub.f32 v51, v50;
	v62 =	vsel vm13, $0x1, v41  }
0xf1: {  	v59 =	vadd.f32 $1.000000000e+00, v54;
	v61 =	vmul.f32 $2.560000000e+02, v56;
	v44 =	vmul.f32 v47, v63;
	[tilespmem:$0x2250] =	vst v62  }
0xf2: {  	v48 =	vld [tilespmem:$0xF0];
	v46 =	vsub.f32 v60, v53;
	v47 =	vadd.f32 v50, v51;
	[tilespmem:$0xD60] =	vst v52  }
0xf3: {  	v54 =	vmul.f32 $1.024000000e+03, v57;
	v63 =	vadd.f32 $1.000000000e+00, v61;
	v49 =	vadd.f32 v53, v60;
	v61 =	vld [tilespmem:$0x880];
	[tilespmem:$0x1950] =	vst v44  }
0xf4: {  	v53 =	vmul.f32 $1.024000000e+03, v58;
	v51 =	vmul.f32 $5.000000000e-01, v59;
	v44 =	vld [tilespmem:$0xE0];
	[tilespmem:$0x1060] =	vst v46  }
0xf5: {  	v60 =	vsub.f32 v47, v52;
	v50 =	vmul.f32 $5.000000000e-01, v63;
	v62 =	vsub.f32 v49, v46;
	v63 =	vld [tilespmem:$0xB00];
	[tilespmem:$0x1360] =	vst v47  }
0xf6: {  	v57 =	vsub.f32 v54, v51;
	v51 =	vadd.f32 v51, v54;
	v46 =	vld [tilespmem:$0x380];
	[tilespmem:$0x1660] =	vst v49  }
0xf7: {  	[tilespmem:$0x1C70] =	vst v48;
	v45 =	vmax.f32 v60, $0.0e+00;
	v52 =	vsub.f32 v53, v50;
	v50 =	vadd.f32 v50, v53  }
0xf8: {  	v59 =	vmax.f32 v62, $0.0e+00;
	v60 =	vsub.f32 v51, v57;
	[tilespmem:$0x1070] =	vst v57;
	v61 =	vmul.f32 $2.560000000e+02, v61  }
0xf9: {  	v53 =	vld [tilespmem:$0x600];
	[tilespmem:$0x1670] =	vst v51;
	v45 =	vmul.f32 v59, v45;
	v47 =	vsub.f32 v50, v52  }
0xfa: {  	v59 =	vmax.f32 v60, $0.0e+00;
	[tilespmem:$0xD70] =	vst v52;
	v62 =	vmul.f32 $2.560000000e+02, v63;
	v60 =	vadd.f32 $1.000000000e+00, v61;
	v61 =	vld [tilespmem:$0xB10]  }
0xfb: {  	[tilespmem:$0x1370] =	vst v50;
	vm14 =	vgt.f32 v44, $-5.000000000e+08;
	v63 =	vld [tilespmem:$0x890];
	v46 =	vmul.f32 $1.024000000e+03, v46  }
0xfc: {  	v52 =	vld [tilespmem:$0x390];
	[tilespmem:$0x1960] =	vst v45;
	v58 =	vmax.f32 v47, $0.0e+00;
	v62 =	vadd.f32 $1.000000000e+00, v62;
	v49 =	vmul.f32 $5.000000000e-01, v60  }
0xfd: {  	v55 =	vld [tilespmem:$0x610];
	vm15 =	vgt.f32 v48, $-5.000000000e+08;
	[tilespmem:$0x1C60] =	vst v44;
	v45 =	vsel vm14, $0x1, v41;
	v44 =	vmul.f32 v59, v58  }
0xfe: {  	[tilespmem:$0x2260] =	vst v45;
	v45 =	vld [tilespmem:$0x100];
	v53 =	vmul.f32 $1.024000000e+03, v53;
	v47 =	vmul.f32 $5.000000000e-01, v62;
	v50 =	vsub.f32 v46, v49  }
0xff: {  	v56 =	vld [tilespmem:$0x8A0];
	v46 =	vadd.f32 v49, v46;
	[tilespmem:$0x1970] =	vst v44;
	v60 =	vmul.f32 $2.560000000e+02, v61;
	v61 =	vsel vm15, $0x1, v41  }
0x100: {  	v63 =	vmul.f32 $2.560000000e+02, v63;
	v51 =	vsub.f32 v53, v47;
	v47 =	vadd.f32 v47, v53;
	[tilespmem:$0x2270] =	vst v61  }
0x101: {  	v54 =	vld [tilespmem:$0xB20];
	v52 =	vmul.f32 $1.024000000e+03, v52;
	v62 =	vsub.f32 v46, v50;
	[tilespmem:$0xD80] =	vst v50  }
0x102: {  	v61 =	vmul.f32 $1.024000000e+03, v55;
	[tilespmem:$0x1380] =	vst v46;
	v49 =	vadd.f32 $1.000000000e+00, v63;
	v63 =	vsub.f32 v47, v51  }
0x103: {  	vm4 =	vgt.f32 v45, $-5.000000000e+08;
	v53 =	vadd.f32 $1.000000000e+00, v60;
	[tilespmem:$0x1C80] =	vst v45;
	v60 =	vmax.f32 v62, $0.0e+00  }
0x104: {  	v58 =	vld [tilespmem:$0x3A0];
	[tilespmem:$0x1080] =	vst v51;
	v62 =	vmul.f32 $2.560000000e+02, v56;
	v49 =	vmul.f32 $5.000000000e-01, v49;
	v48 =	vmax.f32 v63, $0.0e+00  }
0x105: {  	v57 =	vld [tilespmem:$0x620];
	[tilespmem:$0x1680] =	vst v47;
	v53 =	vmul.f32 $5.000000000e-01, v53;
	v63 =	vsel vm4, $0x1, v41;
	v44 =	vmul.f32 v48, v60  }
0x106: {  	v54 =	vmul.f32 $2.560000000e+02, v54;
	v55 =	vld [tilespmem:$0x8B0];
	v59 =	vadd.f32 $1.000000000e+00, v62;
	v51 =	vsub.f32 v52, v49;
	[tilespmem:$0x2280] =	vst v63  }
0x107: {  	v47 =	vld [tilespmem:$0x120];
	v46 =	vsub.f32 v61, v53;
	v48 =	vadd.f32 v49, v52;
	[tilespmem:$0x1980] =	vst v44  }
0x108: {  	v56 =	vld [tilespmem:$0xB30];
	v60 =	vadd.f32 $1.000000000e+00, v54;
	v50 =	vadd.f32 v53, v61;
	[tilespmem:$0xD90] =	vst v51  }
0x109: {  	v53 =	vmul.f32 $1.024000000e+03, v58;
	v54 =	vld [tilespmem:$0xB50];
	v49 =	vmul.f32 $5.000000000e-01, v59;
	v62 =	vsub.f32 v48, v51;
	[tilespmem:$0x1090] =	vst v46  }
0x10a: {  	v61 =	vmul.f32 $1.024000000e+03, v57;
	v44 =	vld [tilespmem:$0x110];
	v52 =	vmul.f32 $5.000000000e-01, v60;
	v63 =	vsub.f32 v50, v46;
	[tilespmem:$0x1390] =	vst v48  }
0x10b: {  	v46 =	vld [tilespmem:$0x3B0];
	[tilespmem:$0x1690] =	vst v50;
	v51 =	vsub.f32 v53, v49;
	v49 =	vadd.f32 v49, v53;
	v45 =	vmax.f32 v62, $0.0e+00  }
0x10c: {  	[tilespmem:$0x1CA0] =	vst v47;
	v53 =	vld [tilespmem:$0x630];
	v57 =	vsub.f32 v61, v52;
	v60 =	vmax.f32 v63, $0.0e+00;
	v52 =	vadd.f32 v52, v61  }
0x10d: {  	v63 =	vmul.f32 $2.560000000e+02, v55;
	v55 =	vmul.f32 $2.560000000e+02, v56;
	v61 =	vsub.f32 v49, v51;
	[tilespmem:$0xDA0] =	vst v51  }
0x10e: {  	v56 =	vld [tilespmem:$0x8C0];
	v45 =	vmul.f32 v60, v45;
	[tilespmem:$0x13A0] =	vst v49;
	v54 =	vmul.f32 $2.560000000e+02, v54;
	v62 =	vsub.f32 v52, v57  }
0x10f: {  	v51 =	vld [tilespmem:$0x3C0];
	v59 =	vadd.f32 $1.000000000e+00, v55;
	[tilespmem:$0x10A0] =	vst v57;
	vm5 =	vgt.f32 v44, $-5.000000000e+08;
	v60 =	vmax.f32 v61, $0.0e+00  }
0x110: {  	[tilespmem:$0x1990] =	vst v45;
	v46 =	vmul.f32 $1.024000000e+03, v46;
	v61 =	vmax.f32 v62, $0.0e+00;
	v62 =	vadd.f32 $1.000000000e+00, v63;
	v63 =	vld [tilespmem:$0xB40]  }
0x111: {  	v55 =	vld [tilespmem:$0x640];
	[tilespmem:$0x1C90] =	vst v44;
	v45 =	vsel vm5, $0x1, v41;
	v53 =	vmul.f32 $1.024000000e+03, v53;
	v48 =	vmul.f32 $5.000000000e-01, v59  }
0x112: {  	vm6 =	vgt.f32 v47, $-5.000000000e+08;
	[tilespmem:$0x2290] =	vst v45;
	v44 =	vmul.f32 v61, v60;
	v45 =	vld [tilespmem:$0x130];
	v50 =	vmul.f32 $5.000000000e-01, v62  }
0x113: {  	[tilespmem:$0x16A0] =	vst v52;
	v60 =	vmul.f32 $2.560000000e+02, v56;
	v52 =	vsub.f32 v53, v48;
	v48 =	vadd.f32 v48, v53  }
0x114: {  	v56 =	vld [tilespmem:$0x8D0];
	v62 =	vsel vm6, $0x1, v41;
	[tilespmem:$0x19A0] =	vst v44;
	v49 =	vsub.f32 v46, v50;
	v46 =	vadd.f32 v50, v46  }
0x115: {  	v51 =	vmul.f32 $1.024000000e+03, v51;
	[tilespmem:$0x22A0] =	vst v62;
	v50 =	vadd.f32 $1.000000000e+00, v60;
	v61 =	vmul.f32 $2.560000000e+02, v63  }
0x116: {  	v57 =	vld [tilespmem:$0x650];
	v62 =	vmul.f32 $1.024000000e+03, v55;
	v60 =	vsub.f32 v48, v52;
	[tilespmem:$0x10B0] =	vst v52;
	v63 =	vsub.f32 v46, v49  }
0x117: {  	v58 =	vld [tilespmem:$0x3D0];
	[tilespmem:$0x16B0] =	vst v48;
	vm7 =	vgt.f32 v45, $-5.000000000e+08;
	v50 =	vmul.f32 $5.000000000e-01, v50;
	v53 =	vadd.f32 $1.000000000e+00, v61  }
0x118: {  	v55 =	vld [tilespmem:$0x8E0];
	[tilespmem:$0xDB0] =	vst v49;
	v47 =	vmax.f32 v60, $0.0e+00;
	v59 =	vsel vm7, $0x1, v41;
	v61 =	vmax.f32 v63, $0.0e+00  }
0x119: {  	[tilespmem:$0x13B0] =	vst v46;
	v52 =	vsub.f32 v51, v50;
	v63 =	vmul.f32 $2.560000000e+02, v56;
	v53 =	vmul.f32 $5.000000000e-01, v53  }
0x11a: {  	[tilespmem:$0x1CB0] =	vst v45;
	v44 =	vmul.f32 v47, v61;
	v47 =	vadd.f32 v50, v51;
	v61 =	vadd.f32 $1.000000000e+00, v54  }
0x11b: {  	[tilespmem:$0x22B0] =	vst v59;
	v54 =	vmul.f32 $1.024000000e+03, v57;
	v60 =	vadd.f32 $1.000000000e+00, v63;
	v46 =	vsub.f32 v62, v53  }
0x11c: {  	[tilespmem:$0x19B0] =	vst v44;
	v44 =	vld [tilespmem:$0x140];
	v49 =	vadd.f32 v53, v62;
	v53 =	vmul.f32 $1.024000000e+03, v58;
	v51 =	vmul.f32 $5.000000000e-01, v61  }
0x11d: {  	[tilespmem:$0xDC0] =	vst v52;
	v62 =	vsub.f32 v47, v52;
	v58 =	vmul.f32 $2.560000000e+02, v55;
	v50 =	vmul.f32 $5.000000000e-01, v60;
	v60 =	vld [tilespmem:$0xB60]  }
0x11e: {  	v63 =	vsub.f32 v49, v46;
	v57 =	vsub.f32 v54, v51;
	[tilespmem:$0x10C0] =	vst v46;
	v46 =	vld [tilespmem:$0x3E0]  }
0x11f: {  	[tilespmem:$0x13C0] =	vst v47;
	v56 =	vadd.f32 $1.000000000e+00, v58;
	v58 =	vld [tilespmem:$0xB70];
	v52 =	vsub.f32 v53, v50  }
0x120: {  	v45 =	vmax.f32 v62, $0.0e+00;
	[tilespmem:$0x16C0] =	vst v49;
	v48 =	vadd.f32 v50, v53;
	v50 =	vadd.f32 v51, v54;
	v51 =	vld [tilespmem:$0x660]  }
0x121: {  	v61 =	vmax.f32 v63, $0.0e+00;
	v49 =	vmul.f32 $5.000000000e-01, v56;
	[tilespmem:$0x10D0] =	vst v57;
	v56 =	vld [tilespmem:$0x160];
	vm8 =	vgt.f32 v44, $-5.000000000e+08  }
0x122: {  	v45 =	vmul.f32 v61, v45;
	v62 =	vsub.f32 v48, v52;
	[tilespmem:$0xDD0] =	vst v52;
	v52 =	vld [tilespmem:$0x3F0];
	v61 =	vmul.f32 $2.560000000e+02, v60  }
0x123: {  	v63 =	vsub.f32 v50, v57;
	[tilespmem:$0x1CC0] =	vst v44;
	v59 =	vsel vm8, $0x1, v41;
	v60 =	vld [tilespmem:$0x8F0]  }
0x124: {  	[tilespmem:$0x22C0] =	vst v59;
	v59 =	vld [tilespmem:$0x150];
	v46 =	vmul.f32 $1.024000000e+03, v46;
	v61 =	vadd.f32 $1.000000000e+00, v61  }
0x125: {  	[tilespmem:$0x13D0] =	vst v48;
	v62 =	vmax.f32 v62, $0.0e+00;
	v63 =	vmax.f32 v63, $0.0e+00;
	v51 =	vmul.f32 $1.024000000e+03, v51  }
0x126: {  	[tilespmem:$0x16D0] =	vst v50;
	v48 =	vsub.f32 v46, v49;
	v46 =	vadd.f32 v49, v46;
	v49 =	vld [tilespmem:$0x670];
	v47 =	vmul.f32 $5.000000000e-01, v61  }
0x127: {  	v53 =	vld [tilespmem:$0x900];
	[tilespmem:$0x19C0] =	vst v45;
	v44 =	vmul.f32 v63, v62;
	v63 =	vmul.f32 $2.560000000e+02, v58;
	vm10 =	vgt.f32 v56, $-5.000000000e+08  }
0x128: {  	v55 =	vld [tilespmem:$0xB80];
	[tilespmem:$0x1CE0] =	vst v56;
	v45 =	vmul.f32 $1.024000000e+03, v52;
	v62 =	vmul.f32 $2.560000000e+02, v60;
	v50 =	vsub.f32 v51, v47  }
0x129: {  	[tilespmem:$0x19D0] =	vst v44;
	v47 =	vadd.f32 v47, v51;
	vm9 =	vgt.f32 v59, $-5.000000000e+08;
	v51 =	vadd.f32 $1.000000000e+00, v63  }
0x12a: {  	v60 =	vsub.f32 v46, v48;
	[tilespmem:$0xDE0] =	vst v48;
	v54 =	vadd.f32 $1.000000000e+00, v62;
	v61 =	vsel vm9, $0x1, v41  }
0x12b: {  	[tilespmem:$0x13E0] =	vst v46;
	v62 =	vsub.f32 v47, v50;
	v49 =	vmul.f32 $1.024000000e+03, v49;
	v51 =	vmul.f32 $5.000000000e-01, v51  }
0x12c: {  	v44 =	vmax.f32 v60, $0.0e+00;
	[tilespmem:$0x22D0] =	vst v61;
	v61 =	vmul.f32 $2.560000000e+02, v53;
	v52 =	vmul.f32 $5.000000000e-01, v54;
	v54 =	vld [tilespmem:$0x400]  }
0x12d: {  	[tilespmem:$0x1CD0] =	vst v59;
	v60 =	vld [tilespmem:$0x680];
	v63 =	vmax.f32 v62, $0.0e+00;
	v46 =	vsub.f32 v49, v51;
	v62 =	vmul.f32 $2.560000000e+02, v55  }
0x12e: {  	[tilespmem:$0x16E0] =	vst v47;
	v47 =	vadd.f32 v51, v49;
	v58 =	vadd.f32 $1.000000000e+00, v61;
	v51 =	vld [tilespmem:$0x170];
	v44 =	vmul.f32 v63, v44  }
0x12f: {  	[tilespmem:$0x10E0] =	vst v50;
	v61 =	vld [tilespmem:$0x910];
	v48 =	vsub.f32 v45, v52;
	v45 =	vadd.f32 v52, v45;
	v63 =	vsel vm10, $0x1, v41  }
0x130: {  	v59 =	vadd.f32 $1.000000000e+00, v62;
	[tilespmem:$0x22E0] =	vst v63  }
0x131: {  	v49 =	vmul.f32 $5.000000000e-01, v58;
	v63 =	vld [tilespmem:$0xB90];
	[tilespmem:$0x10F0] =	vst v46;
	v52 =	vsub.f32 v45, v48;
	v53 =	vmul.f32 $1.024000000e+03, v54  }
0x132: {  	[tilespmem:$0x16F0] =	vst v47;
	v54 =	vmul.f32 $1.024000000e+03, v60;
	v50 =	vmul.f32 $5.000000000e-01, v59  }
0x133: {  	[tilespmem:$0x19E0] =	vst v44;
	v60 =	vsub.f32 v47, v46;
	v62 =	vmax.f32 v52, $0.0e+00;
	vm11 =	vgt.f32 v51, $-5.000000000e+08  }
0x134: {  	[tilespmem:$0xDF0] =	vst v48;
	v47 =	vld [tilespmem:$0x410];
	v61 =	vmul.f32 $2.560000000e+02, v61;
	v46 =	vsub.f32 v53, v49;
	v56 =	vsub.f32 v54, v50  }
0x135: {  	[tilespmem:$0x13F0] =	vst v45;
	v45 =	vld [tilespmem:$0x180];
	v44 =	vmax.f32 v60, $0.0e+00;
	v48 =	vadd.f32 v49, v53;
	v49 =	vadd.f32 v50, v54  }
0x136: {  	[tilespmem:$0x1CF0] =	vst v51;
	v53 =	vld [tilespmem:$0x690];
	v44 =	vmul.f32 v44, v62;
	v62 =	vsel vm11, $0x1, v41;
	v52 =	vmul.f32 $2.560000000e+02, v63  }
0x137: {  	v63 =	vld [tilespmem:$0x920];
	v60 =	vsub.f32 v48, v46;
	v50 =	vsub.f32 v49, v56;
	[tilespmem:$0x22F0] =	vst v62  }
0x138: {  	v58 =	vld [tilespmem:$0xBA0];
	v57 =	vadd.f32 $1.000000000e+00, v61;
	[tilespmem:$0xE00] =	vst v46;
	v59 =	vadd.f32 $1.000000000e+00, v52  }
0x139: {  	[tilespmem:$0x19F0] =	vst v44;
	v47 =	vmul.f32 $1.024000000e+03, v47;
	v44 =	vmax.f32 v60, $0.0e+00;
	v50 =	vmax.f32 v50, $0.0e+00  }
0x13a: {  	v51 =	vld [tilespmem:$0x420];
	[tilespmem:$0x1100] =	vst v56;
	v60 =	vmul.f32 $5.000000000e-01, v57;
	v44 =	vmul.f32 v50, v44  }
0x13b: {  	vm12 =	vgt.f32 v45, $-5.000000000e+08;
	[tilespmem:$0x1D00] =	vst v45;
	v45 =	vld [tilespmem:$0x190];
	v61 =	vmul.f32 $1.024000000e+03, v53;
	v46 =	vmul.f32 $5.000000000e-01, v59  }
0x13c: {  	[tilespmem:$0x1700] =	vst v49;
	v50 =	vld [tilespmem:$0x6A0];
	v49 =	vsub.f32 v47, v60;
	v47 =	vadd.f32 v60, v47;
	v62 =	vmul.f32 $2.560000000e+02, v63  }
0x13d: {  	v53 =	vld [tilespmem:$0x930];
	v63 =	vmul.f32 $2.560000000e+02, v58;
	[tilespmem:$0x1A00] =	vst v44;
	v44 =	vsub.f32 v61, v46;
	v46 =	vadd.f32 v46, v61  }
0x13e: {  	v55 =	vld [tilespmem:$0xBB0];
	[tilespmem:$0x1400] =	vst v48;
	v60 =	vsel vm12, $0x1, v41;
	v61 =	vsub.f32 v47, v49;
	v52 =	vadd.f32 $1.000000000e+00, v62  }
0x13f: {  	v51 =	vmul.f32 $1.024000000e+03, v51;
	[tilespmem:$0x2300] =	vst v60;
	v48 =	vadd.f32 $1.000000000e+00, v63;
	v62 =	vsub.f32 v46, v44  }
0x140: {  	v54 =	vld [tilespmem:$0x430];
	vm13 =	vgt.f32 v45, $-5.000000000e+08;
	[tilespmem:$0x1D10] =	vst v45;
	v63 =	vmax.f32 v61, $0.0e+00;
	v52 =	vmul.f32 $5.000000000e-01, v52  }
0x141: {  	v45 =	vld [tilespmem:$0x1A0];
	[tilespmem:$0xE10] =	vst v49;
	v50 =	vmul.f32 $1.024000000e+03, v50;
	v48 =	vmul.f32 $5.000000000e-01, v48;
	v60 =	vmax.f32 v62, $0.0e+00  }
0x142: {  	[tilespmem:$0x1110] =	vst v44;
	v61 =	vld [tilespmem:$0x6B0];
	v62 =	vmul.f32 $2.560000000e+02, v53;
	v44 =	vmul.f32 v60, v63  }
0x143: {  	[tilespmem:$0x1410] =	vst v47;
	v47 =	vsub.f32 v51, v52;
	v49 =	vadd.f32 v52, v51;
	v63 =	vmul.f32 $2.560000000e+02, v55  }
0x144: {  	[tilespmem:$0x1710] =	vst v46;
	v46 =	vsub.f32 v50, v48;
	v58 =	vadd.f32 $1.000000000e+00, v62  }
0x145: {  	v57 =	vsel vm13, $0x1, v41;
	v51 =	vld [tilespmem:$0x940];
	[tilespmem:$0x1A10] =	vst v44;
	v44 =	vadd.f32 v48, v50;
	v59 =	vadd.f32 $1.000000000e+00, v63  }
0x146: {  	[tilespmem:$0x2310] =	vst v57;
	v53 =	vmul.f32 $1.024000000e+03, v54;
	v48 =	vsub.f32 v49, v47;
	v62 =	vmul.f32 $5.000000000e-01, v58;
	v58 =	vld [tilespmem:$0xBC0]  }
0x147: {  	[tilespmem:$0x1D20] =	vst v45;
	v61 =	vmul.f32 $1.024000000e+03, v61;
	v60 =	vsub.f32 v44, v46;
	v63 =	vmul.f32 $5.000000000e-01, v59  }
0x148: {  	[tilespmem:$0x1720] =	vst v44;
	v59 =	vsub.f32 v53, v62;
	v44 =	vadd.f32 v62, v53;
	v62 =	vld [tilespmem:$0x6C0]  }
0x149: {  	[tilespmem:$0xE20] =	vst v47;
	v57 =	vmax.f32 v60, $0.0e+00;
	v60 =	vsub.f32 v61, v63;
	v47 =	vadd.f32 v63, v61;
	v61 =	vld [tilespmem:$0x440]  }
0x14a: {  	[tilespmem:$0x1120] =	vst v46;
	v56 =	vmax.f32 v48, $0.0e+00;
	v51 =	vmul.f32 $2.560000000e+02, v51  }
0x14b: {  	v46 =	vmul.f32 v57, v56;
	[tilespmem:$0xE30] =	vst v59;
	v52 =	vmul.f32 $2.560000000e+02, v58  }
0x14c: {  	vm14 =	vgt.f32 v45, $-5.000000000e+08;
	v53 =	vsub.f32 v44, v59;
	v59 =	vadd.f32 $1.000000000e+00, v51;
	[tilespmem:$0x1130] =	vst v60  }
0x14d: {  	v45 =	vld [tilespmem:$0x1B0];
	v54 =	vsub.f32 v47, v60;
	[tilespmem:$0x1A20] =	vst v46;
	v60 =	vadd.f32 $1.000000000e+00, v52;
	v46 =	vmul.f32 $1.024000000e+03, v62  }
0x14e: {  	[tilespmem:$0x2E00] =	vst v0;
	v50 =	vld [tilespmem:$0x950];
	v63 =	vsel vm14, $0x1, v41;
	v62 =	vmul.f32 $5.000000000e-01, v59;
	v61 =	vmul.f32 $1.024000000e+03, v61  }
0x14f: {  	[tilespmem:$0x2320] =	vst v63;
	v56 =	vld [tilespmem:$0xBD0];
	v57 =	vmax.f32 v53, $0.0e+00;
	v58 =	vmax.f32 v54, $0.0e+00;
	v63 =	vmul.f32 $5.000000000e-01, v60  }
0x150: {  	[tilespmem:$0x1430] =	vst v44;
	v48 =	vmul.f32 v58, v57;
	v60 =	vld [tilespmem:$0x450];
	v58 =	vsub.f32 v61, v62;
	v44 =	vadd.f32 v62, v61  }
0x151: {  	[tilespmem:$0x1420] =	vst v49;
	v59 =	vsub.f32 v46, v63;
	v46 =	vadd.f32 v63, v46;
	v63 =	vld [tilespmem:$0x6D0]  }
0x152: {  	vm15 =	vgt.f32 v45, $-5.000000000e+08;
	[tilespmem:$0x1D30] =	vst v45  }
0x153: {  	v45 =	vld [tilespmem:$0x1C0];
	v50 =	vmul.f32 $2.560000000e+02, v50;
	[tilespmem:$0x1730] =	vst v47;
	v57 =	vsel vm15, $0x1, v41;
	v61 =	vsub.f32 v44, v58  }
0x154: {  	[tilespmem:$0x2330] =	vst v57;
	v55 =	vmul.f32 $2.560000000e+02, v56  }
0x155: {  	v50 =	vadd.f32 $1.000000000e+00, v50;
	[tilespmem:$0xE40] =	vst v58;
	v62 =	vsub.f32 v46, v59;
	v56 =	vmax.f32 v61, $0.0e+00;
	v61 =	vld [tilespmem:$0x960]  }
0x156: {  	[tilespmem:$0x1440] =	vst v44;
	v44 =	vadd.f32 $1.000000000e+00, v55;
	v58 =	vmul.f32 $1.024000000e+03, v60;
	v60 =	vmul.f32 $1.024000000e+03, v63;
	v63 =	vld [tilespmem:$0xBE0]  }
0x157: {  	v55 =	vld [tilespmem:$0x1D0];
	[tilespmem:$0x1140] =	vst v59;
	v59 =	vmul.f32 $5.000000000e-01, v50;
	v57 =	vmax.f32 v62, $0.0e+00  }
0x158: {  	vm4 =	vgt.f32 v45, $-5.000000000e+08;
	[tilespmem:$0x1A30] =	vst v48;
	v44 =	vmul.f32 $5.000000000e-01, v44;
	v48 =	vmul.f32 v57, v56;
	v56 =	vld [tilespmem:$0x460]  }
0x159: {  	[tilespmem:$0x1740] =	vst v46;
	v62 =	vsel vm4, $0x1, v41;
	v50 =	vsub.f32 v58, v59;
	v46 =	vadd.f32 v59, v58;
	v57 =	vld [tilespmem:$0x6E0]  }
0x15a: {  	[tilespmem:$0x2340] =	vst v62;
	v54 =	vsub.f32 v60, v44;
	v44 =	vadd.f32 v44, v60;
	v49 =	vmul.f32 $2.560000000e+02, v61  }
0x15b: {  	v62 =	vld [tilespmem:$0x970];
	[tilespmem:$0x1450] =	vst v46;
	v46 =	vsub.f32 v46, v50;
	v51 =	vmul.f32 $2.560000000e+02, v63  }
0x15c: {  	[tilespmem:$0x1D40] =	vst v45;
	vm5 =	vgt.f32 v55, $-5.000000000e+08;
	v45 =	vsub.f32 v44, v54;
	v49 =	vadd.f32 $1.000000000e+00, v49  }
0x15d: {  	[tilespmem:$0x1D50] =	vst v55;
	v55 =	vld [tilespmem:$0xBF0];
	v46 =	vmax.f32 v46, $0.0e+00;
	v59 =	vmul.f32 $1.024000000e+03, v56;
	v58 =	vadd.f32 $1.000000000e+00, v51  }
0x15e: {  	[tilespmem:$0x1A40] =	vst v48;
	v61 =	vmul.f32 $1.024000000e+03, v57;
	v45 =	vmax.f32 v45, $0.0e+00;
	v60 =	vmul.f32 $5.000000000e-01, v49  }
0x15f: {  	[tilespmem:$0x1150] =	vst v54;
	v57 =	vld [tilespmem:$0x1E0];
	v45 =	vmul.f32 v45, v46;
	v46 =	vmul.f32 $5.000000000e-01, v58  }
0x160: {  	[tilespmem:$0x1750] =	vst v44;
	v49 =	vmul.f32 $2.560000000e+02, v62;
	v54 =	vsub.f32 v59, v60;
	v44 =	vadd.f32 v60, v59;
	v58 =	vld [tilespmem:$0x470]  }
0x161: {  	[tilespmem:$0x1A50] =	vst v45;
	v59 =	vld [tilespmem:$0x6F0];
	v56 =	vsub.f32 v61, v46;
	v45 =	vadd.f32 v46, v61  }
0x162: {  	v51 =	vmul.f32 $2.560000000e+02, v55;
	v49 =	vadd.f32 $1.000000000e+00, v49;
	[tilespmem:$0xE60] =	vst v54  }
0x163: {  	v63 =	vsel vm5, $0x1, v41;
	[tilespmem:$0x1460] =	vst v44;
	v44 =	vsub.f32 v44, v54;
	v54 =	vld [tilespmem:$0x980];
	v47 =	vsub.f32 v45, v56  }
0x164: {  	[tilespmem:$0x2350] =	vst v63;
	v60 =	vadd.f32 $1.000000000e+00, v51;
	vm6 =	vgt.f32 v57, $-5.000000000e+08;
	v62 =	vmul.f32 $5.000000000e-01, v49  }
0x165: {  	[tilespmem:$0x1D60] =	vst v57;
	v57 =	vld [tilespmem:$0xC00];
	v44 =	vmax.f32 v44, $0.0e+00;
	v61 =	vmul.f32 $1.024000000e+03, v58;
	v47 =	vmax.f32 v47, $0.0e+00  }
0x166: {  	[tilespmem:$0x1160] =	vst v56;
	v63 =	vmul.f32 $1.024000000e+03, v59;
	v59 =	vld [tilespmem:$0x1F0];
	v44 =	vmul.f32 v47, v44  }
0x167: {  	[tilespmem:$0x1760] =	vst v45;
	v47 =	vmul.f32 $5.000000000e-01, v60;
	v56 =	vsub.f32 v61, v62;
	v60 =	vld [tilespmem:$0x480]  }
0x168: {  	v45 =	vadd.f32 v62, v61;
	v61 =	vld [tilespmem:$0x700];
	v49 =	vmul.f32 $2.560000000e+02, v54;
	[tilespmem:$0x1A60] =	vst v44  }
0x169: {  	v58 =	vsub.f32 v63, v47;
	v44 =	vadd.f32 v47, v63;
	[tilespmem:$0xE70] =	vst v56  }
0x16a: {  	v51 =	vmul.f32 $2.560000000e+02, v57;
	[tilespmem:$0x1470] =	vst v45;
	v45 =	vsub.f32 v45, v56;
	v49 =	vadd.f32 $1.000000000e+00, v49;
	v56 =	vld [tilespmem:$0x990]  }
0x16b: {  	v55 =	vsel vm6, $0x1, v41;
	vm7 =	vgt.f32 v59, $-5.000000000e+08;
	[tilespmem:$0x1D70] =	vst v59;
	v59 =	vld [tilespmem:$0xC10];
	v48 =	vsub.f32 v44, v58  }
0x16c: {  	[tilespmem:$0x3100] =	vst v0;
	v62 =	vadd.f32 $1.000000000e+00, v51;
	v45 =	vmax.f32 v45, $0.0e+00;
	v54 =	vmul.f32 $5.000000000e-01, v49  }
0x16d: {  	[tilespmem:$0x2360] =	vst v55;
	v63 =	vmul.f32 $1.024000000e+03, v60;
	v55 =	vmul.f32 $1.024000000e+03, v61;
	v61 =	vld [tilespmem:$0x200];
	v48 =	vmax.f32 v48, $0.0e+00  }
0x16e: {  	[tilespmem:$0x1170] =	vst v58;
	v45 =	vmul.f32 v48, v45;
	v48 =	vmul.f32 $5.000000000e-01, v62;
	v62 =	vld [tilespmem:$0x490]  }
0x16f: {  	[tilespmem:$0x1770] =	vst v44;
	v58 =	vsub.f32 v63, v54;
	v44 =	vadd.f32 v54, v63;
	v63 =	vld [tilespmem:$0x710];
	v49 =	vmul.f32 $2.560000000e+02, v56  }
0x170: {  	v51 =	vmul.f32 $2.560000000e+02, v59;
	[tilespmem:$0x1A70] =	vst v45;
	v60 =	vsub.f32 v55, v48;
	v45 =	vadd.f32 v48, v55  }
0x171: {  	[tilespmem:$0x1480] =	vst v44;
	v44 =	vsub.f32 v44, v58;
	v49 =	vadd.f32 $1.000000000e+00, v49  }
0x172: {  	v57 =	vsel vm7, $0x1, v41;
	[tilespmem:$0xE80] =	vst v58;
	v58 =	vld [tilespmem:$0x9A0];
	v54 =	vadd.f32 $1.000000000e+00, v51;
	v46 =	vsub.f32 v45, v60  }
0x173: {  	vm8 =	vgt.f32 v61, $-5.000000000e+08;
	[tilespmem:$0x1D80] =	vst v61;
	v61 =	vld [tilespmem:$0xC20];
	v44 =	vmax.f32 v44, $0.0e+00;
	v56 =	vmul.f32 $5.000000000e-01, v49  }
0x174: {  	[tilespmem:$0x2370] =	vst v57;
	v55 =	vmul.f32 $1.024000000e+03, v62;
	v57 =	vmul.f32 $1.024000000e+03, v63;
	v46 =	vmax.f32 v46, $0.0e+00  }
0x175: {  	[tilespmem:$0x1180] =	vst v60;
	v63 =	vld [tilespmem:$0x210];
	v44 =	vmul.f32 v46, v44;
	v46 =	vmul.f32 $5.000000000e-01, v54  }
0x176: {  	[tilespmem:$0x1780] =	vst v45;
	v60 =	vsub.f32 v55, v56;
	v45 =	vadd.f32 v56, v55;
	v54 =	vld [tilespmem:$0x4A0]  }
0x177: {  	v55 =	vld [tilespmem:$0x720];
	v49 =	vmul.f32 $2.560000000e+02, v58;
	[tilespmem:$0x1A80] =	vst v44;
	v62 =	vsub.f32 v57, v46;
	v44 =	vadd.f32 v46, v57  }
0x178: {  	v51 =	vmul.f32 $2.560000000e+02, v61;
	[tilespmem:$0x1490] =	vst v45;
	v45 =	vsub.f32 v45, v60  }
0x179: {  	v59 =	vsel vm8, $0x1, v41;
	[tilespmem:$0xE90] =	vst v60;
	v49 =	vadd.f32 $1.000000000e+00, v49;
	v60 =	vld [tilespmem:$0x9B0];
	v47 =	vsub.f32 v44, v62  }
0x17a: {  	v56 =	vadd.f32 $1.000000000e+00, v51;
	vm9 =	vgt.f32 v63, $-5.000000000e+08;
	[tilespmem:$0x1D90] =	vst v63;
	v63 =	vld [tilespmem:$0xC30];
	v45 =	vmax.f32 v45, $0.0e+00  }
0x17b: {  	[tilespmem:$0x2380] =	vst v59;
	v58 =	vmul.f32 $5.000000000e-01, v49;
	v57 =	vmul.f32 $1.024000000e+03, v54;
	v47 =	vmax.f32 v47, $0.0e+00  }
0x17c: {  	[tilespmem:$0x1190] =	vst v62;
	v59 =	vmul.f32 $1.024000000e+03, v55;
	v55 =	vld [tilespmem:$0x220];
	v45 =	vmul.f32 v47, v45  }
0x17d: {  	[tilespmem:$0x1790] =	vst v44;
	v47 =	vmul.f32 $5.000000000e-01, v56;
	v62 =	vsub.f32 v57, v58;
	v44 =	vadd.f32 v58, v57;
	v57 =	vld [tilespmem:$0x730]  }
0x17e: {  	v56 =	vld [tilespmem:$0x4B0];
	v49 =	vmul.f32 $2.560000000e+02, v60;
	[tilespmem:$0x1A90] =	vst v45  }
0x17f: {  	v51 =	vmul.f32 $2.560000000e+02, v63;
	v54 =	vsub.f32 v59, v47;
	v45 =	vadd.f32 v47, v59;
	[tilespmem:$0xEA0] =	vst v62  }
0x180: {  	v61 =	vsel vm9, $0x1, v41;
	[tilespmem:$0x14A0] =	vst v44;
	v44 =	vsub.f32 v44, v62;
	v49 =	vadd.f32 $1.000000000e+00, v49;
	v62 =	vld [tilespmem:$0x9C0]  }
0x181: {  	v58 =	vadd.f32 $1.000000000e+00, v51;
	vm10 =	vgt.f32 v55, $-5.000000000e+08;
	[tilespmem:$0x1DA0] =	vst v55;
	v55 =	vld [tilespmem:$0xC40];
	v48 =	vsub.f32 v45, v54  }
0x182: {  	[tilespmem:$0x2390] =	vst v61;
	v44 =	vmax.f32 v44, $0.0e+00;
	v63 =	vsel vm10, $0x1, v41;
	v61 =	vmul.f32 $1.024000000e+03, v57;
	v57 =	vld [tilespmem:$0x230]  }
0x183: {  	v60 =	vmul.f32 $5.000000000e-01, v49;
	v59 =	vmul.f32 $1.024000000e+03, v56;
	[tilespmem:$0x23A0] =	vst v63;
	v63 =	vld [tilespmem:$0x9D0];
	v48 =	vmax.f32 v48, $0.0e+00  }
0x184: {  	[tilespmem:$0x11A0] =	vst v54;
	v44 =	vmul.f32 v48, v44;
	v48 =	vmul.f32 $5.000000000e-01, v58;
	v58 =	vld [tilespmem:$0x4C0]  }
0x185: {  	[tilespmem:$0x17A0] =	vst v45;
	v54 =	vsub.f32 v59, v60;
	v45 =	vadd.f32 v60, v59;
	v59 =	vld [tilespmem:$0x740];
	v49 =	vmul.f32 $2.560000000e+02, v62  }
0x186: {  	v51 =	vmul.f32 $2.560000000e+02, v55;
	[tilespmem:$0x1AA0] =	vst v44;
	v56 =	vsub.f32 v61, v48;
	v44 =	vadd.f32 v48, v61  }
0x187: {  	[tilespmem:$0x14B0] =	vst v45;
	v45 =	vsub.f32 v45, v54;
	v49 =	vadd.f32 $1.000000000e+00, v49  }
0x188: {  	[tilespmem:$0xE50] =	vst v50;
	v60 =	vadd.f32 $1.000000000e+00, v51;
	vm11 =	vgt.f32 v57, $-5.000000000e+08;
	v46 =	vsub.f32 v44, v56  }
0x189: {  	[tilespmem:$0x1DB0] =	vst v57;
	v57 =	vld [tilespmem:$0xC50];
	v45 =	vmax.f32 v45, $0.0e+00;
	v62 =	vmul.f32 $5.000000000e-01, v49;
	v49 =	vmul.f32 $2.560000000e+02, v63  }
0x18a: {  	[tilespmem:$0xEB0] =	vst v54;
	v63 =	vld [tilespmem:$0x750];
	v61 =	vmul.f32 $1.024000000e+03, v58;
	v54 =	vmul.f32 $1.024000000e+03, v59;
	v46 =	vmax.f32 v46, $0.0e+00  }
0x18b: {  	[tilespmem:$0x11B0] =	vst v56;
	v58 =	vld [tilespmem:$0x240];
	v45 =	vmul.f32 v46, v45;
	v46 =	vmul.f32 $5.000000000e-01, v60  }
0x18c: {  	[tilespmem:$0x17B0] =	vst v44;
	v56 =	vsub.f32 v61, v62;
	v44 =	vadd.f32 v62, v61  }
0x18d: {  	v61 =	vld [tilespmem:$0x4D0];
	[tilespmem:$0x1AB0] =	vst v45;
	v59 =	vsub.f32 v54, v46  }
0x18e: {  	v55 =	vsel vm11, $0x1, v41;
	v45 =	vadd.f32 v46, v54;
	[tilespmem:$0xEC0] =	vst v56;
	v60 =	vsub.f32 v44, v56;
	v56 =	vld [tilespmem:$0x9E0]  }
0x18f: {  	[tilespmem:$0x23B0] =	vst v55;
	v49 =	vadd.f32 $1.000000000e+00, v49;
	v48 =	vmul.f32 $2.560000000e+02, v57;
	v46 =	vmul.f32 $1.024000000e+03, v63;
	v63 =	vld [tilespmem:$0x250]  }
0x190: {  	vm12 =	vgt.f32 v58, $-5.000000000e+08;
	[tilespmem:$0x1DC0] =	vst v58;
	v58 =	vld [tilespmem:$0xC60];
	v51 =	vsub.f32 v45, v59  }
0x191: {  	v49 =	vmul.f32 $5.000000000e-01, v49;
	[tilespmem:$0x14C0] =	vst v44;
	v48 =	vadd.f32 $1.000000000e+00, v48  }
0x192: {  	[tilespmem:$0x11C0] =	vst v59;
	v62 =	vmax.f32 v60, $0.0e+00;
	v54 =	vmul.f32 $1.024000000e+03, v61;
	v51 =	vmax.f32 v51, $0.0e+00  }
0x193: {  	[tilespmem:$0x17C0] =	vst v45;
	v55 =	vsel vm12, $0x1, v41;
	v48 =	vmul.f32 $5.000000000e-01, v48;
	v61 =	vld [tilespmem:$0x4E0];
	v44 =	vmul.f32 v51, v62  }
0x194: {  	[tilespmem:$0x23C0] =	vst v55;
	v57 =	vsub.f32 v54, v49;
	v59 =	vadd.f32 v49, v54;
	v62 =	vld [tilespmem:$0x760];
	v50 =	vmul.f32 $2.560000000e+02, v56  }
0x195: {  	v60 =	vsub.f32 v46, v48;
	v46 =	vadd.f32 v48, v46;
	[tilespmem:$0x1DD0] =	vst v63;
	v51 =	vmul.f32 $2.560000000e+02, v58  }
0x196: {  	[tilespmem:$0x1AC0] =	vst v44;
	v44 =	vsub.f32 v59, v57;
	v53 =	vadd.f32 $1.000000000e+00, v50  }
0x197: {  	vm13 =	vgt.f32 v63, $-5.000000000e+08;
	v63 =	vld [tilespmem:$0x260];
	[tilespmem:$0xED0] =	vst v57;
	v45 =	vsub.f32 v46, v60;
	v54 =	vadd.f32 $1.000000000e+00, v51  }
0x198: {  	[tilespmem:$0x11D0] =	vst v60;
	v60 =	vld [tilespmem:$0x9F0];
	v55 =	vmul.f32 $1.024000000e+03, v61;
	v44 =	vmax.f32 v44, $0.0e+00;
	v57 =	vmul.f32 $5.000000000e-01, v53  }
0x199: {  	[tilespmem:$0x20F0] =	vst v40;
	v45 =	vmax.f32 v45, $0.0e+00;
	v56 =	vmul.f32 $1.024000000e+03, v62;
	v58 =	vmul.f32 $5.000000000e-01, v54;
	v62 =	vld [tilespmem:$0xC70]  }
0x19a: {  	[tilespmem:$0x14D0] =	vst v59;
	v44 =	vmul.f32 v45, v44;
	v54 =	vld [tilespmem:$0x4F0]  }
0x19b: {  	[tilespmem:$0x17D0] =	vst v46;
	v61 =	vsub.f32 v55, v57;
	v50 =	vsub.f32 v56, v58  }
0x19c: {  	v59 =	vsel vm13, $0x1, v41;
	[tilespmem:$0x1AD0] =	vst v44;
	v44 =	vadd.f32 v57, v55;
	v45 =	vadd.f32 v58, v56  }
0x19d: {  	[tilespmem:$0x23D0] =	vst v59;
	vm14 =	vgt.f32 v63, $-5.000000000e+08;
	v55 =	vld [tilespmem:$0x770];
	v49 =	vmul.f32 $2.560000000e+02, v60  }
0x19e: {  	[tilespmem:$0x1DE0] =	vst v63;
	v47 =	vsub.f32 v44, v61;
	v48 =	vsub.f32 v45, v50;
	v51 =	vmul.f32 $2.560000000e+02, v62  }
0x19f: {  	v58 =	vld [tilespmem:$0x270];
	v60 =	vsel vm14, $0x1, v41;
	[tilespmem:$0xEE0] =	vst v61;
	v56 =	vadd.f32 $1.000000000e+00, v49;
	v59 =	vmul.f32 $1.024000000e+03, v54  }
0x1a0: {  	[tilespmem:$0x23E0] =	vst v60;
	v47 =	vmax.f32 v47, $0.0e+00;
	v48 =	vmax.f32 v48, $0.0e+00;
	v57 =	vadd.f32 $1.000000000e+00, v51  }
0x1a1: {  	[tilespmem:$0x14E0] =	vst v44;
	v47 =	vmul.f32 v48, v47;
	v48 =	vmul.f32 $5.000000000e-01, v56  }
0x1a2: {  	[tilespmem:$0x17E0] =	vst v45;
	v44 =	vmul.f32 $1.024000000e+03, v55;
	v45 =	vmul.f32 $5.000000000e-01, v57  }
0x1a3: {  	[tilespmem:$0x11E0] =	vst v50;
	v50 =	vsub.f32 v59, v48;
	v48 =	vadd.f32 v48, v59  }
0x1a4: {  	vm15 =	vgt.f32 v58, $-5.000000000e+08;
	[tilespmem:$0x1DF0] =	vst v58;
	v61 =	vsub.f32 v44, v45;
	v44 =	vadd.f32 v45, v44  }
0x1a5: {  	v62 =	vsel vm15, $0x1, v41;
	[tilespmem:$0x1AE0] =	vst v47  }
0x1a6: {  	[tilespmem:$0x23F0] =	vst v62;
	v63 =	vsub.f32 v48, v50;
	v45 =	vsub.f32 v44, v61  }
0x1a7: {  	[tilespmem:$0xEF0] =	vst v50  }
0x1a8: {  	[tilespmem:$0x14F0] =	vst v48;
	v46 =	vmax.f32 v63, $0.0e+00;
	v45 =	vmax.f32 v45, $0.0e+00  }
0x1a9: {  	[tilespmem:$0x11F0] =	vst v61;
	v45 =	vmul.f32 v45, v46  }
0x1aa: {  	[tilespmem:$0x17F0] =	vst v44  }
0x1ab: {  	s1 =	simm.s32 $0x0;
	[tilespmem:$0x1AF0] =	vst v45  }
0x1ac: {  	v44 =	vld [tilespmem:s1+$0x2180];
	_ =	sdelay $0x4  }
0x1ad: {  	(v2sf) =	vpush v44, $0x0;
	_ =	sdelay $0xe  }
0x1ae: {  	s17 =	spop (v2sf)  }
0x1af: {  	p0 =	sne.s32 s17, $0x1  }
0x1b0: {  	s0 =	simm.s32 @!p0 $0x0  }
0x1b1: {  	v44 =	vld @!p0 [tilespmem:s0+$0xC80];
	_ =	sdelay $0x4  }
0x1b2: {  	[tilespmem:s2+$0x2480] =	vst @!p0 v44  }
0x1b3: {  	v44 =	vld @!p0 [tilespmem:s0+$0xF80];
	_ =	sdelay $0x4  }
0x1b4: {  	[tilespmem:s2+$0x2780] =	vst @!p0 v44  }
0x1b5: {  	v44 =	vld @!p0 [tilespmem:s0+$0x1280];
	_ =	sdelay $0x4  }
0x1b6: {  	[tilespmem:s2+$0x2A80] =	vst @!p0 v44  }
0x1b7: {  	v44 =	vld @!p0 [tilespmem:s0+$0x1580];
	_ =	sdelay $0x4  }
0x1b8: {  	[tilespmem:s2+$0x2D80] =	vst @!p0 v44  }
0x1b9: {  	v44 =	vld @!p0 [tilespmem:s0+$0x1880];
	_ =	sdelay $0x4  }
0x1ba: {  	[tilespmem:s2+$0x3080] =	vst @!p0 v44  }
0x1bb: {  	v44 =	vld @!p0 [tilespmem:s0+$0x1B80];
	_ =	sdelay $0x3  }
0x1bc: {  	s1 =	simm.s32 $0x1;
	p1 =	seq.s32 s17, $0x1  }
0x1bd: {  	s1 =	simm.s32 @!p1 $0x0;
	[tilespmem:s2+$0x3380] =	vst @!p0 v44  }
0x1be: {  	s31 =	simm.s32 $0x4;
	s30 =	sadd.s32 $0x0, s1;
	s1 =	simm.s32 $0x0;
	v44 =	vld @!p0 [tilespmem:s0+$0x1E80]  }
.LBB2_2:
0x1bf: {  	_ =	sdelay $0x3  }
0x1c0: {  	s0 =	sshra.s32 s31, $0x2;
	s17 =	smov.u32 s31;
	s31 =	sadd.s32 $0x4, s31;
	[tilespmem:s1+$0x3680] =	vst @!p0 v44  }
0x1c1: {  	p1 =	sne.s32 s31, $0xA00;
	s1 =	smov.u32 s30;
	v44 =	vld [tilespmem:s0+$0x2180];
	_ =	sdelay $0x4  }
0x1c2: {  	(v2sf) =	vpush v44, $0x0;
	_ =	sdelay $0xe  }
0x1c3: {  	s0 =	spop (v2sf)  }
0x1c4: {  	p0 =	sne.s32 s0, $0x1  }
0x1c5: {  	p2 =	seq.s32 s0, $0x1;
	s0 =	sshra.s32 @!p0 s17, $0x2;
	s17 =	simm.s32 $0x1  }
0x1c6: {  	s17 =	simm.s32 @!p2 $0x0  }
0x1c7: {  	v44 =	vld @!p0 [tilespmem:s0+$0xC80];
	s30 =	sadd.s32 s17, s30;
	_ =	sdelay $0x4  }
0x1c8: {  	[tilespmem:s1+$0x2480] =	vst @!p0 v44  }
0x1c9: {  	v44 =	vld @!p0 [tilespmem:s0+$0xF80];
	_ =	sdelay $0x4  }
0x1ca: {  	[tilespmem:s1+$0x2780] =	vst @!p0 v44  }
0x1cb: {  	v44 =	vld @!p0 [tilespmem:s0+$0x1280];
	_ =	sdelay $0x4  }
0x1cc: {  	[tilespmem:s1+$0x2A80] =	vst @!p0 v44  }
0x1cd: {  	v44 =	vld @!p0 [tilespmem:s0+$0x1580];
	_ =	sdelay $0x4  }
0x1ce: {  	[tilespmem:s1+$0x2D80] =	vst @!p0 v44  }
0x1cf: {  	v44 =	vld @!p0 [tilespmem:s0+$0x1880];
	_ =	sdelay $0x4  }
0x1d0: {  	[tilespmem:s1+$0x3080] =	vst @!p0 v44  }
0x1d1: {  	v44 =	vld @!p0 [tilespmem:s0+$0x1B80];
	_ =	sdelay $0x1  }
.Ltmp0:
0x1d2: {  	(pc) =	sbr.rel @p1 .LBB2_2-.Ltmp0, $3  }
0x1d3: {  	_ =	sdelay $0x1  }
0x1d4: {  	[tilespmem:s1+$0x3380] =	vst @!p0 v44  }
0x1d5: {  	v44 =	vld @!p0 [tilespmem:s0+$0x1E80]  }
0x1d6: {  	_ =	sdelay $0x3  }
0x1d7: {  	[tilespmem:s1+$0x3680] =	vst @!p0 v44  }
0x1d8: {  	[tilespmem:s30+$0x3380] =	vst v42  }
0x1d9: {  	[tilespmem:s30+$0x3680] =	vst v43  }
0x1da: {  	[tilespmem:s30+$0x2480] =	vst v0  }
0x1db: {  	[tilespmem:s30+$0x2780] =	vst v0  }
0x1dc: {  	[tilespmem:s30+$0x2A80] =	vst v0  }
0x1dd: {  	[tilespmem:s30+$0x2D80] =	vst v0  }
0x1de: {  	[tilespmem:s30+$0x3080] =	vst v0  }
0x1df: {  	[hbm4b:s8+s2] =	stream.linear.scatter [tilespmem:s21], [sflag:$0x1], $0x80, $0x38;
	[tilespmem:$0x3980] =	vst v63  }
0x1e0: {  	_ =	swait.ge [sflag:s16], $0x80  }
0x1e1: {  	[sflag:s16] =	ssyncset.done $0x0  }
0x1e2: {  	[sflag:s16] =	ssyncadd.s32 $0xFFFFFF80  }
0x1e3: {  	[hbm4b:s9+s2] =	stream.linear.scatter [tilespmem:s22], [sflag:$0x1], $0x80, $0x38;
	[tilespmem:$0x3980] =	vst v63  }
0x1e4: {  	_ =	swait.ge [sflag:s16], $0x80  }
0x1e5: {  	[sflag:s16] =	ssyncset.done $0x0  }
0x1e6: {  	[sflag:s16] =	ssyncadd.s32 $0xFFFFFF80  }
0x1e7: {  	[hbm4b:s10+s2] =	stream.linear.scatter [tilespmem:s23], [sflag:$0x1], $0x80, $0x38;
	[tilespmem:$0x3980] =	vst v63  }
0x1e8: {  	_ =	swait.ge [sflag:s16], $0x80  }
0x1e9: {  	[sflag:s16] =	ssyncset.done $0x0  }
0x1ea: {  	[sflag:s16] =	ssyncadd.s32 $0xFFFFFF80  }
0x1eb: {  	[hbm4b:s11+s2] =	stream.linear.scatter [tilespmem:s24], [sflag:$0x1], $0x80, $0x38;
	[tilespmem:$0x3980] =	vst v63  }
0x1ec: {  	_ =	swait.ge [sflag:s16], $0x80  }
0x1ed: {  	[sflag:s16] =	ssyncset.done $0x0  }
0x1ee: {  	[sflag:s16] =	ssyncadd.s32 $0xFFFFFF80  }
0x1ef: {  	[hbm4b:s12+s2] =	stream.linear.scatter [tilespmem:s25], [sflag:$0x1], $0x80, $0x38;
	[tilespmem:$0x3980] =	vst v63  }
0x1f0: {  	_ =	swait.ge [sflag:s16], $0x80  }
0x1f1: {  	[sflag:s16] =	ssyncset.done $0x0  }
0x1f2: {  	[sflag:s16] =	ssyncadd.s32 $0xFFFFFF80  }
0x1f3: {  	[hbm4b:s13+s2] =	stream.linear.scatter [tilespmem:s26], [sflag:$0x1], $0x80, $0x38;
	[tilespmem:$0x3980] =	vst v63  }
0x1f4: {  	s29 =	sadd.s32 $0x1, s29;
	_ =	swait.ge [sflag:s16], $0x80  }
0x1f5: {  	p0 =	sne.s32 s29, s15;
	[sflag:s16] =	ssyncset.done $0x0  }
.Ltmp1:
0x1f6: {  	[sflag:s16] =	ssyncadd.s32 $0xFFFFFF80;
	(pc) =	sbr.rel @p0 .LBB2_1-.Ltmp1, $4  }
0x1f7: {  	[hbm4b:s14+s2] =	stream.linear.scatter [tilespmem:s28], [sflag:$0x1], $0x80, $0x38;
	[tilespmem:$0x3980] =	vst v63  }
0x1f8: {  	_ =	swait.ge [sflag:s16], $0x80  }
0x1f9: {  	[sflag:s16] =	ssyncset.done $0x0  }
0x1fa: {  	[sflag:s16] =	ssyncadd.s32 $0xFFFFFF80  }
0x1fb: {  	_ =	sfence.sel $0x180000  }
0x1fc: {  	[bflag:$0x0] =	sbarrier.arrive $0xFFFF  }
0x1fd: {  	_ =	strace $0x90000047  }
0x1fe: {  	s0 =	stileid.u32;
	[bflag:$0x2] =	sbarrier.arrive $0xFFFF  }
0x1ff: {  	p0 =	sne.s32 s0, $0x0;
	s0 =	rddreg [dreg:$0x1]  }
0x200: {  	s0 =	sadd.s32 @!p0 $0x100000, s0  }
0x201: {  	[sflag:s0] =	ssyncadd.tile.s32 @!p0 $0x1;
	_ =	shalt  }
.Lfunc_end2:
_tile_overlayer_lowered:
.L_overlay_start_2:
0x202: {  	(tag) =	ssettag $0x2  }
0x203: {  	s0 =	rddreg [dreg:$0x0];
	s2 =	stileid.u32  }
0x204: {  	s1 =	rddreg [dreg:$0x1];
	p0 =	sne.s32 s2, $0x0  }
0x205: {  	s3 =	rddreg [dreg:$0x2];
	[bflag:$0x3] =	sbarrier.arrive $0xFFFF;
	s2 =	simm.s32 @!p0 $0x1C01  }
0x206: {  	[timem:s3], [sflag:s2] =	dma.local @!p0 [hbm:s0], s1  }
0x207: {  	s0 =	simm.s32 @!p0 $0x1  }
0x208: {  	_ =	swait.ge @!p0 [sflag:s0], s1  }
0x209: {  	s1 =	ssub.s32 @!p0 $0x0, s1;
	[sflag:s0] =	ssyncset.done @!p0 $0x0  }
0x20a: {  	[sflag:s0] =	ssyncadd.s32 @!p0 s1  }
0x20b: {  	[bflag:$0x3] =	sbarrier.arrive $0xFFFF  }
0x20c: {  	_ =	shalt  }

</sc_bundles>
